<compile_context>
chip_gen: v7x
topology: tpu7x:2x2x1
jax: 0.10.2.dev20260603
libtpu: 0.0.44.dev20260713+nightly
codegen_flags: <defaults>
</compile_context>

<pallas_src>
import functools

import jax
import jax.numpy as jnp
from jax import lax
from jax.experimental import pallas as pl
from jax.experimental.pallas import tpu as pltpu, tpu_sc as plsc

NUM_CHAMPIONS = 100000
BATCH = 16384
TEAM = 5
NUM_WORKERS = 32
ROWS_PER_WORKER = BATCH // NUM_WORKERS
LANES = 16
CHUNKS = ROWS_PER_WORKER // LANES


@functools.partial(
    pl.kernel,
    mesh=plsc.VectorSubcoreMesh(core_axis_name="c", subcore_axis_name="s"),
    out_type=jax.ShapeDtypeStruct((BATCH,), jnp.float32),
    compiler_params=pltpu.CompilerParams(needs_layout_passes=False),
    scratch_types=[
        pltpu.VMEM((2 * TEAM, ROWS_PER_WORKER), jnp.int32),
        pltpu.VMEM((2 * TEAM, ROWS_PER_WORKER), jnp.float32),
        pltpu.VMEM((ROWS_PER_WORKER,), jnp.float32),
        pltpu.SemaphoreType.DMA,
    ],
)
def _pam_kernel(table_hbm, idx_hbm, out_hbm, idx_v, vals_v, out_v, sem):
    wid = lax.axis_index("s") * 2 + lax.axis_index("c")
    base = wid * ROWS_PER_WORKER

    pltpu.sync_copy(idx_hbm.at[:, pl.ds(base, ROWS_PER_WORKER)], idx_v)

    handles = []
    for t in range(2 * TEAM):
        for g in range(ROWS_PER_WORKER // 128):
            handles.append(pltpu.async_copy(
                table_hbm.at[idx_v.at[t, pl.ds(g * 128, 128)]],
                vals_v.at[t, pl.ds(g * 128, 128)], sem))
    for h in handles:
        h.wait()

    for i in range(CHUNKS):
        sl0 = pl.ds(i * LANES, LANES)
        acc = vals_v[0, sl0]
        for t in range(1, TEAM):
            acc = acc + vals_v[t, sl0]
        for t in range(TEAM, 2 * TEAM):
            acc = acc - vals_v[t, sl0]
        out_v[sl0] = 1.0 / (1.0 + jnp.exp(-acc))

    pltpu.sync_copy(out_v, out_hbm.at[pl.ds(base, ROWS_PER_WORKER)])


def kernel(red, blue, strengths):
    idx = jnp.concatenate([red.T, blue.T], axis=0).astype(jnp.int32)
    return _pam_kernel(strengths, idx)

# --- scband reference (transcript-rebuilt; emitter-appended) ---
"""Pipeline reference for scband-probabilistic-additive-model-25769804139 (READ-ONLY COPY).

The authoritative reference and input builder live on the scoring server;
editing this copy changes nothing except your own understanding.
"""

import jax, jax.numpy as jnp
import numpy as np

NUM_CHAMPIONS = 100000
BATCH = 16384
TEAM = 5

def setup_inputs(seed: int = 0) -> dict:
    key = jax.random.key(seed)
    k1, k2, k3 = jax.random.split(key, 3)
    red = jax.random.randint(k1, (BATCH, TEAM), 0, NUM_CHAMPIONS, dtype=jnp.int64 if jax.config.jax_enable_x64 else jnp.int32).astype(jnp.int32)
    blue = jax.random.randint(k2, (BATCH, TEAM), 0, NUM_CHAMPIONS, dtype=jnp.int64 if jax.config.jax_enable_x64 else jnp.int32).astype(jnp.int32)
    strengths = jax.random.normal(k3, (NUM_CHAMPIONS,), dtype=jnp.float32)
    return {"red": red, "blue": blue, "strengths": strengths}

def reference(red, blue, strengths):
    # gather per-champion strengths and sum over team dimension
    red_strength = jnp.take(strengths, red, axis=0).sum(axis=1)
    blue_strength = jnp.take(strengths, blue, axis=0).sum(axis=1)
    return jax.nn.sigmoid(red_strength - blue_strength)

if __name__ == "__main__":
    import jax
    _d = setup_inputs()
    print(jax.jit(kernel)(*tuple(_d.values())))

</pallas_src>

<mosaic_0001>
#map = affine_map<(d0, d1) -> (0)>
#map1 = affine_map<(d0, d1) -> (0, 0)>
module attributes {stable_mosaic.version = 14 : i64} {
  func.func @_pam_kernel(%arg0: i32, %arg1: i32, %arg2: memref<100000xf32, #tpu.memory_space<hbm>>, %arg3: memref<10x16384xi32, #tpu.memory_space<hbm>>, %arg4: memref<16384xf32, #tpu.memory_space<hbm>>, %arg5: memref<10x512xi32, #tpu.memory_space<vmem>>, %arg6: memref<10x512xf32, #tpu.memory_space<vmem>>, %arg7: memref<512xf32, #tpu.memory_space<vmem>>, %arg8: memref<!tpu.dma_semaphore, #tpu.memory_space<semaphore_mem>>) attributes {dimension_semantics = [#tpu.dimension_semantics<core_parallel>, #tpu.dimension_semantics<subcore_parallel>], iteration_bounds = array<i64: 2, 16>, scalar_prefetch = 0 : i64, scratch_operands = 4 : i64, tpu.core_type = #tpu.core_type<sc_vector_subcore>, window_params = [{transform_indices = #map}, {transform_indices = #map1}, {transform_indices = #map}]} {
    %mul3A = arith.constant 2 : i32
    %mul3A_0 = arith.muli %arg1, %mul3A : i32
    %add3A = arith.addi %mul3A_0, %arg0 : i32
    %mul3A_1 = arith.constant 512 : i32
    %mul3A_2 = arith.muli %add3A, %mul3A_1 : i32
    "tpu.region"() ({
      %run_scoped3A = tpu.sem_alloc : memref<!tpu.dma_semaphore, #tpu.memory_space<semaphore_mem>>
      %dma_start3A_2747 = arith.constant 0 : i32
      %dma_start3A_2748 = tpu.memref_slice %arg3[%dma_start3A_2747, %mul3A_2] : memref<10x16384xi32, #tpu.memory_space<hbm>> -> memref<10x512xi32, #tpu.memory_space<hbm>>
      %dma_start3A_2749 = arith.constant 0 : i32
      %dma_start3A_2750 = tpu.memref_slice %arg3[%dma_start3A_2749, %mul3A_2] : memref<10x16384xi32, #tpu.memory_space<hbm>> -> memref<10x512xi32, #tpu.memory_space<hbm>>
      tpu.enqueue_dma source(%dma_start3A_2750 : memref<10x512xi32, #tpu.memory_space<hbm>>) target(%arg5 : memref<10x512xi32, #tpu.memory_space<vmem>>) target_semaphore(%run_scoped3A : memref<!tpu.dma_semaphore, #tpu.memory_space<semaphore_mem>>)
      %dma_wait3A_2751 = arith.constant 0 : i32
      %dma_wait3A_2752 = tpu.memref_slice %arg3[%dma_wait3A_2751, %mul3A_2] : memref<10x16384xi32, #tpu.memory_space<hbm>> -> memref<10x512xi32, #tpu.memory_space<hbm>>
      %dma_wait3A_2753 = arith.constant 0 : i32
      %dma_wait3A_2754 = tpu.memref_slice %arg3[%dma_wait3A_2753, %mul3A_2] : memref<10x16384xi32, #tpu.memory_space<hbm>> -> memref<10x512xi32, #tpu.memory_space<hbm>>
      tpu.wait_dma2 semaphore(%run_scoped3A : memref<!tpu.dma_semaphore, #tpu.memory_space<semaphore_mem>>) src(%dma_wait3A_2754 : memref<10x512xi32, #tpu.memory_space<hbm>>) dst(%arg5 : memref<10x512xi32, #tpu.memory_space<vmem>>)
      tpu.yield
    }) : () -> ()
    %dma_start3A = arith.constant 0 : i32
    %dma_start3A_3 = arith.constant 0 : i32
    %dma_start3A_4 = arith.constant 0 : i32
    %dma_start3A_5 = tpu.memref_slice %arg6[%dma_start3A_3, %dma_start3A_4] : memref<10x512xf32, #tpu.memory_space<vmem>> -> memref<1x128xf32, #tpu.memory_space<vmem>>
    %dma_start3A_6 = tpu.memref_squeeze %dma_start3A_5 : memref<1x128xf32, #tpu.memory_space<vmem>> -> memref<128xf32, #tpu.memory_space<vmem>>
    %dma_start3A_7 = arith.constant 0 : i32
    %dma_start3A_8 = tpu.memref_slice %arg5[%dma_start3A, %dma_start3A_7] : memref<10x512xi32, #tpu.memory_space<vmem>> -> memref<1x128xi32, #tpu.memory_space<vmem>>
    %dma_start3A_9 = tpu.memref_squeeze %dma_start3A_8 : memref<1x128xi32, #tpu.memory_space<vmem>> -> memref<128xi32, #tpu.memory_space<vmem>>
    %dma_start3A_10 = arith.constant 0 : i32
    %dma_start3A_11 = tpu.memref_slice %arg2[%dma_start3A_10] : memref<100000xf32, #tpu.memory_space<hbm>> -> memref<100000xf32, #tpu.memory_space<hbm>>
    tpu.enqueue_indirect_dma source(%dma_start3A_11 : memref<100000xf32, #tpu.memory_space<hbm>>) target(%dma_start3A_6 : memref<128xf32, #tpu.memory_space<vmem>>) offsets(%dma_start3A_9 : memref<128xi32, #tpu.memory_space<vmem>>) semaphore(%arg8 : memref<!tpu.dma_semaphore, #tpu.memory_space<semaphore_mem>>)
    %dma_start3A_12 = arith.constant 0 : i32
    %dma_start3A_13 = arith.constant 0 : i32
    %dma_start3A_14 = arith.constant 128 : i32
    %dma_start3A_15 = tpu.memref_slice %arg6[%dma_start3A_13, %dma_start3A_14] : memref<10x512xf32, #tpu.memory_space<vmem>> -> memref<1x128xf32, #tpu.memory_space<vmem>>
    %dma_start3A_16 = tpu.memref_squeeze %dma_start3A_15 : memref<1x128xf32, #tpu.memory_space<vmem>> -> memref<128xf32, #tpu.memory_space<vmem>>
    %dma_start3A_17 = arith.constant 128 : i32
    %dma_start3A_18 = tpu.memref_slice %arg5[%dma_start3A_12, %dma_start3A_17] : memref<10x512xi32, #tpu.memory_space<vmem>> -> memref<1x128xi32, #tpu.memory_space<vmem>>
    %dma_start3A_19 = tpu.memref_squeeze %dma_start3A_18 : memref<1x128xi32, #tpu.memory_space<vmem>> -> memref<128xi32, #tpu.memory_space<vmem>>
    %dma_start3A_20 = arith.constant 0 : i32
    %dma_start3A_21 = tpu.memref_slice %arg2[%dma_start3A_20] : memref<100000xf32, #tpu.memory_space<hbm>> -> memref<100000xf32, #tpu.memory_space<hbm>>
    tpu.enqueue_indirect_dma source(%dma_start3A_21 : memref<100000xf32, #tpu.memory_space<hbm>>) target(%dma_start3A_16 : memref<128xf32, #tpu.memory_space<vmem>>) offsets(%dma_start3A_19 : memref<128xi32, #tpu.memory_space<vmem>>) semaphore(%arg8 : memref<!tpu.dma_semaphore, #tpu.memory_space<semaphore_mem>>)
    %dma_start3A_22 = arith.constant 0 : i32
    %dma_start3A_23 = arith.constant 0 : i32
    %dma_start3A_24 = arith.constant 256 : i32
    %dma_start3A_25 = tpu.memref_slice %arg6[%dma_start3A_23, %dma_start3A_24] : memref<10x512xf32, #tpu.memory_space<vmem>> -> memref<1x128xf32, #tpu.memory_space<vmem>>
    %dma_start3A_26 = tpu.memref_squeeze %dma_start3A_25 : memref<1x128xf32, #tpu.memory_space<vmem>> -> memref<128xf32, #tpu.memory_space<vmem>>
    %dma_start3A_27 = arith.constant 256 : i32
    %dma_start3A_28 = tpu.memref_slice %arg5[%dma_start3A_22, %dma_start3A_27] : memref<10x512xi32, #tpu.memory_space<vmem>> -> memref<1x128xi32, #tpu.memory_space<vmem>>
    %dma_start3A_29 = tpu.memref_squeeze %dma_start3A_28 : memref<1x128xi32, #tpu.memory_space<vmem>> -> memref<128xi32, #tpu.memory_space<vmem>>
    %dma_start3A_30 = arith.constant 0 : i32
    %dma_start3A_31 = tpu.memref_slice %arg2[%dma_start3A_30] : memref<100000xf32, #tpu.memory_space<hbm>> -> memref<100000xf32, #tpu.memory_space<hbm>>
    tpu.enqueue_indirect_dma source(%dma_start3A_31 : memref<100000xf32, #tpu.memory_space<hbm>>) target(%dma_start3A_26 : memref<128xf32, #tpu.memory_space<vmem>>) offsets(%dma_start3A_29 : memref<128xi32, #tpu.memory_space<vmem>>) semaphore(%arg8 : memref<!tpu.dma_semaphore, #tpu.memory_space<semaphore_mem>>)
    %dma_start3A_32 = arith.constant 0 : i32
    %dma_start3A_33 = arith.constant 0 : i32
    %dma_start3A_34 = arith.constant 384 : i32
    %dma_start3A_35 = tpu.memref_slice %arg6[%dma_start3A_33, %dma_start3A_34] : memref<10x512xf32, #tpu.memory_space<vmem>> -> memref<1x128xf32, #tpu.memory_space<vmem>>
    %dma_start3A_36 = tpu.memref_squeeze %dma_start3A_35 : memref<1x128xf32, #tpu.memory_space<vmem>> -> memref<128xf32, #tpu.memory_space<vmem>>
    %dma_start3A_37 = arith.constant 384 : i32
    %dma_start3A_38 = tpu.memref_slice %arg5[%dma_start3A_32, %dma_start3A_37] : memref<10x512xi32, #tpu.memory_space<vmem>> -> memref<1x128xi32, #tpu.memory_space<vmem>>
    %dma_start3A_39 = tpu.memref_squeeze %dma_start3A_38 : memref<1x128xi32, #tpu.memory_space<vmem>> -> memref<128xi32, #tpu.memory_space<vmem>>
    %dma_start3A_40 = arith.constant 0 : i32
    %dma_start3A_41 = tpu.memref_slice %arg2[%dma_start3A_40] : memref<100000xf32, #tpu.memory_space<hbm>> -> memref<100000xf32, #tpu.memory_space<hbm>>
    tpu.enqueue_indirect_dma source(%dma_start3A_41 : memref<100000xf32, #tpu.memory_space<hbm>>) target(%dma_start3A_36 : memref<128xf32, #tpu.memory_space<vmem>>) offsets(%dma_start3A_39 : memref<128xi32, #tpu.memory_space<vmem>>) semaphore(%arg8 : memref<!tpu.dma_semaphore, #tpu.memory_space<semaphore_mem>>)
    %dma_start3A_42 = arith.constant 1 : i32
    %dma_start3A_43 = arith.constant 1 : i32
    %dma_start3A_44 = arith.constant 0 : i32
    %dma_start3A_45 = tpu.memref_slice %arg6[%dma_start3A_43, %dma_start3A_44] : memref<10x512xf32, #tpu.memory_space<vmem>> -> memref<1x128xf32, #tpu.memory_space<vmem>>
    %dma_start3A_46 = tpu.memref_squeeze %dma_start3A_45 : memref<1x128xf32, #tpu.memory_space<vmem>> -> memref<128xf32, #tpu.memory_space<vmem>>
    %dma_start3A_47 = arith.constant 0 : i32
    %dma_start3A_48 = tpu.memref_slice %arg5[%dma_start3A_42, %dma_start3A_47] : memref<10x512xi32, #tpu.memory_space<vmem>> -> memref<1x128xi32, #tpu.memory_space<vmem>>
    %dma_start3A_49 = tpu.memref_squeeze %dma_start3A_48 : memref<1x128xi32, #tpu.memory_space<vmem>> -> memref<128xi32, #tpu.memory_space<vmem>>
    %dma_start3A_50 = arith.constant 0 : i32
    %dma_start3A_51 = tpu.memref_slice %arg2[%dma_start3A_50] : memref<100000xf32, #tpu.memory_space<hbm>> -> memref<100000xf32, #tpu.memory_space<hbm>>
    tpu.enqueue_indirect_dma source(%dma_start3A_51 : memref<100000xf32, #tpu.memory_space<hbm>>) target(%dma_start3A_46 : memref<128xf32, #tpu.memory_space<vmem>>) offsets(%dma_start3A_49 : memref<128xi32, #tpu.memory_space<vmem>>) semaphore(%arg8 : memref<!tpu.dma_semaphore, #tpu.memory_space<semaphore_mem>>)
    %dma_start3A_52 = arith.constant 1 : i32
    %dma_start3A_53 = arith.constant 1 : i32
    %dma_start3A_54 = arith.constant 128 : i32
    %dma_start3A_55 = tpu.memref_slice %arg6[%dma_start3A_53, %dma_start3A_54] : memref<10x512xf32, #tpu.memory_space<vmem>> -> memref<1x128xf32, #tpu.memory_space<vmem>>
    %dma_start3A_56 = tpu.memref_squeeze %dma_start3A_55 : memref<1x128xf32, #tpu.memory_space<vmem>> -> memref<128xf32, #tpu.memory_space<vmem>>
    %dma_start3A_57 = arith.constant 128 : i32
    %dma_start3A_58 = tpu.memref_slice %arg5[%dma_start3A_52, %dma_start3A_57] : memref<10x512xi32, #tpu.memory_space<vmem>> -> memref<1x128xi32, #tpu.memory_space<vmem>>
    %dma_start3A_59 = tpu.memref_squeeze %dma_start3A_58 : memref<1x128xi32, #tpu.memory_space<vmem>> -> memref<128xi32, #tpu.memory_space<vmem>>
    %dma_start3A_60 = arith.constant 0 : i32
    %dma_start3A_61 = tpu.memref_slice %arg2[%dma_start3A_60] : memref<100000xf32, #tpu.memory_space<hbm>> -> memref<100000xf32, #tpu.memory_space<hbm>>
    tpu.enqueue_indirect_dma source(%dma_start3A_61 : memref<100000xf32, #tpu.memory_space<hbm>>) target(%dma_start3A_56 : memref<128xf32, #tpu.memory_space<vmem>>) offsets(%dma_start3A_59 : memref<128xi32, #tpu.memory_space<vmem>>) semaphore(%arg8 : memref<!tpu.dma_semaphore, #tpu.memory_space<semaphore_mem>>)
    %dma_start3A_62 = arith.constant 1 : i32
    %dma_start3A_63 = arith.constant 1 : i32
    %dma_start3A_64 = arith.constant 256 : i32
    %dma_start3A_65 = tpu.memref_slice %arg6[%dma_start3A_63, %dma_start3A_64] : memref<10x512xf32, #tpu.memory_space<vmem>> -> memref<1x128xf32, #tpu.memory_space<vmem>>
    %dma_start3A_66 = tpu.memref_squeeze %dma_start3A_65 : memref<1x128xf32, #tpu.memory_space<vmem>> -> memref<128xf32, #tpu.memory_space<vmem>>
    %dma_start3A_67 = arith.constant 256 : i32
    %dma_start3A_68 = tpu.memref_slice %arg5[%dma_start3A_62, %dma_start3A_67] : memref<10x512xi32, #tpu.memory_space<vmem>> -> memref<1x128xi32, #tpu.memory_space<vmem>>
    %dma_start3A_69 = tpu.memref_squeeze %dma_start3A_68 : memref<1x128xi32, #tpu.memory_space<vmem>> -> memref<128xi32, #tpu.memory_space<vmem>>
    %dma_start3A_70 = arith.constant 0 : i32
    %dma_start3A_71 = tpu.memref_slice %arg2[%dma_start3A_70] : memref<100000xf32, #tpu.memory_space<hbm>> -> memref<100000xf32, #tpu.memory_space<hbm>>
    tpu.enqueue_indirect_dma source(%dma_start3A_71 : memref<100000xf32, #tpu.memory_space<hbm>>) target(%dma_start3A_66 : memref<128xf32, #tpu.memory_space<vmem>>) offsets(%dma_start3A_69 : memref<128xi32, #tpu.memory_space<vmem>>) semaphore(%arg8 : memref<!tpu.dma_semaphore, #tpu.memory_space<semaphore_mem>>)
    %dma_start3A_72 = arith.constant 1 : i32
    %dma_start3A_73 = arith.constant 1 : i32
    %dma_start3A_74 = arith.constant 384 : i32
    %dma_start3A_75 = tpu.memref_slice %arg6[%dma_start3A_73, %dma_start3A_74] : memref<10x512xf32, #tpu.memory_space<vmem>> -> memref<1x128xf32, #tpu.memory_space<vmem>>
    %dma_start3A_76 = tpu.memref_squeeze %dma_start3A_75 : memref<1x128xf32, #tpu.memory_space<vmem>> -> memref<128xf32, #tpu.memory_space<vmem>>
    %dma_start3A_77 = arith.constant 384 : i32
    %dma_start3A_78 = tpu.memref_slice %arg5[%dma_start3A_72, %dma_start3A_77] : memref<10x512xi32, #tpu.memory_space<vmem>> -> memref<1x128xi32, #tpu.memory_space<vmem>>
    %dma_start3A_79 = tpu.memref_squeeze %dma_start3A_78 : memref<1x128xi32, #tpu.memory_space<vmem>> -> memref<128xi32, #tpu.memory_space<vmem>>
    %dma_start3A_80 = arith.constant 0 : i32
    %dma_start3A_81 = tpu.memref_slice %arg2[%dma_start3A_80] : memref<100000xf32, #tpu.memory_space<hbm>> -> memref<100000xf32, #tpu.memory_space<hbm>>
    tpu.enqueue_indirect_dma source(%dma_start3A_81 : memref<100000xf32, #tpu.memory_space<hbm>>) target(%dma_start3A_76 : memref<128xf32, #tpu.memory_space<vmem>>) offsets(%dma_start3A_79 : memref<128xi32, #tpu.memory_space<vmem>>) semaphore(%arg8 : memref<!tpu.dma_semaphore, #tpu.memory_space<semaphore_mem>>)
    %dma_start3A_82 = arith.constant 2 : i32
    %dma_start3A_83 = arith.constant 2 : i32
    %dma_start3A_84 = arith.constant 0 : i32
    %dma_start3A_85 = tpu.memref_slice %arg6[%dma_start3A_83, %dma_start3A_84] : memref<10x512xf32, #tpu.memory_space<vmem>> -> memref<1x128xf32, #tpu.memory_space<vmem>>
    %dma_start3A_86 = tpu.memref_squeeze %dma_start3A_85 : memref<1x128xf32, #tpu.memory_space<vmem>> -> memref<128xf32, #tpu.memory_space<vmem>>
    %dma_start3A_87 = arith.constant 0 : i32
    %dma_start3A_88 = tpu.memref_slice %arg5[%dma_start3A_82, %dma_start3A_87] : memref<10x512xi32, #tpu.memory_space<vmem>> -> memref<1x128xi32, #tpu.memory_space<vmem>>
    %dma_start3A_89 = tpu.memref_squeeze %dma_start3A_88 : memref<1x128xi32, #tpu.memory_space<vmem>> -> memref<128xi32, #tpu.memory_space<vmem>>
    %dma_start3A_90 = arith.constant 0 : i32
    %dma_start3A_91 = tpu.memref_slice %arg2[%dma_start3A_90] : memref<100000xf32, #tpu.memory_space<hbm>> -> memref<100000xf32, #tpu.memory_space<hbm>>
    tpu.enqueue_indirect_dma source(%dma_start3A_91 : memref<100000xf32, #tpu.memory_space<hbm>>) target(%dma_start3A_86 : memref<128xf32, #tpu.memory_space<vmem>>) offsets(%dma_start3A_89 : memref<128xi32, #tpu.memory_space<vmem>>) semaphore(%arg8 : memref<!tpu.dma_semaphore, #tpu.memory_space<semaphore_mem>>)
    %dma_start3A_92 = arith.constant 2 : i32
    %dma_start3A_93 = arith.constant 2 : i32
    %dma_start3A_94 = arith.constant 128 : i32
    %dma_start3A_95 = tpu.memref_slice %arg6[%dma_start3A_93, %dma_start3A_94] : memref<10x512xf32, #tpu.memory_space<vmem>> -> memref<1x128xf32, #tpu.memory_space<vmem>>
    %dma_start3A_96 = tpu.memref_squeeze %dma_start3A_95 : memref<1x128xf32, #tpu.memory_space<vmem>> -> memref<128xf32, #tpu.memory_space<vmem>>
    %dma_start3A_97 = arith.constant 128 : i32
    %dma_start3A_98 = tpu.memref_slice %arg5[%dma_start3A_92, %dma_start3A_97] : memref<10x512xi32, #tpu.memory_space<vmem>> -> memref<1x128xi32, #tpu.memory_space<vmem>>
    %dma_start3A_99 = tpu.memref_squeeze %dma_start3A_98 : memref<1x128xi32, #tpu.memory_space<vmem>> -> memref<128xi32, #tpu.memory_space<vmem>>
    %dma_start3A_100 = arith.constant 0 : i32
    %dma_start3A_101 = tpu.memref_slice %arg2[%dma_start3A_100] : memref<100000xf32, #tpu.memory_space<hbm>> -> memref<100000xf32, #tpu.memory_space<hbm>>
    tpu.enqueue_indirect_dma source(%dma_start3A_101 : memref<100000xf32, #tpu.memory_space<hbm>>) target(%dma_start3A_96 : memref<128xf32, #tpu.memory_space<vmem>>) offsets(%dma_start3A_99 : memref<128xi32, #tpu.memory_space<vmem>>) semaphore(%arg8 : memref<!tpu.dma_semaphore, #tpu.memory_space<semaphore_mem>>)
    %dma_start3A_102 = arith.constant 2 : i32
    %dma_start3A_103 = arith.constant 2 : i32
    %dma_start3A_104 = arith.constant 256 : i32
    %dma_start3A_105 = tpu.memref_slice %arg6[%dma_start3A_103, %dma_start3A_104] : memref<10x512xf32, #tpu.memory_space<vmem>> -> memref<1x128xf32, #tpu.memory_space<vmem>>
    %dma_start3A_106 = tpu.memref_squeeze %dma_start3A_105 : memref<1x128xf32, #tpu.memory_space<vmem>> -> memref<128xf32, #tpu.memory_space<vmem>>
    %dma_start3A_107 = arith.constant 256 : i32
    %dma_start3A_108 = tpu.memref_slice %arg5[%dma_start3A_102, %dma_start3A_107] : memref<10x512xi32, #tpu.memory_space<vmem>> -> memref<1x128xi32, #tpu.memory_space<vmem>>
    %dma_start3A_109 = tpu.memref_squeeze %dma_start3A_108 : memref<1x128xi32, #tpu.memory_space<vmem>> -> memref<128xi32, #tpu.memory_space<vmem>>
    %dma_start3A_110 = arith.constant 0 : i32
    %dma_start3A_111 = tpu.memref_slice %arg2[%dma_start3A_110] : memref<100000xf32, #tpu.memory_space<hbm>> -> memref<100000xf32, #tpu.memory_space<hbm>>
    tpu.enqueue_indirect_dma source(%dma_start3A_111 : memref<100000xf32, #tpu.memory_space<hbm>>) target(%dma_start3A_106 : memref<128xf32, #tpu.memory_space<vmem>>) offsets(%dma_start3A_109 : memref<128xi32, #tpu.memory_space<vmem>>) semaphore(%arg8 : memref<!tpu.dma_semaphore, #tpu.memory_space<semaphore_mem>>)
    %dma_start3A_112 = arith.constant 2 : i32
    %dma_start3A_113 = arith.constant 2 : i32
    %dma_start3A_114 = arith.constant 384 : i32
    %dma_start3A_115 = tpu.memref_slice %arg6[%dma_start3A_113, %dma_start3A_114] : memref<10x512xf32, #tpu.memory_space<vmem>> -> memref<1x128xf32, #tpu.memory_space<vmem>>
    %dma_start3A_116 = tpu.memref_squeeze %dma_start3A_115 : memref<1x128xf32, #tpu.memory_space<vmem>> -> memref<128xf32, #tpu.memory_space<vmem>>
    %dma_start3A_117 = arith.constant 384 : i32
    %dma_start3A_118 = tpu.memref_slice %arg5[%dma_start3A_112, %dma_start3A_117] : memref<10x512xi32, #tpu.memory_space<vmem>> -> memref<1x128xi32, #tpu.memory_space<vmem>>
    %dma_start3A_119 = tpu.memref_squeeze %dma_start3A_118 : memref<1x128xi32, #tpu.memory_space<vmem>> -> memref<128xi32, #tpu.memory_space<vmem>>
    %dma_start3A_120 = arith.constant 0 : i32
    %dma_start3A_121 = tpu.memref_slice %arg2[%dma_start3A_120] : memref<100000xf32, #tpu.memory_space<hbm>> -> memref<100000xf32, #tpu.memory_space<hbm>>
    tpu.enqueue_indirect_dma source(%dma_start3A_121 : memref<100000xf32, #tpu.memory_space<hbm>>) target(%dma_start3A_116 : memref<128xf32, #tpu.memory_space<vmem>>) offsets(%dma_start3A_119 : memref<128xi32, #tpu.memory_space<vmem>>) semaphore(%arg8 : memref<!tpu.dma_semaphore, #tpu.memory_space<semaphore_mem>>)
    %dma_start3A_122 = arith.constant 3 : i32
    %dma_start3A_123 = arith.constant 3 : i32
    %dma_start3A_124 = arith.constant 0 : i32
    %dma_start3A_125 = tpu.memref_slice %arg6[%dma_start3A_123, %dma_start3A_124] : memref<10x512xf32, #tpu.memory_space<vmem>> -> memref<1x128xf32, #tpu.memory_space<vmem>>
    %dma_start3A_126 = tpu.memref_squeeze %dma_start3A_125 : memref<1x128xf32, #tpu.memory_space<vmem>> -> memref<128xf32, #tpu.memory_space<vmem>>
    %dma_start3A_127 = arith.constant 0 : i32
    %dma_start3A_128 = tpu.memref_slice %arg5[%dma_start3A_122, %dma_start3A_127] : memref<10x512xi32, #tpu.memory_space<vmem>> -> memref<1x128xi32, #tpu.memory_space<vmem>>
    %dma_start3A_129 = tpu.memref_squeeze %dma_start3A_128 : memref<1x128xi32, #tpu.memory_space<vmem>> -> memref<128xi32, #tpu.memory_space<vmem>>
    %dma_start3A_130 = arith.constant 0 : i32
    %dma_start3A_131 = tpu.memref_slice %arg2[%dma_start3A_130] : memref<100000xf32, #tpu.memory_space<hbm>> -> memref<100000xf32, #tpu.memory_space<hbm>>
    tpu.enqueue_indirect_dma source(%dma_start3A_131 : memref<100000xf32, #tpu.memory_space<hbm>>) target(%dma_start3A_126 : memref<128xf32, #tpu.memory_space<vmem>>) offsets(%dma_start3A_129 : memref<128xi32, #tpu.memory_space<vmem>>) semaphore(%arg8 : memref<!tpu.dma_semaphore, #tpu.memory_space<semaphore_mem>>)
    %dma_start3A_132 = arith.constant 3 : i32
    %dma_start3A_133 = arith.constant 3 : i32
    %dma_start3A_134 = arith.constant 128 : i32
    %dma_start3A_135 = tpu.memref_slice %arg6[%dma_start3A_133, %dma_start3A_134] : memref<10x512xf32, #tpu.memory_space<vmem>> -> memref<1x128xf32, #tpu.memory_space<vmem>>
    %dma_start3A_136 = tpu.memref_squeeze %dma_start3A_135 : memref<1x128xf32, #tpu.memory_space<vmem>> -> memref<128xf32, #tpu.memory_space<vmem>>
    %dma_start3A_137 = arith.constant 128 : i32
    %dma_start3A_138 = tpu.memref_slice %arg5[%dma_start3A_132, %dma_start3A_137] : memref<10x512xi32, #tpu.memory_space<vmem>> -> memref<1x128xi32, #tpu.memory_space<vmem>>
    %dma_start3A_139 = tpu.memref_squeeze %dma_start3A_138 : memref<1x128xi32, #tpu.memory_space<vmem>> -> memref<128xi32, #tpu.memory_space<vmem>>
    %dma_start3A_140 = arith.constant 0 : i32
    %dma_start3A_141 = tpu.memref_slice %arg2[%dma_start3A_140] : memref<100000xf32, #tpu.memory_space<hbm>> -> memref<100000xf32, #tpu.memory_space<hbm>>
    tpu.enqueue_indirect_dma source(%dma_start3A_141 : memref<100000xf32, #tpu.memory_space<hbm>>) target(%dma_start3A_136 : memref<128xf32, #tpu.memory_space<vmem>>) offsets(%dma_start3A_139 : memref<128xi32, #tpu.memory_space<vmem>>) semaphore(%arg8 : memref<!tpu.dma_semaphore, #tpu.memory_space<semaphore_mem>>)
    %dma_start3A_142 = arith.constant 3 : i32
    %dma_start3A_143 = arith.constant 3 : i32
    %dma_start3A_144 = arith.constant 256 : i32
    %dma_start3A_145 = tpu.memref_slice %arg6[%dma_start3A_143, %dma_start3A_144] : memref<10x512xf32, #tpu.memory_space<vmem>> -> memref<1x128xf32, #tpu.memory_space<vmem>>
    %dma_start3A_146 = tpu.memref_squeeze %dma_start3A_145 : memref<1x128xf32, #tpu.memory_space<vmem>> -> memref<128xf32, #tpu.memory_space<vmem>>
    %dma_start3A_147 = arith.constant 256 : i32
    %dma_start3A_148 = tpu.memref_slice %arg5[%dma_start3A_142, %dma_start3A_147] : memref<10x512xi32, #tpu.memory_space<vmem>> -> memref<1x128xi32, #tpu.memory_space<vmem>>
    %dma_start3A_149 = tpu.memref_squeeze %dma_start3A_148 : memref<1x128xi32, #tpu.memory_space<vmem>> -> memref<128xi32, #tpu.memory_space<vmem>>
    %dma_start3A_150 = arith.constant 0 : i32
    %dma_start3A_151 = tpu.memref_slice %arg2[%dma_start3A_150] : memref<100000xf32, #tpu.memory_space<hbm>> -> memref<100000xf32, #tpu.memory_space<hbm>>
    tpu.enqueue_indirect_dma source(%dma_start3A_151 : memref<100000xf32, #tpu.memory_space<hbm>>) target(%dma_start3A_146 : memref<128xf32, #tpu.memory_space<vmem>>) offsets(%dma_start3A_149 : memref<128xi32, #tpu.memory_space<vmem>>) semaphore(%arg8 : memref<!tpu.dma_semaphore, #tpu.memory_space<semaphore_mem>>)
    %dma_start3A_152 = arith.constant 3 : i32
    %dma_start3A_153 = arith.constant 3 : i32
    %dma_start3A_154 = arith.constant 384 : i32
    %dma_start3A_155 = tpu.memref_slice %arg6[%dma_start3A_153, %dma_start3A_154] : memref<10x512xf32, #tpu.memory_space<vmem>> -> memref<1x128xf32, #tpu.memory_space<vmem>>
    %dma_start3A_156 = tpu.memref_squeeze %dma_start3A_155 : memref<1x128xf32, #tpu.memory_space<vmem>> -> memref<128xf32, #tpu.memory_space<vmem>>
    %dma_start3A_157 = arith.constant 384 : i32
    %dma_start3A_158 = tpu.memref_slice %arg5[%dma_start3A_152, %dma_start3A_157] : memref<10x512xi32, #tpu.memory_space<vmem>> -> memref<1x128xi32, #tpu.memory_space<vmem>>
    %dma_start3A_159 = tpu.memref_squeeze %dma_start3A_158 : memref<1x128xi32, #tpu.memory_space<vmem>> -> memref<128xi32, #tpu.memory_space<vmem>>
    %dma_start3A_160 = arith.constant 0 : i32
    %dma_start3A_161 = tpu.memref_slice %arg2[%dma_start3A_160] : memref<100000xf32, #tpu.memory_space<hbm>> -> memref<100000xf32, #tpu.memory_space<hbm>>
    tpu.enqueue_indirect_dma source(%dma_start3A_161 : memref<100000xf32, #tpu.memory_space<hbm>>) target(%dma_start3A_156 : memref<128xf32, #tpu.memory_space<vmem>>) offsets(%dma_start3A_159 : memref<128xi32, #tpu.memory_space<vmem>>) semaphore(%arg8 : memref<!tpu.dma_semaphore, #tpu.memory_space<semaphore_mem>>)
    %dma_start3A_162 = arith.constant 4 : i32
    %dma_start3A_163 = arith.constant 4 : i32
    %dma_start3A_164 = arith.constant 0 : i32
    %dma_start3A_165 = tpu.memref_slice %arg6[%dma_start3A_163, %dma_start3A_164] : memref<10x512xf32, #tpu.memory_space<vmem>> -> memref<1x128xf32, #tpu.memory_space<vmem>>
    %dma_start3A_166 = tpu.memref_squeeze %dma_start3A_165 : memref<1x128xf32, #tpu.memory_space<vmem>> -> memref<128xf32, #tpu.memory_space<vmem>>
    %dma_start3A_167 = arith.constant 0 : i32
    %dma_start3A_168 = tpu.memref_slice %arg5[%dma_start3A_162, %dma_start3A_167] : memref<10x512xi32, #tpu.memory_space<vmem>> -> memref<1x128xi32, #tpu.memory_space<vmem>>
    %dma_start3A_169 = tpu.memref_squeeze %dma_start3A_168 : memref<1x128xi32, #tpu.memory_space<vmem>> -> memref<128xi32, #tpu.memory_space<vmem>>
    %dma_start3A_170 = arith.constant 0 : i32
    %dma_start3A_171 = tpu.memref_slice %arg2[%dma_start3A_170] : memref<100000xf32, #tpu.memory_space<hbm>> -> memref<100000xf32, #tpu.memory_space<hbm>>
    tpu.enqueue_indirect_dma source(%dma_start3A_171 : memref<100000xf32, #tpu.memory_space<hbm>>) target(%dma_start3A_166 : memref<128xf32, #tpu.memory_space<vmem>>) offsets(%dma_start3A_169 : memref<128xi32, #tpu.memory_space<vmem>>) semaphore(%arg8 : memref<!tpu.dma_semaphore, #tpu.memory_space<semaphore_mem>>)
    %dma_start3A_172 = arith.constant 4 : i32
    %dma_start3A_173 = arith.constant 4 : i32
    %dma_start3A_174 = arith.constant 128 : i32
    %dma_start3A_175 = tpu.memref_slice %arg6[%dma_start3A_173, %dma_start3A_174] : memref<10x512xf32, #tpu.memory_space<vmem>> -> memref<1x128xf32, #tpu.memory_space<vmem>>
    %dma_start3A_176 = tpu.memref_squeeze %dma_start3A_175 : memref<1x128xf32, #tpu.memory_space<vmem>> -> memref<128xf32, #tpu.memory_space<vmem>>
    %dma_start3A_177 = arith.constant 128 : i32
    %dma_start3A_178 = tpu.memref_slice %arg5[%dma_start3A_172, %dma_start3A_177] : memref<10x512xi32, #tpu.memory_space<vmem>> -> memref<1x128xi32, #tpu.memory_space<vmem>>
    %dma_start3A_179 = tpu.memref_squeeze %dma_start3A_178 : memref<1x128xi32, #tpu.memory_space<vmem>> -> memref<128xi32, #tpu.memory_space<vmem>>
    %dma_start3A_180 = arith.constant 0 : i32
    %dma_start3A_181 = tpu.memref_slice %arg2[%dma_start3A_180] : memref<100000xf32, #tpu.memory_space<hbm>> -> memref<100000xf32, #tpu.memory_space<hbm>>
    tpu.enqueue_indirect_dma source(%dma_start3A_181 : memref<100000xf32, #tpu.memory_space<hbm>>) target(%dma_start3A_176 : memref<128xf32, #tpu.memory_space<vmem>>) offsets(%dma_start3A_179 : memref<128xi32, #tpu.memory_space<vmem>>) semaphore(%arg8 : memref<!tpu.dma_semaphore, #tpu.memory_space<semaphore_mem>>)
    %dma_start3A_182 = arith.constant 4 : i32
    %dma_start3A_183 = arith.constant 4 : i32
    %dma_start3A_184 = arith.constant 256 : i32
    %dma_start3A_185 = tpu.memref_slice %arg6[%dma_start3A_183, %dma_start3A_184] : memref<10x512xf32, #tpu.memory_space<vmem>> -> memref<1x128xf32, #tpu.memory_space<vmem>>
    %dma_start3A_186 = tpu.memref_squeeze %dma_start3A_185 : memref<1x128xf32, #tpu.memory_space<vmem>> -> memref<128xf32, #tpu.memory_space<vmem>>
    %dma_start3A_187 = arith.constant 256 : i32
    %dma_start3A_188 = tpu.memref_slice %arg5[%dma_start3A_182, %dma_start3A_187] : memref<10x512xi32, #tpu.memory_space<vmem>> -> memref<1x128xi32, #tpu.memory_space<vmem>>
    %dma_start3A_189 = tpu.memref_squeeze %dma_start3A_188 : memref<1x128xi32, #tpu.memory_space<vmem>> -> memref<128xi32, #tpu.memory_space<vmem>>
    %dma_start3A_190 = arith.constant 0 : i32
    %dma_start3A_191 = tpu.memref_slice %arg2[%dma_start3A_190] : memref<100000xf32, #tpu.memory_space<hbm>> -> memref<100000xf32, #tpu.memory_space<hbm>>
    tpu.enqueue_indirect_dma source(%dma_start3A_191 : memref<100000xf32, #tpu.memory_space<hbm>>) target(%dma_start3A_186 : memref<128xf32, #tpu.memory_space<vmem>>) offsets(%dma_start3A_189 : memref<128xi32, #tpu.memory_space<vmem>>) semaphore(%arg8 : memref<!tpu.dma_semaphore, #tpu.memory_space<semaphore_mem>>)
    %dma_start3A_192 = arith.constant 4 : i32
    %dma_start3A_193 = arith.constant 4 : i32
    %dma_start3A_194 = arith.constant 384 : i32
    %dma_start3A_195 = tpu.memref_slice %arg6[%dma_start3A_193, %dma_start3A_194] : memref<10x512xf32, #tpu.memory_space<vmem>> -> memref<1x128xf32, #tpu.memory_space<vmem>>
    %dma_start3A_196 = tpu.memref_squeeze %dma_start3A_195 : memref<1x128xf32, #tpu.memory_space<vmem>> -> memref<128xf32, #tpu.memory_space<vmem>>
    %dma_start3A_197 = arith.constant 384 : i32
    %dma_start3A_198 = tpu.memref_slice %arg5[%dma_start3A_192, %dma_start3A_197] : memref<10x512xi32, #tpu.memory_space<vmem>> -> memref<1x128xi32, #tpu.memory_space<vmem>>
    %dma_start3A_199 = tpu.memref_squeeze %dma_start3A_198 : memref<1x128xi32, #tpu.memory_space<vmem>> -> memref<128xi32, #tpu.memory_space<vmem>>
    %dma_start3A_200 = arith.constant 0 : i32
    %dma_start3A_201 = tpu.memref_slice %arg2[%dma_start3A_200] : memref<100000xf32, #tpu.memory_space<hbm>> -> memref<100000xf32, #tpu.memory_space<hbm>>
    tpu.enqueue_indirect_dma source(%dma_start3A_201 : memref<100000xf32, #tpu.memory_space<hbm>>) target(%dma_start3A_196 : memref<128xf32, #tpu.memory_space<vmem>>) offsets(%dma_start3A_199 : memref<128xi32, #tpu.memory_space<vmem>>) semaphore(%arg8 : memref<!tpu.dma_semaphore, #tpu.memory_space<semaphore_mem>>)
    %dma_start3A_202 = arith.constant 5 : i32
    %dma_start3A_203 = arith.constant 5 : i32
    %dma_start3A_204 = arith.constant 0 : i32
    %dma_start3A_205 = tpu.memref_slice %arg6[%dma_start3A_203, %dma_start3A_204] : memref<10x512xf32, #tpu.memory_space<vmem>> -> memref<1x128xf32, #tpu.memory_space<vmem>>
    %dma_start3A_206 = tpu.memref_squeeze %dma_start3A_205 : memref<1x128xf32, #tpu.memory_space<vmem>> -> memref<128xf32, #tpu.memory_space<vmem>>
    %dma_start3A_207 = arith.constant 0 : i32
    %dma_start3A_208 = tpu.memref_slice %arg5[%dma_start3A_202, %dma_start3A_207] : memref<10x512xi32, #tpu.memory_space<vmem>> -> memref<1x128xi32, #tpu.memory_space<vmem>>
    %dma_start3A_209 = tpu.memref_squeeze %dma_start3A_208 : memref<1x128xi32, #tpu.memory_space<vmem>> -> memref<128xi32, #tpu.memory_space<vmem>>
    %dma_start3A_210 = arith.constant 0 : i32
    %dma_start3A_211 = tpu.memref_slice %arg2[%dma_start3A_210] : memref<100000xf32, #tpu.memory_space<hbm>> -> memref<100000xf32, #tpu.memory_space<hbm>>
    tpu.enqueue_indirect_dma source(%dma_start3A_211 : memref<100000xf32, #tpu.memory_space<hbm>>) target(%dma_start3A_206 : memref<128xf32, #tpu.memory_space<vmem>>) offsets(%dma_start3A_209 : memref<128xi32, #tpu.memory_space<vmem>>) semaphore(%arg8 : memref<!tpu.dma_semaphore, #tpu.memory_space<semaphore_mem>>)
    %dma_start3A_212 = arith.constant 5 : i32
    %dma_start3A_213 = arith.constant 5 : i32
    %dma_start3A_214 = arith.constant 128 : i32
    %dma_start3A_215 = tpu.memref_slice %arg6[%dma_start3A_213, %dma_start3A_214] : memref<10x512xf32, #tpu.memory_space<vmem>> -> memref<1x128xf32, #tpu.memory_space<vmem>>
    %dma_start3A_216 = tpu.memref_squeeze %dma_start3A_215 : memref<1x128xf32, #tpu.memory_space<vmem>> -> memref<128xf32, #tpu.memory_space<vmem>>
    %dma_start3A_217 = arith.constant 128 : i32
    %dma_start3A_218 = tpu.memref_slice %arg5[%dma_start3A_212, %dma_start3A_217] : memref<10x512xi32, #tpu.memory_space<vmem>> -> memref<1x128xi32, #tpu.memory_space<vmem>>
    %dma_start3A_219 = tpu.memref_squeeze %dma_start3A_218 : memref<1x128xi32, #tpu.memory_space<vmem>> -> memref<128xi32, #tpu.memory_space<vmem>>
    %dma_start3A_220 = arith.constant 0 : i32
    %dma_start3A_221 = tpu.memref_slice %arg2[%dma_start3A_220] : memref<100000xf32, #tpu.memory_space<hbm>> -> memref<100000xf32, #tpu.memory_space<hbm>>
    tpu.enqueue_indirect_dma source(%dma_start3A_221 : memref<100000xf32, #tpu.memory_space<hbm>>) target(%dma_start3A_216 : memref<128xf32, #tpu.memory_space<vmem>>) offsets(%dma_start3A_219 : memref<128xi32, #tpu.memory_space<vmem>>) semaphore(%arg8 : memref<!tpu.dma_semaphore, #tpu.memory_space<semaphore_mem>>)
    %dma_start3A_222 = arith.constant 5 : i32
    %dma_start3A_223 = arith.constant 5 : i32
    %dma_start3A_224 = arith.constant 256 : i32
    %dma_start3A_225 = tpu.memref_slice %arg6[%dma_start3A_223, %dma_start3A_224] : memref<10x512xf32, #tpu.memory_space<vmem>> -> memref<1x128xf32, #tpu.memory_space<vmem>>
    %dma_start3A_226 = tpu.memref_squeeze %dma_start3A_225 : memref<1x128xf32, #tpu.memory_space<vmem>> -> memref<128xf32, #tpu.memory_space<vmem>>
    %dma_start3A_227 = arith.constant 256 : i32
    %dma_start3A_228 = tpu.memref_slice %arg5[%dma_start3A_222, %dma_start3A_227] : memref<10x512xi32, #tpu.memory_space<vmem>> -> memref<1x128xi32, #tpu.memory_space<vmem>>
    %dma_start3A_229 = tpu.memref_squeeze %dma_start3A_228 : memref<1x128xi32, #tpu.memory_space<vmem>> -> memref<128xi32, #tpu.memory_space<vmem>>
    %dma_start3A_230 = arith.constant 0 : i32
    %dma_start3A_231 = tpu.memref_slice %arg2[%dma_start3A_230] : memref<100000xf32, #tpu.memory_space<hbm>> -> memref<100000xf32, #tpu.memory_space<hbm>>
    tpu.enqueue_indirect_dma source(%dma_start3A_231 : memref<100000xf32, #tpu.memory_space<hbm>>) target(%dma_start3A_226 : memref<128xf32, #tpu.memory_space<vmem>>) offsets(%dma_start3A_229 : memref<128xi32, #tpu.memory_space<vmem>>) semaphore(%arg8 : memref<!tpu.dma_semaphore, #tpu.memory_space<semaphore_mem>>)
    %dma_start3A_232 = arith.constant 5 : i32
    %dma_start3A_233 = arith.constant 5 : i32
    %dma_start3A_234 = arith.constant 384 : i32
    %dma_start3A_235 = tpu.memref_slice %arg6[%dma_start3A_233, %dma_start3A_234] : memref<10x512xf32, #tpu.memory_space<vmem>> -> memref<1x128xf32, #tpu.memory_space<vmem>>
    %dma_start3A_236 = tpu.memref_squeeze %dma_start3A_235 : memref<1x128xf32, #tpu.memory_space<vmem>> -> memref<128xf32, #tpu.memory_space<vmem>>
    %dma_start3A_237 = arith.constant 384 : i32
    %dma_start3A_238 = tpu.memref_slice %arg5[%dma_start3A_232, %dma_start3A_237] : memref<10x512xi32, #tpu.memory_space<vmem>> -> memref<1x128xi32, #tpu.memory_space<vmem>>
    %dma_start3A_239 = tpu.memref_squeeze %dma_start3A_238 : memref<1x128xi32, #tpu.memory_space<vmem>> -> memref<128xi32, #tpu.memory_space<vmem>>
    %dma_start3A_240 = arith.constant 0 : i32
    %dma_start3A_241 = tpu.memref_slice %arg2[%dma_start3A_240] : memref<100000xf32, #tpu.memory_space<hbm>> -> memref<100000xf32, #tpu.memory_space<hbm>>
    tpu.enqueue_indirect_dma source(%dma_start3A_241 : memref<100000xf32, #tpu.memory_space<hbm>>) target(%dma_start3A_236 : memref<128xf32, #tpu.memory_space<vmem>>) offsets(%dma_start3A_239 : memref<128xi32, #tpu.memory_space<vmem>>) semaphore(%arg8 : memref<!tpu.dma_semaphore, #tpu.memory_space<semaphore_mem>>)
    %dma_start3A_242 = arith.constant 6 : i32
    %dma_start3A_243 = arith.constant 6 : i32
    %dma_start3A_244 = arith.constant 0 : i32
    %dma_start3A_245 = tpu.memref_slice %arg6[%dma_start3A_243, %dma_start3A_244] : memref<10x512xf32, #tpu.memory_space<vmem>> -> memref<1x128xf32, #tpu.memory_space<vmem>>
    %dma_start3A_246 = tpu.memref_squeeze %dma_start3A_245 : memref<1x128xf32, #tpu.memory_space<vmem>> -> memref<128xf32, #tpu.memory_space<vmem>>
    %dma_start3A_247 = arith.constant 0 : i32
    %dma_start3A_248 = tpu.memref_slice %arg5[%dma_start3A_242, %dma_start3A_247] : memref<10x512xi32, #tpu.memory_space<vmem>> -> memref<1x128xi32, #tpu.memory_space<vmem>>
    %dma_start3A_249 = tpu.memref_squeeze %dma_start3A_248 : memref<1x128xi32, #tpu.memory_space<vmem>> -> memref<128xi32, #tpu.memory_space<vmem>>
    %dma_start3A_250 = arith.constant 0 : i32
    %dma_start3A_251 = tpu.memref_slice %arg2[%dma_start3A_250] : memref<100000xf32, #tpu.memory_space<hbm>> -> memref<100000xf32, #tpu.memory_space<hbm>>
    tpu.enqueue_indirect_dma source(%dma_start3A_251 : memref<100000xf32, #tpu.memory_space<hbm>>) target(%dma_start3A_246 : memref<128xf32, #tpu.memory_space<vmem>>) offsets(%dma_start3A_249 : memref<128xi32, #tpu.memory_space<vmem>>) semaphore(%arg8 : memref<!tpu.dma_semaphore, #tpu.memory_space<semaphore_mem>>)
    %dma_start3A_252 = arith.constant 6 : i32
    %dma_start3A_253 = arith.constant 6 : i32
    %dma_start3A_254 = arith.constant 128 : i32
    %dma_start3A_255 = tpu.memref_slice %arg6[%dma_start3A_253, %dma_start3A_254] : memref<10x512xf32, #tpu.memory_space<vmem>> -> memref<1x128xf32, #tpu.memory_space<vmem>>
    %dma_start3A_256 = tpu.memref_squeeze %dma_start3A_255 : memref<1x128xf32, #tpu.memory_space<vmem>> -> memref<128xf32, #tpu.memory_space<vmem>>
    %dma_start3A_257 = arith.constant 128 : i32
    %dma_start3A_258 = tpu.memref_slice %arg5[%dma_start3A_252, %dma_start3A_257] : memref<10x512xi32, #tpu.memory_space<vmem>> -> memref<1x128xi32, #tpu.memory_space<vmem>>
    %dma_start3A_259 = tpu.memref_squeeze %dma_start3A_258 : memref<1x128xi32, #tpu.memory_space<vmem>> -> memref<128xi32, #tpu.memory_space<vmem>>
    %dma_start3A_260 = arith.constant 0 : i32
    %dma_start3A_261 = tpu.memref_slice %arg2[%dma_start3A_260] : memref<100000xf32, #tpu.memory_space<hbm>> -> memref<100000xf32, #tpu.memory_space<hbm>>
    tpu.enqueue_indirect_dma source(%dma_start3A_261 : memref<100000xf32, #tpu.memory_space<hbm>>) target(%dma_start3A_256 : memref<128xf32, #tpu.memory_space<vmem>>) offsets(%dma_start3A_259 : memref<128xi32, #tpu.memory_space<vmem>>) semaphore(%arg8 : memref<!tpu.dma_semaphore, #tpu.memory_space<semaphore_mem>>)
    %dma_start3A_262 = arith.constant 6 : i32
    %dma_start3A_263 = arith.constant 6 : i32
    %dma_start3A_264 = arith.constant 256 : i32
    %dma_start3A_265 = tpu.memref_slice %arg6[%dma_start3A_263, %dma_start3A_264] : memref<10x512xf32, #tpu.memory_space<vmem>> -> memref<1x128xf32, #tpu.memory_space<vmem>>
    %dma_start3A_266 = tpu.memref_squeeze %dma_start3A_265 : memref<1x128xf32, #tpu.memory_space<vmem>> -> memref<128xf32, #tpu.memory_space<vmem>>
    %dma_start3A_267 = arith.constant 256 : i32
    %dma_start3A_268 = tpu.memref_slice %arg5[%dma_start3A_262, %dma_start3A_267] : memref<10x512xi32, #tpu.memory_space<vmem>> -> memref<1x128xi32, #tpu.memory_space<vmem>>
    %dma_start3A_269 = tpu.memref_squeeze %dma_start3A_268 : memref<1x128xi32, #tpu.memory_space<vmem>> -> memref<128xi32, #tpu.memory_space<vmem>>
    %dma_start3A_270 = arith.constant 0 : i32
    %dma_start3A_271 = tpu.memref_slice %arg2[%dma_start3A_270] : memref<100000xf32, #tpu.memory_space<hbm>> -> memref<100000xf32, #tpu.memory_space<hbm>>
    tpu.enqueue_indirect_dma source(%dma_start3A_271 : memref<100000xf32, #tpu.memory_space<hbm>>) target(%dma_start3A_266 : memref<128xf32, #tpu.memory_space<vmem>>) offsets(%dma_start3A_269 : memref<128xi32, #tpu.memory_space<vmem>>) semaphore(%arg8 : memref<!tpu.dma_semaphore, #tpu.memory_space<semaphore_mem>>)
    %dma_start3A_272 = arith.constant 6 : i32
    %dma_start3A_273 = arith.constant 6 : i32
    %dma_start3A_274 = arith.constant 384 : i32
    %dma_start3A_275 = tpu.memref_slice %arg6[%dma_start3A_273, %dma_start3A_274] : memref<10x512xf32, #tpu.memory_space<vmem>> -> memref<1x128xf32, #tpu.memory_space<vmem>>
    %dma_start3A_276 = tpu.memref_squeeze %dma_start3A_275 : memref<1x128xf32, #tpu.memory_space<vmem>> -> memref<128xf32, #tpu.memory_space<vmem>>
    %dma_start3A_277 = arith.constant 384 : i32
    %dma_start3A_278 = tpu.memref_slice %arg5[%dma_start3A_272, %dma_start3A_277] : memref<10x512xi32, #tpu.memory_space<vmem>> -> memref<1x128xi32, #tpu.memory_space<vmem>>
    %dma_start3A_279 = tpu.memref_squeeze %dma_start3A_278 : memref<1x128xi32, #tpu.memory_space<vmem>> -> memref<128xi32, #tpu.memory_space<vmem>>
    %dma_start3A_280 = arith.constant 0 : i32
    %dma_start3A_281 = tpu.memref_slice %arg2[%dma_start3A_280] : memref<100000xf32, #tpu.memory_space<hbm>> -> memref<100000xf32, #tpu.memory_space<hbm>>
    tpu.enqueue_indirect_dma source(%dma_start3A_281 : memref<100000xf32, #tpu.memory_space<hbm>>) target(%dma_start3A_276 : memref<128xf32, #tpu.memory_space<vmem>>) offsets(%dma_start3A_279 : memref<128xi32, #tpu.memory_space<vmem>>) semaphore(%arg8 : memref<!tpu.dma_semaphore, #tpu.memory_space<semaphore_mem>>)
    %dma_start3A_282 = arith.constant 7 : i32
    %dma_start3A_283 = arith.constant 7 : i32
    %dma_start3A_284 = arith.constant 0 : i32
    %dma_start3A_285 = tpu.memref_slice %arg6[%dma_start3A_283, %dma_start3A_284] : memref<10x512xf32, #tpu.memory_space<vmem>> -> memref<1x128xf32, #tpu.memory_space<vmem>>
    %dma_start3A_286 = tpu.memref_squeeze %dma_start3A_285 : memref<1x128xf32, #tpu.memory_space<vmem>> -> memref<128xf32, #tpu.memory_space<vmem>>
    %dma_start3A_287 = arith.constant 0 : i32
    %dma_start3A_288 = tpu.memref_slice %arg5[%dma_start3A_282, %dma_start3A_287] : memref<10x512xi32, #tpu.memory_space<vmem>> -> memref<1x128xi32, #tpu.memory_space<vmem>>
    %dma_start3A_289 = tpu.memref_squeeze %dma_start3A_288 : memref<1x128xi32, #tpu.memory_space<vmem>> -> memref<128xi32, #tpu.memory_space<vmem>>
    %dma_start3A_290 = arith.constant 0 : i32
    %dma_start3A_291 = tpu.memref_slice %arg2[%dma_start3A_290] : memref<100000xf32, #tpu.memory_space<hbm>> -> memref<100000xf32, #tpu.memory_space<hbm>>
    tpu.enqueue_indirect_dma source(%dma_start3A_291 : memref<100000xf32, #tpu.memory_space<hbm>>) target(%dma_start3A_286 : memref<128xf32, #tpu.memory_space<vmem>>) offsets(%dma_start3A_289 : memref<128xi32, #tpu.memory_space<vmem>>) semaphore(%arg8 : memref<!tpu.dma_semaphore, #tpu.memory_space<semaphore_mem>>)
    %dma_start3A_292 = arith.constant 7 : i32
    %dma_start3A_293 = arith.constant 7 : i32
    %dma_start3A_294 = arith.constant 128 : i32
    %dma_start3A_295 = tpu.memref_slice %arg6[%dma_start3A_293, %dma_start3A_294] : memref<10x512xf32, #tpu.memory_space<vmem>> -> memref<1x128xf32, #tpu.memory_space<vmem>>
    %dma_start3A_296 = tpu.memref_squeeze %dma_start3A_295 : memref<1x128xf32, #tpu.memory_space<vmem>> -> memref<128xf32, #tpu.memory_space<vmem>>
    %dma_start3A_297 = arith.constant 128 : i32
    %dma_start3A_298 = tpu.memref_slice %arg5[%dma_start3A_292, %dma_start3A_297] : memref<10x512xi32, #tpu.memory_space<vmem>> -> memref<1x128xi32, #tpu.memory_space<vmem>>
    %dma_start3A_299 = tpu.memref_squeeze %dma_start3A_298 : memref<1x128xi32, #tpu.memory_space<vmem>> -> memref<128xi32, #tpu.memory_space<vmem>>
    %dma_start3A_300 = arith.constant 0 : i32
    %dma_start3A_301 = tpu.memref_slice %arg2[%dma_start3A_300] : memref<100000xf32, #tpu.memory_space<hbm>> -> memref<100000xf32, #tpu.memory_space<hbm>>
    tpu.enqueue_indirect_dma source(%dma_start3A_301 : memref<100000xf32, #tpu.memory_space<hbm>>) target(%dma_start3A_296 : memref<128xf32, #tpu.memory_space<vmem>>) offsets(%dma_start3A_299 : memref<128xi32, #tpu.memory_space<vmem>>) semaphore(%arg8 : memref<!tpu.dma_semaphore, #tpu.memory_space<semaphore_mem>>)
    %dma_start3A_302 = arith.constant 7 : i32
    %dma_start3A_303 = arith.constant 7 : i32
    %dma_start3A_304 = arith.constant 256 : i32
    %dma_start3A_305 = tpu.memref_slice %arg6[%dma_start3A_303, %dma_start3A_304] : memref<10x512xf32, #tpu.memory_space<vmem>> -> memref<1x128xf32, #tpu.memory_space<vmem>>
    %dma_start3A_306 = tpu.memref_squeeze %dma_start3A_305 : memref<1x128xf32, #tpu.memory_space<vmem>> -> memref<128xf32, #tpu.memory_space<vmem>>
    %dma_start3A_307 = arith.constant 256 : i32
    %dma_start3A_308 = tpu.memref_slice %arg5[%dma_start3A_302, %dma_start3A_307] : memref<10x512xi32, #tpu.memory_space<vmem>> -> memref<1x128xi32, #tpu.memory_space<vmem>>
    %dma_start3A_309 = tpu.memref_squeeze %dma_start3A_308 : memref<1x128xi32, #tpu.memory_space<vmem>> -> memref<128xi32, #tpu.memory_space<vmem>>
    %dma_start3A_310 = arith.constant 0 : i32
    %dma_start3A_311 = tpu.memref_slice %arg2[%dma_start3A_310] : memref<100000xf32, #tpu.memory_space<hbm>> -> memref<100000xf32, #tpu.memory_space<hbm>>
    tpu.enqueue_indirect_dma source(%dma_start3A_311 : memref<100000xf32, #tpu.memory_space<hbm>>) target(%dma_start3A_306 : memref<128xf32, #tpu.memory_space<vmem>>) offsets(%dma_start3A_309 : memref<128xi32, #tpu.memory_space<vmem>>) semaphore(%arg8 : memref<!tpu.dma_semaphore, #tpu.memory_space<semaphore_mem>>)
    %dma_start3A_312 = arith.constant 7 : i32
    %dma_start3A_313 = arith.constant 7 : i32
    %dma_start3A_314 = arith.constant 384 : i32
    %dma_start3A_315 = tpu.memref_slice %arg6[%dma_start3A_313, %dma_start3A_314] : memref<10x512xf32, #tpu.memory_space<vmem>> -> memref<1x128xf32, #tpu.memory_space<vmem>>
    %dma_start3A_316 = tpu.memref_squeeze %dma_start3A_315 : memref<1x128xf32, #tpu.memory_space<vmem>> -> memref<128xf32, #tpu.memory_space<vmem>>
    %dma_start3A_317 = arith.constant 384 : i32
    %dma_start3A_318 = tpu.memref_slice %arg5[%dma_start3A_312, %dma_start3A_317] : memref<10x512xi32, #tpu.memory_space<vmem>> -> memref<1x128xi32, #tpu.memory_space<vmem>>
    %dma_start3A_319 = tpu.memref_squeeze %dma_start3A_318 : memref<1x128xi32, #tpu.memory_space<vmem>> -> memref<128xi32, #tpu.memory_space<vmem>>
    %dma_start3A_320 = arith.constant 0 : i32
    %dma_start3A_321 = tpu.memref_slice %arg2[%dma_start3A_320] : memref<100000xf32, #tpu.memory_space<hbm>> -> memref<100000xf32, #tpu.memory_space<hbm>>
    tpu.enqueue_indirect_dma source(%dma_start3A_321 : memref<100000xf32, #tpu.memory_space<hbm>>) target(%dma_start3A_316 : memref<128xf32, #tpu.memory_space<vmem>>) offsets(%dma_start3A_319 : memref<128xi32, #tpu.memory_space<vmem>>) semaphore(%arg8 : memref<!tpu.dma_semaphore, #tpu.memory_space<semaphore_mem>>)
    %dma_start3A_322 = arith.constant 8 : i32
    %dma_start3A_323 = arith.constant 8 : i32
    %dma_start3A_324 = arith.constant 0 : i32
    %dma_start3A_325 = tpu.memref_slice %arg6[%dma_start3A_323, %dma_start3A_324] : memref<10x512xf32, #tpu.memory_space<vmem>> -> memref<1x128xf32, #tpu.memory_space<vmem>>
    %dma_start3A_326 = tpu.memref_squeeze %dma_start3A_325 : memref<1x128xf32, #tpu.memory_space<vmem>> -> memref<128xf32, #tpu.memory_space<vmem>>
    %dma_start3A_327 = arith.constant 0 : i32
    %dma_start3A_328 = tpu.memref_slice %arg5[%dma_start3A_322, %dma_start3A_327] : memref<10x512xi32, #tpu.memory_space<vmem>> -> memref<1x128xi32, #tpu.memory_space<vmem>>
    %dma_start3A_329 = tpu.memref_squeeze %dma_start3A_328 : memref<1x128xi32, #tpu.memory_space<vmem>> -> memref<128xi32, #tpu.memory_space<vmem>>
    %dma_start3A_330 = arith.constant 0 : i32
    %dma_start3A_331 = tpu.memref_slice %arg2[%dma_start3A_330] : memref<100000xf32, #tpu.memory_space<hbm>> -> memref<100000xf32, #tpu.memory_space<hbm>>
    tpu.enqueue_indirect_dma source(%dma_start3A_331 : memref<100000xf32, #tpu.memory_space<hbm>>) target(%dma_start3A_326 : memref<128xf32, #tpu.memory_space<vmem>>) offsets(%dma_start3A_329 : memref<128xi32, #tpu.memory_space<vmem>>) semaphore(%arg8 : memref<!tpu.dma_semaphore, #tpu.memory_space<semaphore_mem>>)
    %dma_start3A_332 = arith.constant 8 : i32
    %dma_start3A_333 = arith.constant 8 : i32
    %dma_start3A_334 = arith.constant 128 : i32
    %dma_start3A_335 = tpu.memref_slice %arg6[%dma_start3A_333, %dma_start3A_334] : memref<10x512xf32, #tpu.memory_space<vmem>> -> memref<1x128xf32, #tpu.memory_space<vmem>>
    %dma_start3A_336 = tpu.memref_squeeze %dma_start3A_335 : memref<1x128xf32, #tpu.memory_space<vmem>> -> memref<128xf32, #tpu.memory_space<vmem>>
    %dma_start3A_337 = arith.constant 128 : i32
    %dma_start3A_338 = tpu.memref_slice %arg5[%dma_start3A_332, %dma_start3A_337] : memref<10x512xi32, #tpu.memory_space<vmem>> -> memref<1x128xi32, #tpu.memory_space<vmem>>
    %dma_start3A_339 = tpu.memref_squeeze %dma_start3A_338 : memref<1x128xi32, #tpu.memory_space<vmem>> -> memref<128xi32, #tpu.memory_space<vmem>>
    %dma_start3A_340 = arith.constant 0 : i32
    %dma_start3A_341 = tpu.memref_slice %arg2[%dma_start3A_340] : memref<100000xf32, #tpu.memory_space<hbm>> -> memref<100000xf32, #tpu.memory_space<hbm>>
    tpu.enqueue_indirect_dma source(%dma_start3A_341 : memref<100000xf32, #tpu.memory_space<hbm>>) target(%dma_start3A_336 : memref<128xf32, #tpu.memory_space<vmem>>) offsets(%dma_start3A_339 : memref<128xi32, #tpu.memory_space<vmem>>) semaphore(%arg8 : memref<!tpu.dma_semaphore, #tpu.memory_space<semaphore_mem>>)
    %dma_start3A_342 = arith.constant 8 : i32
    %dma_start3A_343 = arith.constant 8 : i32
    %dma_start3A_344 = arith.constant 256 : i32
    %dma_start3A_345 = tpu.memref_slice %arg6[%dma_start3A_343, %dma_start3A_344] : memref<10x512xf32, #tpu.memory_space<vmem>> -> memref<1x128xf32, #tpu.memory_space<vmem>>
    %dma_start3A_346 = tpu.memref_squeeze %dma_start3A_345 : memref<1x128xf32, #tpu.memory_space<vmem>> -> memref<128xf32, #tpu.memory_space<vmem>>
    %dma_start3A_347 = arith.constant 256 : i32
    %dma_start3A_348 = tpu.memref_slice %arg5[%dma_start3A_342, %dma_start3A_347] : memref<10x512xi32, #tpu.memory_space<vmem>> -> memref<1x128xi32, #tpu.memory_space<vmem>>
    %dma_start3A_349 = tpu.memref_squeeze %dma_start3A_348 : memref<1x128xi32, #tpu.memory_space<vmem>> -> memref<128xi32, #tpu.memory_space<vmem>>
    %dma_start3A_350 = arith.constant 0 : i32
    %dma_start3A_351 = tpu.memref_slice %arg2[%dma_start3A_350] : memref<100000xf32, #tpu.memory_space<hbm>> -> memref<100000xf32, #tpu.memory_space<hbm>>
    tpu.enqueue_indirect_dma source(%dma_start3A_351 : memref<100000xf32, #tpu.memory_space<hbm>>) target(%dma_start3A_346 : memref<128xf32, #tpu.memory_space<vmem>>) offsets(%dma_start3A_349 : memref<128xi32, #tpu.memory_space<vmem>>) semaphore(%arg8 : memref<!tpu.dma_semaphore, #tpu.memory_space<semaphore_mem>>)
    %dma_start3A_352 = arith.constant 8 : i32
    %dma_start3A_353 = arith.constant 8 : i32
    %dma_start3A_354 = arith.constant 384 : i32
    %dma_start3A_355 = tpu.memref_slice %arg6[%dma_start3A_353, %dma_start3A_354] : memref<10x512xf32, #tpu.memory_space<vmem>> -> memref<1x128xf32, #tpu.memory_space<vmem>>
    %dma_start3A_356 = tpu.memref_squeeze %dma_start3A_355 : memref<1x128xf32, #tpu.memory_space<vmem>> -> memref<128xf32, #tpu.memory_space<vmem>>
    %dma_start3A_357 = arith.constant 384 : i32
    %dma_start3A_358 = tpu.memref_slice %arg5[%dma_start3A_352, %dma_start3A_357] : memref<10x512xi32, #tpu.memory_space<vmem>> -> memref<1x128xi32, #tpu.memory_space<vmem>>
    %dma_start3A_359 = tpu.memref_squeeze %dma_start3A_358 : memref<1x128xi32, #tpu.memory_space<vmem>> -> memref<128xi32, #tpu.memory_space<vmem>>
    %dma_start3A_360 = arith.constant 0 : i32
    %dma_start3A_361 = tpu.memref_slice %arg2[%dma_start3A_360] : memref<100000xf32, #tpu.memory_space<hbm>> -> memref<100000xf32, #tpu.memory_space<hbm>>
    tpu.enqueue_indirect_dma source(%dma_start3A_361 : memref<100000xf32, #tpu.memory_space<hbm>>) target(%dma_start3A_356 : memref<128xf32, #tpu.memory_space<vmem>>) offsets(%dma_start3A_359 : memref<128xi32, #tpu.memory_space<vmem>>) semaphore(%arg8 : memref<!tpu.dma_semaphore, #tpu.memory_space<semaphore_mem>>)
    %dma_start3A_362 = arith.constant 9 : i32
    %dma_start3A_363 = arith.constant 9 : i32
    %dma_start3A_364 = arith.constant 0 : i32
    %dma_start3A_365 = tpu.memref_slice %arg6[%dma_start3A_363, %dma_start3A_364] : memref<10x512xf32, #tpu.memory_space<vmem>> -> memref<1x128xf32, #tpu.memory_space<vmem>>
    %dma_start3A_366 = tpu.memref_squeeze %dma_start3A_365 : memref<1x128xf32, #tpu.memory_space<vmem>> -> memref<128xf32, #tpu.memory_space<vmem>>
    %dma_start3A_367 = arith.constant 0 : i32
    %dma_start3A_368 = tpu.memref_slice %arg5[%dma_start3A_362, %dma_start3A_367] : memref<10x512xi32, #tpu.memory_space<vmem>> -> memref<1x128xi32, #tpu.memory_space<vmem>>
    %dma_start3A_369 = tpu.memref_squeeze %dma_start3A_368 : memref<1x128xi32, #tpu.memory_space<vmem>> -> memref<128xi32, #tpu.memory_space<vmem>>
    %dma_start3A_370 = arith.constant 0 : i32
    %dma_start3A_371 = tpu.memref_slice %arg2[%dma_start3A_370] : memref<100000xf32, #tpu.memory_space<hbm>> -> memref<100000xf32, #tpu.memory_space<hbm>>
    tpu.enqueue_indirect_dma source(%dma_start3A_371 : memref<100000xf32, #tpu.memory_space<hbm>>) target(%dma_start3A_366 : memref<128xf32, #tpu.memory_space<vmem>>) offsets(%dma_start3A_369 : memref<128xi32, #tpu.memory_space<vmem>>) semaphore(%arg8 : memref<!tpu.dma_semaphore, #tpu.memory_space<semaphore_mem>>)
    %dma_start3A_372 = arith.constant 9 : i32
    %dma_start3A_373 = arith.constant 9 : i32
    %dma_start3A_374 = arith.constant 128 : i32
    %dma_start3A_375 = tpu.memref_slice %arg6[%dma_start3A_373, %dma_start3A_374] : memref<10x512xf32, #tpu.memory_space<vmem>> -> memref<1x128xf32, #tpu.memory_space<vmem>>
    %dma_start3A_376 = tpu.memref_squeeze %dma_start3A_375 : memref<1x128xf32, #tpu.memory_space<vmem>> -> memref<128xf32, #tpu.memory_space<vmem>>
    %dma_start3A_377 = arith.constant 128 : i32
    %dma_start3A_378 = tpu.memref_slice %arg5[%dma_start3A_372, %dma_start3A_377] : memref<10x512xi32, #tpu.memory_space<vmem>> -> memref<1x128xi32, #tpu.memory_space<vmem>>
    %dma_start3A_379 = tpu.memref_squeeze %dma_start3A_378 : memref<1x128xi32, #tpu.memory_space<vmem>> -> memref<128xi32, #tpu.memory_space<vmem>>
    %dma_start3A_380 = arith.constant 0 : i32
    %dma_start3A_381 = tpu.memref_slice %arg2[%dma_start3A_380] : memref<100000xf32, #tpu.memory_space<hbm>> -> memref<100000xf32, #tpu.memory_space<hbm>>
    tpu.enqueue_indirect_dma source(%dma_start3A_381 : memref<100000xf32, #tpu.memory_space<hbm>>) target(%dma_start3A_376 : memref<128xf32, #tpu.memory_space<vmem>>) offsets(%dma_start3A_379 : memref<128xi32, #tpu.memory_space<vmem>>) semaphore(%arg8 : memref<!tpu.dma_semaphore, #tpu.memory_space<semaphore_mem>>)
    %dma_start3A_382 = arith.constant 9 : i32
    %dma_start3A_383 = arith.constant 9 : i32
    %dma_start3A_384 = arith.constant 256 : i32
    %dma_start3A_385 = tpu.memref_slice %arg6[%dma_start3A_383, %dma_start3A_384] : memref<10x512xf32, #tpu.memory_space<vmem>> -> memref<1x128xf32, #tpu.memory_space<vmem>>
    %dma_start3A_386 = tpu.memref_squeeze %dma_start3A_385 : memref<1x128xf32, #tpu.memory_space<vmem>> -> memref<128xf32, #tpu.memory_space<vmem>>
    %dma_start3A_387 = arith.constant 256 : i32
    %dma_start3A_388 = tpu.memref_slice %arg5[%dma_start3A_382, %dma_start3A_387] : memref<10x512xi32, #tpu.memory_space<vmem>> -> memref<1x128xi32, #tpu.memory_space<vmem>>
    %dma_start3A_389 = tpu.memref_squeeze %dma_start3A_388 : memref<1x128xi32, #tpu.memory_space<vmem>> -> memref<128xi32, #tpu.memory_space<vmem>>
    %dma_start3A_390 = arith.constant 0 : i32
    %dma_start3A_391 = tpu.memref_slice %arg2[%dma_start3A_390] : memref<100000xf32, #tpu.memory_space<hbm>> -> memref<100000xf32, #tpu.memory_space<hbm>>
    tpu.enqueue_indirect_dma source(%dma_start3A_391 : memref<100000xf32, #tpu.memory_space<hbm>>) target(%dma_start3A_386 : memref<128xf32, #tpu.memory_space<vmem>>) offsets(%dma_start3A_389 : memref<128xi32, #tpu.memory_space<vmem>>) semaphore(%arg8 : memref<!tpu.dma_semaphore, #tpu.memory_space<semaphore_mem>>)
    %dma_start3A_392 = arith.constant 9 : i32
    %dma_start3A_393 = arith.constant 9 : i32
    %dma_start3A_394 = arith.constant 384 : i32
    %dma_start3A_395 = tpu.memref_slice %arg6[%dma_start3A_393, %dma_start3A_394] : memref<10x512xf32, #tpu.memory_space<vmem>> -> memref<1x128xf32, #tpu.memory_space<vmem>>
    %dma_start3A_396 = tpu.memref_squeeze %dma_start3A_395 : memref<1x128xf32, #tpu.memory_space<vmem>> -> memref<128xf32, #tpu.memory_space<vmem>>
    %dma_start3A_397 = arith.constant 384 : i32
    %dma_start3A_398 = tpu.memref_slice %arg5[%dma_start3A_392, %dma_start3A_397] : memref<10x512xi32, #tpu.memory_space<vmem>> -> memref<1x128xi32, #tpu.memory_space<vmem>>
    %dma_start3A_399 = tpu.memref_squeeze %dma_start3A_398 : memref<1x128xi32, #tpu.memory_space<vmem>> -> memref<128xi32, #tpu.memory_space<vmem>>
    %dma_start3A_400 = arith.constant 0 : i32
    %dma_start3A_401 = tpu.memref_slice %arg2[%dma_start3A_400] : memref<100000xf32, #tpu.memory_space<hbm>> -> memref<100000xf32, #tpu.memory_space<hbm>>
    tpu.enqueue_indirect_dma source(%dma_start3A_401 : memref<100000xf32, #tpu.memory_space<hbm>>) target(%dma_start3A_396 : memref<128xf32, #tpu.memory_space<vmem>>) offsets(%dma_start3A_399 : memref<128xi32, #tpu.memory_space<vmem>>) semaphore(%arg8 : memref<!tpu.dma_semaphore, #tpu.memory_space<semaphore_mem>>)
    %dma_wait3A = arith.constant 0 : i32
    %dma_wait3A_402 = arith.constant 0 : i32
    %dma_wait3A_403 = arith.constant 0 : i32
    %dma_wait3A_404 = tpu.memref_slice %arg6[%dma_wait3A_402, %dma_wait3A_403] : memref<10x512xf32, #tpu.memory_space<vmem>> -> memref<1x128xf32, #tpu.memory_space<vmem>>
    %dma_wait3A_405 = tpu.memref_squeeze %dma_wait3A_404 : memref<1x128xf32, #tpu.memory_space<vmem>> -> memref<128xf32, #tpu.memory_space<vmem>>
    %dma_wait3A_406 = arith.constant 0 : i32
    %dma_wait3A_407 = tpu.memref_slice %arg5[%dma_wait3A, %dma_wait3A_406] : memref<10x512xi32, #tpu.memory_space<vmem>> -> memref<1x128xi32, #tpu.memory_space<vmem>>
    %dma_wait3A_408 = tpu.memref_squeeze %dma_wait3A_407 : memref<1x128xi32, #tpu.memory_space<vmem>> -> memref<128xi32, #tpu.memory_space<vmem>>
    %dma_wait3A_409 = arith.constant 0 : i32
    %dma_wait3A_410 = tpu.memref_slice %arg2[%dma_wait3A_409] : memref<100000xf32, #tpu.memory_space<hbm>> -> memref<100000xf32, #tpu.memory_space<hbm>>
    tpu.wait_indirect_dma semaphore(%arg8 : memref<!tpu.dma_semaphore, #tpu.memory_space<semaphore_mem>>) src(%dma_wait3A_410 : memref<100000xf32, #tpu.memory_space<hbm>>) dst(%dma_wait3A_405 : memref<128xf32, #tpu.memory_space<vmem>>)
    %dma_wait3A_411 = arith.constant 0 : i32
    %dma_wait3A_412 = arith.constant 0 : i32
    %dma_wait3A_413 = arith.constant 128 : i32
    %dma_wait3A_414 = tpu.memref_slice %arg6[%dma_wait3A_412, %dma_wait3A_413] : memref<10x512xf32, #tpu.memory_space<vmem>> -> memref<1x128xf32, #tpu.memory_space<vmem>>
    %dma_wait3A_415 = tpu.memref_squeeze %dma_wait3A_414 : memref<1x128xf32, #tpu.memory_space<vmem>> -> memref<128xf32, #tpu.memory_space<vmem>>
    %dma_wait3A_416 = arith.constant 128 : i32
    %dma_wait3A_417 = tpu.memref_slice %arg5[%dma_wait3A_411, %dma_wait3A_416] : memref<10x512xi32, #tpu.memory_space<vmem>> -> memref<1x128xi32, #tpu.memory_space<vmem>>
    %dma_wait3A_418 = tpu.memref_squeeze %dma_wait3A_417 : memref<1x128xi32, #tpu.memory_space<vmem>> -> memref<128xi32, #tpu.memory_space<vmem>>
    %dma_wait3A_419 = arith.constant 0 : i32
    %dma_wait3A_420 = tpu.memref_slice %arg2[%dma_wait3A_419] : memref<100000xf32, #tpu.memory_space<hbm>> -> memref<100000xf32, #tpu.memory_space<hbm>>
    tpu.wait_indirect_dma semaphore(%arg8 : memref<!tpu.dma_semaphore, #tpu.memory_space<semaphore_mem>>) src(%dma_wait3A_420 : memref<100000xf32, #tpu.memory_space<hbm>>) dst(%dma_wait3A_415 : memref<128xf32, #tpu.memory_space<vmem>>)
    %dma_wait3A_421 = arith.constant 0 : i32
    %dma_wait3A_422 = arith.constant 0 : i32
    %dma_wait3A_423 = arith.constant 256 : i32
    %dma_wait3A_424 = tpu.memref_slice %arg6[%dma_wait3A_422, %dma_wait3A_423] : memref<10x512xf32, #tpu.memory_space<vmem>> -> memref<1x128xf32, #tpu.memory_space<vmem>>
    %dma_wait3A_425 = tpu.memref_squeeze %dma_wait3A_424 : memref<1x128xf32, #tpu.memory_space<vmem>> -> memref<128xf32, #tpu.memory_space<vmem>>
    %dma_wait3A_426 = arith.constant 256 : i32
    %dma_wait3A_427 = tpu.memref_slice %arg5[%dma_wait3A_421, %dma_wait3A_426] : memref<10x512xi32, #tpu.memory_space<vmem>> -> memref<1x128xi32, #tpu.memory_space<vmem>>
    %dma_wait3A_428 = tpu.memref_squeeze %dma_wait3A_427 : memref<1x128xi32, #tpu.memory_space<vmem>> -> memref<128xi32, #tpu.memory_space<vmem>>
    %dma_wait3A_429 = arith.constant 0 : i32
    %dma_wait3A_430 = tpu.memref_slice %arg2[%dma_wait3A_429] : memref<100000xf32, #tpu.memory_space<hbm>> -> memref<100000xf32, #tpu.memory_space<hbm>>
    tpu.wait_indirect_dma semaphore(%arg8 : memref<!tpu.dma_semaphore, #tpu.memory_space<semaphore_mem>>) src(%dma_wait3A_430 : memref<100000xf32, #tpu.memory_space<hbm>>) dst(%dma_wait3A_425 : memref<128xf32, #tpu.memory_space<vmem>>)
    %dma_wait3A_431 = arith.constant 0 : i32
    %dma_wait3A_432 = arith.constant 0 : i32
    %dma_wait3A_433 = arith.constant 384 : i32
    %dma_wait3A_434 = tpu.memref_slice %arg6[%dma_wait3A_432, %dma_wait3A_433] : memref<10x512xf32, #tpu.memory_space<vmem>> -> memref<1x128xf32, #tpu.memory_space<vmem>>
    %dma_wait3A_435 = tpu.memref_squeeze %dma_wait3A_434 : memref<1x128xf32, #tpu.memory_space<vmem>> -> memref<128xf32, #tpu.memory_space<vmem>>
    %dma_wait3A_436 = arith.constant 384 : i32
    %dma_wait3A_437 = tpu.memref_slice %arg5[%dma_wait3A_431, %dma_wait3A_436] : memref<10x512xi32, #tpu.memory_space<vmem>> -> memref<1x128xi32, #tpu.memory_space<vmem>>
    %dma_wait3A_438 = tpu.memref_squeeze %dma_wait3A_437 : memref<1x128xi32, #tpu.memory_space<vmem>> -> memref<128xi32, #tpu.memory_space<vmem>>
    %dma_wait3A_439 = arith.constant 0 : i32
    %dma_wait3A_440 = tpu.memref_slice %arg2[%dma_wait3A_439] : memref<100000xf32, #tpu.memory_space<hbm>> -> memref<100000xf32, #tpu.memory_space<hbm>>
    tpu.wait_indirect_dma semaphore(%arg8 : memref<!tpu.dma_semaphore, #tpu.memory_space<semaphore_mem>>) src(%dma_wait3A_440 : memref<100000xf32, #tpu.memory_space<hbm>>) dst(%dma_wait3A_435 : memref<128xf32, #tpu.memory_space<vmem>>)
    %dma_wait3A_441 = arith.constant 1 : i32
    %dma_wait3A_442 = arith.constant 1 : i32
    %dma_wait3A_443 = arith.constant 0 : i32
    %dma_wait3A_444 = tpu.memref_slice %arg6[%dma_wait3A_442, %dma_wait3A_443] : memref<10x512xf32, #tpu.memory_space<vmem>> -> memref<1x128xf32, #tpu.memory_space<vmem>>
    %dma_wait3A_445 = tpu.memref_squeeze %dma_wait3A_444 : memref<1x128xf32, #tpu.memory_space<vmem>> -> memref<128xf32, #tpu.memory_space<vmem>>
    %dma_wait3A_446 = arith.constant 0 : i32
    %dma_wait3A_447 = tpu.memref_slice %arg5[%dma_wait3A_441, %dma_wait3A_446] : memref<10x512xi32, #tpu.memory_space<vmem>> -> memref<1x128xi32, #tpu.memory_space<vmem>>
    %dma_wait3A_448 = tpu.memref_squeeze %dma_wait3A_447 : memref<1x128xi32, #tpu.memory_space<vmem>> -> memref<128xi32, #tpu.memory_space<vmem>>
    %dma_wait3A_449 = arith.constant 0 : i32
    %dma_wait3A_450 = tpu.memref_slice %arg2[%dma_wait3A_449] : memref<100000xf32, #tpu.memory_space<hbm>> -> memref<100000xf32, #tpu.memory_space<hbm>>
    tpu.wait_indirect_dma semaphore(%arg8 : memref<!tpu.dma_semaphore, #tpu.memory_space<semaphore_mem>>) src(%dma_wait3A_450 : memref<100000xf32, #tpu.memory_space<hbm>>) dst(%dma_wait3A_445 : memref<128xf32, #tpu.memory_space<vmem>>)
    %dma_wait3A_451 = arith.constant 1 : i32
    %dma_wait3A_452 = arith.constant 1 : i32
    %dma_wait3A_453 = arith.constant 128 : i32
    %dma_wait3A_454 = tpu.memref_slice %arg6[%dma_wait3A_452, %dma_wait3A_453] : memref<10x512xf32, #tpu.memory_space<vmem>> -> memref<1x128xf32, #tpu.memory_space<vmem>>
    %dma_wait3A_455 = tpu.memref_squeeze %dma_wait3A_454 : memref<1x128xf32, #tpu.memory_space<vmem>> -> memref<128xf32, #tpu.memory_space<vmem>>
    %dma_wait3A_456 = arith.constant 128 : i32
    %dma_wait3A_457 = tpu.memref_slice %arg5[%dma_wait3A_451, %dma_wait3A_456] : memref<10x512xi32, #tpu.memory_space<vmem>> -> memref<1x128xi32, #tpu.memory_space<vmem>>
    %dma_wait3A_458 = tpu.memref_squeeze %dma_wait3A_457 : memref<1x128xi32, #tpu.memory_space<vmem>> -> memref<128xi32, #tpu.memory_space<vmem>>
    %dma_wait3A_459 = arith.constant 0 : i32
    %dma_wait3A_460 = tpu.memref_slice %arg2[%dma_wait3A_459] : memref<100000xf32, #tpu.memory_space<hbm>> -> memref<100000xf32, #tpu.memory_space<hbm>>
    tpu.wait_indirect_dma semaphore(%arg8 : memref<!tpu.dma_semaphore, #tpu.memory_space<semaphore_mem>>) src(%dma_wait3A_460 : memref<100000xf32, #tpu.memory_space<hbm>>) dst(%dma_wait3A_455 : memref<128xf32, #tpu.memory_space<vmem>>)
    %dma_wait3A_461 = arith.constant 1 : i32
    %dma_wait3A_462 = arith.constant 1 : i32
    %dma_wait3A_463 = arith.constant 256 : i32
    %dma_wait3A_464 = tpu.memref_slice %arg6[%dma_wait3A_462, %dma_wait3A_463] : memref<10x512xf32, #tpu.memory_space<vmem>> -> memref<1x128xf32, #tpu.memory_space<vmem>>
    %dma_wait3A_465 = tpu.memref_squeeze %dma_wait3A_464 : memref<1x128xf32, #tpu.memory_space<vmem>> -> memref<128xf32, #tpu.memory_space<vmem>>
    %dma_wait3A_466 = arith.constant 256 : i32
    %dma_wait3A_467 = tpu.memref_slice %arg5[%dma_wait3A_461, %dma_wait3A_466] : memref<10x512xi32, #tpu.memory_space<vmem>> -> memref<1x128xi32, #tpu.memory_space<vmem>>
    %dma_wait3A_468 = tpu.memref_squeeze %dma_wait3A_467 : memref<1x128xi32, #tpu.memory_space<vmem>> -> memref<128xi32, #tpu.memory_space<vmem>>
    %dma_wait3A_469 = arith.constant 0 : i32
    %dma_wait3A_470 = tpu.memref_slice %arg2[%dma_wait3A_469] : memref<100000xf32, #tpu.memory_space<hbm>> -> memref<100000xf32, #tpu.memory_space<hbm>>
    tpu.wait_indirect_dma semaphore(%arg8 : memref<!tpu.dma_semaphore, #tpu.memory_space<semaphore_mem>>) src(%dma_wait3A_470 : memref<100000xf32, #tpu.memory_space<hbm>>) dst(%dma_wait3A_465 : memref<128xf32, #tpu.memory_space<vmem>>)
    %dma_wait3A_471 = arith.constant 1 : i32
    %dma_wait3A_472 = arith.constant 1 : i32
    %dma_wait3A_473 = arith.constant 384 : i32
    %dma_wait3A_474 = tpu.memref_slice %arg6[%dma_wait3A_472, %dma_wait3A_473] : memref<10x512xf32, #tpu.memory_space<vmem>> -> memref<1x128xf32, #tpu.memory_space<vmem>>
    %dma_wait3A_475 = tpu.memref_squeeze %dma_wait3A_474 : memref<1x128xf32, #tpu.memory_space<vmem>> -> memref<128xf32, #tpu.memory_space<vmem>>
    %dma_wait3A_476 = arith.constant 384 : i32
    %dma_wait3A_477 = tpu.memref_slice %arg5[%dma_wait3A_471, %dma_wait3A_476] : memref<10x512xi32, #tpu.memory_space<vmem>> -> memref<1x128xi32, #tpu.memory_space<vmem>>
    %dma_wait3A_478 = tpu.memref_squeeze %dma_wait3A_477 : memref<1x128xi32, #tpu.memory_space<vmem>> -> memref<128xi32, #tpu.memory_space<vmem>>
    %dma_wait3A_479 = arith.constant 0 : i32
    %dma_wait3A_480 = tpu.memref_slice %arg2[%dma_wait3A_479] : memref<100000xf32, #tpu.memory_space<hbm>> -> memref<100000xf32, #tpu.memory_space<hbm>>
    tpu.wait_indirect_dma semaphore(%arg8 : memref<!tpu.dma_semaphore, #tpu.memory_space<semaphore_mem>>) src(%dma_wait3A_480 : memref<100000xf32, #tpu.memory_space<hbm>>) dst(%dma_wait3A_475 : memref<128xf32, #tpu.memory_space<vmem>>)
    %dma_wait3A_481 = arith.constant 2 : i32
    %dma_wait3A_482 = arith.constant 2 : i32
    %dma_wait3A_483 = arith.constant 0 : i32
    %dma_wait3A_484 = tpu.memref_slice %arg6[%dma_wait3A_482, %dma_wait3A_483] : memref<10x512xf32, #tpu.memory_space<vmem>> -> memref<1x128xf32, #tpu.memory_space<vmem>>
    %dma_wait3A_485 = tpu.memref_squeeze %dma_wait3A_484 : memref<1x128xf32, #tpu.memory_space<vmem>> -> memref<128xf32, #tpu.memory_space<vmem>>
    %dma_wait3A_486 = arith.constant 0 : i32
    %dma_wait3A_487 = tpu.memref_slice %arg5[%dma_wait3A_481, %dma_wait3A_486] : memref<10x512xi32, #tpu.memory_space<vmem>> -> memref<1x128xi32, #tpu.memory_space<vmem>>
    %dma_wait3A_488 = tpu.memref_squeeze %dma_wait3A_487 : memref<1x128xi32, #tpu.memory_space<vmem>> -> memref<128xi32, #tpu.memory_space<vmem>>
    %dma_wait3A_489 = arith.constant 0 : i32
    %dma_wait3A_490 = tpu.memref_slice %arg2[%dma_wait3A_489] : memref<100000xf32, #tpu.memory_space<hbm>> -> memref<100000xf32, #tpu.memory_space<hbm>>
    tpu.wait_indirect_dma semaphore(%arg8 : memref<!tpu.dma_semaphore, #tpu.memory_space<semaphore_mem>>) src(%dma_wait3A_490 : memref<100000xf32, #tpu.memory_space<hbm>>) dst(%dma_wait3A_485 : memref<128xf32, #tpu.memory_space<vmem>>)
    %dma_wait3A_491 = arith.constant 2 : i32
    %dma_wait3A_492 = arith.constant 2 : i32
    %dma_wait3A_493 = arith.constant 128 : i32
    %dma_wait3A_494 = tpu.memref_slice %arg6[%dma_wait3A_492, %dma_wait3A_493] : memref<10x512xf32, #tpu.memory_space<vmem>> -> memref<1x128xf32, #tpu.memory_space<vmem>>
    %dma_wait3A_495 = tpu.memref_squeeze %dma_wait3A_494 : memref<1x128xf32, #tpu.memory_space<vmem>> -> memref<128xf32, #tpu.memory_space<vmem>>
    %dma_wait3A_496 = arith.constant 128 : i32
    %dma_wait3A_497 = tpu.memref_slice %arg5[%dma_wait3A_491, %dma_wait3A_496] : memref<10x512xi32, #tpu.memory_space<vmem>> -> memref<1x128xi32, #tpu.memory_space<vmem>>
    %dma_wait3A_498 = tpu.memref_squeeze %dma_wait3A_497 : memref<1x128xi32, #tpu.memory_space<vmem>> -> memref<128xi32, #tpu.memory_space<vmem>>
    %dma_wait3A_499 = arith.constant 0 : i32
    %dma_wait3A_500 = tpu.memref_slice %arg2[%dma_wait3A_499] : memref<100000xf32, #tpu.memory_space<hbm>> -> memref<100000xf32, #tpu.memory_space<hbm>>
    tpu.wait_indirect_dma semaphore(%arg8 : memref<!tpu.dma_semaphore, #tpu.memory_space<semaphore_mem>>) src(%dma_wait3A_500 : memref<100000xf32, #tpu.memory_space<hbm>>) dst(%dma_wait3A_495 : memref<128xf32, #tpu.memory_space<vmem>>)
    %dma_wait3A_501 = arith.constant 2 : i32
    %dma_wait3A_502 = arith.constant 2 : i32
    %dma_wait3A_503 = arith.constant 256 : i32
    %dma_wait3A_504 = tpu.memref_slice %arg6[%dma_wait3A_502, %dma_wait3A_503] : memref<10x512xf32, #tpu.memory_space<vmem>> -> memref<1x128xf32, #tpu.memory_space<vmem>>
    %dma_wait3A_505 = tpu.memref_squeeze %dma_wait3A_504 : memref<1x128xf32, #tpu.memory_space<vmem>> -> memref<128xf32, #tpu.memory_space<vmem>>
    %dma_wait3A_506 = arith.constant 256 : i32
    %dma_wait3A_507 = tpu.memref_slice %arg5[%dma_wait3A_501, %dma_wait3A_506] : memref<10x512xi32, #tpu.memory_space<vmem>> -> memref<1x128xi32, #tpu.memory_space<vmem>>
    %dma_wait3A_508 = tpu.memref_squeeze %dma_wait3A_507 : memref<1x128xi32, #tpu.memory_space<vmem>> -> memref<128xi32, #tpu.memory_space<vmem>>
    %dma_wait3A_509 = arith.constant 0 : i32
    %dma_wait3A_510 = tpu.memref_slice %arg2[%dma_wait3A_509] : memref<100000xf32, #tpu.memory_space<hbm>> -> memref<100000xf32, #tpu.memory_space<hbm>>
    tpu.wait_indirect_dma semaphore(%arg8 : memref<!tpu.dma_semaphore, #tpu.memory_space<semaphore_mem>>) src(%dma_wait3A_510 : memref<100000xf32, #tpu.memory_space<hbm>>) dst(%dma_wait3A_505 : memref<128xf32, #tpu.memory_space<vmem>>)
    %dma_wait3A_511 = arith.constant 2 : i32
    %dma_wait3A_512 = arith.constant 2 : i32
    %dma_wait3A_513 = arith.constant 384 : i32
    %dma_wait3A_514 = tpu.memref_slice %arg6[%dma_wait3A_512, %dma_wait3A_513] : memref<10x512xf32, #tpu.memory_space<vmem>> -> memref<1x128xf32, #tpu.memory_space<vmem>>
    %dma_wait3A_515 = tpu.memref_squeeze %dma_wait3A_514 : memref<1x128xf32, #tpu.memory_space<vmem>> -> memref<128xf32, #tpu.memory_space<vmem>>
    %dma_wait3A_516 = arith.constant 384 : i32
    %dma_wait3A_517 = tpu.memref_slice %arg5[%dma_wait3A_511, %dma_wait3A_516] : memref<10x512xi32, #tpu.memory_space<vmem>> -> memref<1x128xi32, #tpu.memory_space<vmem>>
    %dma_wait3A_518 = tpu.memref_squeeze %dma_wait3A_517 : memref<1x128xi32, #tpu.memory_space<vmem>> -> memref<128xi32, #tpu.memory_space<vmem>>
    %dma_wait3A_519 = arith.constant 0 : i32
    %dma_wait3A_520 = tpu.memref_slice %arg2[%dma_wait3A_519] : memref<100000xf32, #tpu.memory_space<hbm>> -> memref<100000xf32, #tpu.memory_space<hbm>>
    tpu.wait_indirect_dma semaphore(%arg8 : memref<!tpu.dma_semaphore, #tpu.memory_space<semaphore_mem>>) src(%dma_wait3A_520 : memref<100000xf32, #tpu.memory_space<hbm>>) dst(%dma_wait3A_515 : memref<128xf32, #tpu.memory_space<vmem>>)
    %dma_wait3A_521 = arith.constant 3 : i32
    %dma_wait3A_522 = arith.constant 3 : i32
    %dma_wait3A_523 = arith.constant 0 : i32
    %dma_wait3A_524 = tpu.memref_slice %arg6[%dma_wait3A_522, %dma_wait3A_523] : memref<10x512xf32, #tpu.memory_space<vmem>> -> memref<1x128xf32, #tpu.memory_space<vmem>>
    %dma_wait3A_525 = tpu.memref_squeeze %dma_wait3A_524 : memref<1x128xf32, #tpu.memory_space<vmem>> -> memref<128xf32, #tpu.memory_space<vmem>>
    %dma_wait3A_526 = arith.constant 0 : i32
    %dma_wait3A_527 = tpu.memref_slice %arg5[%dma_wait3A_521, %dma_wait3A_526] : memref<10x512xi32, #tpu.memory_space<vmem>> -> memref<1x128xi32, #tpu.memory_space<vmem>>
    %dma_wait3A_528 = tpu.memref_squeeze %dma_wait3A_527 : memref<1x128xi32, #tpu.memory_space<vmem>> -> memref<128xi32, #tpu.memory_space<vmem>>
    %dma_wait3A_529 = arith.constant 0 : i32
    %dma_wait3A_530 = tpu.memref_slice %arg2[%dma_wait3A_529] : memref<100000xf32, #tpu.memory_space<hbm>> -> memref<100000xf32, #tpu.memory_space<hbm>>
    tpu.wait_indirect_dma semaphore(%arg8 : memref<!tpu.dma_semaphore, #tpu.memory_space<semaphore_mem>>) src(%dma_wait3A_530 : memref<100000xf32, #tpu.memory_space<hbm>>) dst(%dma_wait3A_525 : memref<128xf32, #tpu.memory_space<vmem>>)
    %dma_wait3A_531 = arith.constant 3 : i32
    %dma_wait3A_532 = arith.constant 3 : i32
    %dma_wait3A_533 = arith.constant 128 : i32
    %dma_wait3A_534 = tpu.memref_slice %arg6[%dma_wait3A_532, %dma_wait3A_533] : memref<10x512xf32, #tpu.memory_space<vmem>> -> memref<1x128xf32, #tpu.memory_space<vmem>>
    %dma_wait3A_535 = tpu.memref_squeeze %dma_wait3A_534 : memref<1x128xf32, #tpu.memory_space<vmem>> -> memref<128xf32, #tpu.memory_space<vmem>>
    %dma_wait3A_536 = arith.constant 128 : i32
    %dma_wait3A_537 = tpu.memref_slice %arg5[%dma_wait3A_531, %dma_wait3A_536] : memref<10x512xi32, #tpu.memory_space<vmem>> -> memref<1x128xi32, #tpu.memory_space<vmem>>
    %dma_wait3A_538 = tpu.memref_squeeze %dma_wait3A_537 : memref<1x128xi32, #tpu.memory_space<vmem>> -> memref<128xi32, #tpu.memory_space<vmem>>
    %dma_wait3A_539 = arith.constant 0 : i32
    %dma_wait3A_540 = tpu.memref_slice %arg2[%dma_wait3A_539] : memref<100000xf32, #tpu.memory_space<hbm>> -> memref<100000xf32, #tpu.memory_space<hbm>>
    tpu.wait_indirect_dma semaphore(%arg8 : memref<!tpu.dma_semaphore, #tpu.memory_space<semaphore_mem>>) src(%dma_wait3A_540 : memref<100000xf32, #tpu.memory_space<hbm>>) dst(%dma_wait3A_535 : memref<128xf32, #tpu.memory_space<vmem>>)
    %dma_wait3A_541 = arith.constant 3 : i32
    %dma_wait3A_542 = arith.constant 3 : i32
    %dma_wait3A_543 = arith.constant 256 : i32
    %dma_wait3A_544 = tpu.memref_slice %arg6[%dma_wait3A_542, %dma_wait3A_543] : memref<10x512xf32, #tpu.memory_space<vmem>> -> memref<1x128xf32, #tpu.memory_space<vmem>>
    %dma_wait3A_545 = tpu.memref_squeeze %dma_wait3A_544 : memref<1x128xf32, #tpu.memory_space<vmem>> -> memref<128xf32, #tpu.memory_space<vmem>>
    %dma_wait3A_546 = arith.constant 256 : i32
    %dma_wait3A_547 = tpu.memref_slice %arg5[%dma_wait3A_541, %dma_wait3A_546] : memref<10x512xi32, #tpu.memory_space<vmem>> -> memref<1x128xi32, #tpu.memory_space<vmem>>
    %dma_wait3A_548 = tpu.memref_squeeze %dma_wait3A_547 : memref<1x128xi32, #tpu.memory_space<vmem>> -> memref<128xi32, #tpu.memory_space<vmem>>
    %dma_wait3A_549 = arith.constant 0 : i32
    %dma_wait3A_550 = tpu.memref_slice %arg2[%dma_wait3A_549] : memref<100000xf32, #tpu.memory_space<hbm>> -> memref<100000xf32, #tpu.memory_space<hbm>>
    tpu.wait_indirect_dma semaphore(%arg8 : memref<!tpu.dma_semaphore, #tpu.memory_space<semaphore_mem>>) src(%dma_wait3A_550 : memref<100000xf32, #tpu.memory_space<hbm>>) dst(%dma_wait3A_545 : memref<128xf32, #tpu.memory_space<vmem>>)
    %dma_wait3A_551 = arith.constant 3 : i32
    %dma_wait3A_552 = arith.constant 3 : i32
    %dma_wait3A_553 = arith.constant 384 : i32
    %dma_wait3A_554 = tpu.memref_slice %arg6[%dma_wait3A_552, %dma_wait3A_553] : memref<10x512xf32, #tpu.memory_space<vmem>> -> memref<1x128xf32, #tpu.memory_space<vmem>>
    %dma_wait3A_555 = tpu.memref_squeeze %dma_wait3A_554 : memref<1x128xf32, #tpu.memory_space<vmem>> -> memref<128xf32, #tpu.memory_space<vmem>>
    %dma_wait3A_556 = arith.constant 384 : i32
    %dma_wait3A_557 = tpu.memref_slice %arg5[%dma_wait3A_551, %dma_wait3A_556] : memref<10x512xi32, #tpu.memory_space<vmem>> -> memref<1x128xi32, #tpu.memory_space<vmem>>
    %dma_wait3A_558 = tpu.memref_squeeze %dma_wait3A_557 : memref<1x128xi32, #tpu.memory_space<vmem>> -> memref<128xi32, #tpu.memory_space<vmem>>
    %dma_wait3A_559 = arith.constant 0 : i32
    %dma_wait3A_560 = tpu.memref_slice %arg2[%dma_wait3A_559] : memref<100000xf32, #tpu.memory_space<hbm>> -> memref<100000xf32, #tpu.memory_space<hbm>>
    tpu.wait_indirect_dma semaphore(%arg8 : memref<!tpu.dma_semaphore, #tpu.memory_space<semaphore_mem>>) src(%dma_wait3A_560 : memref<100000xf32, #tpu.memory_space<hbm>>) dst(%dma_wait3A_555 : memref<128xf32, #tpu.memory_space<vmem>>)
    %dma_wait3A_561 = arith.constant 4 : i32
    %dma_wait3A_562 = arith.constant 4 : i32
    %dma_wait3A_563 = arith.constant 0 : i32
    %dma_wait3A_564 = tpu.memref_slice %arg6[%dma_wait3A_562, %dma_wait3A_563] : memref<10x512xf32, #tpu.memory_space<vmem>> -> memref<1x128xf32, #tpu.memory_space<vmem>>
    %dma_wait3A_565 = tpu.memref_squeeze %dma_wait3A_564 : memref<1x128xf32, #tpu.memory_space<vmem>> -> memref<128xf32, #tpu.memory_space<vmem>>
    %dma_wait3A_566 = arith.constant 0 : i32
    %dma_wait3A_567 = tpu.memref_slice %arg5[%dma_wait3A_561, %dma_wait3A_566] : memref<10x512xi32, #tpu.memory_space<vmem>> -> memref<1x128xi32, #tpu.memory_space<vmem>>
    %dma_wait3A_568 = tpu.memref_squeeze %dma_wait3A_567 : memref<1x128xi32, #tpu.memory_space<vmem>> -> memref<128xi32, #tpu.memory_space<vmem>>
    %dma_wait3A_569 = arith.constant 0 : i32
    %dma_wait3A_570 = tpu.memref_slice %arg2[%dma_wait3A_569] : memref<100000xf32, #tpu.memory_space<hbm>> -> memref<100000xf32, #tpu.memory_space<hbm>>
    tpu.wait_indirect_dma semaphore(%arg8 : memref<!tpu.dma_semaphore, #tpu.memory_space<semaphore_mem>>) src(%dma_wait3A_570 : memref<100000xf32, #tpu.memory_space<hbm>>) dst(%dma_wait3A_565 : memref<128xf32, #tpu.memory_space<vmem>>)
    %dma_wait3A_571 = arith.constant 4 : i32
    %dma_wait3A_572 = arith.constant 4 : i32
    %dma_wait3A_573 = arith.constant 128 : i32
    %dma_wait3A_574 = tpu.memref_slice %arg6[%dma_wait3A_572, %dma_wait3A_573] : memref<10x512xf32, #tpu.memory_space<vmem>> -> memref<1x128xf32, #tpu.memory_space<vmem>>
    %dma_wait3A_575 = tpu.memref_squeeze %dma_wait3A_574 : memref<1x128xf32, #tpu.memory_space<vmem>> -> memref<128xf32, #tpu.memory_space<vmem>>
    %dma_wait3A_576 = arith.constant 128 : i32
    %dma_wait3A_577 = tpu.memref_slice %arg5[%dma_wait3A_571, %dma_wait3A_576] : memref<10x512xi32, #tpu.memory_space<vmem>> -> memref<1x128xi32, #tpu.memory_space<vmem>>
    %dma_wait3A_578 = tpu.memref_squeeze %dma_wait3A_577 : memref<1x128xi32, #tpu.memory_space<vmem>> -> memref<128xi32, #tpu.memory_space<vmem>>
    %dma_wait3A_579 = arith.constant 0 : i32
    %dma_wait3A_580 = tpu.memref_slice %arg2[%dma_wait3A_579] : memref<100000xf32, #tpu.memory_space<hbm>> -> memref<100000xf32, #tpu.memory_space<hbm>>
    tpu.wait_indirect_dma semaphore(%arg8 : memref<!tpu.dma_semaphore, #tpu.memory_space<semaphore_mem>>) src(%dma_wait3A_580 : memref<100000xf32, #tpu.memory_space<hbm>>) dst(%dma_wait3A_575 : memref<128xf32, #tpu.memory_space<vmem>>)
    %dma_wait3A_581 = arith.constant 4 : i32
    %dma_wait3A_582 = arith.constant 4 : i32
    %dma_wait3A_583 = arith.constant 256 : i32
    %dma_wait3A_584 = tpu.memref_slice %arg6[%dma_wait3A_582, %dma_wait3A_583] : memref<10x512xf32, #tpu.memory_space<vmem>> -> memref<1x128xf32, #tpu.memory_space<vmem>>
    %dma_wait3A_585 = tpu.memref_squeeze %dma_wait3A_584 : memref<1x128xf32, #tpu.memory_space<vmem>> -> memref<128xf32, #tpu.memory_space<vmem>>
    %dma_wait3A_586 = arith.constant 256 : i32
    %dma_wait3A_587 = tpu.memref_slice %arg5[%dma_wait3A_581, %dma_wait3A_586] : memref<10x512xi32, #tpu.memory_space<vmem>> -> memref<1x128xi32, #tpu.memory_space<vmem>>
    %dma_wait3A_588 = tpu.memref_squeeze %dma_wait3A_587 : memref<1x128xi32, #tpu.memory_space<vmem>> -> memref<128xi32, #tpu.memory_space<vmem>>
    %dma_wait3A_589 = arith.constant 0 : i32
    %dma_wait3A_590 = tpu.memref_slice %arg2[%dma_wait3A_589] : memref<100000xf32, #tpu.memory_space<hbm>> -> memref<100000xf32, #tpu.memory_space<hbm>>
    tpu.wait_indirect_dma semaphore(%arg8 : memref<!tpu.dma_semaphore, #tpu.memory_space<semaphore_mem>>) src(%dma_wait3A_590 : memref<100000xf32, #tpu.memory_space<hbm>>) dst(%dma_wait3A_585 : memref<128xf32, #tpu.memory_space<vmem>>)
    %dma_wait3A_591 = arith.constant 4 : i32
    %dma_wait3A_592 = arith.constant 4 : i32
    %dma_wait3A_593 = arith.constant 384 : i32
    %dma_wait3A_594 = tpu.memref_slice %arg6[%dma_wait3A_592, %dma_wait3A_593] : memref<10x512xf32, #tpu.memory_space<vmem>> -> memref<1x128xf32, #tpu.memory_space<vmem>>
    %dma_wait3A_595 = tpu.memref_squeeze %dma_wait3A_594 : memref<1x128xf32, #tpu.memory_space<vmem>> -> memref<128xf32, #tpu.memory_space<vmem>>
    %dma_wait3A_596 = arith.constant 384 : i32
    %dma_wait3A_597 = tpu.memref_slice %arg5[%dma_wait3A_591, %dma_wait3A_596] : memref<10x512xi32, #tpu.memory_space<vmem>> -> memref<1x128xi32, #tpu.memory_space<vmem>>
    %dma_wait3A_598 = tpu.memref_squeeze %dma_wait3A_597 : memref<1x128xi32, #tpu.memory_space<vmem>> -> memref<128xi32, #tpu.memory_space<vmem>>
    %dma_wait3A_599 = arith.constant 0 : i32
    %dma_wait3A_600 = tpu.memref_slice %arg2[%dma_wait3A_599] : memref<100000xf32, #tpu.memory_space<hbm>> -> memref<100000xf32, #tpu.memory_space<hbm>>
    tpu.wait_indirect_dma semaphore(%arg8 : memref<!tpu.dma_semaphore, #tpu.memory_space<semaphore_mem>>) src(%dma_wait3A_600 : memref<100000xf32, #tpu.memory_space<hbm>>) dst(%dma_wait3A_595 : memref<128xf32, #tpu.memory_space<vmem>>)
    %dma_wait3A_601 = arith.constant 5 : i32
    %dma_wait3A_602 = arith.constant 5 : i32
    %dma_wait3A_603 = arith.constant 0 : i32
    %dma_wait3A_604 = tpu.memref_slice %arg6[%dma_wait3A_602, %dma_wait3A_603] : memref<10x512xf32, #tpu.memory_space<vmem>> -> memref<1x128xf32, #tpu.memory_space<vmem>>
    %dma_wait3A_605 = tpu.memref_squeeze %dma_wait3A_604 : memref<1x128xf32, #tpu.memory_space<vmem>> -> memref<128xf32, #tpu.memory_space<vmem>>
    %dma_wait3A_606 = arith.constant 0 : i32
    %dma_wait3A_607 = tpu.memref_slice %arg5[%dma_wait3A_601, %dma_wait3A_606] : memref<10x512xi32, #tpu.memory_space<vmem>> -> memref<1x128xi32, #tpu.memory_space<vmem>>
    %dma_wait3A_608 = tpu.memref_squeeze %dma_wait3A_607 : memref<1x128xi32, #tpu.memory_space<vmem>> -> memref<128xi32, #tpu.memory_space<vmem>>
    %dma_wait3A_609 = arith.constant 0 : i32
    %dma_wait3A_610 = tpu.memref_slice %arg2[%dma_wait3A_609] : memref<100000xf32, #tpu.memory_space<hbm>> -> memref<100000xf32, #tpu.memory_space<hbm>>
    tpu.wait_indirect_dma semaphore(%arg8 : memref<!tpu.dma_semaphore, #tpu.memory_space<semaphore_mem>>) src(%dma_wait3A_610 : memref<100000xf32, #tpu.memory_space<hbm>>) dst(%dma_wait3A_605 : memref<128xf32, #tpu.memory_space<vmem>>)
    %dma_wait3A_611 = arith.constant 5 : i32
    %dma_wait3A_612 = arith.constant 5 : i32
    %dma_wait3A_613 = arith.constant 128 : i32
    %dma_wait3A_614 = tpu.memref_slice %arg6[%dma_wait3A_612, %dma_wait3A_613] : memref<10x512xf32, #tpu.memory_space<vmem>> -> memref<1x128xf32, #tpu.memory_space<vmem>>
    %dma_wait3A_615 = tpu.memref_squeeze %dma_wait3A_614 : memref<1x128xf32, #tpu.memory_space<vmem>> -> memref<128xf32, #tpu.memory_space<vmem>>
    %dma_wait3A_616 = arith.constant 128 : i32
    %dma_wait3A_617 = tpu.memref_slice %arg5[%dma_wait3A_611, %dma_wait3A_616] : memref<10x512xi32, #tpu.memory_space<vmem>> -> memref<1x128xi32, #tpu.memory_space<vmem>>
    %dma_wait3A_618 = tpu.memref_squeeze %dma_wait3A_617 : memref<1x128xi32, #tpu.memory_space<vmem>> -> memref<128xi32, #tpu.memory_space<vmem>>
    %dma_wait3A_619 = arith.constant 0 : i32
    %dma_wait3A_620 = tpu.memref_slice %arg2[%dma_wait3A_619] : memref<100000xf32, #tpu.memory_space<hbm>> -> memref<100000xf32, #tpu.memory_space<hbm>>
    tpu.wait_indirect_dma semaphore(%arg8 : memref<!tpu.dma_semaphore, #tpu.memory_space<semaphore_mem>>) src(%dma_wait3A_620 : memref<100000xf32, #tpu.memory_space<hbm>>) dst(%dma_wait3A_615 : memref<128xf32, #tpu.memory_space<vmem>>)
    %dma_wait3A_621 = arith.constant 5 : i32
    %dma_wait3A_622 = arith.constant 5 : i32
    %dma_wait3A_623 = arith.constant 256 : i32
    %dma_wait3A_624 = tpu.memref_slice %arg6[%dma_wait3A_622, %dma_wait3A_623] : memref<10x512xf32, #tpu.memory_space<vmem>> -> memref<1x128xf32, #tpu.memory_space<vmem>>
    %dma_wait3A_625 = tpu.memref_squeeze %dma_wait3A_624 : memref<1x128xf32, #tpu.memory_space<vmem>> -> memref<128xf32, #tpu.memory_space<vmem>>
    %dma_wait3A_626 = arith.constant 256 : i32
    %dma_wait3A_627 = tpu.memref_slice %arg5[%dma_wait3A_621, %dma_wait3A_626] : memref<10x512xi32, #tpu.memory_space<vmem>> -> memref<1x128xi32, #tpu.memory_space<vmem>>
    %dma_wait3A_628 = tpu.memref_squeeze %dma_wait3A_627 : memref<1x128xi32, #tpu.memory_space<vmem>> -> memref<128xi32, #tpu.memory_space<vmem>>
    %dma_wait3A_629 = arith.constant 0 : i32
    %dma_wait3A_630 = tpu.memref_slice %arg2[%dma_wait3A_629] : memref<100000xf32, #tpu.memory_space<hbm>> -> memref<100000xf32, #tpu.memory_space<hbm>>
    tpu.wait_indirect_dma semaphore(%arg8 : memref<!tpu.dma_semaphore, #tpu.memory_space<semaphore_mem>>) src(%dma_wait3A_630 : memref<100000xf32, #tpu.memory_space<hbm>>) dst(%dma_wait3A_625 : memref<128xf32, #tpu.memory_space<vmem>>)
    %dma_wait3A_631 = arith.constant 5 : i32
    %dma_wait3A_632 = arith.constant 5 : i32
    %dma_wait3A_633 = arith.constant 384 : i32
    %dma_wait3A_634 = tpu.memref_slice %arg6[%dma_wait3A_632, %dma_wait3A_633] : memref<10x512xf32, #tpu.memory_space<vmem>> -> memref<1x128xf32, #tpu.memory_space<vmem>>
    %dma_wait3A_635 = tpu.memref_squeeze %dma_wait3A_634 : memref<1x128xf32, #tpu.memory_space<vmem>> -> memref<128xf32, #tpu.memory_space<vmem>>
    %dma_wait3A_636 = arith.constant 384 : i32
    %dma_wait3A_637 = tpu.memref_slice %arg5[%dma_wait3A_631, %dma_wait3A_636] : memref<10x512xi32, #tpu.memory_space<vmem>> -> memref<1x128xi32, #tpu.memory_space<vmem>>
    %dma_wait3A_638 = tpu.memref_squeeze %dma_wait3A_637 : memref<1x128xi32, #tpu.memory_space<vmem>> -> memref<128xi32, #tpu.memory_space<vmem>>
    %dma_wait3A_639 = arith.constant 0 : i32
    %dma_wait3A_640 = tpu.memref_slice %arg2[%dma_wait3A_639] : memref<100000xf32, #tpu.memory_space<hbm>> -> memref<100000xf32, #tpu.memory_space<hbm>>
    tpu.wait_indirect_dma semaphore(%arg8 : memref<!tpu.dma_semaphore, #tpu.memory_space<semaphore_mem>>) src(%dma_wait3A_640 : memref<100000xf32, #tpu.memory_space<hbm>>) dst(%dma_wait3A_635 : memref<128xf32, #tpu.memory_space<vmem>>)
    %dma_wait3A_641 = arith.constant 6 : i32
    %dma_wait3A_642 = arith.constant 6 : i32
    %dma_wait3A_643 = arith.constant 0 : i32
    %dma_wait3A_644 = tpu.memref_slice %arg6[%dma_wait3A_642, %dma_wait3A_643] : memref<10x512xf32, #tpu.memory_space<vmem>> -> memref<1x128xf32, #tpu.memory_space<vmem>>
    %dma_wait3A_645 = tpu.memref_squeeze %dma_wait3A_644 : memref<1x128xf32, #tpu.memory_space<vmem>> -> memref<128xf32, #tpu.memory_space<vmem>>
    %dma_wait3A_646 = arith.constant 0 : i32
    %dma_wait3A_647 = tpu.memref_slice %arg5[%dma_wait3A_641, %dma_wait3A_646] : memref<10x512xi32, #tpu.memory_space<vmem>> -> memref<1x128xi32, #tpu.memory_space<vmem>>
    %dma_wait3A_648 = tpu.memref_squeeze %dma_wait3A_647 : memref<1x128xi32, #tpu.memory_space<vmem>> -> memref<128xi32, #tpu.memory_space<vmem>>
    %dma_wait3A_649 = arith.constant 0 : i32
    %dma_wait3A_650 = tpu.memref_slice %arg2[%dma_wait3A_649] : memref<100000xf32, #tpu.memory_space<hbm>> -> memref<100000xf32, #tpu.memory_space<hbm>>
    tpu.wait_indirect_dma semaphore(%arg8 : memref<!tpu.dma_semaphore, #tpu.memory_space<semaphore_mem>>) src(%dma_wait3A_650 : memref<100000xf32, #tpu.memory_space<hbm>>) dst(%dma_wait3A_645 : memref<128xf32, #tpu.memory_space<vmem>>)
    %dma_wait3A_651 = arith.constant 6 : i32
    %dma_wait3A_652 = arith.constant 6 : i32
    %dma_wait3A_653 = arith.constant 128 : i32
    %dma_wait3A_654 = tpu.memref_slice %arg6[%dma_wait3A_652, %dma_wait3A_653] : memref<10x512xf32, #tpu.memory_space<vmem>> -> memref<1x128xf32, #tpu.memory_space<vmem>>
    %dma_wait3A_655 = tpu.memref_squeeze %dma_wait3A_654 : memref<1x128xf32, #tpu.memory_space<vmem>> -> memref<128xf32, #tpu.memory_space<vmem>>
    %dma_wait3A_656 = arith.constant 128 : i32
    %dma_wait3A_657 = tpu.memref_slice %arg5[%dma_wait3A_651, %dma_wait3A_656] : memref<10x512xi32, #tpu.memory_space<vmem>> -> memref<1x128xi32, #tpu.memory_space<vmem>>
    %dma_wait3A_658 = tpu.memref_squeeze %dma_wait3A_657 : memref<1x128xi32, #tpu.memory_space<vmem>> -> memref<128xi32, #tpu.memory_space<vmem>>
    %dma_wait3A_659 = arith.constant 0 : i32
    %dma_wait3A_660 = tpu.memref_slice %arg2[%dma_wait3A_659] : memref<100000xf32, #tpu.memory_space<hbm>> -> memref<100000xf32, #tpu.memory_space<hbm>>
    tpu.wait_indirect_dma semaphore(%arg8 : memref<!tpu.dma_semaphore, #tpu.memory_space<semaphore_mem>>) src(%dma_wait3A_660 : memref<100000xf32, #tpu.memory_space<hbm>>) dst(%dma_wait3A_655 : memref<128xf32, #tpu.memory_space<vmem>>)
    %dma_wait3A_661 = arith.constant 6 : i32
    %dma_wait3A_662 = arith.constant 6 : i32
    %dma_wait3A_663 = arith.constant 256 : i32
    %dma_wait3A_664 = tpu.memref_slice %arg6[%dma_wait3A_662, %dma_wait3A_663] : memref<10x512xf32, #tpu.memory_space<vmem>> -> memref<1x128xf32, #tpu.memory_space<vmem>>
    %dma_wait3A_665 = tpu.memref_squeeze %dma_wait3A_664 : memref<1x128xf32, #tpu.memory_space<vmem>> -> memref<128xf32, #tpu.memory_space<vmem>>
    %dma_wait3A_666 = arith.constant 256 : i32
    %dma_wait3A_667 = tpu.memref_slice %arg5[%dma_wait3A_661, %dma_wait3A_666] : memref<10x512xi32, #tpu.memory_space<vmem>> -> memref<1x128xi32, #tpu.memory_space<vmem>>
    %dma_wait3A_668 = tpu.memref_squeeze %dma_wait3A_667 : memref<1x128xi32, #tpu.memory_space<vmem>> -> memref<128xi32, #tpu.memory_space<vmem>>
    %dma_wait3A_669 = arith.constant 0 : i32
    %dma_wait3A_670 = tpu.memref_slice %arg2[%dma_wait3A_669] : memref<100000xf32, #tpu.memory_space<hbm>> -> memref<100000xf32, #tpu.memory_space<hbm>>
    tpu.wait_indirect_dma semaphore(%arg8 : memref<!tpu.dma_semaphore, #tpu.memory_space<semaphore_mem>>) src(%dma_wait3A_670 : memref<100000xf32, #tpu.memory_space<hbm>>) dst(%dma_wait3A_665 : memref<128xf32, #tpu.memory_space<vmem>>)
    %dma_wait3A_671 = arith.constant 6 : i32
    %dma_wait3A_672 = arith.constant 6 : i32
    %dma_wait3A_673 = arith.constant 384 : i32
    %dma_wait3A_674 = tpu.memref_slice %arg6[%dma_wait3A_672, %dma_wait3A_673] : memref<10x512xf32, #tpu.memory_space<vmem>> -> memref<1x128xf32, #tpu.memory_space<vmem>>
    %dma_wait3A_675 = tpu.memref_squeeze %dma_wait3A_674 : memref<1x128xf32, #tpu.memory_space<vmem>> -> memref<128xf32, #tpu.memory_space<vmem>>
    %dma_wait3A_676 = arith.constant 384 : i32
    %dma_wait3A_677 = tpu.memref_slice %arg5[%dma_wait3A_671, %dma_wait3A_676] : memref<10x512xi32, #tpu.memory_space<vmem>> -> memref<1x128xi32, #tpu.memory_space<vmem>>
    %dma_wait3A_678 = tpu.memref_squeeze %dma_wait3A_677 : memref<1x128xi32, #tpu.memory_space<vmem>> -> memref<128xi32, #tpu.memory_space<vmem>>
    %dma_wait3A_679 = arith.constant 0 : i32
    %dma_wait3A_680 = tpu.memref_slice %arg2[%dma_wait3A_679] : memref<100000xf32, #tpu.memory_space<hbm>> -> memref<100000xf32, #tpu.memory_space<hbm>>
    tpu.wait_indirect_dma semaphore(%arg8 : memref<!tpu.dma_semaphore, #tpu.memory_space<semaphore_mem>>) src(%dma_wait3A_680 : memref<100000xf32, #tpu.memory_space<hbm>>) dst(%dma_wait3A_675 : memref<128xf32, #tpu.memory_space<vmem>>)
    %dma_wait3A_681 = arith.constant 7 : i32
    %dma_wait3A_682 = arith.constant 7 : i32
    %dma_wait3A_683 = arith.constant 0 : i32
    %dma_wait3A_684 = tpu.memref_slice %arg6[%dma_wait3A_682, %dma_wait3A_683] : memref<10x512xf32, #tpu.memory_space<vmem>> -> memref<1x128xf32, #tpu.memory_space<vmem>>
    %dma_wait3A_685 = tpu.memref_squeeze %dma_wait3A_684 : memref<1x128xf32, #tpu.memory_space<vmem>> -> memref<128xf32, #tpu.memory_space<vmem>>
    %dma_wait3A_686 = arith.constant 0 : i32
    %dma_wait3A_687 = tpu.memref_slice %arg5[%dma_wait3A_681, %dma_wait3A_686] : memref<10x512xi32, #tpu.memory_space<vmem>> -> memref<1x128xi32, #tpu.memory_space<vmem>>
    %dma_wait3A_688 = tpu.memref_squeeze %dma_wait3A_687 : memref<1x128xi32, #tpu.memory_space<vmem>> -> memref<128xi32, #tpu.memory_space<vmem>>
    %dma_wait3A_689 = arith.constant 0 : i32
    %dma_wait3A_690 = tpu.memref_slice %arg2[%dma_wait3A_689] : memref<100000xf32, #tpu.memory_space<hbm>> -> memref<100000xf32, #tpu.memory_space<hbm>>
    tpu.wait_indirect_dma semaphore(%arg8 : memref<!tpu.dma_semaphore, #tpu.memory_space<semaphore_mem>>) src(%dma_wait3A_690 : memref<100000xf32, #tpu.memory_space<hbm>>) dst(%dma_wait3A_685 : memref<128xf32, #tpu.memory_space<vmem>>)
    %dma_wait3A_691 = arith.constant 7 : i32
    %dma_wait3A_692 = arith.constant 7 : i32
    %dma_wait3A_693 = arith.constant 128 : i32
    %dma_wait3A_694 = tpu.memref_slice %arg6[%dma_wait3A_692, %dma_wait3A_693] : memref<10x512xf32, #tpu.memory_space<vmem>> -> memref<1x128xf32, #tpu.memory_space<vmem>>
    %dma_wait3A_695 = tpu.memref_squeeze %dma_wait3A_694 : memref<1x128xf32, #tpu.memory_space<vmem>> -> memref<128xf32, #tpu.memory_space<vmem>>
    %dma_wait3A_696 = arith.constant 128 : i32
    %dma_wait3A_697 = tpu.memref_slice %arg5[%dma_wait3A_691, %dma_wait3A_696] : memref<10x512xi32, #tpu.memory_space<vmem>> -> memref<1x128xi32, #tpu.memory_space<vmem>>
    %dma_wait3A_698 = tpu.memref_squeeze %dma_wait3A_697 : memref<1x128xi32, #tpu.memory_space<vmem>> -> memref<128xi32, #tpu.memory_space<vmem>>
    %dma_wait3A_699 = arith.constant 0 : i32
    %dma_wait3A_700 = tpu.memref_slice %arg2[%dma_wait3A_699] : memref<100000xf32, #tpu.memory_space<hbm>> -> memref<100000xf32, #tpu.memory_space<hbm>>
    tpu.wait_indirect_dma semaphore(%arg8 : memref<!tpu.dma_semaphore, #tpu.memory_space<semaphore_mem>>) src(%dma_wait3A_700 : memref<100000xf32, #tpu.memory_space<hbm>>) dst(%dma_wait3A_695 : memref<128xf32, #tpu.memory_space<vmem>>)
    %dma_wait3A_701 = arith.constant 7 : i32
    %dma_wait3A_702 = arith.constant 7 : i32
    %dma_wait3A_703 = arith.constant 256 : i32
    %dma_wait3A_704 = tpu.memref_slice %arg6[%dma_wait3A_702, %dma_wait3A_703] : memref<10x512xf32, #tpu.memory_space<vmem>> -> memref<1x128xf32, #tpu.memory_space<vmem>>
    %dma_wait3A_705 = tpu.memref_squeeze %dma_wait3A_704 : memref<1x128xf32, #tpu.memory_space<vmem>> -> memref<128xf32, #tpu.memory_space<vmem>>
    %dma_wait3A_706 = arith.constant 256 : i32
    %dma_wait3A_707 = tpu.memref_slice %arg5[%dma_wait3A_701, %dma_wait3A_706] : memref<10x512xi32, #tpu.memory_space<vmem>> -> memref<1x128xi32, #tpu.memory_space<vmem>>
    %dma_wait3A_708 = tpu.memref_squeeze %dma_wait3A_707 : memref<1x128xi32, #tpu.memory_space<vmem>> -> memref<128xi32, #tpu.memory_space<vmem>>
    %dma_wait3A_709 = arith.constant 0 : i32
    %dma_wait3A_710 = tpu.memref_slice %arg2[%dma_wait3A_709] : memref<100000xf32, #tpu.memory_space<hbm>> -> memref<100000xf32, #tpu.memory_space<hbm>>
    tpu.wait_indirect_dma semaphore(%arg8 : memref<!tpu.dma_semaphore, #tpu.memory_space<semaphore_mem>>) src(%dma_wait3A_710 : memref<100000xf32, #tpu.memory_space<hbm>>) dst(%dma_wait3A_705 : memref<128xf32, #tpu.memory_space<vmem>>)
    %dma_wait3A_711 = arith.constant 7 : i32
    %dma_wait3A_712 = arith.constant 7 : i32
    %dma_wait3A_713 = arith.constant 384 : i32
    %dma_wait3A_714 = tpu.memref_slice %arg6[%dma_wait3A_712, %dma_wait3A_713] : memref<10x512xf32, #tpu.memory_space<vmem>> -> memref<1x128xf32, #tpu.memory_space<vmem>>
    %dma_wait3A_715 = tpu.memref_squeeze %dma_wait3A_714 : memref<1x128xf32, #tpu.memory_space<vmem>> -> memref<128xf32, #tpu.memory_space<vmem>>
    %dma_wait3A_716 = arith.constant 384 : i32
    %dma_wait3A_717 = tpu.memref_slice %arg5[%dma_wait3A_711, %dma_wait3A_716] : memref<10x512xi32, #tpu.memory_space<vmem>> -> memref<1x128xi32, #tpu.memory_space<vmem>>
    %dma_wait3A_718 = tpu.memref_squeeze %dma_wait3A_717 : memref<1x128xi32, #tpu.memory_space<vmem>> -> memref<128xi32, #tpu.memory_space<vmem>>
    %dma_wait3A_719 = arith.constant 0 : i32
    %dma_wait3A_720 = tpu.memref_slice %arg2[%dma_wait3A_719] : memref<100000xf32, #tpu.memory_space<hbm>> -> memref<100000xf32, #tpu.memory_space<hbm>>
    tpu.wait_indirect_dma semaphore(%arg8 : memref<!tpu.dma_semaphore, #tpu.memory_space<semaphore_mem>>) src(%dma_wait3A_720 : memref<100000xf32, #tpu.memory_space<hbm>>) dst(%dma_wait3A_715 : memref<128xf32, #tpu.memory_space<vmem>>)
    %dma_wait3A_721 = arith.constant 8 : i32
    %dma_wait3A_722 = arith.constant 8 : i32
    %dma_wait3A_723 = arith.constant 0 : i32
    %dma_wait3A_724 = tpu.memref_slice %arg6[%dma_wait3A_722, %dma_wait3A_723] : memref<10x512xf32, #tpu.memory_space<vmem>> -> memref<1x128xf32, #tpu.memory_space<vmem>>
    %dma_wait3A_725 = tpu.memref_squeeze %dma_wait3A_724 : memref<1x128xf32, #tpu.memory_space<vmem>> -> memref<128xf32, #tpu.memory_space<vmem>>
    %dma_wait3A_726 = arith.constant 0 : i32
    %dma_wait3A_727 = tpu.memref_slice %arg5[%dma_wait3A_721, %dma_wait3A_726] : memref<10x512xi32, #tpu.memory_space<vmem>> -> memref<1x128xi32, #tpu.memory_space<vmem>>
    %dma_wait3A_728 = tpu.memref_squeeze %dma_wait3A_727 : memref<1x128xi32, #tpu.memory_space<vmem>> -> memref<128xi32, #tpu.memory_space<vmem>>
    %dma_wait3A_729 = arith.constant 0 : i32
    %dma_wait3A_730 = tpu.memref_slice %arg2[%dma_wait3A_729] : memref<100000xf32, #tpu.memory_space<hbm>> -> memref<100000xf32, #tpu.memory_space<hbm>>
    tpu.wait_indirect_dma semaphore(%arg8 : memref<!tpu.dma_semaphore, #tpu.memory_space<semaphore_mem>>) src(%dma_wait3A_730 : memref<100000xf32, #tpu.memory_space<hbm>>) dst(%dma_wait3A_725 : memref<128xf32, #tpu.memory_space<vmem>>)
    %dma_wait3A_731 = arith.constant 8 : i32
    %dma_wait3A_732 = arith.constant 8 : i32
    %dma_wait3A_733 = arith.constant 128 : i32
    %dma_wait3A_734 = tpu.memref_slice %arg6[%dma_wait3A_732, %dma_wait3A_733] : memref<10x512xf32, #tpu.memory_space<vmem>> -> memref<1x128xf32, #tpu.memory_space<vmem>>
    %dma_wait3A_735 = tpu.memref_squeeze %dma_wait3A_734 : memref<1x128xf32, #tpu.memory_space<vmem>> -> memref<128xf32, #tpu.memory_space<vmem>>
    %dma_wait3A_736 = arith.constant 128 : i32
    %dma_wait3A_737 = tpu.memref_slice %arg5[%dma_wait3A_731, %dma_wait3A_736] : memref<10x512xi32, #tpu.memory_space<vmem>> -> memref<1x128xi32, #tpu.memory_space<vmem>>
    %dma_wait3A_738 = tpu.memref_squeeze %dma_wait3A_737 : memref<1x128xi32, #tpu.memory_space<vmem>> -> memref<128xi32, #tpu.memory_space<vmem>>
    %dma_wait3A_739 = arith.constant 0 : i32
    %dma_wait3A_740 = tpu.memref_slice %arg2[%dma_wait3A_739] : memref<100000xf32, #tpu.memory_space<hbm>> -> memref<100000xf32, #tpu.memory_space<hbm>>
    tpu.wait_indirect_dma semaphore(%arg8 : memref<!tpu.dma_semaphore, #tpu.memory_space<semaphore_mem>>) src(%dma_wait3A_740 : memref<100000xf32, #tpu.memory_space<hbm>>) dst(%dma_wait3A_735 : memref<128xf32, #tpu.memory_space<vmem>>)
    %dma_wait3A_741 = arith.constant 8 : i32
    %dma_wait3A_742 = arith.constant 8 : i32
    %dma_wait3A_743 = arith.constant 256 : i32
    %dma_wait3A_744 = tpu.memref_slice %arg6[%dma_wait3A_742, %dma_wait3A_743] : memref<10x512xf32, #tpu.memory_space<vmem>> -> memref<1x128xf32, #tpu.memory_space<vmem>>
    %dma_wait3A_745 = tpu.memref_squeeze %dma_wait3A_744 : memref<1x128xf32, #tpu.memory_space<vmem>> -> memref<128xf32, #tpu.memory_space<vmem>>
    %dma_wait3A_746 = arith.constant 256 : i32
    %dma_wait3A_747 = tpu.memref_slice %arg5[%dma_wait3A_741, %dma_wait3A_746] : memref<10x512xi32, #tpu.memory_space<vmem>> -> memref<1x128xi32, #tpu.memory_space<vmem>>
    %dma_wait3A_748 = tpu.memref_squeeze %dma_wait3A_747 : memref<1x128xi32, #tpu.memory_space<vmem>> -> memref<128xi32, #tpu.memory_space<vmem>>
    %dma_wait3A_749 = arith.constant 0 : i32
    %dma_wait3A_750 = tpu.memref_slice %arg2[%dma_wait3A_749] : memref<100000xf32, #tpu.memory_space<hbm>> -> memref<100000xf32, #tpu.memory_space<hbm>>
    tpu.wait_indirect_dma semaphore(%arg8 : memref<!tpu.dma_semaphore, #tpu.memory_space<semaphore_mem>>) src(%dma_wait3A_750 : memref<100000xf32, #tpu.memory_space<hbm>>) dst(%dma_wait3A_745 : memref<128xf32, #tpu.memory_space<vmem>>)
    %dma_wait3A_751 = arith.constant 8 : i32
    %dma_wait3A_752 = arith.constant 8 : i32
    %dma_wait3A_753 = arith.constant 384 : i32
    %dma_wait3A_754 = tpu.memref_slice %arg6[%dma_wait3A_752, %dma_wait3A_753] : memref<10x512xf32, #tpu.memory_space<vmem>> -> memref<1x128xf32, #tpu.memory_space<vmem>>
    %dma_wait3A_755 = tpu.memref_squeeze %dma_wait3A_754 : memref<1x128xf32, #tpu.memory_space<vmem>> -> memref<128xf32, #tpu.memory_space<vmem>>
    %dma_wait3A_756 = arith.constant 384 : i32
    %dma_wait3A_757 = tpu.memref_slice %arg5[%dma_wait3A_751, %dma_wait3A_756] : memref<10x512xi32, #tpu.memory_space<vmem>> -> memref<1x128xi32, #tpu.memory_space<vmem>>
    %dma_wait3A_758 = tpu.memref_squeeze %dma_wait3A_757 : memref<1x128xi32, #tpu.memory_space<vmem>> -> memref<128xi32, #tpu.memory_space<vmem>>
    %dma_wait3A_759 = arith.constant 0 : i32
    %dma_wait3A_760 = tpu.memref_slice %arg2[%dma_wait3A_759] : memref<100000xf32, #tpu.memory_space<hbm>> -> memref<100000xf32, #tpu.memory_space<hbm>>
    tpu.wait_indirect_dma semaphore(%arg8 : memref<!tpu.dma_semaphore, #tpu.memory_space<semaphore_mem>>) src(%dma_wait3A_760 : memref<100000xf32, #tpu.memory_space<hbm>>) dst(%dma_wait3A_755 : memref<128xf32, #tpu.memory_space<vmem>>)
    %dma_wait3A_761 = arith.constant 9 : i32
    %dma_wait3A_762 = arith.constant 9 : i32
    %dma_wait3A_763 = arith.constant 0 : i32
    %dma_wait3A_764 = tpu.memref_slice %arg6[%dma_wait3A_762, %dma_wait3A_763] : memref<10x512xf32, #tpu.memory_space<vmem>> -> memref<1x128xf32, #tpu.memory_space<vmem>>
    %dma_wait3A_765 = tpu.memref_squeeze %dma_wait3A_764 : memref<1x128xf32, #tpu.memory_space<vmem>> -> memref<128xf32, #tpu.memory_space<vmem>>
    %dma_wait3A_766 = arith.constant 0 : i32
    %dma_wait3A_767 = tpu.memref_slice %arg5[%dma_wait3A_761, %dma_wait3A_766] : memref<10x512xi32, #tpu.memory_space<vmem>> -> memref<1x128xi32, #tpu.memory_space<vmem>>
    %dma_wait3A_768 = tpu.memref_squeeze %dma_wait3A_767 : memref<1x128xi32, #tpu.memory_space<vmem>> -> memref<128xi32, #tpu.memory_space<vmem>>
    %dma_wait3A_769 = arith.constant 0 : i32
    %dma_wait3A_770 = tpu.memref_slice %arg2[%dma_wait3A_769] : memref<100000xf32, #tpu.memory_space<hbm>> -> memref<100000xf32, #tpu.memory_space<hbm>>
    tpu.wait_indirect_dma semaphore(%arg8 : memref<!tpu.dma_semaphore, #tpu.memory_space<semaphore_mem>>) src(%dma_wait3A_770 : memref<100000xf32, #tpu.memory_space<hbm>>) dst(%dma_wait3A_765 : memref<128xf32, #tpu.memory_space<vmem>>)
    %dma_wait3A_771 = arith.constant 9 : i32
    %dma_wait3A_772 = arith.constant 9 : i32
    %dma_wait3A_773 = arith.constant 128 : i32
    %dma_wait3A_774 = tpu.memref_slice %arg6[%dma_wait3A_772, %dma_wait3A_773] : memref<10x512xf32, #tpu.memory_space<vmem>> -> memref<1x128xf32, #tpu.memory_space<vmem>>
    %dma_wait3A_775 = tpu.memref_squeeze %dma_wait3A_774 : memref<1x128xf32, #tpu.memory_space<vmem>> -> memref<128xf32, #tpu.memory_space<vmem>>
    %dma_wait3A_776 = arith.constant 128 : i32
    %dma_wait3A_777 = tpu.memref_slice %arg5[%dma_wait3A_771, %dma_wait3A_776] : memref<10x512xi32, #tpu.memory_space<vmem>> -> memref<1x128xi32, #tpu.memory_space<vmem>>
    %dma_wait3A_778 = tpu.memref_squeeze %dma_wait3A_777 : memref<1x128xi32, #tpu.memory_space<vmem>> -> memref<128xi32, #tpu.memory_space<vmem>>
    %dma_wait3A_779 = arith.constant 0 : i32
    %dma_wait3A_780 = tpu.memref_slice %arg2[%dma_wait3A_779] : memref<100000xf32, #tpu.memory_space<hbm>> -> memref<100000xf32, #tpu.memory_space<hbm>>
    tpu.wait_indirect_dma semaphore(%arg8 : memref<!tpu.dma_semaphore, #tpu.memory_space<semaphore_mem>>) src(%dma_wait3A_780 : memref<100000xf32, #tpu.memory_space<hbm>>) dst(%dma_wait3A_775 : memref<128xf32, #tpu.memory_space<vmem>>)
    %dma_wait3A_781 = arith.constant 9 : i32
    %dma_wait3A_782 = arith.constant 9 : i32
    %dma_wait3A_783 = arith.constant 256 : i32
    %dma_wait3A_784 = tpu.memref_slice %arg6[%dma_wait3A_782, %dma_wait3A_783] : memref<10x512xf32, #tpu.memory_space<vmem>> -> memref<1x128xf32, #tpu.memory_space<vmem>>
    %dma_wait3A_785 = tpu.memref_squeeze %dma_wait3A_784 : memref<1x128xf32, #tpu.memory_space<vmem>> -> memref<128xf32, #tpu.memory_space<vmem>>
    %dma_wait3A_786 = arith.constant 256 : i32
    %dma_wait3A_787 = tpu.memref_slice %arg5[%dma_wait3A_781, %dma_wait3A_786] : memref<10x512xi32, #tpu.memory_space<vmem>> -> memref<1x128xi32, #tpu.memory_space<vmem>>
    %dma_wait3A_788 = tpu.memref_squeeze %dma_wait3A_787 : memref<1x128xi32, #tpu.memory_space<vmem>> -> memref<128xi32, #tpu.memory_space<vmem>>
    %dma_wait3A_789 = arith.constant 0 : i32
    %dma_wait3A_790 = tpu.memref_slice %arg2[%dma_wait3A_789] : memref<100000xf32, #tpu.memory_space<hbm>> -> memref<100000xf32, #tpu.memory_space<hbm>>
    tpu.wait_indirect_dma semaphore(%arg8 : memref<!tpu.dma_semaphore, #tpu.memory_space<semaphore_mem>>) src(%dma_wait3A_790 : memref<100000xf32, #tpu.memory_space<hbm>>) dst(%dma_wait3A_785 : memref<128xf32, #tpu.memory_space<vmem>>)
    %dma_wait3A_791 = arith.constant 9 : i32
    %dma_wait3A_792 = arith.constant 9 : i32
    %dma_wait3A_793 = arith.constant 384 : i32
    %dma_wait3A_794 = tpu.memref_slice %arg6[%dma_wait3A_792, %dma_wait3A_793] : memref<10x512xf32, #tpu.memory_space<vmem>> -> memref<1x128xf32, #tpu.memory_space<vmem>>
    %dma_wait3A_795 = tpu.memref_squeeze %dma_wait3A_794 : memref<1x128xf32, #tpu.memory_space<vmem>> -> memref<128xf32, #tpu.memory_space<vmem>>
    %dma_wait3A_796 = arith.constant 384 : i32
    %dma_wait3A_797 = tpu.memref_slice %arg5[%dma_wait3A_791, %dma_wait3A_796] : memref<10x512xi32, #tpu.memory_space<vmem>> -> memref<1x128xi32, #tpu.memory_space<vmem>>
    %dma_wait3A_798 = tpu.memref_squeeze %dma_wait3A_797 : memref<1x128xi32, #tpu.memory_space<vmem>> -> memref<128xi32, #tpu.memory_space<vmem>>
    %dma_wait3A_799 = arith.constant 0 : i32
    %dma_wait3A_800 = tpu.memref_slice %arg2[%dma_wait3A_799] : memref<100000xf32, #tpu.memory_space<hbm>> -> memref<100000xf32, #tpu.memory_space<hbm>>
    tpu.wait_indirect_dma semaphore(%arg8 : memref<!tpu.dma_semaphore, #tpu.memory_space<semaphore_mem>>) src(%dma_wait3A_800 : memref<100000xf32, #tpu.memory_space<hbm>>) dst(%dma_wait3A_795 : memref<128xf32, #tpu.memory_space<vmem>>)
    %get3A = arith.constant 0 : i32
    %get3A_801 = arith.index_cast %get3A : i32 to index
    %get3A_802 = arith.constant 0 : index
    %get3A_803 = tpu.vector_load %arg6[%get3A_801, %get3A_802] {strides = array<i32>} : memref<10x512xf32, #tpu.memory_space<vmem>>, vector<16xf32>,
    %get3A_804 = arith.constant 1 : i32
    %get3A_805 = arith.index_cast %get3A_804 : i32 to index
    %get3A_806 = arith.constant 0 : index
    %get3A_807 = tpu.vector_load %arg6[%get3A_805, %get3A_806] {strides = array<i32>} : memref<10x512xf32, #tpu.memory_space<vmem>>, vector<16xf32>,
    %add3A_808 = arith.addf %get3A_803, %get3A_807 : vector<16xf32>
    %get3A_809 = arith.constant 2 : i32
    %get3A_810 = arith.index_cast %get3A_809 : i32 to index
    %get3A_811 = arith.constant 0 : index
    %get3A_812 = tpu.vector_load %arg6[%get3A_810, %get3A_811] {strides = array<i32>} : memref<10x512xf32, #tpu.memory_space<vmem>>, vector<16xf32>,
    %add3A_813 = arith.addf %add3A_808, %get3A_812 : vector<16xf32>
    %get3A_814 = arith.constant 3 : i32
    %get3A_815 = arith.index_cast %get3A_814 : i32 to index
    %get3A_816 = arith.constant 0 : index
    %get3A_817 = tpu.vector_load %arg6[%get3A_815, %get3A_816] {strides = array<i32>} : memref<10x512xf32, #tpu.memory_space<vmem>>, vector<16xf32>,
    %add3A_818 = arith.addf %add3A_813, %get3A_817 : vector<16xf32>
    %get3A_819 = arith.constant 4 : i32
    %get3A_820 = arith.index_cast %get3A_819 : i32 to index
    %get3A_821 = arith.constant 0 : index
    %get3A_822 = tpu.vector_load %arg6[%get3A_820, %get3A_821] {strides = array<i32>} : memref<10x512xf32, #tpu.memory_space<vmem>>, vector<16xf32>,
    %add3A_823 = arith.addf %add3A_818, %get3A_822 : vector<16xf32>
    %get3A_824 = arith.constant 5 : i32
    %get3A_825 = arith.index_cast %get3A_824 : i32 to index
    %get3A_826 = arith.constant 0 : index
    %get3A_827 = tpu.vector_load %arg6[%get3A_825, %get3A_826] {strides = array<i32>} : memref<10x512xf32, #tpu.memory_space<vmem>>, vector<16xf32>,
    %sub3A = arith.subf %add3A_823, %get3A_827 : vector<16xf32>
    %get3A_828 = arith.constant 6 : i32
    %get3A_829 = arith.index_cast %get3A_828 : i32 to index
    %get3A_830 = arith.constant 0 : index
    %get3A_831 = tpu.vector_load %arg6[%get3A_829, %get3A_830] {strides = array<i32>} : memref<10x512xf32, #tpu.memory_space<vmem>>, vector<16xf32>,
    %sub3A_832 = arith.subf %sub3A, %get3A_831 : vector<16xf32>
    %get3A_833 = arith.constant 7 : i32
    %get3A_834 = arith.index_cast %get3A_833 : i32 to index
    %get3A_835 = arith.constant 0 : index
    %get3A_836 = tpu.vector_load %arg6[%get3A_834, %get3A_835] {strides = array<i32>} : memref<10x512xf32, #tpu.memory_space<vmem>>, vector<16xf32>,
    %sub3A_837 = arith.subf %sub3A_832, %get3A_836 : vector<16xf32>
    %get3A_838 = arith.constant 8 : i32
    %get3A_839 = arith.index_cast %get3A_838 : i32 to index
    %get3A_840 = arith.constant 0 : index
    %get3A_841 = tpu.vector_load %arg6[%get3A_839, %get3A_840] {strides = array<i32>} : memref<10x512xf32, #tpu.memory_space<vmem>>, vector<16xf32>,
    %sub3A_842 = arith.subf %sub3A_837, %get3A_841 : vector<16xf32>
    %get3A_843 = arith.constant 9 : i32
    %get3A_844 = arith.index_cast %get3A_843 : i32 to index
    %get3A_845 = arith.constant 0 : index
    %get3A_846 = tpu.vector_load %arg6[%get3A_844, %get3A_845] {strides = array<i32>} : memref<10x512xf32, #tpu.memory_space<vmem>>, vector<16xf32>,
    %sub3A_847 = arith.subf %sub3A_842, %get3A_846 : vector<16xf32>
    %neg3A = arith.constant 0.000000e+00 : f32
    %neg3A_848 = vector.broadcast %neg3A : f32 to vector<16xf32>
    %neg3A_849 = arith.subf %neg3A_848, %sub3A_847 : vector<16xf32>
    %exp3A = math.exp %neg3A_849 : vector<16xf32>
    %add3A_850 = arith.constant 1.000000e+00 : f32
    %add3A_851 = vector.broadcast %add3A_850 : f32 to vector<16xf32>
    %add3A_852 = arith.addf %add3A_851, %exp3A : vector<16xf32>
    %div3A = arith.constant 1.000000e+00 : f32
    %div3A_853 = vector.broadcast %div3A : f32 to vector<16xf32>
    %div3A_854 = arith.divf %div3A_853, %add3A_852 : vector<16xf32>
    %swap3A = arith.constant 0 : index
    %swap3A_855 = tpu.vector_load %arg7[%swap3A] {strides = array<i32>} : memref<512xf32, #tpu.memory_space<vmem>>, vector<16xf32>,
    tpu.vector_store %arg7[%swap3A], %div3A_854 {strides = array<i32>} : memref<512xf32, #tpu.memory_space<vmem>>, vector<16xf32>,
    %get3A_856 = arith.constant 0 : i32
    %get3A_857 = arith.index_cast %get3A_856 : i32 to index
    %get3A_858 = arith.constant 16 : index
    %get3A_859 = tpu.vector_load %arg6[%get3A_857, %get3A_858] {strides = array<i32>} : memref<10x512xf32, #tpu.memory_space<vmem>>, vector<16xf32>,
    %get3A_860 = arith.constant 1 : i32
    %get3A_861 = arith.index_cast %get3A_860 : i32 to index
    %get3A_862 = arith.constant 16 : index
    %get3A_863 = tpu.vector_load %arg6[%get3A_861, %get3A_862] {strides = array<i32>} : memref<10x512xf32, #tpu.memory_space<vmem>>, vector<16xf32>,
    %add3A_864 = arith.addf %get3A_859, %get3A_863 : vector<16xf32>
    %get3A_865 = arith.constant 2 : i32
    %get3A_866 = arith.index_cast %get3A_865 : i32 to index
    %get3A_867 = arith.constant 16 : index
    %get3A_868 = tpu.vector_load %arg6[%get3A_866, %get3A_867] {strides = array<i32>} : memref<10x512xf32, #tpu.memory_space<vmem>>, vector<16xf32>,
    %add3A_869 = arith.addf %add3A_864, %get3A_868 : vector<16xf32>
    %get3A_870 = arith.constant 3 : i32
    %get3A_871 = arith.index_cast %get3A_870 : i32 to index
    %get3A_872 = arith.constant 16 : index
    %get3A_873 = tpu.vector_load %arg6[%get3A_871, %get3A_872] {strides = array<i32>} : memref<10x512xf32, #tpu.memory_space<vmem>>, vector<16xf32>,
    %add3A_874 = arith.addf %add3A_869, %get3A_873 : vector<16xf32>
    %get3A_875 = arith.constant 4 : i32
    %get3A_876 = arith.index_cast %get3A_875 : i32 to index
    %get3A_877 = arith.constant 16 : index
    %get3A_878 = tpu.vector_load %arg6[%get3A_876, %get3A_877] {strides = array<i32>} : memref<10x512xf32, #tpu.memory_space<vmem>>, vector<16xf32>,
    %add3A_879 = arith.addf %add3A_874, %get3A_878 : vector<16xf32>
    %get3A_880 = arith.constant 5 : i32
    %get3A_881 = arith.index_cast %get3A_880 : i32 to index
    %get3A_882 = arith.constant 16 : index
    %get3A_883 = tpu.vector_load %arg6[%get3A_881, %get3A_882] {strides = array<i32>} : memref<10x512xf32, #tpu.memory_space<vmem>>, vector<16xf32>,
    %sub3A_884 = arith.subf %add3A_879, %get3A_883 : vector<16xf32>
    %get3A_885 = arith.constant 6 : i32
    %get3A_886 = arith.index_cast %get3A_885 : i32 to index
    %get3A_887 = arith.constant 16 : index
    %get3A_888 = tpu.vector_load %arg6[%get3A_886, %get3A_887] {strides = array<i32>} : memref<10x512xf32, #tpu.memory_space<vmem>>, vector<16xf32>,
    %sub3A_889 = arith.subf %sub3A_884, %get3A_888 : vector<16xf32>
    %get3A_890 = arith.constant 7 : i32
    %get3A_891 = arith.index_cast %get3A_890 : i32 to index
    %get3A_892 = arith.constant 16 : index
    %get3A_893 = tpu.vector_load %arg6[%get3A_891, %get3A_892] {strides = array<i32>} : memref<10x512xf32, #tpu.memory_space<vmem>>, vector<16xf32>,
    %sub3A_894 = arith.subf %sub3A_889, %get3A_893 : vector<16xf32>
    %get3A_895 = arith.constant 8 : i32
    %get3A_896 = arith.index_cast %get3A_895 : i32 to index
    %get3A_897 = arith.constant 16 : index
    %get3A_898 = tpu.vector_load %arg6[%get3A_896, %get3A_897] {strides = array<i32>} : memref<10x512xf32, #tpu.memory_space<vmem>>, vector<16xf32>,
    %sub3A_899 = arith.subf %sub3A_894, %get3A_898 : vector<16xf32>
    %get3A_900 = arith.constant 9 : i32
    %get3A_901 = arith.index_cast %get3A_900 : i32 to index
    %get3A_902 = arith.constant 16 : index
    %get3A_903 = tpu.vector_load %arg6[%get3A_901, %get3A_902] {strides = array<i32>} : memref<10x512xf32, #tpu.memory_space<vmem>>, vector<16xf32>,
    %sub3A_904 = arith.subf %sub3A_899, %get3A_903 : vector<16xf32>
    %neg3A_905 = arith.constant 0.000000e+00 : f32
    %neg3A_906 = vector.broadcast %neg3A_905 : f32 to vector<16xf32>
    %neg3A_907 = arith.subf %neg3A_906, %sub3A_904 : vector<16xf32>
    %exp3A_908 = math.exp %neg3A_907 : vector<16xf32>
    %add3A_909 = arith.constant 1.000000e+00 : f32
    %add3A_910 = vector.broadcast %add3A_909 : f32 to vector<16xf32>
    %add3A_911 = arith.addf %add3A_910, %exp3A_908 : vector<16xf32>
    %div3A_912 = arith.constant 1.000000e+00 : f32
    %div3A_913 = vector.broadcast %div3A_912 : f32 to vector<16xf32>
    %div3A_914 = arith.divf %div3A_913, %add3A_911 : vector<16xf32>
    %swap3A_915 = arith.constant 16 : index
    %swap3A_916 = tpu.vector_load %arg7[%swap3A_915] {strides = array<i32>} : memref<512xf32, #tpu.memory_space<vmem>>, vector<16xf32>,
    tpu.vector_store %arg7[%swap3A_915], %div3A_914 {strides = array<i32>} : memref<512xf32, #tpu.memory_space<vmem>>, vector<16xf32>,
    %get3A_917 = arith.constant 0 : i32
    %get3A_918 = arith.index_cast %get3A_917 : i32 to index
    %get3A_919 = arith.constant 32 : index
    %get3A_920 = tpu.vector_load %arg6[%get3A_918, %get3A_919] {strides = array<i32>} : memref<10x512xf32, #tpu.memory_space<vmem>>, vector<16xf32>,
    %get3A_921 = arith.constant 1 : i32
    %get3A_922 = arith.index_cast %get3A_921 : i32 to index
    %get3A_923 = arith.constant 32 : index
    %get3A_924 = tpu.vector_load %arg6[%get3A_922, %get3A_923] {strides = array<i32>} : memref<10x512xf32, #tpu.memory_space<vmem>>, vector<16xf32>,
    %add3A_925 = arith.addf %get3A_920, %get3A_924 : vector<16xf32>
    %get3A_926 = arith.constant 2 : i32
    %get3A_927 = arith.index_cast %get3A_926 : i32 to index
    %get3A_928 = arith.constant 32 : index
    %get3A_929 = tpu.vector_load %arg6[%get3A_927, %get3A_928] {strides = array<i32>} : memref<10x512xf32, #tpu.memory_space<vmem>>, vector<16xf32>,
    %add3A_930 = arith.addf %add3A_925, %get3A_929 : vector<16xf32>
    %get3A_931 = arith.constant 3 : i32
    %get3A_932 = arith.index_cast %get3A_931 : i32 to index
    %get3A_933 = arith.constant 32 : index
    %get3A_934 = tpu.vector_load %arg6[%get3A_932, %get3A_933] {strides = array<i32>} : memref<10x512xf32, #tpu.memory_space<vmem>>, vector<16xf32>,
    %add3A_935 = arith.addf %add3A_930, %get3A_934 : vector<16xf32>
    %get3A_936 = arith.constant 4 : i32
    %get3A_937 = arith.index_cast %get3A_936 : i32 to index
    %get3A_938 = arith.constant 32 : index
    %get3A_939 = tpu.vector_load %arg6[%get3A_937, %get3A_938] {strides = array<i32>} : memref<10x512xf32, #tpu.memory_space<vmem>>, vector<16xf32>,
    %add3A_940 = arith.addf %add3A_935, %get3A_939 : vector<16xf32>
    %get3A_941 = arith.constant 5 : i32
    %get3A_942 = arith.index_cast %get3A_941 : i32 to index
    %get3A_943 = arith.constant 32 : index
    %get3A_944 = tpu.vector_load %arg6[%get3A_942, %get3A_943] {strides = array<i32>} : memref<10x512xf32, #tpu.memory_space<vmem>>, vector<16xf32>,
    %sub3A_945 = arith.subf %add3A_940, %get3A_944 : vector<16xf32>
    %get3A_946 = arith.constant 6 : i32
    %get3A_947 = arith.index_cast %get3A_946 : i32 to index
    %get3A_948 = arith.constant 32 : index
    %get3A_949 = tpu.vector_load %arg6[%get3A_947, %get3A_948] {strides = array<i32>} : memref<10x512xf32, #tpu.memory_space<vmem>>, vector<16xf32>,
    %sub3A_950 = arith.subf %sub3A_945, %get3A_949 : vector<16xf32>
    %get3A_951 = arith.constant 7 : i32
    %get3A_952 = arith.index_cast %get3A_951 : i32 to index
    %get3A_953 = arith.constant 32 : index
    %get3A_954 = tpu.vector_load %arg6[%get3A_952, %get3A_953] {strides = array<i32>} : memref<10x512xf32, #tpu.memory_space<vmem>>, vector<16xf32>,
    %sub3A_955 = arith.subf %sub3A_950, %get3A_954 : vector<16xf32>
    %get3A_956 = arith.constant 8 : i32
    %get3A_957 = arith.index_cast %get3A_956 : i32 to index
    %get3A_958 = arith.constant 32 : index
    %get3A_959 = tpu.vector_load %arg6[%get3A_957, %get3A_958] {strides = array<i32>} : memref<10x512xf32, #tpu.memory_space<vmem>>, vector<16xf32>,
    %sub3A_960 = arith.subf %sub3A_955, %get3A_959 : vector<16xf32>
    %get3A_961 = arith.constant 9 : i32
    %get3A_962 = arith.index_cast %get3A_961 : i32 to index
    %get3A_963 = arith.constant 32 : index
    %get3A_964 = tpu.vector_load %arg6[%get3A_962, %get3A_963] {strides = array<i32>} : memref<10x512xf32, #tpu.memory_space<vmem>>, vector<16xf32>,
    %sub3A_965 = arith.subf %sub3A_960, %get3A_964 : vector<16xf32>
    %neg3A_966 = arith.constant 0.000000e+00 : f32
    %neg3A_967 = vector.broadcast %neg3A_966 : f32 to vector<16xf32>
    %neg3A_968 = arith.subf %neg3A_967, %sub3A_965 : vector<16xf32>
    %exp3A_969 = math.exp %neg3A_968 : vector<16xf32>
    %add3A_970 = arith.constant 1.000000e+00 : f32
    %add3A_971 = vector.broadcast %add3A_970 : f32 to vector<16xf32>
    %add3A_972 = arith.addf %add3A_971, %exp3A_969 : vector<16xf32>
    %div3A_973 = arith.constant 1.000000e+00 : f32
    %div3A_974 = vector.broadcast %div3A_973 : f32 to vector<16xf32>
    %div3A_975 = arith.divf %div3A_974, %add3A_972 : vector<16xf32>
    %swap3A_976 = arith.constant 32 : index
    %swap3A_977 = tpu.vector_load %arg7[%swap3A_976] {strides = array<i32>} : memref<512xf32, #tpu.memory_space<vmem>>, vector<16xf32>,
    tpu.vector_store %arg7[%swap3A_976], %div3A_975 {strides = array<i32>} : memref<512xf32, #tpu.memory_space<vmem>>, vector<16xf32>,
    %get3A_978 = arith.constant 0 : i32
    %get3A_979 = arith.index_cast %get3A_978 : i32 to index
    %get3A_980 = arith.constant 48 : index
    %get3A_981 = tpu.vector_load %arg6[%get3A_979, %get3A_980] {strides = array<i32>} : memref<10x512xf32, #tpu.memory_space<vmem>>, vector<16xf32>,
    %get3A_982 = arith.constant 1 : i32
    %get3A_983 = arith.index_cast %get3A_982 : i32 to index
    %get3A_984 = arith.constant 48 : index
    %get3A_985 = tpu.vector_load %arg6[%get3A_983, %get3A_984] {strides = array<i32>} : memref<10x512xf32, #tpu.memory_space<vmem>>, vector<16xf32>,
    %add3A_986 = arith.addf %get3A_981, %get3A_985 : vector<16xf32>
    %get3A_987 = arith.constant 2 : i32
    %get3A_988 = arith.index_cast %get3A_987 : i32 to index
    %get3A_989 = arith.constant 48 : index
    %get3A_990 = tpu.vector_load %arg6[%get3A_988, %get3A_989] {strides = array<i32>} : memref<10x512xf32, #tpu.memory_space<vmem>>, vector<16xf32>,
    %add3A_991 = arith.addf %add3A_986, %get3A_990 : vector<16xf32>
    %get3A_992 = arith.constant 3 : i32
    %get3A_993 = arith.index_cast %get3A_992 : i32 to index
    %get3A_994 = arith.constant 48 : index
    %get3A_995 = tpu.vector_load %arg6[%get3A_993, %get3A_994] {strides = array<i32>} : memref<10x512xf32, #tpu.memory_space<vmem>>, vector<16xf32>,
    %add3A_996 = arith.addf %add3A_991, %get3A_995 : vector<16xf32>
    %get3A_997 = arith.constant 4 : i32
    %get3A_998 = arith.index_cast %get3A_997 : i32 to index
    %get3A_999 = arith.constant 48 : index
    %get3A_1000 = tpu.vector_load %arg6[%get3A_998, %get3A_999] {strides = array<i32>} : memref<10x512xf32, #tpu.memory_space<vmem>>, vector<16xf32>,
    %add3A_1001 = arith.addf %add3A_996, %get3A_1000 : vector<16xf32>
    %get3A_1002 = arith.constant 5 : i32
    %get3A_1003 = arith.index_cast %get3A_1002 : i32 to index
    %get3A_1004 = arith.constant 48 : index
    %get3A_1005 = tpu.vector_load %arg6[%get3A_1003, %get3A_1004] {strides = array<i32>} : memref<10x512xf32, #tpu.memory_space<vmem>>, vector<16xf32>,
    %sub3A_1006 = arith.subf %add3A_1001, %get3A_1005 : vector<16xf32>
    %get3A_1007 = arith.constant 6 : i32
    %get3A_1008 = arith.index_cast %get3A_1007 : i32 to index
    %get3A_1009 = arith.constant 48 : index
    %get3A_1010 = tpu.vector_load %arg6[%get3A_1008, %get3A_1009] {strides = array<i32>} : memref<10x512xf32, #tpu.memory_space<vmem>>, vector<16xf32>,
    %sub3A_1011 = arith.subf %sub3A_1006, %get3A_1010 : vector<16xf32>
    %get3A_1012 = arith.constant 7 : i32
    %get3A_1013 = arith.index_cast %get3A_1012 : i32 to index
    %get3A_1014 = arith.constant 48 : index
    %get3A_1015 = tpu.vector_load %arg6[%get3A_1013, %get3A_1014] {strides = array<i32>} : memref<10x512xf32, #tpu.memory_space<vmem>>, vector<16xf32>,
    %sub3A_1016 = arith.subf %sub3A_1011, %get3A_1015 : vector<16xf32>
    %get3A_1017 = arith.constant 8 : i32
    %get3A_1018 = arith.index_cast %get3A_1017 : i32 to index
    %get3A_1019 = arith.constant 48 : index
    %get3A_1020 = tpu.vector_load %arg6[%get3A_1018, %get3A_1019] {strides = array<i32>} : memref<10x512xf32, #tpu.memory_space<vmem>>, vector<16xf32>,
    %sub3A_1021 = arith.subf %sub3A_1016, %get3A_1020 : vector<16xf32>
    %get3A_1022 = arith.constant 9 : i32
    %get3A_1023 = arith.index_cast %get3A_1022 : i32 to index
    %get3A_1024 = arith.constant 48 : index
    %get3A_1025 = tpu.vector_load %arg6[%get3A_1023, %get3A_1024] {strides = array<i32>} : memref<10x512xf32, #tpu.memory_space<vmem>>, vector<16xf32>,
    %sub3A_1026 = arith.subf %sub3A_1021, %get3A_1025 : vector<16xf32>
    %neg3A_1027 = arith.constant 0.000000e+00 : f32
    %neg3A_1028 = vector.broadcast %neg3A_1027 : f32 to vector<16xf32>
    %neg3A_1029 = arith.subf %neg3A_1028, %sub3A_1026 : vector<16xf32>
    %exp3A_1030 = math.exp %neg3A_1029 : vector<16xf32>
    %add3A_1031 = arith.constant 1.000000e+00 : f32
    %add3A_1032 = vector.broadcast %add3A_1031 : f32 to vector<16xf32>
    %add3A_1033 = arith.addf %add3A_1032, %exp3A_1030 : vector<16xf32>
    %div3A_1034 = arith.constant 1.000000e+00 : f32
    %div3A_1035 = vector.broadcast %div3A_1034 : f32 to vector<16xf32>
    %div3A_1036 = arith.divf %div3A_1035, %add3A_1033 : vector<16xf32>
    %swap3A_1037 = arith.constant 48 : index
    %swap3A_1038 = tpu.vector_load %arg7[%swap3A_1037] {strides = array<i32>} : memref<512xf32, #tpu.memory_space<vmem>>, vector<16xf32>,
    tpu.vector_store %arg7[%swap3A_1037], %div3A_1036 {strides = array<i32>} : memref<512xf32, #tpu.memory_space<vmem>>, vector<16xf32>,
    %get3A_1039 = arith.constant 0 : i32
    %get3A_1040 = arith.index_cast %get3A_1039 : i32 to index
    %get3A_1041 = arith.constant 64 : index
    %get3A_1042 = tpu.vector_load %arg6[%get3A_1040, %get3A_1041] {strides = array<i32>} : memref<10x512xf32, #tpu.memory_space<vmem>>, vector<16xf32>,
    %get3A_1043 = arith.constant 1 : i32
    %get3A_1044 = arith.index_cast %get3A_1043 : i32 to index
    %get3A_1045 = arith.constant 64 : index
    %get3A_1046 = tpu.vector_load %arg6[%get3A_1044, %get3A_1045] {strides = array<i32>} : memref<10x512xf32, #tpu.memory_space<vmem>>, vector<16xf32>,
    %add3A_1047 = arith.addf %get3A_1042, %get3A_1046 : vector<16xf32>
    %get3A_1048 = arith.constant 2 : i32
    %get3A_1049 = arith.index_cast %get3A_1048 : i32 to index
    %get3A_1050 = arith.constant 64 : index
    %get3A_1051 = tpu.vector_load %arg6[%get3A_1049, %get3A_1050] {strides = array<i32>} : memref<10x512xf32, #tpu.memory_space<vmem>>, vector<16xf32>,
    %add3A_1052 = arith.addf %add3A_1047, %get3A_1051 : vector<16xf32>
    %get3A_1053 = arith.constant 3 : i32
    %get3A_1054 = arith.index_cast %get3A_1053 : i32 to index
    %get3A_1055 = arith.constant 64 : index
    %get3A_1056 = tpu.vector_load %arg6[%get3A_1054, %get3A_1055] {strides = array<i32>} : memref<10x512xf32, #tpu.memory_space<vmem>>, vector<16xf32>,
    %add3A_1057 = arith.addf %add3A_1052, %get3A_1056 : vector<16xf32>
    %get3A_1058 = arith.constant 4 : i32
    %get3A_1059 = arith.index_cast %get3A_1058 : i32 to index
    %get3A_1060 = arith.constant 64 : index
    %get3A_1061 = tpu.vector_load %arg6[%get3A_1059, %get3A_1060] {strides = array<i32>} : memref<10x512xf32, #tpu.memory_space<vmem>>, vector<16xf32>,
    %add3A_1062 = arith.addf %add3A_1057, %get3A_1061 : vector<16xf32>
    %get3A_1063 = arith.constant 5 : i32
    %get3A_1064 = arith.index_cast %get3A_1063 : i32 to index
    %get3A_1065 = arith.constant 64 : index
    %get3A_1066 = tpu.vector_load %arg6[%get3A_1064, %get3A_1065] {strides = array<i32>} : memref<10x512xf32, #tpu.memory_space<vmem>>, vector<16xf32>,
    %sub3A_1067 = arith.subf %add3A_1062, %get3A_1066 : vector<16xf32>
    %get3A_1068 = arith.constant 6 : i32
    %get3A_1069 = arith.index_cast %get3A_1068 : i32 to index
    %get3A_1070 = arith.constant 64 : index
    %get3A_1071 = tpu.vector_load %arg6[%get3A_1069, %get3A_1070] {strides = array<i32>} : memref<10x512xf32, #tpu.memory_space<vmem>>, vector<16xf32>,
    %sub3A_1072 = arith.subf %sub3A_1067, %get3A_1071 : vector<16xf32>
    %get3A_1073 = arith.constant 7 : i32
    %get3A_1074 = arith.index_cast %get3A_1073 : i32 to index
    %get3A_1075 = arith.constant 64 : index
    %get3A_1076 = tpu.vector_load %arg6[%get3A_1074, %get3A_1075] {strides = array<i32>} : memref<10x512xf32, #tpu.memory_space<vmem>>, vector<16xf32>,
    %sub3A_1077 = arith.subf %sub3A_1072, %get3A_1076 : vector<16xf32>
    %get3A_1078 = arith.constant 8 : i32
    %get3A_1079 = arith.index_cast %get3A_1078 : i32 to index
    %get3A_1080 = arith.constant 64 : index
    %get3A_1081 = tpu.vector_load %arg6[%get3A_1079, %get3A_1080] {strides = array<i32>} : memref<10x512xf32, #tpu.memory_space<vmem>>, vector<16xf32>,
    %sub3A_1082 = arith.subf %sub3A_1077, %get3A_1081 : vector<16xf32>
    %get3A_1083 = arith.constant 9 : i32
    %get3A_1084 = arith.index_cast %get3A_1083 : i32 to index
    %get3A_1085 = arith.constant 64 : index
    %get3A_1086 = tpu.vector_load %arg6[%get3A_1084, %get3A_1085] {strides = array<i32>} : memref<10x512xf32, #tpu.memory_space<vmem>>, vector<16xf32>,
    %sub3A_1087 = arith.subf %sub3A_1082, %get3A_1086 : vector<16xf32>
    %neg3A_1088 = arith.constant 0.000000e+00 : f32
    %neg3A_1089 = vector.broadcast %neg3A_1088 : f32 to vector<16xf32>
    %neg3A_1090 = arith.subf %neg3A_1089, %sub3A_1087 : vector<16xf32>
    %exp3A_1091 = math.exp %neg3A_1090 : vector<16xf32>
    %add3A_1092 = arith.constant 1.000000e+00 : f32
    %add3A_1093 = vector.broadcast %add3A_1092 : f32 to vector<16xf32>
    %add3A_1094 = arith.addf %add3A_1093, %exp3A_1091 : vector<16xf32>
    %div3A_1095 = arith.constant 1.000000e+00 : f32
    %div3A_1096 = vector.broadcast %div3A_1095 : f32 to vector<16xf32>
    %div3A_1097 = arith.divf %div3A_1096, %add3A_1094 : vector<16xf32>
    %swap3A_1098 = arith.constant 64 : index
    %swap3A_1099 = tpu.vector_load %arg7[%swap3A_1098] {strides = array<i32>} : memref<512xf32, #tpu.memory_space<vmem>>, vector<16xf32>,
    tpu.vector_store %arg7[%swap3A_1098], %div3A_1097 {strides = array<i32>} : memref<512xf32, #tpu.memory_space<vmem>>, vector<16xf32>,
    %get3A_1100 = arith.constant 0 : i32
    %get3A_1101 = arith.index_cast %get3A_1100 : i32 to index
    %get3A_1102 = arith.constant 80 : index
    %get3A_1103 = tpu.vector_load %arg6[%get3A_1101, %get3A_1102] {strides = array<i32>} : memref<10x512xf32, #tpu.memory_space<vmem>>, vector<16xf32>,
    %get3A_1104 = arith.constant 1 : i32
    %get3A_1105 = arith.index_cast %get3A_1104 : i32 to index
    %get3A_1106 = arith.constant 80 : index
    %get3A_1107 = tpu.vector_load %arg6[%get3A_1105, %get3A_1106] {strides = array<i32>} : memref<10x512xf32, #tpu.memory_space<vmem>>, vector<16xf32>,
    %add3A_1108 = arith.addf %get3A_1103, %get3A_1107 : vector<16xf32>
    %get3A_1109 = arith.constant 2 : i32
    %get3A_1110 = arith.index_cast %get3A_1109 : i32 to index
    %get3A_1111 = arith.constant 80 : index
    %get3A_1112 = tpu.vector_load %arg6[%get3A_1110, %get3A_1111] {strides = array<i32>} : memref<10x512xf32, #tpu.memory_space<vmem>>, vector<16xf32>,
    %add3A_1113 = arith.addf %add3A_1108, %get3A_1112 : vector<16xf32>
    %get3A_1114 = arith.constant 3 : i32
    %get3A_1115 = arith.index_cast %get3A_1114 : i32 to index
    %get3A_1116 = arith.constant 80 : index
    %get3A_1117 = tpu.vector_load %arg6[%get3A_1115, %get3A_1116] {strides = array<i32>} : memref<10x512xf32, #tpu.memory_space<vmem>>, vector<16xf32>,
    %add3A_1118 = arith.addf %add3A_1113, %get3A_1117 : vector<16xf32>
    %get3A_1119 = arith.constant 4 : i32
    %get3A_1120 = arith.index_cast %get3A_1119 : i32 to index
    %get3A_1121 = arith.constant 80 : index
    %get3A_1122 = tpu.vector_load %arg6[%get3A_1120, %get3A_1121] {strides = array<i32>} : memref<10x512xf32, #tpu.memory_space<vmem>>, vector<16xf32>,
    %add3A_1123 = arith.addf %add3A_1118, %get3A_1122 : vector<16xf32>
    %get3A_1124 = arith.constant 5 : i32
    %get3A_1125 = arith.index_cast %get3A_1124 : i32 to index
    %get3A_1126 = arith.constant 80 : index
    %get3A_1127 = tpu.vector_load %arg6[%get3A_1125, %get3A_1126] {strides = array<i32>} : memref<10x512xf32, #tpu.memory_space<vmem>>, vector<16xf32>,
    %sub3A_1128 = arith.subf %add3A_1123, %get3A_1127 : vector<16xf32>
    %get3A_1129 = arith.constant 6 : i32
    %get3A_1130 = arith.index_cast %get3A_1129 : i32 to index
    %get3A_1131 = arith.constant 80 : index
    %get3A_1132 = tpu.vector_load %arg6[%get3A_1130, %get3A_1131] {strides = array<i32>} : memref<10x512xf32, #tpu.memory_space<vmem>>, vector<16xf32>,
    %sub3A_1133 = arith.subf %sub3A_1128, %get3A_1132 : vector<16xf32>
    %get3A_1134 = arith.constant 7 : i32
    %get3A_1135 = arith.index_cast %get3A_1134 : i32 to index
    %get3A_1136 = arith.constant 80 : index
    %get3A_1137 = tpu.vector_load %arg6[%get3A_1135, %get3A_1136] {strides = array<i32>} : memref<10x512xf32, #tpu.memory_space<vmem>>, vector<16xf32>,
    %sub3A_1138 = arith.subf %sub3A_1133, %get3A_1137 : vector<16xf32>
    %get3A_1139 = arith.constant 8 : i32
    %get3A_1140 = arith.index_cast %get3A_1139 : i32 to index
    %get3A_1141 = arith.constant 80 : index
    %get3A_1142 = tpu.vector_load %arg6[%get3A_1140, %get3A_1141] {strides = array<i32>} : memref<10x512xf32, #tpu.memory_space<vmem>>, vector<16xf32>,
    %sub3A_1143 = arith.subf %sub3A_1138, %get3A_1142 : vector<16xf32>
    %get3A_1144 = arith.constant 9 : i32
    %get3A_1145 = arith.index_cast %get3A_1144 : i32 to index
    %get3A_1146 = arith.constant 80 : index
    %get3A_1147 = tpu.vector_load %arg6[%get3A_1145, %get3A_1146] {strides = array<i32>} : memref<10x512xf32, #tpu.memory_space<vmem>>, vector<16xf32>,
    %sub3A_1148 = arith.subf %sub3A_1143, %get3A_1147 : vector<16xf32>
    %neg3A_1149 = arith.constant 0.000000e+00 : f32
    %neg3A_1150 = vector.broadcast %neg3A_1149 : f32 to vector<16xf32>
    %neg3A_1151 = arith.subf %neg3A_1150, %sub3A_1148 : vector<16xf32>
    %exp3A_1152 = math.exp %neg3A_1151 : vector<16xf32>
    %add3A_1153 = arith.constant 1.000000e+00 : f32
    %add3A_1154 = vector.broadcast %add3A_1153 : f32 to vector<16xf32>
    %add3A_1155 = arith.addf %add3A_1154, %exp3A_1152 : vector<16xf32>
    %div3A_1156 = arith.constant 1.000000e+00 : f32
    %div3A_1157 = vector.broadcast %div3A_1156 : f32 to vector<16xf32>
    %div3A_1158 = arith.divf %div3A_1157, %add3A_1155 : vector<16xf32>
    %swap3A_1159 = arith.constant 80 : index
    %swap3A_1160 = tpu.vector_load %arg7[%swap3A_1159] {strides = array<i32>} : memref<512xf32, #tpu.memory_space<vmem>>, vector<16xf32>,
    tpu.vector_store %arg7[%swap3A_1159], %div3A_1158 {strides = array<i32>} : memref<512xf32, #tpu.memory_space<vmem>>, vector<16xf32>,
    %get3A_1161 = arith.constant 0 : i32
    %get3A_1162 = arith.index_cast %get3A_1161 : i32 to index
    %get3A_1163 = arith.constant 96 : index
    %get3A_1164 = tpu.vector_load %arg6[%get3A_1162, %get3A_1163] {strides = array<i32>} : memref<10x512xf32, #tpu.memory_space<vmem>>, vector<16xf32>,
    %get3A_1165 = arith.constant 1 : i32
    %get3A_1166 = arith.index_cast %get3A_1165 : i32 to index
    %get3A_1167 = arith.constant 96 : index
    %get3A_1168 = tpu.vector_load %arg6[%get3A_1166, %get3A_1167] {strides = array<i32>} : memref<10x512xf32, #tpu.memory_space<vmem>>, vector<16xf32>,
    %add3A_1169 = arith.addf %get3A_1164, %get3A_1168 : vector<16xf32>
    %get3A_1170 = arith.constant 2 : i32
    %get3A_1171 = arith.index_cast %get3A_1170 : i32 to index
    %get3A_1172 = arith.constant 96 : index
    %get3A_1173 = tpu.vector_load %arg6[%get3A_1171, %get3A_1172] {strides = array<i32>} : memref<10x512xf32, #tpu.memory_space<vmem>>, vector<16xf32>,
    %add3A_1174 = arith.addf %add3A_1169, %get3A_1173 : vector<16xf32>
    %get3A_1175 = arith.constant 3 : i32
    %get3A_1176 = arith.index_cast %get3A_1175 : i32 to index
    %get3A_1177 = arith.constant 96 : index
    %get3A_1178 = tpu.vector_load %arg6[%get3A_1176, %get3A_1177] {strides = array<i32>} : memref<10x512xf32, #tpu.memory_space<vmem>>, vector<16xf32>,
    %add3A_1179 = arith.addf %add3A_1174, %get3A_1178 : vector<16xf32>
    %get3A_1180 = arith.constant 4 : i32
    %get3A_1181 = arith.index_cast %get3A_1180 : i32 to index
    %get3A_1182 = arith.constant 96 : index
    %get3A_1183 = tpu.vector_load %arg6[%get3A_1181, %get3A_1182] {strides = array<i32>} : memref<10x512xf32, #tpu.memory_space<vmem>>, vector<16xf32>,
    %add3A_1184 = arith.addf %add3A_1179, %get3A_1183 : vector<16xf32>
    %get3A_1185 = arith.constant 5 : i32
    %get3A_1186 = arith.index_cast %get3A_1185 : i32 to index
    %get3A_1187 = arith.constant 96 : index
    %get3A_1188 = tpu.vector_load %arg6[%get3A_1186, %get3A_1187] {strides = array<i32>} : memref<10x512xf32, #tpu.memory_space<vmem>>, vector<16xf32>,
    %sub3A_1189 = arith.subf %add3A_1184, %get3A_1188 : vector<16xf32>
    %get3A_1190 = arith.constant 6 : i32
    %get3A_1191 = arith.index_cast %get3A_1190 : i32 to index
    %get3A_1192 = arith.constant 96 : index
    %get3A_1193 = tpu.vector_load %arg6[%get3A_1191, %get3A_1192] {strides = array<i32>} : memref<10x512xf32, #tpu.memory_space<vmem>>, vector<16xf32>,
    %sub3A_1194 = arith.subf %sub3A_1189, %get3A_1193 : vector<16xf32>
    %get3A_1195 = arith.constant 7 : i32
    %get3A_1196 = arith.index_cast %get3A_1195 : i32 to index
    %get3A_1197 = arith.constant 96 : index
    %get3A_1198 = tpu.vector_load %arg6[%get3A_1196, %get3A_1197] {strides = array<i32>} : memref<10x512xf32, #tpu.memory_space<vmem>>, vector<16xf32>,
    %sub3A_1199 = arith.subf %sub3A_1194, %get3A_1198 : vector<16xf32>
    %get3A_1200 = arith.constant 8 : i32
    %get3A_1201 = arith.index_cast %get3A_1200 : i32 to index
    %get3A_1202 = arith.constant 96 : index
    %get3A_1203 = tpu.vector_load %arg6[%get3A_1201, %get3A_1202] {strides = array<i32>} : memref<10x512xf32, #tpu.memory_space<vmem>>, vector<16xf32>,
    %sub3A_1204 = arith.subf %sub3A_1199, %get3A_1203 : vector<16xf32>
    %get3A_1205 = arith.constant 9 : i32
    %get3A_1206 = arith.index_cast %get3A_1205 : i32 to index
    %get3A_1207 = arith.constant 96 : index
    %get3A_1208 = tpu.vector_load %arg6[%get3A_1206, %get3A_1207] {strides = array<i32>} : memref<10x512xf32, #tpu.memory_space<vmem>>, vector<16xf32>,
    %sub3A_1209 = arith.subf %sub3A_1204, %get3A_1208 : vector<16xf32>
    %neg3A_1210 = arith.constant 0.000000e+00 : f32
    %neg3A_1211 = vector.broadcast %neg3A_1210 : f32 to vector<16xf32>
    %neg3A_1212 = arith.subf %neg3A_1211, %sub3A_1209 : vector<16xf32>
    %exp3A_1213 = math.exp %neg3A_1212 : vector<16xf32>
    %add3A_1214 = arith.constant 1.000000e+00 : f32
    %add3A_1215 = vector.broadcast %add3A_1214 : f32 to vector<16xf32>
    %add3A_1216 = arith.addf %add3A_1215, %exp3A_1213 : vector<16xf32>
    %div3A_1217 = arith.constant 1.000000e+00 : f32
    %div3A_1218 = vector.broadcast %div3A_1217 : f32 to vector<16xf32>
    %div3A_1219 = arith.divf %div3A_1218, %add3A_1216 : vector<16xf32>
    %swap3A_1220 = arith.constant 96 : index
    %swap3A_1221 = tpu.vector_load %arg7[%swap3A_1220] {strides = array<i32>} : memref<512xf32, #tpu.memory_space<vmem>>, vector<16xf32>,
    tpu.vector_store %arg7[%swap3A_1220], %div3A_1219 {strides = array<i32>} : memref<512xf32, #tpu.memory_space<vmem>>, vector<16xf32>,
    %get3A_1222 = arith.constant 0 : i32
    %get3A_1223 = arith.index_cast %get3A_1222 : i32 to index
    %get3A_1224 = arith.constant 112 : index
    %get3A_1225 = tpu.vector_load %arg6[%get3A_1223, %get3A_1224] {strides = array<i32>} : memref<10x512xf32, #tpu.memory_space<vmem>>, vector<16xf32>,
    %get3A_1226 = arith.constant 1 : i32
    %get3A_1227 = arith.index_cast %get3A_1226 : i32 to index
    %get3A_1228 = arith.constant 112 : index
    %get3A_1229 = tpu.vector_load %arg6[%get3A_1227, %get3A_1228] {strides = array<i32>} : memref<10x512xf32, #tpu.memory_space<vmem>>, vector<16xf32>,
    %add3A_1230 = arith.addf %get3A_1225, %get3A_1229 : vector<16xf32>
    %get3A_1231 = arith.constant 2 : i32
    %get3A_1232 = arith.index_cast %get3A_1231 : i32 to index
    %get3A_1233 = arith.constant 112 : index
    %get3A_1234 = tpu.vector_load %arg6[%get3A_1232, %get3A_1233] {strides = array<i32>} : memref<10x512xf32, #tpu.memory_space<vmem>>, vector<16xf32>,
    %add3A_1235 = arith.addf %add3A_1230, %get3A_1234 : vector<16xf32>
    %get3A_1236 = arith.constant 3 : i32
    %get3A_1237 = arith.index_cast %get3A_1236 : i32 to index
    %get3A_1238 = arith.constant 112 : index
    %get3A_1239 = tpu.vector_load %arg6[%get3A_1237, %get3A_1238] {strides = array<i32>} : memref<10x512xf32, #tpu.memory_space<vmem>>, vector<16xf32>,
    %add3A_1240 = arith.addf %add3A_1235, %get3A_1239 : vector<16xf32>
    %get3A_1241 = arith.constant 4 : i32
    %get3A_1242 = arith.index_cast %get3A_1241 : i32 to index
    %get3A_1243 = arith.constant 112 : index
    %get3A_1244 = tpu.vector_load %arg6[%get3A_1242, %get3A_1243] {strides = array<i32>} : memref<10x512xf32, #tpu.memory_space<vmem>>, vector<16xf32>,
    %add3A_1245 = arith.addf %add3A_1240, %get3A_1244 : vector<16xf32>
    %get3A_1246 = arith.constant 5 : i32
    %get3A_1247 = arith.index_cast %get3A_1246 : i32 to index
    %get3A_1248 = arith.constant 112 : index
    %get3A_1249 = tpu.vector_load %arg6[%get3A_1247, %get3A_1248] {strides = array<i32>} : memref<10x512xf32, #tpu.memory_space<vmem>>, vector<16xf32>,
    %sub3A_1250 = arith.subf %add3A_1245, %get3A_1249 : vector<16xf32>
    %get3A_1251 = arith.constant 6 : i32
    %get3A_1252 = arith.index_cast %get3A_1251 : i32 to index
    %get3A_1253 = arith.constant 112 : index
    %get3A_1254 = tpu.vector_load %arg6[%get3A_1252, %get3A_1253] {strides = array<i32>} : memref<10x512xf32, #tpu.memory_space<vmem>>, vector<16xf32>,
    %sub3A_1255 = arith.subf %sub3A_1250, %get3A_1254 : vector<16xf32>
    %get3A_1256 = arith.constant 7 : i32
    %get3A_1257 = arith.index_cast %get3A_1256 : i32 to index
    %get3A_1258 = arith.constant 112 : index
    %get3A_1259 = tpu.vector_load %arg6[%get3A_1257, %get3A_1258] {strides = array<i32>} : memref<10x512xf32, #tpu.memory_space<vmem>>, vector<16xf32>,
    %sub3A_1260 = arith.subf %sub3A_1255, %get3A_1259 : vector<16xf32>
    %get3A_1261 = arith.constant 8 : i32
    %get3A_1262 = arith.index_cast %get3A_1261 : i32 to index
    %get3A_1263 = arith.constant 112 : index
    %get3A_1264 = tpu.vector_load %arg6[%get3A_1262, %get3A_1263] {strides = array<i32>} : memref<10x512xf32, #tpu.memory_space<vmem>>, vector<16xf32>,
    %sub3A_1265 = arith.subf %sub3A_1260, %get3A_1264 : vector<16xf32>
    %get3A_1266 = arith.constant 9 : i32
    %get3A_1267 = arith.index_cast %get3A_1266 : i32 to index
    %get3A_1268 = arith.constant 112 : index
    %get3A_1269 = tpu.vector_load %arg6[%get3A_1267, %get3A_1268] {strides = array<i32>} : memref<10x512xf32, #tpu.memory_space<vmem>>, vector<16xf32>,
    %sub3A_1270 = arith.subf %sub3A_1265, %get3A_1269 : vector<16xf32>
    %neg3A_1271 = arith.constant 0.000000e+00 : f32
    %neg3A_1272 = vector.broadcast %neg3A_1271 : f32 to vector<16xf32>
    %neg3A_1273 = arith.subf %neg3A_1272, %sub3A_1270 : vector<16xf32>
    %exp3A_1274 = math.exp %neg3A_1273 : vector<16xf32>
    %add3A_1275 = arith.constant 1.000000e+00 : f32
    %add3A_1276 = vector.broadcast %add3A_1275 : f32 to vector<16xf32>
    %add3A_1277 = arith.addf %add3A_1276, %exp3A_1274 : vector<16xf32>
    %div3A_1278 = arith.constant 1.000000e+00 : f32
    %div3A_1279 = vector.broadcast %div3A_1278 : f32 to vector<16xf32>
    %div3A_1280 = arith.divf %div3A_1279, %add3A_1277 : vector<16xf32>
    %swap3A_1281 = arith.constant 112 : index
    %swap3A_1282 = tpu.vector_load %arg7[%swap3A_1281] {strides = array<i32>} : memref<512xf32, #tpu.memory_space<vmem>>, vector<16xf32>,
    tpu.vector_store %arg7[%swap3A_1281], %div3A_1280 {strides = array<i32>} : memref<512xf32, #tpu.memory_space<vmem>>, vector<16xf32>,
    %get3A_1283 = arith.constant 0 : i32
    %get3A_1284 = arith.index_cast %get3A_1283 : i32 to index
    %get3A_1285 = arith.constant 128 : index
    %get3A_1286 = tpu.vector_load %arg6[%get3A_1284, %get3A_1285] {strides = array<i32>} : memref<10x512xf32, #tpu.memory_space<vmem>>, vector<16xf32>,
    %get3A_1287 = arith.constant 1 : i32
    %get3A_1288 = arith.index_cast %get3A_1287 : i32 to index
    %get3A_1289 = arith.constant 128 : index
    %get3A_1290 = tpu.vector_load %arg6[%get3A_1288, %get3A_1289] {strides = array<i32>} : memref<10x512xf32, #tpu.memory_space<vmem>>, vector<16xf32>,
    %add3A_1291 = arith.addf %get3A_1286, %get3A_1290 : vector<16xf32>
    %get3A_1292 = arith.constant 2 : i32
    %get3A_1293 = arith.index_cast %get3A_1292 : i32 to index
    %get3A_1294 = arith.constant 128 : index
    %get3A_1295 = tpu.vector_load %arg6[%get3A_1293, %get3A_1294] {strides = array<i32>} : memref<10x512xf32, #tpu.memory_space<vmem>>, vector<16xf32>,
    %add3A_1296 = arith.addf %add3A_1291, %get3A_1295 : vector<16xf32>
    %get3A_1297 = arith.constant 3 : i32
    %get3A_1298 = arith.index_cast %get3A_1297 : i32 to index
    %get3A_1299 = arith.constant 128 : index
    %get3A_1300 = tpu.vector_load %arg6[%get3A_1298, %get3A_1299] {strides = array<i32>} : memref<10x512xf32, #tpu.memory_space<vmem>>, vector<16xf32>,
    %add3A_1301 = arith.addf %add3A_1296, %get3A_1300 : vector<16xf32>
    %get3A_1302 = arith.constant 4 : i32
    %get3A_1303 = arith.index_cast %get3A_1302 : i32 to index
    %get3A_1304 = arith.constant 128 : index
    %get3A_1305 = tpu.vector_load %arg6[%get3A_1303, %get3A_1304] {strides = array<i32>} : memref<10x512xf32, #tpu.memory_space<vmem>>, vector<16xf32>,
    %add3A_1306 = arith.addf %add3A_1301, %get3A_1305 : vector<16xf32>
    %get3A_1307 = arith.constant 5 : i32
    %get3A_1308 = arith.index_cast %get3A_1307 : i32 to index
    %get3A_1309 = arith.constant 128 : index
    %get3A_1310 = tpu.vector_load %arg6[%get3A_1308, %get3A_1309] {strides = array<i32>} : memref<10x512xf32, #tpu.memory_space<vmem>>, vector<16xf32>,
    %sub3A_1311 = arith.subf %add3A_1306, %get3A_1310 : vector<16xf32>
    %get3A_1312 = arith.constant 6 : i32
    %get3A_1313 = arith.index_cast %get3A_1312 : i32 to index
    %get3A_1314 = arith.constant 128 : index
    %get3A_1315 = tpu.vector_load %arg6[%get3A_1313, %get3A_1314] {strides = array<i32>} : memref<10x512xf32, #tpu.memory_space<vmem>>, vector<16xf32>,
    %sub3A_1316 = arith.subf %sub3A_1311, %get3A_1315 : vector<16xf32>
    %get3A_1317 = arith.constant 7 : i32
    %get3A_1318 = arith.index_cast %get3A_1317 : i32 to index
    %get3A_1319 = arith.constant 128 : index
    %get3A_1320 = tpu.vector_load %arg6[%get3A_1318, %get3A_1319] {strides = array<i32>} : memref<10x512xf32, #tpu.memory_space<vmem>>, vector<16xf32>,
    %sub3A_1321 = arith.subf %sub3A_1316, %get3A_1320 : vector<16xf32>
    %get3A_1322 = arith.constant 8 : i32
    %get3A_1323 = arith.index_cast %get3A_1322 : i32 to index
    %get3A_1324 = arith.constant 128 : index
    %get3A_1325 = tpu.vector_load %arg6[%get3A_1323, %get3A_1324] {strides = array<i32>} : memref<10x512xf32, #tpu.memory_space<vmem>>, vector<16xf32>,
    %sub3A_1326 = arith.subf %sub3A_1321, %get3A_1325 : vector<16xf32>
    %get3A_1327 = arith.constant 9 : i32
    %get3A_1328 = arith.index_cast %get3A_1327 : i32 to index
    %get3A_1329 = arith.constant 128 : index
    %get3A_1330 = tpu.vector_load %arg6[%get3A_1328, %get3A_1329] {strides = array<i32>} : memref<10x512xf32, #tpu.memory_space<vmem>>, vector<16xf32>,
    %sub3A_1331 = arith.subf %sub3A_1326, %get3A_1330 : vector<16xf32>
    %neg3A_1332 = arith.constant 0.000000e+00 : f32
    %neg3A_1333 = vector.broadcast %neg3A_1332 : f32 to vector<16xf32>
    %neg3A_1334 = arith.subf %neg3A_1333, %sub3A_1331 : vector<16xf32>
    %exp3A_1335 = math.exp %neg3A_1334 : vector<16xf32>
    %add3A_1336 = arith.constant 1.000000e+00 : f32
    %add3A_1337 = vector.broadcast %add3A_1336 : f32 to vector<16xf32>
    %add3A_1338 = arith.addf %add3A_1337, %exp3A_1335 : vector<16xf32>
    %div3A_1339 = arith.constant 1.000000e+00 : f32
    %div3A_1340 = vector.broadcast %div3A_1339 : f32 to vector<16xf32>
    %div3A_1341 = arith.divf %div3A_1340, %add3A_1338 : vector<16xf32>
    %swap3A_1342 = arith.constant 128 : index
    %swap3A_1343 = tpu.vector_load %arg7[%swap3A_1342] {strides = array<i32>} : memref<512xf32, #tpu.memory_space<vmem>>, vector<16xf32>,
    tpu.vector_store %arg7[%swap3A_1342], %div3A_1341 {strides = array<i32>} : memref<512xf32, #tpu.memory_space<vmem>>, vector<16xf32>,
    %get3A_1344 = arith.constant 0 : i32
    %get3A_1345 = arith.index_cast %get3A_1344 : i32 to index
    %get3A_1346 = arith.constant 144 : index
    %get3A_1347 = tpu.vector_load %arg6[%get3A_1345, %get3A_1346] {strides = array<i32>} : memref<10x512xf32, #tpu.memory_space<vmem>>, vector<16xf32>,
    %get3A_1348 = arith.constant 1 : i32
    %get3A_1349 = arith.index_cast %get3A_1348 : i32 to index
    %get3A_1350 = arith.constant 144 : index
    %get3A_1351 = tpu.vector_load %arg6[%get3A_1349, %get3A_1350] {strides = array<i32>} : memref<10x512xf32, #tpu.memory_space<vmem>>, vector<16xf32>,
    %add3A_1352 = arith.addf %get3A_1347, %get3A_1351 : vector<16xf32>
    %get3A_1353 = arith.constant 2 : i32
    %get3A_1354 = arith.index_cast %get3A_1353 : i32 to index
    %get3A_1355 = arith.constant 144 : index
    %get3A_1356 = tpu.vector_load %arg6[%get3A_1354, %get3A_1355] {strides = array<i32>} : memref<10x512xf32, #tpu.memory_space<vmem>>, vector<16xf32>,
    %add3A_1357 = arith.addf %add3A_1352, %get3A_1356 : vector<16xf32>
    %get3A_1358 = arith.constant 3 : i32
    %get3A_1359 = arith.index_cast %get3A_1358 : i32 to index
    %get3A_1360 = arith.constant 144 : index
    %get3A_1361 = tpu.vector_load %arg6[%get3A_1359, %get3A_1360] {strides = array<i32>} : memref<10x512xf32, #tpu.memory_space<vmem>>, vector<16xf32>,
    %add3A_1362 = arith.addf %add3A_1357, %get3A_1361 : vector<16xf32>
    %get3A_1363 = arith.constant 4 : i32
    %get3A_1364 = arith.index_cast %get3A_1363 : i32 to index
    %get3A_1365 = arith.constant 144 : index
    %get3A_1366 = tpu.vector_load %arg6[%get3A_1364, %get3A_1365] {strides = array<i32>} : memref<10x512xf32, #tpu.memory_space<vmem>>, vector<16xf32>,
    %add3A_1367 = arith.addf %add3A_1362, %get3A_1366 : vector<16xf32>
    %get3A_1368 = arith.constant 5 : i32
    %get3A_1369 = arith.index_cast %get3A_1368 : i32 to index
    %get3A_1370 = arith.constant 144 : index
    %get3A_1371 = tpu.vector_load %arg6[%get3A_1369, %get3A_1370] {strides = array<i32>} : memref<10x512xf32, #tpu.memory_space<vmem>>, vector<16xf32>,
    %sub3A_1372 = arith.subf %add3A_1367, %get3A_1371 : vector<16xf32>
    %get3A_1373 = arith.constant 6 : i32
    %get3A_1374 = arith.index_cast %get3A_1373 : i32 to index
    %get3A_1375 = arith.constant 144 : index
    %get3A_1376 = tpu.vector_load %arg6[%get3A_1374, %get3A_1375] {strides = array<i32>} : memref<10x512xf32, #tpu.memory_space<vmem>>, vector<16xf32>,
    %sub3A_1377 = arith.subf %sub3A_1372, %get3A_1376 : vector<16xf32>
    %get3A_1378 = arith.constant 7 : i32
    %get3A_1379 = arith.index_cast %get3A_1378 : i32 to index
    %get3A_1380 = arith.constant 144 : index
    %get3A_1381 = tpu.vector_load %arg6[%get3A_1379, %get3A_1380] {strides = array<i32>} : memref<10x512xf32, #tpu.memory_space<vmem>>, vector<16xf32>,
    %sub3A_1382 = arith.subf %sub3A_1377, %get3A_1381 : vector<16xf32>
    %get3A_1383 = arith.constant 8 : i32
    %get3A_1384 = arith.index_cast %get3A_1383 : i32 to index
    %get3A_1385 = arith.constant 144 : index
    %get3A_1386 = tpu.vector_load %arg6[%get3A_1384, %get3A_1385] {strides = array<i32>} : memref<10x512xf32, #tpu.memory_space<vmem>>, vector<16xf32>,
    %sub3A_1387 = arith.subf %sub3A_1382, %get3A_1386 : vector<16xf32>
    %get3A_1388 = arith.constant 9 : i32
    %get3A_1389 = arith.index_cast %get3A_1388 : i32 to index
    %get3A_1390 = arith.constant 144 : index
    %get3A_1391 = tpu.vector_load %arg6[%get3A_1389, %get3A_1390] {strides = array<i32>} : memref<10x512xf32, #tpu.memory_space<vmem>>, vector<16xf32>,
    %sub3A_1392 = arith.subf %sub3A_1387, %get3A_1391 : vector<16xf32>
    %neg3A_1393 = arith.constant 0.000000e+00 : f32
    %neg3A_1394 = vector.broadcast %neg3A_1393 : f32 to vector<16xf32>
    %neg3A_1395 = arith.subf %neg3A_1394, %sub3A_1392 : vector<16xf32>
    %exp3A_1396 = math.exp %neg3A_1395 : vector<16xf32>
    %add3A_1397 = arith.constant 1.000000e+00 : f32
    %add3A_1398 = vector.broadcast %add3A_1397 : f32 to vector<16xf32>
    %add3A_1399 = arith.addf %add3A_1398, %exp3A_1396 : vector<16xf32>
    %div3A_1400 = arith.constant 1.000000e+00 : f32
    %div3A_1401 = vector.broadcast %div3A_1400 : f32 to vector<16xf32>
    %div3A_1402 = arith.divf %div3A_1401, %add3A_1399 : vector<16xf32>
    %swap3A_1403 = arith.constant 144 : index
    %swap3A_1404 = tpu.vector_load %arg7[%swap3A_1403] {strides = array<i32>} : memref<512xf32, #tpu.memory_space<vmem>>, vector<16xf32>,
    tpu.vector_store %arg7[%swap3A_1403], %div3A_1402 {strides = array<i32>} : memref<512xf32, #tpu.memory_space<vmem>>, vector<16xf32>,
    %get3A_1405 = arith.constant 0 : i32
    %get3A_1406 = arith.index_cast %get3A_1405 : i32 to index
    %get3A_1407 = arith.constant 160 : index
    %get3A_1408 = tpu.vector_load %arg6[%get3A_1406, %get3A_1407] {strides = array<i32>} : memref<10x512xf32, #tpu.memory_space<vmem>>, vector<16xf32>,
    %get3A_1409 = arith.constant 1 : i32
    %get3A_1410 = arith.index_cast %get3A_1409 : i32 to index
    %get3A_1411 = arith.constant 160 : index
    %get3A_1412 = tpu.vector_load %arg6[%get3A_1410, %get3A_1411] {strides = array<i32>} : memref<10x512xf32, #tpu.memory_space<vmem>>, vector<16xf32>,
    %add3A_1413 = arith.addf %get3A_1408, %get3A_1412 : vector<16xf32>
    %get3A_1414 = arith.constant 2 : i32
    %get3A_1415 = arith.index_cast %get3A_1414 : i32 to index
    %get3A_1416 = arith.constant 160 : index
    %get3A_1417 = tpu.vector_load %arg6[%get3A_1415, %get3A_1416] {strides = array<i32>} : memref<10x512xf32, #tpu.memory_space<vmem>>, vector<16xf32>,
    %add3A_1418 = arith.addf %add3A_1413, %get3A_1417 : vector<16xf32>
    %get3A_1419 = arith.constant 3 : i32
    %get3A_1420 = arith.index_cast %get3A_1419 : i32 to index
    %get3A_1421 = arith.constant 160 : index
    %get3A_1422 = tpu.vector_load %arg6[%get3A_1420, %get3A_1421] {strides = array<i32>} : memref<10x512xf32, #tpu.memory_space<vmem>>, vector<16xf32>,
    %add3A_1423 = arith.addf %add3A_1418, %get3A_1422 : vector<16xf32>
    %get3A_1424 = arith.constant 4 : i32
    %get3A_1425 = arith.index_cast %get3A_1424 : i32 to index
    %get3A_1426 = arith.constant 160 : index
    %get3A_1427 = tpu.vector_load %arg6[%get3A_1425, %get3A_1426] {strides = array<i32>} : memref<10x512xf32, #tpu.memory_space<vmem>>, vector<16xf32>,
    %add3A_1428 = arith.addf %add3A_1423, %get3A_1427 : vector<16xf32>
    %get3A_1429 = arith.constant 5 : i32
    %get3A_1430 = arith.index_cast %get3A_1429 : i32 to index
    %get3A_1431 = arith.constant 160 : index
    %get3A_1432 = tpu.vector_load %arg6[%get3A_1430, %get3A_1431] {strides = array<i32>} : memref<10x512xf32, #tpu.memory_space<vmem>>, vector<16xf32>,
    %sub3A_1433 = arith.subf %add3A_1428, %get3A_1432 : vector<16xf32>
    %get3A_1434 = arith.constant 6 : i32
    %get3A_1435 = arith.index_cast %get3A_1434 : i32 to index
    %get3A_1436 = arith.constant 160 : index
    %get3A_1437 = tpu.vector_load %arg6[%get3A_1435, %get3A_1436] {strides = array<i32>} : memref<10x512xf32, #tpu.memory_space<vmem>>, vector<16xf32>,
    %sub3A_1438 = arith.subf %sub3A_1433, %get3A_1437 : vector<16xf32>
    %get3A_1439 = arith.constant 7 : i32
    %get3A_1440 = arith.index_cast %get3A_1439 : i32 to index
    %get3A_1441 = arith.constant 160 : index
    %get3A_1442 = tpu.vector_load %arg6[%get3A_1440, %get3A_1441] {strides = array<i32>} : memref<10x512xf32, #tpu.memory_space<vmem>>, vector<16xf32>,
    %sub3A_1443 = arith.subf %sub3A_1438, %get3A_1442 : vector<16xf32>
    %get3A_1444 = arith.constant 8 : i32
    %get3A_1445 = arith.index_cast %get3A_1444 : i32 to index
    %get3A_1446 = arith.constant 160 : index
    %get3A_1447 = tpu.vector_load %arg6[%get3A_1445, %get3A_1446] {strides = array<i32>} : memref<10x512xf32, #tpu.memory_space<vmem>>, vector<16xf32>,
    %sub3A_1448 = arith.subf %sub3A_1443, %get3A_1447 : vector<16xf32>
    %get3A_1449 = arith.constant 9 : i32
    %get3A_1450 = arith.index_cast %get3A_1449 : i32 to index
    %get3A_1451 = arith.constant 160 : index
    %get3A_1452 = tpu.vector_load %arg6[%get3A_1450, %get3A_1451] {strides = array<i32>} : memref<10x512xf32, #tpu.memory_space<vmem>>, vector<16xf32>,
    %sub3A_1453 = arith.subf %sub3A_1448, %get3A_1452 : vector<16xf32>
    %neg3A_1454 = arith.constant 0.000000e+00 : f32
    %neg3A_1455 = vector.broadcast %neg3A_1454 : f32 to vector<16xf32>
    %neg3A_1456 = arith.subf %neg3A_1455, %sub3A_1453 : vector<16xf32>
    %exp3A_1457 = math.exp %neg3A_1456 : vector<16xf32>
    %add3A_1458 = arith.constant 1.000000e+00 : f32
    %add3A_1459 = vector.broadcast %add3A_1458 : f32 to vector<16xf32>
    %add3A_1460 = arith.addf %add3A_1459, %exp3A_1457 : vector<16xf32>
    %div3A_1461 = arith.constant 1.000000e+00 : f32
    %div3A_1462 = vector.broadcast %div3A_1461 : f32 to vector<16xf32>
    %div3A_1463 = arith.divf %div3A_1462, %add3A_1460 : vector<16xf32>
    %swap3A_1464 = arith.constant 160 : index
    %swap3A_1465 = tpu.vector_load %arg7[%swap3A_1464] {strides = array<i32>} : memref<512xf32, #tpu.memory_space<vmem>>, vector<16xf32>,
    tpu.vector_store %arg7[%swap3A_1464], %div3A_1463 {strides = array<i32>} : memref<512xf32, #tpu.memory_space<vmem>>, vector<16xf32>,
    %get3A_1466 = arith.constant 0 : i32
    %get3A_1467 = arith.index_cast %get3A_1466 : i32 to index
    %get3A_1468 = arith.constant 176 : index
    %get3A_1469 = tpu.vector_load %arg6[%get3A_1467, %get3A_1468] {strides = array<i32>} : memref<10x512xf32, #tpu.memory_space<vmem>>, vector<16xf32>,
    %get3A_1470 = arith.constant 1 : i32
    %get3A_1471 = arith.index_cast %get3A_1470 : i32 to index
    %get3A_1472 = arith.constant 176 : index
    %get3A_1473 = tpu.vector_load %arg6[%get3A_1471, %get3A_1472] {strides = array<i32>} : memref<10x512xf32, #tpu.memory_space<vmem>>, vector<16xf32>,
    %add3A_1474 = arith.addf %get3A_1469, %get3A_1473 : vector<16xf32>
    %get3A_1475 = arith.constant 2 : i32
    %get3A_1476 = arith.index_cast %get3A_1475 : i32 to index
    %get3A_1477 = arith.constant 176 : index
    %get3A_1478 = tpu.vector_load %arg6[%get3A_1476, %get3A_1477] {strides = array<i32>} : memref<10x512xf32, #tpu.memory_space<vmem>>, vector<16xf32>,
    %add3A_1479 = arith.addf %add3A_1474, %get3A_1478 : vector<16xf32>
    %get3A_1480 = arith.constant 3 : i32
    %get3A_1481 = arith.index_cast %get3A_1480 : i32 to index
    %get3A_1482 = arith.constant 176 : index
    %get3A_1483 = tpu.vector_load %arg6[%get3A_1481, %get3A_1482] {strides = array<i32>} : memref<10x512xf32, #tpu.memory_space<vmem>>, vector<16xf32>,
    %add3A_1484 = arith.addf %add3A_1479, %get3A_1483 : vector<16xf32>
    %get3A_1485 = arith.constant 4 : i32
    %get3A_1486 = arith.index_cast %get3A_1485 : i32 to index
    %get3A_1487 = arith.constant 176 : index
    %get3A_1488 = tpu.vector_load %arg6[%get3A_1486, %get3A_1487] {strides = array<i32>} : memref<10x512xf32, #tpu.memory_space<vmem>>, vector<16xf32>,
    %add3A_1489 = arith.addf %add3A_1484, %get3A_1488 : vector<16xf32>
    %get3A_1490 = arith.constant 5 : i32
    %get3A_1491 = arith.index_cast %get3A_1490 : i32 to index
    %get3A_1492 = arith.constant 176 : index
    %get3A_1493 = tpu.vector_load %arg6[%get3A_1491, %get3A_1492] {strides = array<i32>} : memref<10x512xf32, #tpu.memory_space<vmem>>, vector<16xf32>,
    %sub3A_1494 = arith.subf %add3A_1489, %get3A_1493 : vector<16xf32>
    %get3A_1495 = arith.constant 6 : i32
    %get3A_1496 = arith.index_cast %get3A_1495 : i32 to index
    %get3A_1497 = arith.constant 176 : index
    %get3A_1498 = tpu.vector_load %arg6[%get3A_1496, %get3A_1497] {strides = array<i32>} : memref<10x512xf32, #tpu.memory_space<vmem>>, vector<16xf32>,
    %sub3A_1499 = arith.subf %sub3A_1494, %get3A_1498 : vector<16xf32>
    %get3A_1500 = arith.constant 7 : i32
    %get3A_1501 = arith.index_cast %get3A_1500 : i32 to index
    %get3A_1502 = arith.constant 176 : index
    %get3A_1503 = tpu.vector_load %arg6[%get3A_1501, %get3A_1502] {strides = array<i32>} : memref<10x512xf32, #tpu.memory_space<vmem>>, vector<16xf32>,
    %sub3A_1504 = arith.subf %sub3A_1499, %get3A_1503 : vector<16xf32>
    %get3A_1505 = arith.constant 8 : i32
    %get3A_1506 = arith.index_cast %get3A_1505 : i32 to index
    %get3A_1507 = arith.constant 176 : index
    %get3A_1508 = tpu.vector_load %arg6[%get3A_1506, %get3A_1507] {strides = array<i32>} : memref<10x512xf32, #tpu.memory_space<vmem>>, vector<16xf32>,
    %sub3A_1509 = arith.subf %sub3A_1504, %get3A_1508 : vector<16xf32>
    %get3A_1510 = arith.constant 9 : i32
    %get3A_1511 = arith.index_cast %get3A_1510 : i32 to index
    %get3A_1512 = arith.constant 176 : index
    %get3A_1513 = tpu.vector_load %arg6[%get3A_1511, %get3A_1512] {strides = array<i32>} : memref<10x512xf32, #tpu.memory_space<vmem>>, vector<16xf32>,
    %sub3A_1514 = arith.subf %sub3A_1509, %get3A_1513 : vector<16xf32>
    %neg3A_1515 = arith.constant 0.000000e+00 : f32
    %neg3A_1516 = vector.broadcast %neg3A_1515 : f32 to vector<16xf32>
    %neg3A_1517 = arith.subf %neg3A_1516, %sub3A_1514 : vector<16xf32>
    %exp3A_1518 = math.exp %neg3A_1517 : vector<16xf32>
    %add3A_1519 = arith.constant 1.000000e+00 : f32
    %add3A_1520 = vector.broadcast %add3A_1519 : f32 to vector<16xf32>
    %add3A_1521 = arith.addf %add3A_1520, %exp3A_1518 : vector<16xf32>
    %div3A_1522 = arith.constant 1.000000e+00 : f32
    %div3A_1523 = vector.broadcast %div3A_1522 : f32 to vector<16xf32>
    %div3A_1524 = arith.divf %div3A_1523, %add3A_1521 : vector<16xf32>
    %swap3A_1525 = arith.constant 176 : index
    %swap3A_1526 = tpu.vector_load %arg7[%swap3A_1525] {strides = array<i32>} : memref<512xf32, #tpu.memory_space<vmem>>, vector<16xf32>,
    tpu.vector_store %arg7[%swap3A_1525], %div3A_1524 {strides = array<i32>} : memref<512xf32, #tpu.memory_space<vmem>>, vector<16xf32>,
    %get3A_1527 = arith.constant 0 : i32
    %get3A_1528 = arith.index_cast %get3A_1527 : i32 to index
    %get3A_1529 = arith.constant 192 : index
    %get3A_1530 = tpu.vector_load %arg6[%get3A_1528, %get3A_1529] {strides = array<i32>} : memref<10x512xf32, #tpu.memory_space<vmem>>, vector<16xf32>,
    %get3A_1531 = arith.constant 1 : i32
    %get3A_1532 = arith.index_cast %get3A_1531 : i32 to index
    %get3A_1533 = arith.constant 192 : index
    %get3A_1534 = tpu.vector_load %arg6[%get3A_1532, %get3A_1533] {strides = array<i32>} : memref<10x512xf32, #tpu.memory_space<vmem>>, vector<16xf32>,
    %add3A_1535 = arith.addf %get3A_1530, %get3A_1534 : vector<16xf32>
    %get3A_1536 = arith.constant 2 : i32
    %get3A_1537 = arith.index_cast %get3A_1536 : i32 to index
    %get3A_1538 = arith.constant 192 : index
    %get3A_1539 = tpu.vector_load %arg6[%get3A_1537, %get3A_1538] {strides = array<i32>} : memref<10x512xf32, #tpu.memory_space<vmem>>, vector<16xf32>,
    %add3A_1540 = arith.addf %add3A_1535, %get3A_1539 : vector<16xf32>
    %get3A_1541 = arith.constant 3 : i32
    %get3A_1542 = arith.index_cast %get3A_1541 : i32 to index
    %get3A_1543 = arith.constant 192 : index
    %get3A_1544 = tpu.vector_load %arg6[%get3A_1542, %get3A_1543] {strides = array<i32>} : memref<10x512xf32, #tpu.memory_space<vmem>>, vector<16xf32>,
    %add3A_1545 = arith.addf %add3A_1540, %get3A_1544 : vector<16xf32>
    %get3A_1546 = arith.constant 4 : i32
    %get3A_1547 = arith.index_cast %get3A_1546 : i32 to index
    %get3A_1548 = arith.constant 192 : index
    %get3A_1549 = tpu.vector_load %arg6[%get3A_1547, %get3A_1548] {strides = array<i32>} : memref<10x512xf32, #tpu.memory_space<vmem>>, vector<16xf32>,
    %add3A_1550 = arith.addf %add3A_1545, %get3A_1549 : vector<16xf32>
    %get3A_1551 = arith.constant 5 : i32
    %get3A_1552 = arith.index_cast %get3A_1551 : i32 to index
    %get3A_1553 = arith.constant 192 : index
    %get3A_1554 = tpu.vector_load %arg6[%get3A_1552, %get3A_1553] {strides = array<i32>} : memref<10x512xf32, #tpu.memory_space<vmem>>, vector<16xf32>,
    %sub3A_1555 = arith.subf %add3A_1550, %get3A_1554 : vector<16xf32>
    %get3A_1556 = arith.constant 6 : i32
    %get3A_1557 = arith.index_cast %get3A_1556 : i32 to index
    %get3A_1558 = arith.constant 192 : index
    %get3A_1559 = tpu.vector_load %arg6[%get3A_1557, %get3A_1558] {strides = array<i32>} : memref<10x512xf32, #tpu.memory_space<vmem>>, vector<16xf32>,
    %sub3A_1560 = arith.subf %sub3A_1555, %get3A_1559 : vector<16xf32>
    %get3A_1561 = arith.constant 7 : i32
    %get3A_1562 = arith.index_cast %get3A_1561 : i32 to index
    %get3A_1563 = arith.constant 192 : index
    %get3A_1564 = tpu.vector_load %arg6[%get3A_1562, %get3A_1563] {strides = array<i32>} : memref<10x512xf32, #tpu.memory_space<vmem>>, vector<16xf32>,
    %sub3A_1565 = arith.subf %sub3A_1560, %get3A_1564 : vector<16xf32>
    %get3A_1566 = arith.constant 8 : i32
    %get3A_1567 = arith.index_cast %get3A_1566 : i32 to index
    %get3A_1568 = arith.constant 192 : index
    %get3A_1569 = tpu.vector_load %arg6[%get3A_1567, %get3A_1568] {strides = array<i32>} : memref<10x512xf32, #tpu.memory_space<vmem>>, vector<16xf32>,
    %sub3A_1570 = arith.subf %sub3A_1565, %get3A_1569 : vector<16xf32>
    %get3A_1571 = arith.constant 9 : i32
    %get3A_1572 = arith.index_cast %get3A_1571 : i32 to index
    %get3A_1573 = arith.constant 192 : index
    %get3A_1574 = tpu.vector_load %arg6[%get3A_1572, %get3A_1573] {strides = array<i32>} : memref<10x512xf32, #tpu.memory_space<vmem>>, vector<16xf32>,
    %sub3A_1575 = arith.subf %sub3A_1570, %get3A_1574 : vector<16xf32>
    %neg3A_1576 = arith.constant 0.000000e+00 : f32
    %neg3A_1577 = vector.broadcast %neg3A_1576 : f32 to vector<16xf32>
    %neg3A_1578 = arith.subf %neg3A_1577, %sub3A_1575 : vector<16xf32>
    %exp3A_1579 = math.exp %neg3A_1578 : vector<16xf32>
    %add3A_1580 = arith.constant 1.000000e+00 : f32
    %add3A_1581 = vector.broadcast %add3A_1580 : f32 to vector<16xf32>
    %add3A_1582 = arith.addf %add3A_1581, %exp3A_1579 : vector<16xf32>
    %div3A_1583 = arith.constant 1.000000e+00 : f32
    %div3A_1584 = vector.broadcast %div3A_1583 : f32 to vector<16xf32>
    %div3A_1585 = arith.divf %div3A_1584, %add3A_1582 : vector<16xf32>
    %swap3A_1586 = arith.constant 192 : index
    %swap3A_1587 = tpu.vector_load %arg7[%swap3A_1586] {strides = array<i32>} : memref<512xf32, #tpu.memory_space<vmem>>, vector<16xf32>,
    tpu.vector_store %arg7[%swap3A_1586], %div3A_1585 {strides = array<i32>} : memref<512xf32, #tpu.memory_space<vmem>>, vector<16xf32>,
    %get3A_1588 = arith.constant 0 : i32
    %get3A_1589 = arith.index_cast %get3A_1588 : i32 to index
    %get3A_1590 = arith.constant 208 : index
    %get3A_1591 = tpu.vector_load %arg6[%get3A_1589, %get3A_1590] {strides = array<i32>} : memref<10x512xf32, #tpu.memory_space<vmem>>, vector<16xf32>,
    %get3A_1592 = arith.constant 1 : i32
    %get3A_1593 = arith.index_cast %get3A_1592 : i32 to index
    %get3A_1594 = arith.constant 208 : index
    %get3A_1595 = tpu.vector_load %arg6[%get3A_1593, %get3A_1594] {strides = array<i32>} : memref<10x512xf32, #tpu.memory_space<vmem>>, vector<16xf32>,
    %add3A_1596 = arith.addf %get3A_1591, %get3A_1595 : vector<16xf32>
    %get3A_1597 = arith.constant 2 : i32
    %get3A_1598 = arith.index_cast %get3A_1597 : i32 to index
    %get3A_1599 = arith.constant 208 : index
    %get3A_1600 = tpu.vector_load %arg6[%get3A_1598, %get3A_1599] {strides = array<i32>} : memref<10x512xf32, #tpu.memory_space<vmem>>, vector<16xf32>,
    %add3A_1601 = arith.addf %add3A_1596, %get3A_1600 : vector<16xf32>
    %get3A_1602 = arith.constant 3 : i32
    %get3A_1603 = arith.index_cast %get3A_1602 : i32 to index
    %get3A_1604 = arith.constant 208 : index
    %get3A_1605 = tpu.vector_load %arg6[%get3A_1603, %get3A_1604] {strides = array<i32>} : memref<10x512xf32, #tpu.memory_space<vmem>>, vector<16xf32>,
    %add3A_1606 = arith.addf %add3A_1601, %get3A_1605 : vector<16xf32>
    %get3A_1607 = arith.constant 4 : i32
    %get3A_1608 = arith.index_cast %get3A_1607 : i32 to index
    %get3A_1609 = arith.constant 208 : index
    %get3A_1610 = tpu.vector_load %arg6[%get3A_1608, %get3A_1609] {strides = array<i32>} : memref<10x512xf32, #tpu.memory_space<vmem>>, vector<16xf32>,
    %add3A_1611 = arith.addf %add3A_1606, %get3A_1610 : vector<16xf32>
    %get3A_1612 = arith.constant 5 : i32
    %get3A_1613 = arith.index_cast %get3A_1612 : i32 to index
    %get3A_1614 = arith.constant 208 : index
    %get3A_1615 = tpu.vector_load %arg6[%get3A_1613, %get3A_1614] {strides = array<i32>} : memref<10x512xf32, #tpu.memory_space<vmem>>, vector<16xf32>,
    %sub3A_1616 = arith.subf %add3A_1611, %get3A_1615 : vector<16xf32>
    %get3A_1617 = arith.constant 6 : i32
    %get3A_1618 = arith.index_cast %get3A_1617 : i32 to index
    %get3A_1619 = arith.constant 208 : index
    %get3A_1620 = tpu.vector_load %arg6[%get3A_1618, %get3A_1619] {strides = array<i32>} : memref<10x512xf32, #tpu.memory_space<vmem>>, vector<16xf32>,
    %sub3A_1621 = arith.subf %sub3A_1616, %get3A_1620 : vector<16xf32>
    %get3A_1622 = arith.constant 7 : i32
    %get3A_1623 = arith.index_cast %get3A_1622 : i32 to index
    %get3A_1624 = arith.constant 208 : index
    %get3A_1625 = tpu.vector_load %arg6[%get3A_1623, %get3A_1624] {strides = array<i32>} : memref<10x512xf32, #tpu.memory_space<vmem>>, vector<16xf32>,
    %sub3A_1626 = arith.subf %sub3A_1621, %get3A_1625 : vector<16xf32>
    %get3A_1627 = arith.constant 8 : i32
    %get3A_1628 = arith.index_cast %get3A_1627 : i32 to index
    %get3A_1629 = arith.constant 208 : index
    %get3A_1630 = tpu.vector_load %arg6[%get3A_1628, %get3A_1629] {strides = array<i32>} : memref<10x512xf32, #tpu.memory_space<vmem>>, vector<16xf32>,
    %sub3A_1631 = arith.subf %sub3A_1626, %get3A_1630 : vector<16xf32>
    %get3A_1632 = arith.constant 9 : i32
    %get3A_1633 = arith.index_cast %get3A_1632 : i32 to index
    %get3A_1634 = arith.constant 208 : index
    %get3A_1635 = tpu.vector_load %arg6[%get3A_1633, %get3A_1634] {strides = array<i32>} : memref<10x512xf32, #tpu.memory_space<vmem>>, vector<16xf32>,
    %sub3A_1636 = arith.subf %sub3A_1631, %get3A_1635 : vector<16xf32>
    %neg3A_1637 = arith.constant 0.000000e+00 : f32
    %neg3A_1638 = vector.broadcast %neg3A_1637 : f32 to vector<16xf32>
    %neg3A_1639 = arith.subf %neg3A_1638, %sub3A_1636 : vector<16xf32>
    %exp3A_1640 = math.exp %neg3A_1639 : vector<16xf32>
    %add3A_1641 = arith.constant 1.000000e+00 : f32
    %add3A_1642 = vector.broadcast %add3A_1641 : f32 to vector<16xf32>
    %add3A_1643 = arith.addf %add3A_1642, %exp3A_1640 : vector<16xf32>
    %div3A_1644 = arith.constant 1.000000e+00 : f32
    %div3A_1645 = vector.broadcast %div3A_1644 : f32 to vector<16xf32>
    %div3A_1646 = arith.divf %div3A_1645, %add3A_1643 : vector<16xf32>
    %swap3A_1647 = arith.constant 208 : index
    %swap3A_1648 = tpu.vector_load %arg7[%swap3A_1647] {strides = array<i32>} : memref<512xf32, #tpu.memory_space<vmem>>, vector<16xf32>,
    tpu.vector_store %arg7[%swap3A_1647], %div3A_1646 {strides = array<i32>} : memref<512xf32, #tpu.memory_space<vmem>>, vector<16xf32>,
    %get3A_1649 = arith.constant 0 : i32
    %get3A_1650 = arith.index_cast %get3A_1649 : i32 to index
    %get3A_1651 = arith.constant 224 : index
    %get3A_1652 = tpu.vector_load %arg6[%get3A_1650, %get3A_1651] {strides = array<i32>} : memref<10x512xf32, #tpu.memory_space<vmem>>, vector<16xf32>,
    %get3A_1653 = arith.constant 1 : i32
    %get3A_1654 = arith.index_cast %get3A_1653 : i32 to index
    %get3A_1655 = arith.constant 224 : index
    %get3A_1656 = tpu.vector_load %arg6[%get3A_1654, %get3A_1655] {strides = array<i32>} : memref<10x512xf32, #tpu.memory_space<vmem>>, vector<16xf32>,
    %add3A_1657 = arith.addf %get3A_1652, %get3A_1656 : vector<16xf32>
    %get3A_1658 = arith.constant 2 : i32
    %get3A_1659 = arith.index_cast %get3A_1658 : i32 to index
    %get3A_1660 = arith.constant 224 : index
    %get3A_1661 = tpu.vector_load %arg6[%get3A_1659, %get3A_1660] {strides = array<i32>} : memref<10x512xf32, #tpu.memory_space<vmem>>, vector<16xf32>,
    %add3A_1662 = arith.addf %add3A_1657, %get3A_1661 : vector<16xf32>
    %get3A_1663 = arith.constant 3 : i32
    %get3A_1664 = arith.index_cast %get3A_1663 : i32 to index
    %get3A_1665 = arith.constant 224 : index
    %get3A_1666 = tpu.vector_load %arg6[%get3A_1664, %get3A_1665] {strides = array<i32>} : memref<10x512xf32, #tpu.memory_space<vmem>>, vector<16xf32>,
    %add3A_1667 = arith.addf %add3A_1662, %get3A_1666 : vector<16xf32>
    %get3A_1668 = arith.constant 4 : i32
    %get3A_1669 = arith.index_cast %get3A_1668 : i32 to index
    %get3A_1670 = arith.constant 224 : index
    %get3A_1671 = tpu.vector_load %arg6[%get3A_1669, %get3A_1670] {strides = array<i32>} : memref<10x512xf32, #tpu.memory_space<vmem>>, vector<16xf32>,
    %add3A_1672 = arith.addf %add3A_1667, %get3A_1671 : vector<16xf32>
    %get3A_1673 = arith.constant 5 : i32
    %get3A_1674 = arith.index_cast %get3A_1673 : i32 to index
    %get3A_1675 = arith.constant 224 : index
    %get3A_1676 = tpu.vector_load %arg6[%get3A_1674, %get3A_1675] {strides = array<i32>} : memref<10x512xf32, #tpu.memory_space<vmem>>, vector<16xf32>,
    %sub3A_1677 = arith.subf %add3A_1672, %get3A_1676 : vector<16xf32>
    %get3A_1678 = arith.constant 6 : i32
    %get3A_1679 = arith.index_cast %get3A_1678 : i32 to index
    %get3A_1680 = arith.constant 224 : index
    %get3A_1681 = tpu.vector_load %arg6[%get3A_1679, %get3A_1680] {strides = array<i32>} : memref<10x512xf32, #tpu.memory_space<vmem>>, vector<16xf32>,
    %sub3A_1682 = arith.subf %sub3A_1677, %get3A_1681 : vector<16xf32>
    %get3A_1683 = arith.constant 7 : i32
    %get3A_1684 = arith.index_cast %get3A_1683 : i32 to index
    %get3A_1685 = arith.constant 224 : index
    %get3A_1686 = tpu.vector_load %arg6[%get3A_1684, %get3A_1685] {strides = array<i32>} : memref<10x512xf32, #tpu.memory_space<vmem>>, vector<16xf32>,
    %sub3A_1687 = arith.subf %sub3A_1682, %get3A_1686 : vector<16xf32>
    %get3A_1688 = arith.constant 8 : i32
    %get3A_1689 = arith.index_cast %get3A_1688 : i32 to index
    %get3A_1690 = arith.constant 224 : index
    %get3A_1691 = tpu.vector_load %arg6[%get3A_1689, %get3A_1690] {strides = array<i32>} : memref<10x512xf32, #tpu.memory_space<vmem>>, vector<16xf32>,
    %sub3A_1692 = arith.subf %sub3A_1687, %get3A_1691 : vector<16xf32>
    %get3A_1693 = arith.constant 9 : i32
    %get3A_1694 = arith.index_cast %get3A_1693 : i32 to index
    %get3A_1695 = arith.constant 224 : index
    %get3A_1696 = tpu.vector_load %arg6[%get3A_1694, %get3A_1695] {strides = array<i32>} : memref<10x512xf32, #tpu.memory_space<vmem>>, vector<16xf32>,
    %sub3A_1697 = arith.subf %sub3A_1692, %get3A_1696 : vector<16xf32>
    %neg3A_1698 = arith.constant 0.000000e+00 : f32
    %neg3A_1699 = vector.broadcast %neg3A_1698 : f32 to vector<16xf32>
    %neg3A_1700 = arith.subf %neg3A_1699, %sub3A_1697 : vector<16xf32>
    %exp3A_1701 = math.exp %neg3A_1700 : vector<16xf32>
    %add3A_1702 = arith.constant 1.000000e+00 : f32
    %add3A_1703 = vector.broadcast %add3A_1702 : f32 to vector<16xf32>
    %add3A_1704 = arith.addf %add3A_1703, %exp3A_1701 : vector<16xf32>
    %div3A_1705 = arith.constant 1.000000e+00 : f32
    %div3A_1706 = vector.broadcast %div3A_1705 : f32 to vector<16xf32>
    %div3A_1707 = arith.divf %div3A_1706, %add3A_1704 : vector<16xf32>
    %swap3A_1708 = arith.constant 224 : index
    %swap3A_1709 = tpu.vector_load %arg7[%swap3A_1708] {strides = array<i32>} : memref<512xf32, #tpu.memory_space<vmem>>, vector<16xf32>,
    tpu.vector_store %arg7[%swap3A_1708], %div3A_1707 {strides = array<i32>} : memref<512xf32, #tpu.memory_space<vmem>>, vector<16xf32>,
    %get3A_1710 = arith.constant 0 : i32
    %get3A_1711 = arith.index_cast %get3A_1710 : i32 to index
    %get3A_1712 = arith.constant 240 : index
    %get3A_1713 = tpu.vector_load %arg6[%get3A_1711, %get3A_1712] {strides = array<i32>} : memref<10x512xf32, #tpu.memory_space<vmem>>, vector<16xf32>,
    %get3A_1714 = arith.constant 1 : i32
    %get3A_1715 = arith.index_cast %get3A_1714 : i32 to index
    %get3A_1716 = arith.constant 240 : index
    %get3A_1717 = tpu.vector_load %arg6[%get3A_1715, %get3A_1716] {strides = array<i32>} : memref<10x512xf32, #tpu.memory_space<vmem>>, vector<16xf32>,
    %add3A_1718 = arith.addf %get3A_1713, %get3A_1717 : vector<16xf32>
    %get3A_1719 = arith.constant 2 : i32
    %get3A_1720 = arith.index_cast %get3A_1719 : i32 to index
    %get3A_1721 = arith.constant 240 : index
    %get3A_1722 = tpu.vector_load %arg6[%get3A_1720, %get3A_1721] {strides = array<i32>} : memref<10x512xf32, #tpu.memory_space<vmem>>, vector<16xf32>,
    %add3A_1723 = arith.addf %add3A_1718, %get3A_1722 : vector<16xf32>
    %get3A_1724 = arith.constant 3 : i32
    %get3A_1725 = arith.index_cast %get3A_1724 : i32 to index
    %get3A_1726 = arith.constant 240 : index
    %get3A_1727 = tpu.vector_load %arg6[%get3A_1725, %get3A_1726] {strides = array<i32>} : memref<10x512xf32, #tpu.memory_space<vmem>>, vector<16xf32>,
    %add3A_1728 = arith.addf %add3A_1723, %get3A_1727 : vector<16xf32>
    %get3A_1729 = arith.constant 4 : i32
    %get3A_1730 = arith.index_cast %get3A_1729 : i32 to index
    %get3A_1731 = arith.constant 240 : index
    %get3A_1732 = tpu.vector_load %arg6[%get3A_1730, %get3A_1731] {strides = array<i32>} : memref<10x512xf32, #tpu.memory_space<vmem>>, vector<16xf32>,
    %add3A_1733 = arith.addf %add3A_1728, %get3A_1732 : vector<16xf32>
    %get3A_1734 = arith.constant 5 : i32
    %get3A_1735 = arith.index_cast %get3A_1734 : i32 to index
    %get3A_1736 = arith.constant 240 : index
    %get3A_1737 = tpu.vector_load %arg6[%get3A_1735, %get3A_1736] {strides = array<i32>} : memref<10x512xf32, #tpu.memory_space<vmem>>, vector<16xf32>,
    %sub3A_1738 = arith.subf %add3A_1733, %get3A_1737 : vector<16xf32>
    %get3A_1739 = arith.constant 6 : i32
    %get3A_1740 = arith.index_cast %get3A_1739 : i32 to index
    %get3A_1741 = arith.constant 240 : index
    %get3A_1742 = tpu.vector_load %arg6[%get3A_1740, %get3A_1741] {strides = array<i32>} : memref<10x512xf32, #tpu.memory_space<vmem>>, vector<16xf32>,
    %sub3A_1743 = arith.subf %sub3A_1738, %get3A_1742 : vector<16xf32>
    %get3A_1744 = arith.constant 7 : i32
    %get3A_1745 = arith.index_cast %get3A_1744 : i32 to index
    %get3A_1746 = arith.constant 240 : index
    %get3A_1747 = tpu.vector_load %arg6[%get3A_1745, %get3A_1746] {strides = array<i32>} : memref<10x512xf32, #tpu.memory_space<vmem>>, vector<16xf32>,
    %sub3A_1748 = arith.subf %sub3A_1743, %get3A_1747 : vector<16xf32>
    %get3A_1749 = arith.constant 8 : i32
    %get3A_1750 = arith.index_cast %get3A_1749 : i32 to index
    %get3A_1751 = arith.constant 240 : index
    %get3A_1752 = tpu.vector_load %arg6[%get3A_1750, %get3A_1751] {strides = array<i32>} : memref<10x512xf32, #tpu.memory_space<vmem>>, vector<16xf32>,
    %sub3A_1753 = arith.subf %sub3A_1748, %get3A_1752 : vector<16xf32>
    %get3A_1754 = arith.constant 9 : i32
    %get3A_1755 = arith.index_cast %get3A_1754 : i32 to index
    %get3A_1756 = arith.constant 240 : index
    %get3A_1757 = tpu.vector_load %arg6[%get3A_1755, %get3A_1756] {strides = array<i32>} : memref<10x512xf32, #tpu.memory_space<vmem>>, vector<16xf32>,
    %sub3A_1758 = arith.subf %sub3A_1753, %get3A_1757 : vector<16xf32>
    %neg3A_1759 = arith.constant 0.000000e+00 : f32
    %neg3A_1760 = vector.broadcast %neg3A_1759 : f32 to vector<16xf32>
    %neg3A_1761 = arith.subf %neg3A_1760, %sub3A_1758 : vector<16xf32>
    %exp3A_1762 = math.exp %neg3A_1761 : vector<16xf32>
    %add3A_1763 = arith.constant 1.000000e+00 : f32
    %add3A_1764 = vector.broadcast %add3A_1763 : f32 to vector<16xf32>
    %add3A_1765 = arith.addf %add3A_1764, %exp3A_1762 : vector<16xf32>
    %div3A_1766 = arith.constant 1.000000e+00 : f32
    %div3A_1767 = vector.broadcast %div3A_1766 : f32 to vector<16xf32>
    %div3A_1768 = arith.divf %div3A_1767, %add3A_1765 : vector<16xf32>
    %swap3A_1769 = arith.constant 240 : index
    %swap3A_1770 = tpu.vector_load %arg7[%swap3A_1769] {strides = array<i32>} : memref<512xf32, #tpu.memory_space<vmem>>, vector<16xf32>,
    tpu.vector_store %arg7[%swap3A_1769], %div3A_1768 {strides = array<i32>} : memref<512xf32, #tpu.memory_space<vmem>>, vector<16xf32>,
    %get3A_1771 = arith.constant 0 : i32
    %get3A_1772 = arith.index_cast %get3A_1771 : i32 to index
    %get3A_1773 = arith.constant 256 : index
    %get3A_1774 = tpu.vector_load %arg6[%get3A_1772, %get3A_1773] {strides = array<i32>} : memref<10x512xf32, #tpu.memory_space<vmem>>, vector<16xf32>,
    %get3A_1775 = arith.constant 1 : i32
    %get3A_1776 = arith.index_cast %get3A_1775 : i32 to index
    %get3A_1777 = arith.constant 256 : index
    %get3A_1778 = tpu.vector_load %arg6[%get3A_1776, %get3A_1777] {strides = array<i32>} : memref<10x512xf32, #tpu.memory_space<vmem>>, vector<16xf32>,
    %add3A_1779 = arith.addf %get3A_1774, %get3A_1778 : vector<16xf32>
    %get3A_1780 = arith.constant 2 : i32
    %get3A_1781 = arith.index_cast %get3A_1780 : i32 to index
    %get3A_1782 = arith.constant 256 : index
    %get3A_1783 = tpu.vector_load %arg6[%get3A_1781, %get3A_1782] {strides = array<i32>} : memref<10x512xf32, #tpu.memory_space<vmem>>, vector<16xf32>,
    %add3A_1784 = arith.addf %add3A_1779, %get3A_1783 : vector<16xf32>
    %get3A_1785 = arith.constant 3 : i32
    %get3A_1786 = arith.index_cast %get3A_1785 : i32 to index
    %get3A_1787 = arith.constant 256 : index
    %get3A_1788 = tpu.vector_load %arg6[%get3A_1786, %get3A_1787] {strides = array<i32>} : memref<10x512xf32, #tpu.memory_space<vmem>>, vector<16xf32>,
    %add3A_1789 = arith.addf %add3A_1784, %get3A_1788 : vector<16xf32>
    %get3A_1790 = arith.constant 4 : i32
    %get3A_1791 = arith.index_cast %get3A_1790 : i32 to index
    %get3A_1792 = arith.constant 256 : index
    %get3A_1793 = tpu.vector_load %arg6[%get3A_1791, %get3A_1792] {strides = array<i32>} : memref<10x512xf32, #tpu.memory_space<vmem>>, vector<16xf32>,
    %add3A_1794 = arith.addf %add3A_1789, %get3A_1793 : vector<16xf32>
    %get3A_1795 = arith.constant 5 : i32
    %get3A_1796 = arith.index_cast %get3A_1795 : i32 to index
    %get3A_1797 = arith.constant 256 : index
    %get3A_1798 = tpu.vector_load %arg6[%get3A_1796, %get3A_1797] {strides = array<i32>} : memref<10x512xf32, #tpu.memory_space<vmem>>, vector<16xf32>,
    %sub3A_1799 = arith.subf %add3A_1794, %get3A_1798 : vector<16xf32>
    %get3A_1800 = arith.constant 6 : i32
    %get3A_1801 = arith.index_cast %get3A_1800 : i32 to index
    %get3A_1802 = arith.constant 256 : index
    %get3A_1803 = tpu.vector_load %arg6[%get3A_1801, %get3A_1802] {strides = array<i32>} : memref<10x512xf32, #tpu.memory_space<vmem>>, vector<16xf32>,
    %sub3A_1804 = arith.subf %sub3A_1799, %get3A_1803 : vector<16xf32>
    %get3A_1805 = arith.constant 7 : i32
    %get3A_1806 = arith.index_cast %get3A_1805 : i32 to index
    %get3A_1807 = arith.constant 256 : index
    %get3A_1808 = tpu.vector_load %arg6[%get3A_1806, %get3A_1807] {strides = array<i32>} : memref<10x512xf32, #tpu.memory_space<vmem>>, vector<16xf32>,
    %sub3A_1809 = arith.subf %sub3A_1804, %get3A_1808 : vector<16xf32>
    %get3A_1810 = arith.constant 8 : i32
    %get3A_1811 = arith.index_cast %get3A_1810 : i32 to index
    %get3A_1812 = arith.constant 256 : index
    %get3A_1813 = tpu.vector_load %arg6[%get3A_1811, %get3A_1812] {strides = array<i32>} : memref<10x512xf32, #tpu.memory_space<vmem>>, vector<16xf32>,
    %sub3A_1814 = arith.subf %sub3A_1809, %get3A_1813 : vector<16xf32>
    %get3A_1815 = arith.constant 9 : i32
    %get3A_1816 = arith.index_cast %get3A_1815 : i32 to index
    %get3A_1817 = arith.constant 256 : index
    %get3A_1818 = tpu.vector_load %arg6[%get3A_1816, %get3A_1817] {strides = array<i32>} : memref<10x512xf32, #tpu.memory_space<vmem>>, vector<16xf32>,
    %sub3A_1819 = arith.subf %sub3A_1814, %get3A_1818 : vector<16xf32>
    %neg3A_1820 = arith.constant 0.000000e+00 : f32
    %neg3A_1821 = vector.broadcast %neg3A_1820 : f32 to vector<16xf32>
    %neg3A_1822 = arith.subf %neg3A_1821, %sub3A_1819 : vector<16xf32>
    %exp3A_1823 = math.exp %neg3A_1822 : vector<16xf32>
    %add3A_1824 = arith.constant 1.000000e+00 : f32
    %add3A_1825 = vector.broadcast %add3A_1824 : f32 to vector<16xf32>
    %add3A_1826 = arith.addf %add3A_1825, %exp3A_1823 : vector<16xf32>
    %div3A_1827 = arith.constant 1.000000e+00 : f32
    %div3A_1828 = vector.broadcast %div3A_1827 : f32 to vector<16xf32>
    %div3A_1829 = arith.divf %div3A_1828, %add3A_1826 : vector<16xf32>
    %swap3A_1830 = arith.constant 256 : index
    %swap3A_1831 = tpu.vector_load %arg7[%swap3A_1830] {strides = array<i32>} : memref<512xf32, #tpu.memory_space<vmem>>, vector<16xf32>,
    tpu.vector_store %arg7[%swap3A_1830], %div3A_1829 {strides = array<i32>} : memref<512xf32, #tpu.memory_space<vmem>>, vector<16xf32>,
    %get3A_1832 = arith.constant 0 : i32
    %get3A_1833 = arith.index_cast %get3A_1832 : i32 to index
    %get3A_1834 = arith.constant 272 : index
    %get3A_1835 = tpu.vector_load %arg6[%get3A_1833, %get3A_1834] {strides = array<i32>} : memref<10x512xf32, #tpu.memory_space<vmem>>, vector<16xf32>,
    %get3A_1836 = arith.constant 1 : i32
    %get3A_1837 = arith.index_cast %get3A_1836 : i32 to index
    %get3A_1838 = arith.constant 272 : index
    %get3A_1839 = tpu.vector_load %arg6[%get3A_1837, %get3A_1838] {strides = array<i32>} : memref<10x512xf32, #tpu.memory_space<vmem>>, vector<16xf32>,
    %add3A_1840 = arith.addf %get3A_1835, %get3A_1839 : vector<16xf32>
    %get3A_1841 = arith.constant 2 : i32
    %get3A_1842 = arith.index_cast %get3A_1841 : i32 to index
    %get3A_1843 = arith.constant 272 : index
    %get3A_1844 = tpu.vector_load %arg6[%get3A_1842, %get3A_1843] {strides = array<i32>} : memref<10x512xf32, #tpu.memory_space<vmem>>, vector<16xf32>,
    %add3A_1845 = arith.addf %add3A_1840, %get3A_1844 : vector<16xf32>
    %get3A_1846 = arith.constant 3 : i32
    %get3A_1847 = arith.index_cast %get3A_1846 : i32 to index
    %get3A_1848 = arith.constant 272 : index
    %get3A_1849 = tpu.vector_load %arg6[%get3A_1847, %get3A_1848] {strides = array<i32>} : memref<10x512xf32, #tpu.memory_space<vmem>>, vector<16xf32>,
    %add3A_1850 = arith.addf %add3A_1845, %get3A_1849 : vector<16xf32>
    %get3A_1851 = arith.constant 4 : i32
    %get3A_1852 = arith.index_cast %get3A_1851 : i32 to index
    %get3A_1853 = arith.constant 272 : index
    %get3A_1854 = tpu.vector_load %arg6[%get3A_1852, %get3A_1853] {strides = array<i32>} : memref<10x512xf32, #tpu.memory_space<vmem>>, vector<16xf32>,
    %add3A_1855 = arith.addf %add3A_1850, %get3A_1854 : vector<16xf32>
    %get3A_1856 = arith.constant 5 : i32
    %get3A_1857 = arith.index_cast %get3A_1856 : i32 to index
    %get3A_1858 = arith.constant 272 : index
    %get3A_1859 = tpu.vector_load %arg6[%get3A_1857, %get3A_1858] {strides = array<i32>} : memref<10x512xf32, #tpu.memory_space<vmem>>, vector<16xf32>,
    %sub3A_1860 = arith.subf %add3A_1855, %get3A_1859 : vector<16xf32>
    %get3A_1861 = arith.constant 6 : i32
    %get3A_1862 = arith.index_cast %get3A_1861 : i32 to index
    %get3A_1863 = arith.constant 272 : index
    %get3A_1864 = tpu.vector_load %arg6[%get3A_1862, %get3A_1863] {strides = array<i32>} : memref<10x512xf32, #tpu.memory_space<vmem>>, vector<16xf32>,
    %sub3A_1865 = arith.subf %sub3A_1860, %get3A_1864 : vector<16xf32>
    %get3A_1866 = arith.constant 7 : i32
    %get3A_1867 = arith.index_cast %get3A_1866 : i32 to index
    %get3A_1868 = arith.constant 272 : index
    %get3A_1869 = tpu.vector_load %arg6[%get3A_1867, %get3A_1868] {strides = array<i32>} : memref<10x512xf32, #tpu.memory_space<vmem>>, vector<16xf32>,
    %sub3A_1870 = arith.subf %sub3A_1865, %get3A_1869 : vector<16xf32>
    %get3A_1871 = arith.constant 8 : i32
    %get3A_1872 = arith.index_cast %get3A_1871 : i32 to index
    %get3A_1873 = arith.constant 272 : index
    %get3A_1874 = tpu.vector_load %arg6[%get3A_1872, %get3A_1873] {strides = array<i32>} : memref<10x512xf32, #tpu.memory_space<vmem>>, vector<16xf32>,
    %sub3A_1875 = arith.subf %sub3A_1870, %get3A_1874 : vector<16xf32>
    %get3A_1876 = arith.constant 9 : i32
    %get3A_1877 = arith.index_cast %get3A_1876 : i32 to index
    %get3A_1878 = arith.constant 272 : index
    %get3A_1879 = tpu.vector_load %arg6[%get3A_1877, %get3A_1878] {strides = array<i32>} : memref<10x512xf32, #tpu.memory_space<vmem>>, vector<16xf32>,
    %sub3A_1880 = arith.subf %sub3A_1875, %get3A_1879 : vector<16xf32>
    %neg3A_1881 = arith.constant 0.000000e+00 : f32
    %neg3A_1882 = vector.broadcast %neg3A_1881 : f32 to vector<16xf32>
    %neg3A_1883 = arith.subf %neg3A_1882, %sub3A_1880 : vector<16xf32>
    %exp3A_1884 = math.exp %neg3A_1883 : vector<16xf32>
    %add3A_1885 = arith.constant 1.000000e+00 : f32
    %add3A_1886 = vector.broadcast %add3A_1885 : f32 to vector<16xf32>
    %add3A_1887 = arith.addf %add3A_1886, %exp3A_1884 : vector<16xf32>
    %div3A_1888 = arith.constant 1.000000e+00 : f32
    %div3A_1889 = vector.broadcast %div3A_1888 : f32 to vector<16xf32>
    %div3A_1890 = arith.divf %div3A_1889, %add3A_1887 : vector<16xf32>
    %swap3A_1891 = arith.constant 272 : index
    %swap3A_1892 = tpu.vector_load %arg7[%swap3A_1891] {strides = array<i32>} : memref<512xf32, #tpu.memory_space<vmem>>, vector<16xf32>,
    tpu.vector_store %arg7[%swap3A_1891], %div3A_1890 {strides = array<i32>} : memref<512xf32, #tpu.memory_space<vmem>>, vector<16xf32>,
    %get3A_1893 = arith.constant 0 : i32
    %get3A_1894 = arith.index_cast %get3A_1893 : i32 to index
    %get3A_1895 = arith.constant 288 : index
    %get3A_1896 = tpu.vector_load %arg6[%get3A_1894, %get3A_1895] {strides = array<i32>} : memref<10x512xf32, #tpu.memory_space<vmem>>, vector<16xf32>,
    %get3A_1897 = arith.constant 1 : i32
    %get3A_1898 = arith.index_cast %get3A_1897 : i32 to index
    %get3A_1899 = arith.constant 288 : index
    %get3A_1900 = tpu.vector_load %arg6[%get3A_1898, %get3A_1899] {strides = array<i32>} : memref<10x512xf32, #tpu.memory_space<vmem>>, vector<16xf32>,
    %add3A_1901 = arith.addf %get3A_1896, %get3A_1900 : vector<16xf32>
    %get3A_1902 = arith.constant 2 : i32
    %get3A_1903 = arith.index_cast %get3A_1902 : i32 to index
    %get3A_1904 = arith.constant 288 : index
    %get3A_1905 = tpu.vector_load %arg6[%get3A_1903, %get3A_1904] {strides = array<i32>} : memref<10x512xf32, #tpu.memory_space<vmem>>, vector<16xf32>,
    %add3A_1906 = arith.addf %add3A_1901, %get3A_1905 : vector<16xf32>
    %get3A_1907 = arith.constant 3 : i32
    %get3A_1908 = arith.index_cast %get3A_1907 : i32 to index
    %get3A_1909 = arith.constant 288 : index
    %get3A_1910 = tpu.vector_load %arg6[%get3A_1908, %get3A_1909] {strides = array<i32>} : memref<10x512xf32, #tpu.memory_space<vmem>>, vector<16xf32>,
    %add3A_1911 = arith.addf %add3A_1906, %get3A_1910 : vector<16xf32>
    %get3A_1912 = arith.constant 4 : i32
    %get3A_1913 = arith.index_cast %get3A_1912 : i32 to index
    %get3A_1914 = arith.constant 288 : index
    %get3A_1915 = tpu.vector_load %arg6[%get3A_1913, %get3A_1914] {strides = array<i32>} : memref<10x512xf32, #tpu.memory_space<vmem>>, vector<16xf32>,
    %add3A_1916 = arith.addf %add3A_1911, %get3A_1915 : vector<16xf32>
    %get3A_1917 = arith.constant 5 : i32
    %get3A_1918 = arith.index_cast %get3A_1917 : i32 to index
    %get3A_1919 = arith.constant 288 : index
    %get3A_1920 = tpu.vector_load %arg6[%get3A_1918, %get3A_1919] {strides = array<i32>} : memref<10x512xf32, #tpu.memory_space<vmem>>, vector<16xf32>,
    %sub3A_1921 = arith.subf %add3A_1916, %get3A_1920 : vector<16xf32>
    %get3A_1922 = arith.constant 6 : i32
    %get3A_1923 = arith.index_cast %get3A_1922 : i32 to index
    %get3A_1924 = arith.constant 288 : index
    %get3A_1925 = tpu.vector_load %arg6[%get3A_1923, %get3A_1924] {strides = array<i32>} : memref<10x512xf32, #tpu.memory_space<vmem>>, vector<16xf32>,
    %sub3A_1926 = arith.subf %sub3A_1921, %get3A_1925 : vector<16xf32>
    %get3A_1927 = arith.constant 7 : i32
    %get3A_1928 = arith.index_cast %get3A_1927 : i32 to index
    %get3A_1929 = arith.constant 288 : index
    %get3A_1930 = tpu.vector_load %arg6[%get3A_1928, %get3A_1929] {strides = array<i32>} : memref<10x512xf32, #tpu.memory_space<vmem>>, vector<16xf32>,
    %sub3A_1931 = arith.subf %sub3A_1926, %get3A_1930 : vector<16xf32>
    %get3A_1932 = arith.constant 8 : i32
    %get3A_1933 = arith.index_cast %get3A_1932 : i32 to index
    %get3A_1934 = arith.constant 288 : index
    %get3A_1935 = tpu.vector_load %arg6[%get3A_1933, %get3A_1934] {strides = array<i32>} : memref<10x512xf32, #tpu.memory_space<vmem>>, vector<16xf32>,
    %sub3A_1936 = arith.subf %sub3A_1931, %get3A_1935 : vector<16xf32>
    %get3A_1937 = arith.constant 9 : i32
    %get3A_1938 = arith.index_cast %get3A_1937 : i32 to index
    %get3A_1939 = arith.constant 288 : index
    %get3A_1940 = tpu.vector_load %arg6[%get3A_1938, %get3A_1939] {strides = array<i32>} : memref<10x512xf32, #tpu.memory_space<vmem>>, vector<16xf32>,
    %sub3A_1941 = arith.subf %sub3A_1936, %get3A_1940 : vector<16xf32>
    %neg3A_1942 = arith.constant 0.000000e+00 : f32
    %neg3A_1943 = vector.broadcast %neg3A_1942 : f32 to vector<16xf32>
    %neg3A_1944 = arith.subf %neg3A_1943, %sub3A_1941 : vector<16xf32>
    %exp3A_1945 = math.exp %neg3A_1944 : vector<16xf32>
    %add3A_1946 = arith.constant 1.000000e+00 : f32
    %add3A_1947 = vector.broadcast %add3A_1946 : f32 to vector<16xf32>
    %add3A_1948 = arith.addf %add3A_1947, %exp3A_1945 : vector<16xf32>
    %div3A_1949 = arith.constant 1.000000e+00 : f32
    %div3A_1950 = vector.broadcast %div3A_1949 : f32 to vector<16xf32>
    %div3A_1951 = arith.divf %div3A_1950, %add3A_1948 : vector<16xf32>
    %swap3A_1952 = arith.constant 288 : index
    %swap3A_1953 = tpu.vector_load %arg7[%swap3A_1952] {strides = array<i32>} : memref<512xf32, #tpu.memory_space<vmem>>, vector<16xf32>,
    tpu.vector_store %arg7[%swap3A_1952], %div3A_1951 {strides = array<i32>} : memref<512xf32, #tpu.memory_space<vmem>>, vector<16xf32>,
    %get3A_1954 = arith.constant 0 : i32
    %get3A_1955 = arith.index_cast %get3A_1954 : i32 to index
    %get3A_1956 = arith.constant 304 : index
    %get3A_1957 = tpu.vector_load %arg6[%get3A_1955, %get3A_1956] {strides = array<i32>} : memref<10x512xf32, #tpu.memory_space<vmem>>, vector<16xf32>,
    %get3A_1958 = arith.constant 1 : i32
    %get3A_1959 = arith.index_cast %get3A_1958 : i32 to index
    %get3A_1960 = arith.constant 304 : index
    %get3A_1961 = tpu.vector_load %arg6[%get3A_1959, %get3A_1960] {strides = array<i32>} : memref<10x512xf32, #tpu.memory_space<vmem>>, vector<16xf32>,
    %add3A_1962 = arith.addf %get3A_1957, %get3A_1961 : vector<16xf32>
    %get3A_1963 = arith.constant 2 : i32
    %get3A_1964 = arith.index_cast %get3A_1963 : i32 to index
    %get3A_1965 = arith.constant 304 : index
    %get3A_1966 = tpu.vector_load %arg6[%get3A_1964, %get3A_1965] {strides = array<i32>} : memref<10x512xf32, #tpu.memory_space<vmem>>, vector<16xf32>,
    %add3A_1967 = arith.addf %add3A_1962, %get3A_1966 : vector<16xf32>
    %get3A_1968 = arith.constant 3 : i32
    %get3A_1969 = arith.index_cast %get3A_1968 : i32 to index
    %get3A_1970 = arith.constant 304 : index
    %get3A_1971 = tpu.vector_load %arg6[%get3A_1969, %get3A_1970] {strides = array<i32>} : memref<10x512xf32, #tpu.memory_space<vmem>>, vector<16xf32>,
    %add3A_1972 = arith.addf %add3A_1967, %get3A_1971 : vector<16xf32>
    %get3A_1973 = arith.constant 4 : i32
    %get3A_1974 = arith.index_cast %get3A_1973 : i32 to index
    %get3A_1975 = arith.constant 304 : index
    %get3A_1976 = tpu.vector_load %arg6[%get3A_1974, %get3A_1975] {strides = array<i32>} : memref<10x512xf32, #tpu.memory_space<vmem>>, vector<16xf32>,
    %add3A_1977 = arith.addf %add3A_1972, %get3A_1976 : vector<16xf32>
    %get3A_1978 = arith.constant 5 : i32
    %get3A_1979 = arith.index_cast %get3A_1978 : i32 to index
    %get3A_1980 = arith.constant 304 : index
    %get3A_1981 = tpu.vector_load %arg6[%get3A_1979, %get3A_1980] {strides = array<i32>} : memref<10x512xf32, #tpu.memory_space<vmem>>, vector<16xf32>,
    %sub3A_1982 = arith.subf %add3A_1977, %get3A_1981 : vector<16xf32>
    %get3A_1983 = arith.constant 6 : i32
    %get3A_1984 = arith.index_cast %get3A_1983 : i32 to index
    %get3A_1985 = arith.constant 304 : index
    %get3A_1986 = tpu.vector_load %arg6[%get3A_1984, %get3A_1985] {strides = array<i32>} : memref<10x512xf32, #tpu.memory_space<vmem>>, vector<16xf32>,
    %sub3A_1987 = arith.subf %sub3A_1982, %get3A_1986 : vector<16xf32>
    %get3A_1988 = arith.constant 7 : i32
    %get3A_1989 = arith.index_cast %get3A_1988 : i32 to index
    %get3A_1990 = arith.constant 304 : index
    %get3A_1991 = tpu.vector_load %arg6[%get3A_1989, %get3A_1990] {strides = array<i32>} : memref<10x512xf32, #tpu.memory_space<vmem>>, vector<16xf32>,
    %sub3A_1992 = arith.subf %sub3A_1987, %get3A_1991 : vector<16xf32>
    %get3A_1993 = arith.constant 8 : i32
    %get3A_1994 = arith.index_cast %get3A_1993 : i32 to index
    %get3A_1995 = arith.constant 304 : index
    %get3A_1996 = tpu.vector_load %arg6[%get3A_1994, %get3A_1995] {strides = array<i32>} : memref<10x512xf32, #tpu.memory_space<vmem>>, vector<16xf32>,
    %sub3A_1997 = arith.subf %sub3A_1992, %get3A_1996 : vector<16xf32>
    %get3A_1998 = arith.constant 9 : i32
    %get3A_1999 = arith.index_cast %get3A_1998 : i32 to index
    %get3A_2000 = arith.constant 304 : index
    %get3A_2001 = tpu.vector_load %arg6[%get3A_1999, %get3A_2000] {strides = array<i32>} : memref<10x512xf32, #tpu.memory_space<vmem>>, vector<16xf32>,
    %sub3A_2002 = arith.subf %sub3A_1997, %get3A_2001 : vector<16xf32>
    %neg3A_2003 = arith.constant 0.000000e+00 : f32
    %neg3A_2004 = vector.broadcast %neg3A_2003 : f32 to vector<16xf32>
    %neg3A_2005 = arith.subf %neg3A_2004, %sub3A_2002 : vector<16xf32>
    %exp3A_2006 = math.exp %neg3A_2005 : vector<16xf32>
    %add3A_2007 = arith.constant 1.000000e+00 : f32
    %add3A_2008 = vector.broadcast %add3A_2007 : f32 to vector<16xf32>
    %add3A_2009 = arith.addf %add3A_2008, %exp3A_2006 : vector<16xf32>
    %div3A_2010 = arith.constant 1.000000e+00 : f32
    %div3A_2011 = vector.broadcast %div3A_2010 : f32 to vector<16xf32>
    %div3A_2012 = arith.divf %div3A_2011, %add3A_2009 : vector<16xf32>
    %swap3A_2013 = arith.constant 304 : index
    %swap3A_2014 = tpu.vector_load %arg7[%swap3A_2013] {strides = array<i32>} : memref<512xf32, #tpu.memory_space<vmem>>, vector<16xf32>,
    tpu.vector_store %arg7[%swap3A_2013], %div3A_2012 {strides = array<i32>} : memref<512xf32, #tpu.memory_space<vmem>>, vector<16xf32>,
    %get3A_2015 = arith.constant 0 : i32
    %get3A_2016 = arith.index_cast %get3A_2015 : i32 to index
    %get3A_2017 = arith.constant 320 : index
    %get3A_2018 = tpu.vector_load %arg6[%get3A_2016, %get3A_2017] {strides = array<i32>} : memref<10x512xf32, #tpu.memory_space<vmem>>, vector<16xf32>,
    %get3A_2019 = arith.constant 1 : i32
    %get3A_2020 = arith.index_cast %get3A_2019 : i32 to index
    %get3A_2021 = arith.constant 320 : index
    %get3A_2022 = tpu.vector_load %arg6[%get3A_2020, %get3A_2021] {strides = array<i32>} : memref<10x512xf32, #tpu.memory_space<vmem>>, vector<16xf32>,
    %add3A_2023 = arith.addf %get3A_2018, %get3A_2022 : vector<16xf32>
    %get3A_2024 = arith.constant 2 : i32
    %get3A_2025 = arith.index_cast %get3A_2024 : i32 to index
    %get3A_2026 = arith.constant 320 : index
    %get3A_2027 = tpu.vector_load %arg6[%get3A_2025, %get3A_2026] {strides = array<i32>} : memref<10x512xf32, #tpu.memory_space<vmem>>, vector<16xf32>,
    %add3A_2028 = arith.addf %add3A_2023, %get3A_2027 : vector<16xf32>
    %get3A_2029 = arith.constant 3 : i32
    %get3A_2030 = arith.index_cast %get3A_2029 : i32 to index
    %get3A_2031 = arith.constant 320 : index
    %get3A_2032 = tpu.vector_load %arg6[%get3A_2030, %get3A_2031] {strides = array<i32>} : memref<10x512xf32, #tpu.memory_space<vmem>>, vector<16xf32>,
    %add3A_2033 = arith.addf %add3A_2028, %get3A_2032 : vector<16xf32>
    %get3A_2034 = arith.constant 4 : i32
    %get3A_2035 = arith.index_cast %get3A_2034 : i32 to index
    %get3A_2036 = arith.constant 320 : index
    %get3A_2037 = tpu.vector_load %arg6[%get3A_2035, %get3A_2036] {strides = array<i32>} : memref<10x512xf32, #tpu.memory_space<vmem>>, vector<16xf32>,
    %add3A_2038 = arith.addf %add3A_2033, %get3A_2037 : vector<16xf32>
    %get3A_2039 = arith.constant 5 : i32
    %get3A_2040 = arith.index_cast %get3A_2039 : i32 to index
    %get3A_2041 = arith.constant 320 : index
    %get3A_2042 = tpu.vector_load %arg6[%get3A_2040, %get3A_2041] {strides = array<i32>} : memref<10x512xf32, #tpu.memory_space<vmem>>, vector<16xf32>,
    %sub3A_2043 = arith.subf %add3A_2038, %get3A_2042 : vector<16xf32>
    %get3A_2044 = arith.constant 6 : i32
    %get3A_2045 = arith.index_cast %get3A_2044 : i32 to index
    %get3A_2046 = arith.constant 320 : index
    %get3A_2047 = tpu.vector_load %arg6[%get3A_2045, %get3A_2046] {strides = array<i32>} : memref<10x512xf32, #tpu.memory_space<vmem>>, vector<16xf32>,
    %sub3A_2048 = arith.subf %sub3A_2043, %get3A_2047 : vector<16xf32>
    %get3A_2049 = arith.constant 7 : i32
    %get3A_2050 = arith.index_cast %get3A_2049 : i32 to index
    %get3A_2051 = arith.constant 320 : index
    %get3A_2052 = tpu.vector_load %arg6[%get3A_2050, %get3A_2051] {strides = array<i32>} : memref<10x512xf32, #tpu.memory_space<vmem>>, vector<16xf32>,
    %sub3A_2053 = arith.subf %sub3A_2048, %get3A_2052 : vector<16xf32>
    %get3A_2054 = arith.constant 8 : i32
    %get3A_2055 = arith.index_cast %get3A_2054 : i32 to index
    %get3A_2056 = arith.constant 320 : index
    %get3A_2057 = tpu.vector_load %arg6[%get3A_2055, %get3A_2056] {strides = array<i32>} : memref<10x512xf32, #tpu.memory_space<vmem>>, vector<16xf32>,
    %sub3A_2058 = arith.subf %sub3A_2053, %get3A_2057 : vector<16xf32>
    %get3A_2059 = arith.constant 9 : i32
    %get3A_2060 = arith.index_cast %get3A_2059 : i32 to index
    %get3A_2061 = arith.constant 320 : index
    %get3A_2062 = tpu.vector_load %arg6[%get3A_2060, %get3A_2061] {strides = array<i32>} : memref<10x512xf32, #tpu.memory_space<vmem>>, vector<16xf32>,
    %sub3A_2063 = arith.subf %sub3A_2058, %get3A_2062 : vector<16xf32>
    %neg3A_2064 = arith.constant 0.000000e+00 : f32
    %neg3A_2065 = vector.broadcast %neg3A_2064 : f32 to vector<16xf32>
    %neg3A_2066 = arith.subf %neg3A_2065, %sub3A_2063 : vector<16xf32>
    %exp3A_2067 = math.exp %neg3A_2066 : vector<16xf32>
    %add3A_2068 = arith.constant 1.000000e+00 : f32
    %add3A_2069 = vector.broadcast %add3A_2068 : f32 to vector<16xf32>
    %add3A_2070 = arith.addf %add3A_2069, %exp3A_2067 : vector<16xf32>
    %div3A_2071 = arith.constant 1.000000e+00 : f32
    %div3A_2072 = vector.broadcast %div3A_2071 : f32 to vector<16xf32>
    %div3A_2073 = arith.divf %div3A_2072, %add3A_2070 : vector<16xf32>
    %swap3A_2074 = arith.constant 320 : index
    %swap3A_2075 = tpu.vector_load %arg7[%swap3A_2074] {strides = array<i32>} : memref<512xf32, #tpu.memory_space<vmem>>, vector<16xf32>,
    tpu.vector_store %arg7[%swap3A_2074], %div3A_2073 {strides = array<i32>} : memref<512xf32, #tpu.memory_space<vmem>>, vector<16xf32>,
    %get3A_2076 = arith.constant 0 : i32
    %get3A_2077 = arith.index_cast %get3A_2076 : i32 to index
    %get3A_2078 = arith.constant 336 : index
    %get3A_2079 = tpu.vector_load %arg6[%get3A_2077, %get3A_2078] {strides = array<i32>} : memref<10x512xf32, #tpu.memory_space<vmem>>, vector<16xf32>,
    %get3A_2080 = arith.constant 1 : i32
    %get3A_2081 = arith.index_cast %get3A_2080 : i32 to index
    %get3A_2082 = arith.constant 336 : index
    %get3A_2083 = tpu.vector_load %arg6[%get3A_2081, %get3A_2082] {strides = array<i32>} : memref<10x512xf32, #tpu.memory_space<vmem>>, vector<16xf32>,
    %add3A_2084 = arith.addf %get3A_2079, %get3A_2083 : vector<16xf32>
    %get3A_2085 = arith.constant 2 : i32
    %get3A_2086 = arith.index_cast %get3A_2085 : i32 to index
    %get3A_2087 = arith.constant 336 : index
    %get3A_2088 = tpu.vector_load %arg6[%get3A_2086, %get3A_2087] {strides = array<i32>} : memref<10x512xf32, #tpu.memory_space<vmem>>, vector<16xf32>,
    %add3A_2089 = arith.addf %add3A_2084, %get3A_2088 : vector<16xf32>
    %get3A_2090 = arith.constant 3 : i32
    %get3A_2091 = arith.index_cast %get3A_2090 : i32 to index
    %get3A_2092 = arith.constant 336 : index
    %get3A_2093 = tpu.vector_load %arg6[%get3A_2091, %get3A_2092] {strides = array<i32>} : memref<10x512xf32, #tpu.memory_space<vmem>>, vector<16xf32>,
    %add3A_2094 = arith.addf %add3A_2089, %get3A_2093 : vector<16xf32>
    %get3A_2095 = arith.constant 4 : i32
    %get3A_2096 = arith.index_cast %get3A_2095 : i32 to index
    %get3A_2097 = arith.constant 336 : index
    %get3A_2098 = tpu.vector_load %arg6[%get3A_2096, %get3A_2097] {strides = array<i32>} : memref<10x512xf32, #tpu.memory_space<vmem>>, vector<16xf32>,
    %add3A_2099 = arith.addf %add3A_2094, %get3A_2098 : vector<16xf32>
    %get3A_2100 = arith.constant 5 : i32
    %get3A_2101 = arith.index_cast %get3A_2100 : i32 to index
    %get3A_2102 = arith.constant 336 : index
    %get3A_2103 = tpu.vector_load %arg6[%get3A_2101, %get3A_2102] {strides = array<i32>} : memref<10x512xf32, #tpu.memory_space<vmem>>, vector<16xf32>,
    %sub3A_2104 = arith.subf %add3A_2099, %get3A_2103 : vector<16xf32>
    %get3A_2105 = arith.constant 6 : i32
    %get3A_2106 = arith.index_cast %get3A_2105 : i32 to index
    %get3A_2107 = arith.constant 336 : index
    %get3A_2108 = tpu.vector_load %arg6[%get3A_2106, %get3A_2107] {strides = array<i32>} : memref<10x512xf32, #tpu.memory_space<vmem>>, vector<16xf32>,
    %sub3A_2109 = arith.subf %sub3A_2104, %get3A_2108 : vector<16xf32>
    %get3A_2110 = arith.constant 7 : i32
    %get3A_2111 = arith.index_cast %get3A_2110 : i32 to index
    %get3A_2112 = arith.constant 336 : index
    %get3A_2113 = tpu.vector_load %arg6[%get3A_2111, %get3A_2112] {strides = array<i32>} : memref<10x512xf32, #tpu.memory_space<vmem>>, vector<16xf32>,
    %sub3A_2114 = arith.subf %sub3A_2109, %get3A_2113 : vector<16xf32>
    %get3A_2115 = arith.constant 8 : i32
    %get3A_2116 = arith.index_cast %get3A_2115 : i32 to index
    %get3A_2117 = arith.constant 336 : index
    %get3A_2118 = tpu.vector_load %arg6[%get3A_2116, %get3A_2117] {strides = array<i32>} : memref<10x512xf32, #tpu.memory_space<vmem>>, vector<16xf32>,
    %sub3A_2119 = arith.subf %sub3A_2114, %get3A_2118 : vector<16xf32>
    %get3A_2120 = arith.constant 9 : i32
    %get3A_2121 = arith.index_cast %get3A_2120 : i32 to index
    %get3A_2122 = arith.constant 336 : index
    %get3A_2123 = tpu.vector_load %arg6[%get3A_2121, %get3A_2122] {strides = array<i32>} : memref<10x512xf32, #tpu.memory_space<vmem>>, vector<16xf32>,
    %sub3A_2124 = arith.subf %sub3A_2119, %get3A_2123 : vector<16xf32>
    %neg3A_2125 = arith.constant 0.000000e+00 : f32
    %neg3A_2126 = vector.broadcast %neg3A_2125 : f32 to vector<16xf32>
    %neg3A_2127 = arith.subf %neg3A_2126, %sub3A_2124 : vector<16xf32>
    %exp3A_2128 = math.exp %neg3A_2127 : vector<16xf32>
    %add3A_2129 = arith.constant 1.000000e+00 : f32
    %add3A_2130 = vector.broadcast %add3A_2129 : f32 to vector<16xf32>
    %add3A_2131 = arith.addf %add3A_2130, %exp3A_2128 : vector<16xf32>
    %div3A_2132 = arith.constant 1.000000e+00 : f32
    %div3A_2133 = vector.broadcast %div3A_2132 : f32 to vector<16xf32>
    %div3A_2134 = arith.divf %div3A_2133, %add3A_2131 : vector<16xf32>
    %swap3A_2135 = arith.constant 336 : index
    %swap3A_2136 = tpu.vector_load %arg7[%swap3A_2135] {strides = array<i32>} : memref<512xf32, #tpu.memory_space<vmem>>, vector<16xf32>,
    tpu.vector_store %arg7[%swap3A_2135], %div3A_2134 {strides = array<i32>} : memref<512xf32, #tpu.memory_space<vmem>>, vector<16xf32>,
    %get3A_2137 = arith.constant 0 : i32
    %get3A_2138 = arith.index_cast %get3A_2137 : i32 to index
    %get3A_2139 = arith.constant 352 : index
    %get3A_2140 = tpu.vector_load %arg6[%get3A_2138, %get3A_2139] {strides = array<i32>} : memref<10x512xf32, #tpu.memory_space<vmem>>, vector<16xf32>,
    %get3A_2141 = arith.constant 1 : i32
    %get3A_2142 = arith.index_cast %get3A_2141 : i32 to index
    %get3A_2143 = arith.constant 352 : index
    %get3A_2144 = tpu.vector_load %arg6[%get3A_2142, %get3A_2143] {strides = array<i32>} : memref<10x512xf32, #tpu.memory_space<vmem>>, vector<16xf32>,
    %add3A_2145 = arith.addf %get3A_2140, %get3A_2144 : vector<16xf32>
    %get3A_2146 = arith.constant 2 : i32
    %get3A_2147 = arith.index_cast %get3A_2146 : i32 to index
    %get3A_2148 = arith.constant 352 : index
    %get3A_2149 = tpu.vector_load %arg6[%get3A_2147, %get3A_2148] {strides = array<i32>} : memref<10x512xf32, #tpu.memory_space<vmem>>, vector<16xf32>,
    %add3A_2150 = arith.addf %add3A_2145, %get3A_2149 : vector<16xf32>
    %get3A_2151 = arith.constant 3 : i32
    %get3A_2152 = arith.index_cast %get3A_2151 : i32 to index
    %get3A_2153 = arith.constant 352 : index
    %get3A_2154 = tpu.vector_load %arg6[%get3A_2152, %get3A_2153] {strides = array<i32>} : memref<10x512xf32, #tpu.memory_space<vmem>>, vector<16xf32>,
    %add3A_2155 = arith.addf %add3A_2150, %get3A_2154 : vector<16xf32>
    %get3A_2156 = arith.constant 4 : i32
    %get3A_2157 = arith.index_cast %get3A_2156 : i32 to index
    %get3A_2158 = arith.constant 352 : index
    %get3A_2159 = tpu.vector_load %arg6[%get3A_2157, %get3A_2158] {strides = array<i32>} : memref<10x512xf32, #tpu.memory_space<vmem>>, vector<16xf32>,
    %add3A_2160 = arith.addf %add3A_2155, %get3A_2159 : vector<16xf32>
    %get3A_2161 = arith.constant 5 : i32
    %get3A_2162 = arith.index_cast %get3A_2161 : i32 to index
    %get3A_2163 = arith.constant 352 : index
    %get3A_2164 = tpu.vector_load %arg6[%get3A_2162, %get3A_2163] {strides = array<i32>} : memref<10x512xf32, #tpu.memory_space<vmem>>, vector<16xf32>,
    %sub3A_2165 = arith.subf %add3A_2160, %get3A_2164 : vector<16xf32>
    %get3A_2166 = arith.constant 6 : i32
    %get3A_2167 = arith.index_cast %get3A_2166 : i32 to index
    %get3A_2168 = arith.constant 352 : index
    %get3A_2169 = tpu.vector_load %arg6[%get3A_2167, %get3A_2168] {strides = array<i32>} : memref<10x512xf32, #tpu.memory_space<vmem>>, vector<16xf32>,
    %sub3A_2170 = arith.subf %sub3A_2165, %get3A_2169 : vector<16xf32>
    %get3A_2171 = arith.constant 7 : i32
    %get3A_2172 = arith.index_cast %get3A_2171 : i32 to index
    %get3A_2173 = arith.constant 352 : index
    %get3A_2174 = tpu.vector_load %arg6[%get3A_2172, %get3A_2173] {strides = array<i32>} : memref<10x512xf32, #tpu.memory_space<vmem>>, vector<16xf32>,
    %sub3A_2175 = arith.subf %sub3A_2170, %get3A_2174 : vector<16xf32>
    %get3A_2176 = arith.constant 8 : i32
    %get3A_2177 = arith.index_cast %get3A_2176 : i32 to index
    %get3A_2178 = arith.constant 352 : index
    %get3A_2179 = tpu.vector_load %arg6[%get3A_2177, %get3A_2178] {strides = array<i32>} : memref<10x512xf32, #tpu.memory_space<vmem>>, vector<16xf32>,
    %sub3A_2180 = arith.subf %sub3A_2175, %get3A_2179 : vector<16xf32>
    %get3A_2181 = arith.constant 9 : i32
    %get3A_2182 = arith.index_cast %get3A_2181 : i32 to index
    %get3A_2183 = arith.constant 352 : index
    %get3A_2184 = tpu.vector_load %arg6[%get3A_2182, %get3A_2183] {strides = array<i32>} : memref<10x512xf32, #tpu.memory_space<vmem>>, vector<16xf32>,
    %sub3A_2185 = arith.subf %sub3A_2180, %get3A_2184 : vector<16xf32>
    %neg3A_2186 = arith.constant 0.000000e+00 : f32
    %neg3A_2187 = vector.broadcast %neg3A_2186 : f32 to vector<16xf32>
    %neg3A_2188 = arith.subf %neg3A_2187, %sub3A_2185 : vector<16xf32>
    %exp3A_2189 = math.exp %neg3A_2188 : vector<16xf32>
    %add3A_2190 = arith.constant 1.000000e+00 : f32
    %add3A_2191 = vector.broadcast %add3A_2190 : f32 to vector<16xf32>
    %add3A_2192 = arith.addf %add3A_2191, %exp3A_2189 : vector<16xf32>
    %div3A_2193 = arith.constant 1.000000e+00 : f32
    %div3A_2194 = vector.broadcast %div3A_2193 : f32 to vector<16xf32>
    %div3A_2195 = arith.divf %div3A_2194, %add3A_2192 : vector<16xf32>
    %swap3A_2196 = arith.constant 352 : index
    %swap3A_2197 = tpu.vector_load %arg7[%swap3A_2196] {strides = array<i32>} : memref<512xf32, #tpu.memory_space<vmem>>, vector<16xf32>,
    tpu.vector_store %arg7[%swap3A_2196], %div3A_2195 {strides = array<i32>} : memref<512xf32, #tpu.memory_space<vmem>>, vector<16xf32>,
    %get3A_2198 = arith.constant 0 : i32
    %get3A_2199 = arith.index_cast %get3A_2198 : i32 to index
    %get3A_2200 = arith.constant 368 : index
    %get3A_2201 = tpu.vector_load %arg6[%get3A_2199, %get3A_2200] {strides = array<i32>} : memref<10x512xf32, #tpu.memory_space<vmem>>, vector<16xf32>,
    %get3A_2202 = arith.constant 1 : i32
    %get3A_2203 = arith.index_cast %get3A_2202 : i32 to index
    %get3A_2204 = arith.constant 368 : index
    %get3A_2205 = tpu.vector_load %arg6[%get3A_2203, %get3A_2204] {strides = array<i32>} : memref<10x512xf32, #tpu.memory_space<vmem>>, vector<16xf32>,
    %add3A_2206 = arith.addf %get3A_2201, %get3A_2205 : vector<16xf32>
    %get3A_2207 = arith.constant 2 : i32
    %get3A_2208 = arith.index_cast %get3A_2207 : i32 to index
    %get3A_2209 = arith.constant 368 : index
    %get3A_2210 = tpu.vector_load %arg6[%get3A_2208, %get3A_2209] {strides = array<i32>} : memref<10x512xf32, #tpu.memory_space<vmem>>, vector<16xf32>,
    %add3A_2211 = arith.addf %add3A_2206, %get3A_2210 : vector<16xf32>
    %get3A_2212 = arith.constant 3 : i32
    %get3A_2213 = arith.index_cast %get3A_2212 : i32 to index
    %get3A_2214 = arith.constant 368 : index
    %get3A_2215 = tpu.vector_load %arg6[%get3A_2213, %get3A_2214] {strides = array<i32>} : memref<10x512xf32, #tpu.memory_space<vmem>>, vector<16xf32>,
    %add3A_2216 = arith.addf %add3A_2211, %get3A_2215 : vector<16xf32>
    %get3A_2217 = arith.constant 4 : i32
    %get3A_2218 = arith.index_cast %get3A_2217 : i32 to index
    %get3A_2219 = arith.constant 368 : index
    %get3A_2220 = tpu.vector_load %arg6[%get3A_2218, %get3A_2219] {strides = array<i32>} : memref<10x512xf32, #tpu.memory_space<vmem>>, vector<16xf32>,
    %add3A_2221 = arith.addf %add3A_2216, %get3A_2220 : vector<16xf32>
    %get3A_2222 = arith.constant 5 : i32
    %get3A_2223 = arith.index_cast %get3A_2222 : i32 to index
    %get3A_2224 = arith.constant 368 : index
    %get3A_2225 = tpu.vector_load %arg6[%get3A_2223, %get3A_2224] {strides = array<i32>} : memref<10x512xf32, #tpu.memory_space<vmem>>, vector<16xf32>,
    %sub3A_2226 = arith.subf %add3A_2221, %get3A_2225 : vector<16xf32>
    %get3A_2227 = arith.constant 6 : i32
    %get3A_2228 = arith.index_cast %get3A_2227 : i32 to index
    %get3A_2229 = arith.constant 368 : index
    %get3A_2230 = tpu.vector_load %arg6[%get3A_2228, %get3A_2229] {strides = array<i32>} : memref<10x512xf32, #tpu.memory_space<vmem>>, vector<16xf32>,
    %sub3A_2231 = arith.subf %sub3A_2226, %get3A_2230 : vector<16xf32>
    %get3A_2232 = arith.constant 7 : i32
    %get3A_2233 = arith.index_cast %get3A_2232 : i32 to index
    %get3A_2234 = arith.constant 368 : index
    %get3A_2235 = tpu.vector_load %arg6[%get3A_2233, %get3A_2234] {strides = array<i32>} : memref<10x512xf32, #tpu.memory_space<vmem>>, vector<16xf32>,
    %sub3A_2236 = arith.subf %sub3A_2231, %get3A_2235 : vector<16xf32>
    %get3A_2237 = arith.constant 8 : i32
    %get3A_2238 = arith.index_cast %get3A_2237 : i32 to index
    %get3A_2239 = arith.constant 368 : index
    %get3A_2240 = tpu.vector_load %arg6[%get3A_2238, %get3A_2239] {strides = array<i32>} : memref<10x512xf32, #tpu.memory_space<vmem>>, vector<16xf32>,
    %sub3A_2241 = arith.subf %sub3A_2236, %get3A_2240 : vector<16xf32>
    %get3A_2242 = arith.constant 9 : i32
    %get3A_2243 = arith.index_cast %get3A_2242 : i32 to index
    %get3A_2244 = arith.constant 368 : index
    %get3A_2245 = tpu.vector_load %arg6[%get3A_2243, %get3A_2244] {strides = array<i32>} : memref<10x512xf32, #tpu.memory_space<vmem>>, vector<16xf32>,
    %sub3A_2246 = arith.subf %sub3A_2241, %get3A_2245 : vector<16xf32>
    %neg3A_2247 = arith.constant 0.000000e+00 : f32
    %neg3A_2248 = vector.broadcast %neg3A_2247 : f32 to vector<16xf32>
    %neg3A_2249 = arith.subf %neg3A_2248, %sub3A_2246 : vector<16xf32>
    %exp3A_2250 = math.exp %neg3A_2249 : vector<16xf32>
    %add3A_2251 = arith.constant 1.000000e+00 : f32
    %add3A_2252 = vector.broadcast %add3A_2251 : f32 to vector<16xf32>
    %add3A_2253 = arith.addf %add3A_2252, %exp3A_2250 : vector<16xf32>
    %div3A_2254 = arith.constant 1.000000e+00 : f32
    %div3A_2255 = vector.broadcast %div3A_2254 : f32 to vector<16xf32>
    %div3A_2256 = arith.divf %div3A_2255, %add3A_2253 : vector<16xf32>
    %swap3A_2257 = arith.constant 368 : index
    %swap3A_2258 = tpu.vector_load %arg7[%swap3A_2257] {strides = array<i32>} : memref<512xf32, #tpu.memory_space<vmem>>, vector<16xf32>,
    tpu.vector_store %arg7[%swap3A_2257], %div3A_2256 {strides = array<i32>} : memref<512xf32, #tpu.memory_space<vmem>>, vector<16xf32>,
    %get3A_2259 = arith.constant 0 : i32
    %get3A_2260 = arith.index_cast %get3A_2259 : i32 to index
    %get3A_2261 = arith.constant 384 : index
    %get3A_2262 = tpu.vector_load %arg6[%get3A_2260, %get3A_2261] {strides = array<i32>} : memref<10x512xf32, #tpu.memory_space<vmem>>, vector<16xf32>,
    %get3A_2263 = arith.constant 1 : i32
    %get3A_2264 = arith.index_cast %get3A_2263 : i32 to index
    %get3A_2265 = arith.constant 384 : index
    %get3A_2266 = tpu.vector_load %arg6[%get3A_2264, %get3A_2265] {strides = array<i32>} : memref<10x512xf32, #tpu.memory_space<vmem>>, vector<16xf32>,
    %add3A_2267 = arith.addf %get3A_2262, %get3A_2266 : vector<16xf32>
    %get3A_2268 = arith.constant 2 : i32
    %get3A_2269 = arith.index_cast %get3A_2268 : i32 to index
    %get3A_2270 = arith.constant 384 : index
    %get3A_2271 = tpu.vector_load %arg6[%get3A_2269, %get3A_2270] {strides = array<i32>} : memref<10x512xf32, #tpu.memory_space<vmem>>, vector<16xf32>,
    %add3A_2272 = arith.addf %add3A_2267, %get3A_2271 : vector<16xf32>
    %get3A_2273 = arith.constant 3 : i32
    %get3A_2274 = arith.index_cast %get3A_2273 : i32 to index
    %get3A_2275 = arith.constant 384 : index
    %get3A_2276 = tpu.vector_load %arg6[%get3A_2274, %get3A_2275] {strides = array<i32>} : memref<10x512xf32, #tpu.memory_space<vmem>>, vector<16xf32>,
    %add3A_2277 = arith.addf %add3A_2272, %get3A_2276 : vector<16xf32>
    %get3A_2278 = arith.constant 4 : i32
    %get3A_2279 = arith.index_cast %get3A_2278 : i32 to index
    %get3A_2280 = arith.constant 384 : index
    %get3A_2281 = tpu.vector_load %arg6[%get3A_2279, %get3A_2280] {strides = array<i32>} : memref<10x512xf32, #tpu.memory_space<vmem>>, vector<16xf32>,
    %add3A_2282 = arith.addf %add3A_2277, %get3A_2281 : vector<16xf32>
    %get3A_2283 = arith.constant 5 : i32
    %get3A_2284 = arith.index_cast %get3A_2283 : i32 to index
    %get3A_2285 = arith.constant 384 : index
    %get3A_2286 = tpu.vector_load %arg6[%get3A_2284, %get3A_2285] {strides = array<i32>} : memref<10x512xf32, #tpu.memory_space<vmem>>, vector<16xf32>,
    %sub3A_2287 = arith.subf %add3A_2282, %get3A_2286 : vector<16xf32>
    %get3A_2288 = arith.constant 6 : i32
    %get3A_2289 = arith.index_cast %get3A_2288 : i32 to index
    %get3A_2290 = arith.constant 384 : index
    %get3A_2291 = tpu.vector_load %arg6[%get3A_2289, %get3A_2290] {strides = array<i32>} : memref<10x512xf32, #tpu.memory_space<vmem>>, vector<16xf32>,
    %sub3A_2292 = arith.subf %sub3A_2287, %get3A_2291 : vector<16xf32>
    %get3A_2293 = arith.constant 7 : i32
    %get3A_2294 = arith.index_cast %get3A_2293 : i32 to index
    %get3A_2295 = arith.constant 384 : index
    %get3A_2296 = tpu.vector_load %arg6[%get3A_2294, %get3A_2295] {strides = array<i32>} : memref<10x512xf32, #tpu.memory_space<vmem>>, vector<16xf32>,
    %sub3A_2297 = arith.subf %sub3A_2292, %get3A_2296 : vector<16xf32>
    %get3A_2298 = arith.constant 8 : i32
    %get3A_2299 = arith.index_cast %get3A_2298 : i32 to index
    %get3A_2300 = arith.constant 384 : index
    %get3A_2301 = tpu.vector_load %arg6[%get3A_2299, %get3A_2300] {strides = array<i32>} : memref<10x512xf32, #tpu.memory_space<vmem>>, vector<16xf32>,
    %sub3A_2302 = arith.subf %sub3A_2297, %get3A_2301 : vector<16xf32>
    %get3A_2303 = arith.constant 9 : i32
    %get3A_2304 = arith.index_cast %get3A_2303 : i32 to index
    %get3A_2305 = arith.constant 384 : index
    %get3A_2306 = tpu.vector_load %arg6[%get3A_2304, %get3A_2305] {strides = array<i32>} : memref<10x512xf32, #tpu.memory_space<vmem>>, vector<16xf32>,
    %sub3A_2307 = arith.subf %sub3A_2302, %get3A_2306 : vector<16xf32>
    %neg3A_2308 = arith.constant 0.000000e+00 : f32
    %neg3A_2309 = vector.broadcast %neg3A_2308 : f32 to vector<16xf32>
    %neg3A_2310 = arith.subf %neg3A_2309, %sub3A_2307 : vector<16xf32>
    %exp3A_2311 = math.exp %neg3A_2310 : vector<16xf32>
    %add3A_2312 = arith.constant 1.000000e+00 : f32
    %add3A_2313 = vector.broadcast %add3A_2312 : f32 to vector<16xf32>
    %add3A_2314 = arith.addf %add3A_2313, %exp3A_2311 : vector<16xf32>
    %div3A_2315 = arith.constant 1.000000e+00 : f32
    %div3A_2316 = vector.broadcast %div3A_2315 : f32 to vector<16xf32>
    %div3A_2317 = arith.divf %div3A_2316, %add3A_2314 : vector<16xf32>
    %swap3A_2318 = arith.constant 384 : index
    %swap3A_2319 = tpu.vector_load %arg7[%swap3A_2318] {strides = array<i32>} : memref<512xf32, #tpu.memory_space<vmem>>, vector<16xf32>,
    tpu.vector_store %arg7[%swap3A_2318], %div3A_2317 {strides = array<i32>} : memref<512xf32, #tpu.memory_space<vmem>>, vector<16xf32>,
    %get3A_2320 = arith.constant 0 : i32
    %get3A_2321 = arith.index_cast %get3A_2320 : i32 to index
    %get3A_2322 = arith.constant 400 : index
    %get3A_2323 = tpu.vector_load %arg6[%get3A_2321, %get3A_2322] {strides = array<i32>} : memref<10x512xf32, #tpu.memory_space<vmem>>, vector<16xf32>,
    %get3A_2324 = arith.constant 1 : i32
    %get3A_2325 = arith.index_cast %get3A_2324 : i32 to index
    %get3A_2326 = arith.constant 400 : index
    %get3A_2327 = tpu.vector_load %arg6[%get3A_2325, %get3A_2326] {strides = array<i32>} : memref<10x512xf32, #tpu.memory_space<vmem>>, vector<16xf32>,
    %add3A_2328 = arith.addf %get3A_2323, %get3A_2327 : vector<16xf32>
    %get3A_2329 = arith.constant 2 : i32
    %get3A_2330 = arith.index_cast %get3A_2329 : i32 to index
    %get3A_2331 = arith.constant 400 : index
    %get3A_2332 = tpu.vector_load %arg6[%get3A_2330, %get3A_2331] {strides = array<i32>} : memref<10x512xf32, #tpu.memory_space<vmem>>, vector<16xf32>,
    %add3A_2333 = arith.addf %add3A_2328, %get3A_2332 : vector<16xf32>
    %get3A_2334 = arith.constant 3 : i32
    %get3A_2335 = arith.index_cast %get3A_2334 : i32 to index
    %get3A_2336 = arith.constant 400 : index
    %get3A_2337 = tpu.vector_load %arg6[%get3A_2335, %get3A_2336] {strides = array<i32>} : memref<10x512xf32, #tpu.memory_space<vmem>>, vector<16xf32>,
    %add3A_2338 = arith.addf %add3A_2333, %get3A_2337 : vector<16xf32>
    %get3A_2339 = arith.constant 4 : i32
    %get3A_2340 = arith.index_cast %get3A_2339 : i32 to index
    %get3A_2341 = arith.constant 400 : index
    %get3A_2342 = tpu.vector_load %arg6[%get3A_2340, %get3A_2341] {strides = array<i32>} : memref<10x512xf32, #tpu.memory_space<vmem>>, vector<16xf32>,
    %add3A_2343 = arith.addf %add3A_2338, %get3A_2342 : vector<16xf32>
    %get3A_2344 = arith.constant 5 : i32
    %get3A_2345 = arith.index_cast %get3A_2344 : i32 to index
    %get3A_2346 = arith.constant 400 : index
    %get3A_2347 = tpu.vector_load %arg6[%get3A_2345, %get3A_2346] {strides = array<i32>} : memref<10x512xf32, #tpu.memory_space<vmem>>, vector<16xf32>,
    %sub3A_2348 = arith.subf %add3A_2343, %get3A_2347 : vector<16xf32>
    %get3A_2349 = arith.constant 6 : i32
    %get3A_2350 = arith.index_cast %get3A_2349 : i32 to index
    %get3A_2351 = arith.constant 400 : index
    %get3A_2352 = tpu.vector_load %arg6[%get3A_2350, %get3A_2351] {strides = array<i32>} : memref<10x512xf32, #tpu.memory_space<vmem>>, vector<16xf32>,
    %sub3A_2353 = arith.subf %sub3A_2348, %get3A_2352 : vector<16xf32>
    %get3A_2354 = arith.constant 7 : i32
    %get3A_2355 = arith.index_cast %get3A_2354 : i32 to index
    %get3A_2356 = arith.constant 400 : index
    %get3A_2357 = tpu.vector_load %arg6[%get3A_2355, %get3A_2356] {strides = array<i32>} : memref<10x512xf32, #tpu.memory_space<vmem>>, vector<16xf32>,
    %sub3A_2358 = arith.subf %sub3A_2353, %get3A_2357 : vector<16xf32>
    %get3A_2359 = arith.constant 8 : i32
    %get3A_2360 = arith.index_cast %get3A_2359 : i32 to index
    %get3A_2361 = arith.constant 400 : index
    %get3A_2362 = tpu.vector_load %arg6[%get3A_2360, %get3A_2361] {strides = array<i32>} : memref<10x512xf32, #tpu.memory_space<vmem>>, vector<16xf32>,
    %sub3A_2363 = arith.subf %sub3A_2358, %get3A_2362 : vector<16xf32>
    %get3A_2364 = arith.constant 9 : i32
    %get3A_2365 = arith.index_cast %get3A_2364 : i32 to index
    %get3A_2366 = arith.constant 400 : index
    %get3A_2367 = tpu.vector_load %arg6[%get3A_2365, %get3A_2366] {strides = array<i32>} : memref<10x512xf32, #tpu.memory_space<vmem>>, vector<16xf32>,
    %sub3A_2368 = arith.subf %sub3A_2363, %get3A_2367 : vector<16xf32>
    %neg3A_2369 = arith.constant 0.000000e+00 : f32
    %neg3A_2370 = vector.broadcast %neg3A_2369 : f32 to vector<16xf32>
    %neg3A_2371 = arith.subf %neg3A_2370, %sub3A_2368 : vector<16xf32>
    %exp3A_2372 = math.exp %neg3A_2371 : vector<16xf32>
    %add3A_2373 = arith.constant 1.000000e+00 : f32
    %add3A_2374 = vector.broadcast %add3A_2373 : f32 to vector<16xf32>
    %add3A_2375 = arith.addf %add3A_2374, %exp3A_2372 : vector<16xf32>
    %div3A_2376 = arith.constant 1.000000e+00 : f32
    %div3A_2377 = vector.broadcast %div3A_2376 : f32 to vector<16xf32>
    %div3A_2378 = arith.divf %div3A_2377, %add3A_2375 : vector<16xf32>
    %swap3A_2379 = arith.constant 400 : index
    %swap3A_2380 = tpu.vector_load %arg7[%swap3A_2379] {strides = array<i32>} : memref<512xf32, #tpu.memory_space<vmem>>, vector<16xf32>,
    tpu.vector_store %arg7[%swap3A_2379], %div3A_2378 {strides = array<i32>} : memref<512xf32, #tpu.memory_space<vmem>>, vector<16xf32>,
    %get3A_2381 = arith.constant 0 : i32
    %get3A_2382 = arith.index_cast %get3A_2381 : i32 to index
    %get3A_2383 = arith.constant 416 : index
    %get3A_2384 = tpu.vector_load %arg6[%get3A_2382, %get3A_2383] {strides = array<i32>} : memref<10x512xf32, #tpu.memory_space<vmem>>, vector<16xf32>,
    %get3A_2385 = arith.constant 1 : i32
    %get3A_2386 = arith.index_cast %get3A_2385 : i32 to index
    %get3A_2387 = arith.constant 416 : index
    %get3A_2388 = tpu.vector_load %arg6[%get3A_2386, %get3A_2387] {strides = array<i32>} : memref<10x512xf32, #tpu.memory_space<vmem>>, vector<16xf32>,
    %add3A_2389 = arith.addf %get3A_2384, %get3A_2388 : vector<16xf32>
    %get3A_2390 = arith.constant 2 : i32
    %get3A_2391 = arith.index_cast %get3A_2390 : i32 to index
    %get3A_2392 = arith.constant 416 : index
    %get3A_2393 = tpu.vector_load %arg6[%get3A_2391, %get3A_2392] {strides = array<i32>} : memref<10x512xf32, #tpu.memory_space<vmem>>, vector<16xf32>,
    %add3A_2394 = arith.addf %add3A_2389, %get3A_2393 : vector<16xf32>
    %get3A_2395 = arith.constant 3 : i32
    %get3A_2396 = arith.index_cast %get3A_2395 : i32 to index
    %get3A_2397 = arith.constant 416 : index
    %get3A_2398 = tpu.vector_load %arg6[%get3A_2396, %get3A_2397] {strides = array<i32>} : memref<10x512xf32, #tpu.memory_space<vmem>>, vector<16xf32>,
    %add3A_2399 = arith.addf %add3A_2394, %get3A_2398 : vector<16xf32>
    %get3A_2400 = arith.constant 4 : i32
    %get3A_2401 = arith.index_cast %get3A_2400 : i32 to index
    %get3A_2402 = arith.constant 416 : index
    %get3A_2403 = tpu.vector_load %arg6[%get3A_2401, %get3A_2402] {strides = array<i32>} : memref<10x512xf32, #tpu.memory_space<vmem>>, vector<16xf32>,
    %add3A_2404 = arith.addf %add3A_2399, %get3A_2403 : vector<16xf32>
    %get3A_2405 = arith.constant 5 : i32
    %get3A_2406 = arith.index_cast %get3A_2405 : i32 to index
    %get3A_2407 = arith.constant 416 : index
    %get3A_2408 = tpu.vector_load %arg6[%get3A_2406, %get3A_2407] {strides = array<i32>} : memref<10x512xf32, #tpu.memory_space<vmem>>, vector<16xf32>,
    %sub3A_2409 = arith.subf %add3A_2404, %get3A_2408 : vector<16xf32>
    %get3A_2410 = arith.constant 6 : i32
    %get3A_2411 = arith.index_cast %get3A_2410 : i32 to index
    %get3A_2412 = arith.constant 416 : index
    %get3A_2413 = tpu.vector_load %arg6[%get3A_2411, %get3A_2412] {strides = array<i32>} : memref<10x512xf32, #tpu.memory_space<vmem>>, vector<16xf32>,
    %sub3A_2414 = arith.subf %sub3A_2409, %get3A_2413 : vector<16xf32>
    %get3A_2415 = arith.constant 7 : i32
    %get3A_2416 = arith.index_cast %get3A_2415 : i32 to index
    %get3A_2417 = arith.constant 416 : index
    %get3A_2418 = tpu.vector_load %arg6[%get3A_2416, %get3A_2417] {strides = array<i32>} : memref<10x512xf32, #tpu.memory_space<vmem>>, vector<16xf32>,
    %sub3A_2419 = arith.subf %sub3A_2414, %get3A_2418 : vector<16xf32>
    %get3A_2420 = arith.constant 8 : i32
    %get3A_2421 = arith.index_cast %get3A_2420 : i32 to index
    %get3A_2422 = arith.constant 416 : index
    %get3A_2423 = tpu.vector_load %arg6[%get3A_2421, %get3A_2422] {strides = array<i32>} : memref<10x512xf32, #tpu.memory_space<vmem>>, vector<16xf32>,
    %sub3A_2424 = arith.subf %sub3A_2419, %get3A_2423 : vector<16xf32>
    %get3A_2425 = arith.constant 9 : i32
    %get3A_2426 = arith.index_cast %get3A_2425 : i32 to index
    %get3A_2427 = arith.constant 416 : index
    %get3A_2428 = tpu.vector_load %arg6[%get3A_2426, %get3A_2427] {strides = array<i32>} : memref<10x512xf32, #tpu.memory_space<vmem>>, vector<16xf32>,
    %sub3A_2429 = arith.subf %sub3A_2424, %get3A_2428 : vector<16xf32>
    %neg3A_2430 = arith.constant 0.000000e+00 : f32
    %neg3A_2431 = vector.broadcast %neg3A_2430 : f32 to vector<16xf32>
    %neg3A_2432 = arith.subf %neg3A_2431, %sub3A_2429 : vector<16xf32>
    %exp3A_2433 = math.exp %neg3A_2432 : vector<16xf32>
    %add3A_2434 = arith.constant 1.000000e+00 : f32
    %add3A_2435 = vector.broadcast %add3A_2434 : f32 to vector<16xf32>
    %add3A_2436 = arith.addf %add3A_2435, %exp3A_2433 : vector<16xf32>
    %div3A_2437 = arith.constant 1.000000e+00 : f32
    %div3A_2438 = vector.broadcast %div3A_2437 : f32 to vector<16xf32>
    %div3A_2439 = arith.divf %div3A_2438, %add3A_2436 : vector<16xf32>
    %swap3A_2440 = arith.constant 416 : index
    %swap3A_2441 = tpu.vector_load %arg7[%swap3A_2440] {strides = array<i32>} : memref<512xf32, #tpu.memory_space<vmem>>, vector<16xf32>,
    tpu.vector_store %arg7[%swap3A_2440], %div3A_2439 {strides = array<i32>} : memref<512xf32, #tpu.memory_space<vmem>>, vector<16xf32>,
    %get3A_2442 = arith.constant 0 : i32
    %get3A_2443 = arith.index_cast %get3A_2442 : i32 to index
    %get3A_2444 = arith.constant 432 : index
    %get3A_2445 = tpu.vector_load %arg6[%get3A_2443, %get3A_2444] {strides = array<i32>} : memref<10x512xf32, #tpu.memory_space<vmem>>, vector<16xf32>,
    %get3A_2446 = arith.constant 1 : i32
    %get3A_2447 = arith.index_cast %get3A_2446 : i32 to index
    %get3A_2448 = arith.constant 432 : index
    %get3A_2449 = tpu.vector_load %arg6[%get3A_2447, %get3A_2448] {strides = array<i32>} : memref<10x512xf32, #tpu.memory_space<vmem>>, vector<16xf32>,
    %add3A_2450 = arith.addf %get3A_2445, %get3A_2449 : vector<16xf32>
    %get3A_2451 = arith.constant 2 : i32
    %get3A_2452 = arith.index_cast %get3A_2451 : i32 to index
    %get3A_2453 = arith.constant 432 : index
    %get3A_2454 = tpu.vector_load %arg6[%get3A_2452, %get3A_2453] {strides = array<i32>} : memref<10x512xf32, #tpu.memory_space<vmem>>, vector<16xf32>,
    %add3A_2455 = arith.addf %add3A_2450, %get3A_2454 : vector<16xf32>
    %get3A_2456 = arith.constant 3 : i32
    %get3A_2457 = arith.index_cast %get3A_2456 : i32 to index
    %get3A_2458 = arith.constant 432 : index
    %get3A_2459 = tpu.vector_load %arg6[%get3A_2457, %get3A_2458] {strides = array<i32>} : memref<10x512xf32, #tpu.memory_space<vmem>>, vector<16xf32>,
    %add3A_2460 = arith.addf %add3A_2455, %get3A_2459 : vector<16xf32>
    %get3A_2461 = arith.constant 4 : i32
    %get3A_2462 = arith.index_cast %get3A_2461 : i32 to index
    %get3A_2463 = arith.constant 432 : index
    %get3A_2464 = tpu.vector_load %arg6[%get3A_2462, %get3A_2463] {strides = array<i32>} : memref<10x512xf32, #tpu.memory_space<vmem>>, vector<16xf32>,
    %add3A_2465 = arith.addf %add3A_2460, %get3A_2464 : vector<16xf32>
    %get3A_2466 = arith.constant 5 : i32
    %get3A_2467 = arith.index_cast %get3A_2466 : i32 to index
    %get3A_2468 = arith.constant 432 : index
    %get3A_2469 = tpu.vector_load %arg6[%get3A_2467, %get3A_2468] {strides = array<i32>} : memref<10x512xf32, #tpu.memory_space<vmem>>, vector<16xf32>,
    %sub3A_2470 = arith.subf %add3A_2465, %get3A_2469 : vector<16xf32>
    %get3A_2471 = arith.constant 6 : i32
    %get3A_2472 = arith.index_cast %get3A_2471 : i32 to index
    %get3A_2473 = arith.constant 432 : index
    %get3A_2474 = tpu.vector_load %arg6[%get3A_2472, %get3A_2473] {strides = array<i32>} : memref<10x512xf32, #tpu.memory_space<vmem>>, vector<16xf32>,
    %sub3A_2475 = arith.subf %sub3A_2470, %get3A_2474 : vector<16xf32>
    %get3A_2476 = arith.constant 7 : i32
    %get3A_2477 = arith.index_cast %get3A_2476 : i32 to index
    %get3A_2478 = arith.constant 432 : index
    %get3A_2479 = tpu.vector_load %arg6[%get3A_2477, %get3A_2478] {strides = array<i32>} : memref<10x512xf32, #tpu.memory_space<vmem>>, vector<16xf32>,
    %sub3A_2480 = arith.subf %sub3A_2475, %get3A_2479 : vector<16xf32>
    %get3A_2481 = arith.constant 8 : i32
    %get3A_2482 = arith.index_cast %get3A_2481 : i32 to index
    %get3A_2483 = arith.constant 432 : index
    %get3A_2484 = tpu.vector_load %arg6[%get3A_2482, %get3A_2483] {strides = array<i32>} : memref<10x512xf32, #tpu.memory_space<vmem>>, vector<16xf32>,
    %sub3A_2485 = arith.subf %sub3A_2480, %get3A_2484 : vector<16xf32>
    %get3A_2486 = arith.constant 9 : i32
    %get3A_2487 = arith.index_cast %get3A_2486 : i32 to index
    %get3A_2488 = arith.constant 432 : index
    %get3A_2489 = tpu.vector_load %arg6[%get3A_2487, %get3A_2488] {strides = array<i32>} : memref<10x512xf32, #tpu.memory_space<vmem>>, vector<16xf32>,
    %sub3A_2490 = arith.subf %sub3A_2485, %get3A_2489 : vector<16xf32>
    %neg3A_2491 = arith.constant 0.000000e+00 : f32
    %neg3A_2492 = vector.broadcast %neg3A_2491 : f32 to vector<16xf32>
    %neg3A_2493 = arith.subf %neg3A_2492, %sub3A_2490 : vector<16xf32>
    %exp3A_2494 = math.exp %neg3A_2493 : vector<16xf32>
    %add3A_2495 = arith.constant 1.000000e+00 : f32
    %add3A_2496 = vector.broadcast %add3A_2495 : f32 to vector<16xf32>
    %add3A_2497 = arith.addf %add3A_2496, %exp3A_2494 : vector<16xf32>
    %div3A_2498 = arith.constant 1.000000e+00 : f32
    %div3A_2499 = vector.broadcast %div3A_2498 : f32 to vector<16xf32>
    %div3A_2500 = arith.divf %div3A_2499, %add3A_2497 : vector<16xf32>
    %swap3A_2501 = arith.constant 432 : index
    %swap3A_2502 = tpu.vector_load %arg7[%swap3A_2501] {strides = array<i32>} : memref<512xf32, #tpu.memory_space<vmem>>, vector<16xf32>,
    tpu.vector_store %arg7[%swap3A_2501], %div3A_2500 {strides = array<i32>} : memref<512xf32, #tpu.memory_space<vmem>>, vector<16xf32>,
    %get3A_2503 = arith.constant 0 : i32
    %get3A_2504 = arith.index_cast %get3A_2503 : i32 to index
    %get3A_2505 = arith.constant 448 : index
    %get3A_2506 = tpu.vector_load %arg6[%get3A_2504, %get3A_2505] {strides = array<i32>} : memref<10x512xf32, #tpu.memory_space<vmem>>, vector<16xf32>,
    %get3A_2507 = arith.constant 1 : i32
    %get3A_2508 = arith.index_cast %get3A_2507 : i32 to index
    %get3A_2509 = arith.constant 448 : index
    %get3A_2510 = tpu.vector_load %arg6[%get3A_2508, %get3A_2509] {strides = array<i32>} : memref<10x512xf32, #tpu.memory_space<vmem>>, vector<16xf32>,
    %add3A_2511 = arith.addf %get3A_2506, %get3A_2510 : vector<16xf32>
    %get3A_2512 = arith.constant 2 : i32
    %get3A_2513 = arith.index_cast %get3A_2512 : i32 to index
    %get3A_2514 = arith.constant 448 : index
    %get3A_2515 = tpu.vector_load %arg6[%get3A_2513, %get3A_2514] {strides = array<i32>} : memref<10x512xf32, #tpu.memory_space<vmem>>, vector<16xf32>,
    %add3A_2516 = arith.addf %add3A_2511, %get3A_2515 : vector<16xf32>
    %get3A_2517 = arith.constant 3 : i32
    %get3A_2518 = arith.index_cast %get3A_2517 : i32 to index
    %get3A_2519 = arith.constant 448 : index
    %get3A_2520 = tpu.vector_load %arg6[%get3A_2518, %get3A_2519] {strides = array<i32>} : memref<10x512xf32, #tpu.memory_space<vmem>>, vector<16xf32>,
    %add3A_2521 = arith.addf %add3A_2516, %get3A_2520 : vector<16xf32>
    %get3A_2522 = arith.constant 4 : i32
    %get3A_2523 = arith.index_cast %get3A_2522 : i32 to index
    %get3A_2524 = arith.constant 448 : index
    %get3A_2525 = tpu.vector_load %arg6[%get3A_2523, %get3A_2524] {strides = array<i32>} : memref<10x512xf32, #tpu.memory_space<vmem>>, vector<16xf32>,
    %add3A_2526 = arith.addf %add3A_2521, %get3A_2525 : vector<16xf32>
    %get3A_2527 = arith.constant 5 : i32
    %get3A_2528 = arith.index_cast %get3A_2527 : i32 to index
    %get3A_2529 = arith.constant 448 : index
    %get3A_2530 = tpu.vector_load %arg6[%get3A_2528, %get3A_2529] {strides = array<i32>} : memref<10x512xf32, #tpu.memory_space<vmem>>, vector<16xf32>,
    %sub3A_2531 = arith.subf %add3A_2526, %get3A_2530 : vector<16xf32>
    %get3A_2532 = arith.constant 6 : i32
    %get3A_2533 = arith.index_cast %get3A_2532 : i32 to index
    %get3A_2534 = arith.constant 448 : index
    %get3A_2535 = tpu.vector_load %arg6[%get3A_2533, %get3A_2534] {strides = array<i32>} : memref<10x512xf32, #tpu.memory_space<vmem>>, vector<16xf32>,
    %sub3A_2536 = arith.subf %sub3A_2531, %get3A_2535 : vector<16xf32>
    %get3A_2537 = arith.constant 7 : i32
    %get3A_2538 = arith.index_cast %get3A_2537 : i32 to index
    %get3A_2539 = arith.constant 448 : index
    %get3A_2540 = tpu.vector_load %arg6[%get3A_2538, %get3A_2539] {strides = array<i32>} : memref<10x512xf32, #tpu.memory_space<vmem>>, vector<16xf32>,
    %sub3A_2541 = arith.subf %sub3A_2536, %get3A_2540 : vector<16xf32>
    %get3A_2542 = arith.constant 8 : i32
    %get3A_2543 = arith.index_cast %get3A_2542 : i32 to index
    %get3A_2544 = arith.constant 448 : index
    %get3A_2545 = tpu.vector_load %arg6[%get3A_2543, %get3A_2544] {strides = array<i32>} : memref<10x512xf32, #tpu.memory_space<vmem>>, vector<16xf32>,
    %sub3A_2546 = arith.subf %sub3A_2541, %get3A_2545 : vector<16xf32>
    %get3A_2547 = arith.constant 9 : i32
    %get3A_2548 = arith.index_cast %get3A_2547 : i32 to index
    %get3A_2549 = arith.constant 448 : index
    %get3A_2550 = tpu.vector_load %arg6[%get3A_2548, %get3A_2549] {strides = array<i32>} : memref<10x512xf32, #tpu.memory_space<vmem>>, vector<16xf32>,
    %sub3A_2551 = arith.subf %sub3A_2546, %get3A_2550 : vector<16xf32>
    %neg3A_2552 = arith.constant 0.000000e+00 : f32
    %neg3A_2553 = vector.broadcast %neg3A_2552 : f32 to vector<16xf32>
    %neg3A_2554 = arith.subf %neg3A_2553, %sub3A_2551 : vector<16xf32>
    %exp3A_2555 = math.exp %neg3A_2554 : vector<16xf32>
    %add3A_2556 = arith.constant 1.000000e+00 : f32
    %add3A_2557 = vector.broadcast %add3A_2556 : f32 to vector<16xf32>
    %add3A_2558 = arith.addf %add3A_2557, %exp3A_2555 : vector<16xf32>
    %div3A_2559 = arith.constant 1.000000e+00 : f32
    %div3A_2560 = vector.broadcast %div3A_2559 : f32 to vector<16xf32>
    %div3A_2561 = arith.divf %div3A_2560, %add3A_2558 : vector<16xf32>
    %swap3A_2562 = arith.constant 448 : index
    %swap3A_2563 = tpu.vector_load %arg7[%swap3A_2562] {strides = array<i32>} : memref<512xf32, #tpu.memory_space<vmem>>, vector<16xf32>,
    tpu.vector_store %arg7[%swap3A_2562], %div3A_2561 {strides = array<i32>} : memref<512xf32, #tpu.memory_space<vmem>>, vector<16xf32>,
    %get3A_2564 = arith.constant 0 : i32
    %get3A_2565 = arith.index_cast %get3A_2564 : i32 to index
    %get3A_2566 = arith.constant 464 : index
    %get3A_2567 = tpu.vector_load %arg6[%get3A_2565, %get3A_2566] {strides = array<i32>} : memref<10x512xf32, #tpu.memory_space<vmem>>, vector<16xf32>,
    %get3A_2568 = arith.constant 1 : i32
    %get3A_2569 = arith.index_cast %get3A_2568 : i32 to index
    %get3A_2570 = arith.constant 464 : index
    %get3A_2571 = tpu.vector_load %arg6[%get3A_2569, %get3A_2570] {strides = array<i32>} : memref<10x512xf32, #tpu.memory_space<vmem>>, vector<16xf32>,
    %add3A_2572 = arith.addf %get3A_2567, %get3A_2571 : vector<16xf32>
    %get3A_2573 = arith.constant 2 : i32
    %get3A_2574 = arith.index_cast %get3A_2573 : i32 to index
    %get3A_2575 = arith.constant 464 : index
    %get3A_2576 = tpu.vector_load %arg6[%get3A_2574, %get3A_2575] {strides = array<i32>} : memref<10x512xf32, #tpu.memory_space<vmem>>, vector<16xf32>,
    %add3A_2577 = arith.addf %add3A_2572, %get3A_2576 : vector<16xf32>
    %get3A_2578 = arith.constant 3 : i32
    %get3A_2579 = arith.index_cast %get3A_2578 : i32 to index
    %get3A_2580 = arith.constant 464 : index
    %get3A_2581 = tpu.vector_load %arg6[%get3A_2579, %get3A_2580] {strides = array<i32>} : memref<10x512xf32, #tpu.memory_space<vmem>>, vector<16xf32>,
    %add3A_2582 = arith.addf %add3A_2577, %get3A_2581 : vector<16xf32>
    %get3A_2583 = arith.constant 4 : i32
    %get3A_2584 = arith.index_cast %get3A_2583 : i32 to index
    %get3A_2585 = arith.constant 464 : index
    %get3A_2586 = tpu.vector_load %arg6[%get3A_2584, %get3A_2585] {strides = array<i32>} : memref<10x512xf32, #tpu.memory_space<vmem>>, vector<16xf32>,
    %add3A_2587 = arith.addf %add3A_2582, %get3A_2586 : vector<16xf32>
    %get3A_2588 = arith.constant 5 : i32
    %get3A_2589 = arith.index_cast %get3A_2588 : i32 to index
    %get3A_2590 = arith.constant 464 : index
    %get3A_2591 = tpu.vector_load %arg6[%get3A_2589, %get3A_2590] {strides = array<i32>} : memref<10x512xf32, #tpu.memory_space<vmem>>, vector<16xf32>,
    %sub3A_2592 = arith.subf %add3A_2587, %get3A_2591 : vector<16xf32>
    %get3A_2593 = arith.constant 6 : i32
    %get3A_2594 = arith.index_cast %get3A_2593 : i32 to index
    %get3A_2595 = arith.constant 464 : index
    %get3A_2596 = tpu.vector_load %arg6[%get3A_2594, %get3A_2595] {strides = array<i32>} : memref<10x512xf32, #tpu.memory_space<vmem>>, vector<16xf32>,
    %sub3A_2597 = arith.subf %sub3A_2592, %get3A_2596 : vector<16xf32>
    %get3A_2598 = arith.constant 7 : i32
    %get3A_2599 = arith.index_cast %get3A_2598 : i32 to index
    %get3A_2600 = arith.constant 464 : index
    %get3A_2601 = tpu.vector_load %arg6[%get3A_2599, %get3A_2600] {strides = array<i32>} : memref<10x512xf32, #tpu.memory_space<vmem>>, vector<16xf32>,
    %sub3A_2602 = arith.subf %sub3A_2597, %get3A_2601 : vector<16xf32>
    %get3A_2603 = arith.constant 8 : i32
    %get3A_2604 = arith.index_cast %get3A_2603 : i32 to index
    %get3A_2605 = arith.constant 464 : index
    %get3A_2606 = tpu.vector_load %arg6[%get3A_2604, %get3A_2605] {strides = array<i32>} : memref<10x512xf32, #tpu.memory_space<vmem>>, vector<16xf32>,
    %sub3A_2607 = arith.subf %sub3A_2602, %get3A_2606 : vector<16xf32>
    %get3A_2608 = arith.constant 9 : i32
    %get3A_2609 = arith.index_cast %get3A_2608 : i32 to index
    %get3A_2610 = arith.constant 464 : index
    %get3A_2611 = tpu.vector_load %arg6[%get3A_2609, %get3A_2610] {strides = array<i32>} : memref<10x512xf32, #tpu.memory_space<vmem>>, vector<16xf32>,
    %sub3A_2612 = arith.subf %sub3A_2607, %get3A_2611 : vector<16xf32>
    %neg3A_2613 = arith.constant 0.000000e+00 : f32
    %neg3A_2614 = vector.broadcast %neg3A_2613 : f32 to vector<16xf32>
    %neg3A_2615 = arith.subf %neg3A_2614, %sub3A_2612 : vector<16xf32>
    %exp3A_2616 = math.exp %neg3A_2615 : vector<16xf32>
    %add3A_2617 = arith.constant 1.000000e+00 : f32
    %add3A_2618 = vector.broadcast %add3A_2617 : f32 to vector<16xf32>
    %add3A_2619 = arith.addf %add3A_2618, %exp3A_2616 : vector<16xf32>
    %div3A_2620 = arith.constant 1.000000e+00 : f32
    %div3A_2621 = vector.broadcast %div3A_2620 : f32 to vector<16xf32>
    %div3A_2622 = arith.divf %div3A_2621, %add3A_2619 : vector<16xf32>
    %swap3A_2623 = arith.constant 464 : index
    %swap3A_2624 = tpu.vector_load %arg7[%swap3A_2623] {strides = array<i32>} : memref<512xf32, #tpu.memory_space<vmem>>, vector<16xf32>,
    tpu.vector_store %arg7[%swap3A_2623], %div3A_2622 {strides = array<i32>} : memref<512xf32, #tpu.memory_space<vmem>>, vector<16xf32>,
    %get3A_2625 = arith.constant 0 : i32
    %get3A_2626 = arith.index_cast %get3A_2625 : i32 to index
    %get3A_2627 = arith.constant 480 : index
    %get3A_2628 = tpu.vector_load %arg6[%get3A_2626, %get3A_2627] {strides = array<i32>} : memref<10x512xf32, #tpu.memory_space<vmem>>, vector<16xf32>,
    %get3A_2629 = arith.constant 1 : i32
    %get3A_2630 = arith.index_cast %get3A_2629 : i32 to index
    %get3A_2631 = arith.constant 480 : index
    %get3A_2632 = tpu.vector_load %arg6[%get3A_2630, %get3A_2631] {strides = array<i32>} : memref<10x512xf32, #tpu.memory_space<vmem>>, vector<16xf32>,
    %add3A_2633 = arith.addf %get3A_2628, %get3A_2632 : vector<16xf32>
    %get3A_2634 = arith.constant 2 : i32
    %get3A_2635 = arith.index_cast %get3A_2634 : i32 to index
    %get3A_2636 = arith.constant 480 : index
    %get3A_2637 = tpu.vector_load %arg6[%get3A_2635, %get3A_2636] {strides = array<i32>} : memref<10x512xf32, #tpu.memory_space<vmem>>, vector<16xf32>,
    %add3A_2638 = arith.addf %add3A_2633, %get3A_2637 : vector<16xf32>
    %get3A_2639 = arith.constant 3 : i32
    %get3A_2640 = arith.index_cast %get3A_2639 : i32 to index
    %get3A_2641 = arith.constant 480 : index
    %get3A_2642 = tpu.vector_load %arg6[%get3A_2640, %get3A_2641] {strides = array<i32>} : memref<10x512xf32, #tpu.memory_space<vmem>>, vector<16xf32>,
    %add3A_2643 = arith.addf %add3A_2638, %get3A_2642 : vector<16xf32>
    %get3A_2644 = arith.constant 4 : i32
    %get3A_2645 = arith.index_cast %get3A_2644 : i32 to index
    %get3A_2646 = arith.constant 480 : index
    %get3A_2647 = tpu.vector_load %arg6[%get3A_2645, %get3A_2646] {strides = array<i32>} : memref<10x512xf32, #tpu.memory_space<vmem>>, vector<16xf32>,
    %add3A_2648 = arith.addf %add3A_2643, %get3A_2647 : vector<16xf32>
    %get3A_2649 = arith.constant 5 : i32
    %get3A_2650 = arith.index_cast %get3A_2649 : i32 to index
    %get3A_2651 = arith.constant 480 : index
    %get3A_2652 = tpu.vector_load %arg6[%get3A_2650, %get3A_2651] {strides = array<i32>} : memref<10x512xf32, #tpu.memory_space<vmem>>, vector<16xf32>,
    %sub3A_2653 = arith.subf %add3A_2648, %get3A_2652 : vector<16xf32>
    %get3A_2654 = arith.constant 6 : i32
    %get3A_2655 = arith.index_cast %get3A_2654 : i32 to index
    %get3A_2656 = arith.constant 480 : index
    %get3A_2657 = tpu.vector_load %arg6[%get3A_2655, %get3A_2656] {strides = array<i32>} : memref<10x512xf32, #tpu.memory_space<vmem>>, vector<16xf32>,
    %sub3A_2658 = arith.subf %sub3A_2653, %get3A_2657 : vector<16xf32>
    %get3A_2659 = arith.constant 7 : i32
    %get3A_2660 = arith.index_cast %get3A_2659 : i32 to index
    %get3A_2661 = arith.constant 480 : index
    %get3A_2662 = tpu.vector_load %arg6[%get3A_2660, %get3A_2661] {strides = array<i32>} : memref<10x512xf32, #tpu.memory_space<vmem>>, vector<16xf32>,
    %sub3A_2663 = arith.subf %sub3A_2658, %get3A_2662 : vector<16xf32>
    %get3A_2664 = arith.constant 8 : i32
    %get3A_2665 = arith.index_cast %get3A_2664 : i32 to index
    %get3A_2666 = arith.constant 480 : index
    %get3A_2667 = tpu.vector_load %arg6[%get3A_2665, %get3A_2666] {strides = array<i32>} : memref<10x512xf32, #tpu.memory_space<vmem>>, vector<16xf32>,
    %sub3A_2668 = arith.subf %sub3A_2663, %get3A_2667 : vector<16xf32>
    %get3A_2669 = arith.constant 9 : i32
    %get3A_2670 = arith.index_cast %get3A_2669 : i32 to index
    %get3A_2671 = arith.constant 480 : index
    %get3A_2672 = tpu.vector_load %arg6[%get3A_2670, %get3A_2671] {strides = array<i32>} : memref<10x512xf32, #tpu.memory_space<vmem>>, vector<16xf32>,
    %sub3A_2673 = arith.subf %sub3A_2668, %get3A_2672 : vector<16xf32>
    %neg3A_2674 = arith.constant 0.000000e+00 : f32
    %neg3A_2675 = vector.broadcast %neg3A_2674 : f32 to vector<16xf32>
    %neg3A_2676 = arith.subf %neg3A_2675, %sub3A_2673 : vector<16xf32>
    %exp3A_2677 = math.exp %neg3A_2676 : vector<16xf32>
    %add3A_2678 = arith.constant 1.000000e+00 : f32
    %add3A_2679 = vector.broadcast %add3A_2678 : f32 to vector<16xf32>
    %add3A_2680 = arith.addf %add3A_2679, %exp3A_2677 : vector<16xf32>
    %div3A_2681 = arith.constant 1.000000e+00 : f32
    %div3A_2682 = vector.broadcast %div3A_2681 : f32 to vector<16xf32>
    %div3A_2683 = arith.divf %div3A_2682, %add3A_2680 : vector<16xf32>
    %swap3A_2684 = arith.constant 480 : index
    %swap3A_2685 = tpu.vector_load %arg7[%swap3A_2684] {strides = array<i32>} : memref<512xf32, #tpu.memory_space<vmem>>, vector<16xf32>,
    tpu.vector_store %arg7[%swap3A_2684], %div3A_2683 {strides = array<i32>} : memref<512xf32, #tpu.memory_space<vmem>>, vector<16xf32>,
    %get3A_2686 = arith.constant 0 : i32
    %get3A_2687 = arith.index_cast %get3A_2686 : i32 to index
    %get3A_2688 = arith.constant 496 : index
    %get3A_2689 = tpu.vector_load %arg6[%get3A_2687, %get3A_2688] {strides = array<i32>} : memref<10x512xf32, #tpu.memory_space<vmem>>, vector<16xf32>,
    %get3A_2690 = arith.constant 1 : i32
    %get3A_2691 = arith.index_cast %get3A_2690 : i32 to index
    %get3A_2692 = arith.constant 496 : index
    %get3A_2693 = tpu.vector_load %arg6[%get3A_2691, %get3A_2692] {strides = array<i32>} : memref<10x512xf32, #tpu.memory_space<vmem>>, vector<16xf32>,
    %add3A_2694 = arith.addf %get3A_2689, %get3A_2693 : vector<16xf32>
    %get3A_2695 = arith.constant 2 : i32
    %get3A_2696 = arith.index_cast %get3A_2695 : i32 to index
    %get3A_2697 = arith.constant 496 : index
    %get3A_2698 = tpu.vector_load %arg6[%get3A_2696, %get3A_2697] {strides = array<i32>} : memref<10x512xf32, #tpu.memory_space<vmem>>, vector<16xf32>,
    %add3A_2699 = arith.addf %add3A_2694, %get3A_2698 : vector<16xf32>
    %get3A_2700 = arith.constant 3 : i32
    %get3A_2701 = arith.index_cast %get3A_2700 : i32 to index
    %get3A_2702 = arith.constant 496 : index
    %get3A_2703 = tpu.vector_load %arg6[%get3A_2701, %get3A_2702] {strides = array<i32>} : memref<10x512xf32, #tpu.memory_space<vmem>>, vector<16xf32>,
    %add3A_2704 = arith.addf %add3A_2699, %get3A_2703 : vector<16xf32>
    %get3A_2705 = arith.constant 4 : i32
    %get3A_2706 = arith.index_cast %get3A_2705 : i32 to index
    %get3A_2707 = arith.constant 496 : index
    %get3A_2708 = tpu.vector_load %arg6[%get3A_2706, %get3A_2707] {strides = array<i32>} : memref<10x512xf32, #tpu.memory_space<vmem>>, vector<16xf32>,
    %add3A_2709 = arith.addf %add3A_2704, %get3A_2708 : vector<16xf32>
    %get3A_2710 = arith.constant 5 : i32
    %get3A_2711 = arith.index_cast %get3A_2710 : i32 to index
    %get3A_2712 = arith.constant 496 : index
    %get3A_2713 = tpu.vector_load %arg6[%get3A_2711, %get3A_2712] {strides = array<i32>} : memref<10x512xf32, #tpu.memory_space<vmem>>, vector<16xf32>,
    %sub3A_2714 = arith.subf %add3A_2709, %get3A_2713 : vector<16xf32>
    %get3A_2715 = arith.constant 6 : i32
    %get3A_2716 = arith.index_cast %get3A_2715 : i32 to index
    %get3A_2717 = arith.constant 496 : index
    %get3A_2718 = tpu.vector_load %arg6[%get3A_2716, %get3A_2717] {strides = array<i32>} : memref<10x512xf32, #tpu.memory_space<vmem>>, vector<16xf32>,
    %sub3A_2719 = arith.subf %sub3A_2714, %get3A_2718 : vector<16xf32>
    %get3A_2720 = arith.constant 7 : i32
    %get3A_2721 = arith.index_cast %get3A_2720 : i32 to index
    %get3A_2722 = arith.constant 496 : index
    %get3A_2723 = tpu.vector_load %arg6[%get3A_2721, %get3A_2722] {strides = array<i32>} : memref<10x512xf32, #tpu.memory_space<vmem>>, vector<16xf32>,
    %sub3A_2724 = arith.subf %sub3A_2719, %get3A_2723 : vector<16xf32>
    %get3A_2725 = arith.constant 8 : i32
    %get3A_2726 = arith.index_cast %get3A_2725 : i32 to index
    %get3A_2727 = arith.constant 496 : index
    %get3A_2728 = tpu.vector_load %arg6[%get3A_2726, %get3A_2727] {strides = array<i32>} : memref<10x512xf32, #tpu.memory_space<vmem>>, vector<16xf32>,
    %sub3A_2729 = arith.subf %sub3A_2724, %get3A_2728 : vector<16xf32>
    %get3A_2730 = arith.constant 9 : i32
    %get3A_2731 = arith.index_cast %get3A_2730 : i32 to index
    %get3A_2732 = arith.constant 496 : index
    %get3A_2733 = tpu.vector_load %arg6[%get3A_2731, %get3A_2732] {strides = array<i32>} : memref<10x512xf32, #tpu.memory_space<vmem>>, vector<16xf32>,
    %sub3A_2734 = arith.subf %sub3A_2729, %get3A_2733 : vector<16xf32>
    %neg3A_2735 = arith.constant 0.000000e+00 : f32
    %neg3A_2736 = vector.broadcast %neg3A_2735 : f32 to vector<16xf32>
    %neg3A_2737 = arith.subf %neg3A_2736, %sub3A_2734 : vector<16xf32>
    %exp3A_2738 = math.exp %neg3A_2737 : vector<16xf32>
    %add3A_2739 = arith.constant 1.000000e+00 : f32
    %add3A_2740 = vector.broadcast %add3A_2739 : f32 to vector<16xf32>
    %add3A_2741 = arith.addf %add3A_2740, %exp3A_2738 : vector<16xf32>
    %div3A_2742 = arith.constant 1.000000e+00 : f32
    %div3A_2743 = vector.broadcast %div3A_2742 : f32 to vector<16xf32>
    %div3A_2744 = arith.divf %div3A_2743, %add3A_2741 : vector<16xf32>
    %swap3A_2745 = arith.constant 496 : index
    %swap3A_2746 = tpu.vector_load %arg7[%swap3A_2745] {strides = array<i32>} : memref<512xf32, #tpu.memory_space<vmem>>, vector<16xf32>,
    tpu.vector_store %arg7[%swap3A_2745], %div3A_2744 {strides = array<i32>} : memref<512xf32, #tpu.memory_space<vmem>>, vector<16xf32>,
    "tpu.region"() ({
      %run_scoped3A = tpu.sem_alloc : memref<!tpu.dma_semaphore, #tpu.memory_space<semaphore_mem>>
      %dma_start3A_2747 = tpu.memref_slice %arg4[%mul3A_2] : memref<16384xf32, #tpu.memory_space<hbm>> -> memref<512xf32, #tpu.memory_space<hbm>>
      %dma_start3A_2748 = tpu.memref_slice %arg4[%mul3A_2] : memref<16384xf32, #tpu.memory_space<hbm>> -> memref<512xf32, #tpu.memory_space<hbm>>
      tpu.enqueue_dma source(%arg7 : memref<512xf32, #tpu.memory_space<vmem>>) target(%dma_start3A_2748 : memref<512xf32, #tpu.memory_space<hbm>>) target_semaphore(%run_scoped3A : memref<!tpu.dma_semaphore, #tpu.memory_space<semaphore_mem>>)
      %dma_wait3A_2749 = tpu.memref_slice %arg4[%mul3A_2] : memref<16384xf32, #tpu.memory_space<hbm>> -> memref<512xf32, #tpu.memory_space<hbm>>
      %dma_wait3A_2750 = tpu.memref_slice %arg4[%mul3A_2] : memref<16384xf32, #tpu.memory_space<hbm>> -> memref<512xf32, #tpu.memory_space<hbm>>
      tpu.wait_dma2 semaphore(%run_scoped3A : memref<!tpu.dma_semaphore, #tpu.memory_space<semaphore_mem>>) src(%arg7 : memref<512xf32, #tpu.memory_space<vmem>>) dst(%dma_wait3A_2750 : memref<512xf32, #tpu.memory_space<hbm>>)
      tpu.yield
    }) : () -> ()
    return
  }
}

</mosaic_0001>

<sc_bundles>
// kernel: kernel.3.cloned.1.call-start
scs
__scs_entry_jumppad:
0x0: {  	(pc) =	sbr.rel $0x88, $3  }
0x1: {  	(tag) =	ssettag $0x0;
	lr =	simm.s32 $0x1  }
0x2: {  	[smem:$0x3F9E] =	sst lr;
	_ =	strace $0xD0000000  }
0x3: {  	_ = 	snop  }
0x4: {  	_ = 	snop  }
0x5: {  	_ = 	snop  }
0x6: {  	_ = 	snop  }
0x7: {  	_ = 	snop  }
__scs_overlays_trampoline_lowered:
0x8: {  	[smem:$0x3FAD] =	sst s0  }
0x9: {  	[smem:$0x3FAE] =	sst s1  }
0xa: {  	[smem:$0x3FAF] =	sst s2  }
0xb: {  	[smem:$0x3FB0] =	sst s3  }
0xc: {  	[smem:$0x3FB1] =	sst s4  }
0xd: {  	[smem:$0x3FB2] =	sst s5  }
0xe: {  	[smem:$0x3FB3] =	sst s6  }
0xf: {  	[smem:$0x3FB4] =	sst s7  }
0x10: {  	[smem:$0x3FB5] =	sst s8  }
0x11: {  	[smem:$0x3FB6] =	sst s9;
	s0 =	simm.s32 @!p0 $0x0  }
0x12: {  	s1 =	sld [smem:$0x3F9C];
	s0 =	simm.s32 @p0 $0x1  }
0x13: {  	[smem:$0x3FB7] =	sst s0;
	s0 =	simm.s32 @!p1 $0x0  }
0x14: {  	s2 =	sld [smem:$0x3F9B];
	s0 =	simm.s32 @p1 $0x1  }
0x15: {  	[smem:$0x3FB8] =	sst s0;
	s0 =	simm.s32 @!p2 $0x0  }
0x16: {  	s3 =	sld [smem:$0x3FDB];
	s0 =	simm.s32 @p2 $0x1  }
0x17: {  	s4 =	simm.s32 $0x1BF5;
	[smem:$0x3FBA] =	sst s0  }
0x18: {  	s0 =	sld [smem:$0x3F9D];
	_ =	swait.ge [sflag:s4], $0x0  }
0x19: {  	s7 =	sld [smem:$0x3F9E]  }
0x1a: {  	s8 =	sadd.s32 $0xFFFFE003, lr  }
0x1b: {  	s9 =	sadd.s32 $0xFFFFFEF7, lr;
	s5 =	simm.s32 $0xFFFFFFFF;
	p2 =	slt.u32 s8, $0xFFFFF086  }
0x1c: {  	p1 =	slt.u32 s9, $0xF7A;
	s5 =	simm.s32 @!p2 $0x0  }
0x1d: {  	s5 =	simm.s32 @p1 $0x1;
	p0 =	seq.s32 s7, s2  }
0x1e: {  	s7 =	smul.u32 @!p0 $0xF7A, s2;
	p2 =	seq.s32 @!p0 s5, $0x0  }
0x1f: {  	s9 =	smul.u32 $0xF7A, s1;
	s8 =	simm.s32 @!p0 $0x1BF5;
	p2 =	por !p2, p0  }
0x20: {  	[sflag:s8] =	ssyncset.s32 @!p0 $0xFFFFF086;
	s6 =	sadd.s32 @!p0 s3, s7;
	s7 =	simm.s32 @!p0 $0x108  }
0x21: {  	s3 =	sadd.s32 s3, s9;
	s6 =	sadd.s32 @!p0 $0x88, s6;
	s7 =	simm.s32 @p2 $0x1082  }
0x22: {  	[simem:s7], [sflag:s8] =	dma.local @!p0 [hbm:s6], $0xF7A  }
0x23: {  	s9 =	sor.u32 $0xD0000000, s2;
	s6 =	simm.s32 $0x108;
	_ =	swait.ge @!p0 [sflag:s8], $0x0  }
0x24: {  	s3 =	sadd.s32 $0x88, s3;
	s6 =	simm.s32 @!p1 $0x1082;
	[sflag:s4] =	ssyncset.s32 $0xFFFFF086  }
0x25: {  	[simem:s6], [sflag:s4] =	dma.local [hbm:s3], $0xF7A  }
0x26: {  	[smem:$0x3F9E] =	sst s1;
	(tag) =	ssettag s2;
	_ =	strace s9  }
0x27: {  	s1 =	sld [smem:$0x3FAE]  }
0x28: {  	s2 =	sld [smem:$0x3FAF]  }
0x29: {  	s4 =	sld [smem:$0x3FB1]  }
0x2a: {  	p0 =	seq.s32 s5, $0x0;
	s5 =	sld [smem:$0x3FB2]  }
0x2b: {  	s6 =	sld [smem:$0x3FB3]  }
0x2c: {  	s7 =	sld [smem:$0x3FB4]  }
0x2d: {  	s3 =	simm.s32 $0x108;
	s8 =	sld [smem:$0x3FB5]  }
0x2e: {  	s3 =	simm.s32 @!p0 $0x1082;
	s9 =	sld [smem:$0x3FB6]  }
0x2f: {  	lr =	sadd.s32 s0, s3;
	s0 =	sld [smem:$0x3FAD]  }
0x30: {  	s3 =	sld [smem:$0x3FB0]  }
0x31: {  	[smem:$0x3FB9] =	sst s10  }
0x32: {  	s10 =	sld [smem:$0x3FB7];
	_ =	sdelay $0x3  }
0x33: {  	p0 =	seq.s32 s10, $0x1;
	s10 =	sld [smem:$0x3FB9];
	_ =	sdelay $0x3  }
0x34: {  	[smem:$0x3FB9] =	sst s10  }
0x35: {  	s10 =	sld [smem:$0x3FB8];
	_ =	sdelay $0x3  }
0x36: {  	p1 =	seq.s32 s10, $0x1;
	s10 =	sld [smem:$0x3FB9];
	_ =	sdelay $0x3  }
0x37: {  	[smem:$0x3FB9] =	sst s10  }
0x38: {  	s10 =	sld [smem:$0x3FBA]  }
0x39: {  	_ = 	snop;
	(pc) =	sbr.ind lr, $3  }
0x3a: {  	_ = 	snop  }
0x3b: {  	_ = 	snop  }
0x3c: {  	p2 =	seq.s32 s10, $0x1;
	s10 =	sld [smem:$0x3FB9]  }
0x3d: {  	_ =	shalt  }
0x3e: {  	_ =	shalt  }
0x3f: {  	_ =	shalt  }
0x40: {  	_ =	shalt  }
0x41: {  	_ =	shalt  }
0x42: {  	_ =	shalt  }
0x43: {  	_ =	shalt  }
0x44: {  	_ =	shalt  }
0x45: {  	_ =	shalt  }
0x46: {  	_ =	shalt  }
0x47: {  	_ =	shalt  }
0x48: {  	_ =	shalt  }
0x49: {  	_ =	shalt  }
0x4a: {  	_ =	shalt  }
0x4b: {  	_ =	shalt  }
0x4c: {  	_ =	shalt  }
0x4d: {  	_ =	shalt  }
0x4e: {  	_ =	shalt  }
0x4f: {  	_ =	shalt  }
0x50: {  	_ =	shalt  }
0x51: {  	_ =	shalt  }
0x52: {  	_ =	shalt  }
0x53: {  	_ =	shalt  }
0x54: {  	_ =	shalt  }
0x55: {  	_ =	shalt  }
0x56: {  	_ =	shalt  }
0x57: {  	_ =	shalt  }
0x58: {  	_ =	shalt  }
0x59: {  	_ =	shalt  }
0x5a: {  	_ =	shalt  }
0x5b: {  	_ =	shalt  }
0x5c: {  	_ =	shalt  }
0x5d: {  	_ =	shalt  }
0x5e: {  	_ =	shalt  }
0x5f: {  	_ =	shalt  }
0x60: {  	_ =	shalt  }
0x61: {  	_ =	shalt  }
0x62: {  	_ =	shalt  }
0x63: {  	_ =	shalt  }
0x64: {  	_ =	shalt  }
0x65: {  	_ =	shalt  }
0x66: {  	_ =	shalt  }
0x67: {  	_ =	shalt  }
0x68: {  	_ =	shalt  }
0x69: {  	_ =	shalt  }
0x6a: {  	_ =	shalt  }
0x6b: {  	_ =	shalt  }
0x6c: {  	_ =	shalt  }
0x6d: {  	_ =	shalt  }
0x6e: {  	_ =	shalt  }
0x6f: {  	_ =	shalt  }
0x70: {  	_ =	shalt  }
0x71: {  	_ =	shalt  }
0x72: {  	_ =	shalt  }
0x73: {  	_ =	shalt  }
0x74: {  	_ =	shalt  }
0x75: {  	_ =	shalt  }
0x76: {  	_ =	shalt  }
0x77: {  	_ =	shalt  }
0x78: {  	_ =	shalt  }
0x79: {  	_ =	shalt  }
0x7a: {  	_ =	shalt  }
0x7b: {  	_ =	shalt  }
0x7c: {  	_ =	shalt  }
0x7d: {  	_ =	shalt  }
0x7e: {  	_ =	shalt  }
0x7f: {  	_ =	shalt  }
0x80: {  	_ =	shalt  }
0x81: {  	_ =	shalt  }
0x82: {  	_ =	shalt  }
0x83: {  	_ =	shalt  }
0x84: {  	_ =	shalt  }
0x85: {  	_ =	shalt  }
0x86: {  	_ =	shalt  }
0x87: {  	_ =	shalt  }
.Lfunc_end0:
.L_simem_size_0:
called_computation_lowered:
.L_overlay_start_0:
0x88: {  	s2 =	sld [smem:$0x3FD9]  }
0x89: {  	s3 =	sld [smem:$0x3FFE];
	_ =	sdelay $0x1  }
0x8a: {  	s1 =	srdreg.scid  }
0x8b: {  	s0 =	sand.u32 $0x1, s1  }
0x8c: {  	s17 =	sshll.u32 s0, $0xA;
	s2 =	sadd.s32 s3, s2  }
0x8d: {  	s2 =	sadd.s32 s2, s17  }
0x8e: {  	[smem:$0x3FC5] =	sst s2  }
0x8f: {  	_ = 	snop  }
0x90: {  	s2 =	sld [smem:$0x3FC7]  }
0x91: {  	s18 =	sld [smem:$0x3FD0];
	(tm) =	ssettm $0x1  }
0x92: {  	s4 =	sld [smem:$0x3FFB];
	_ =	sdelay $0x3  }
0x93: {  	_ =	strace s4  }
0x94: {  	s4 =	sld [smem:$0x3FFC];
	_ =	sdelay $0x3  }
0x95: {  	_ =	strace s4  }
0x96: {  	s4 =	sld [smem:$0x3FFD];
	_ =	sdelay $0x3  }
0x97: {  	_ =	strace s4  }
0x98: {  	_ =	strace $0x8FFFFFFF  }
0x99: {  	s19 =	sld [smem:$0x3FDB];
	_ =	sdelay $0x1  }
0x9a: {  	s5 =	simm.s32 $_scs_section_size  }
0x9b: {  	s6 =	simm.s32 $_size__tile_overlayer_lowered;
	s7 =	simm.s32 $_tile_overlayer_lowered  }
0x9c: {  	s22 =	simm.s32 $0x1BFF;
	s21 =	sshll.u32 s7, $0x1;
	s4 =	sadd.s32 s5, s19  }
0x9d: {  	s8 =	simm.s32 $0x0;
	s20 =	sshll.u32 s6, $0x1;
	s6 =	sadd.s32 s21, s4  }
0x9e: {  	[timem:s8], [sflag:s22] =	dma.local [hbm:s6], s20  }
0x9f: {  	_ =	swait.ge [sflag:s22], s20  }
0xa0: {  	s5 =	ssub.s32 $0x0, s20;
	[sflag:s22] =	ssyncset.done $0x0  }
0xa1: {  	[sflag:s22] =	ssyncadd.s32 s5;
	_ =	sdelay $0x1  }
0xa2: {  	s23 =	simm.s32 $0x1B8B  }
0xa3: {  	_ =	swait.ge [sflag:s23], $0x1  }
0xa4: {  	[sflag:s23] =	ssyncset.done $0x0  }
0xa5: {  	s25 =	simm.s32 $0x1B8E;
	s24 =	sld [smem:$0x3FFE];
	[sflag:s23] =	ssyncadd.s32 $0xFFFFFFFF  }
0xa6: {  	s26 =	simm.s32 $execute0_lowered;
	[smem:$0x3FD2] =	sst s25  }
0xa7: {  	s6 =	sshll.u32 s26, $0x1;
	_ =	strace $0x80000046;
	[dreg:$0x1] =	wrdreg $0xFFFFFFFF  }
0xa8: {  	s28 =	simm.s32 $_size_execute0_lowered;
	s4 =	sadd.s32 s4, s6;
	[dreg:$0x0] =	wrdreg $0x0  }
0xa9: {  	s6 =	sshll.u32 s28, $0x1;
	[dreg:$0x2] =	wrdreg s4  }
0xaa: {  	[dreg:$0x3] =	wrdreg s6  }
0xab: {  	[dreg:$0x4] =	wrdreg $0xC0  }
0xac: {  	_ =	task [dreg:s8], $0x5FFFF  }
0xad: {  	[dreg:$0x1] =	wrdreg $0xFFFFFFFF  }
0xae: {  	[dreg:$0x0] =	wrdreg $0x60  }
0xaf: {  	[dreg:$0x2] =	wrdreg s2  }
0xb0: {  	[dreg:$0x3] =	wrdreg s24  }
0xb1: {  	[dreg:$0x4] =	wrdreg s18  }
0xb2: {  	[dreg:$0x5] =	wrdreg $0x9  }
0xb3: {  	_ =	task.clear_ibuf [dreg:s8], $0x6FFFF;
	_ =	strace $0x90000046  }
0xb4: {  	s29 =	simm.s32 $0x9;
	_ =	strace $0x80000048  }
0xb5: {  	_ =	swait.ge [sflag:s29], $0x1  }
0xb6: {  	[sflag:s29] =	ssyncadd.s32 $0xFFFFFFFF  }
0xb7: {  	_ =	strace $0x90000048  }
0xb8: {  	_ =	sfence  }
0xb9: {  	s30 =	sld [smem:$0x0];
	_ =	sdelay $0x2  }
0xba: {  	s31 =	sshll.u32 s1, $0xD;
	s1 =	sshrl.u32 s1, $0x2  }
0xbb: {  	s3 =	sand.u32 $0x4000, s31;
	s1 =	sadd.s32 s1, s30  }
0xbc: {  	s0 =	sor.u32 s3, s0;
	s1 =	sshll.u32 s1, $0x11  }
0xbd: {  	s0 =	sor.u32 s1, s0  }
0xbe: {  	s0 =	sadd.s32 $0x8F2B, s0  }
0xbf: {  	[sflag:s0] =	ssyncadd.remote.s32 $0x1  }
0xc0: {  	_ =	sfence.sel $0xFFFF  }
0xc1: {  	[dreg:$0x0] =	wrdreg $0xFFFFFFFF;
	(pc) =	sbr.abs _section_cstart, $3  }
0xc2: {  	[dreg:$0x1] =	wrdreg $0xFFFFFFFF  }
0xc3: {  	_ =	task.clear_ibuf [dreg:s8], $0x2FFFF;
	_ =	strace $0x9FFFFFFF  }
0xc4: {  	(tm) =	ssettm $0x7FFFFFFF  }
0xc5: {  	_ =	shalt  }
tec
execute0_lowered:
.L_overlay_start_1:
0x0: {  	(tag) =	ssettag $0x1  }
0x1: {  	s1 =	rddreg [dreg:$0x0]  }
0x2: {  	s4 =	rddreg [dreg:$0x1]  }
0x3: {  	s5 =	rddreg [dreg:$0x2];
	s3 =	simm.s32 $0x0  }
0x4: {  	s16 =	simm.s32 $0x20000;
	[smem:$0x7FF] =	sst s3  }
0x5: {  	s17 =	simm.s32 $0x2000;
	_ =	strace $0x80000047;
	[dreg:$0x6] =	wrdreg s16  }
0x6: {  	s18 =	simm.s32 $0x400;
	[dreg:$0x7] =	wrdreg s17  }
0x7: {  	s19 =	simm.s32 $0x2400;
	[dreg:$0x8] =	wrdreg s18  }
0x8: {  	s20 =	simm.s32 $0x800;
	[dreg:$0x9] =	wrdreg s19  }
0x9: {  	s21 =	simm.s32 $0x2800;
	[dreg:$0xa] =	wrdreg s20  }
0xa: {  	s22 =	simm.s32 $0xC00;
	[dreg:$0xb] =	wrdreg s21  }
0xb: {  	s23 =	simm.s32 $0x2C00;
	[dreg:$0xc] =	wrdreg s22  }
0xc: {  	s24 =	simm.s32 $0x2080;
	[dreg:$0xd] =	wrdreg s23  }
0xd: {  	s25 =	simm.s32 $0x480;
	[dreg:$0xe] =	wrdreg s24  }
0xe: {  	s0 =	stileid.u32;
	s26 =	simm.s32 $0x2480;
	[dreg:$0xf] =	wrdreg s25  }
0xf: {  	s6 =	sshll.u32 s0, $0xA;
	s0 =	simm.s32 $0x880;
	[dreg:$0x10] =	wrdreg s26  }
0x10: {  	s8 =	simm.s32 $0x100;
	[dreg:$0x11] =	wrdreg s0  }
0x11: {  	s9 =	simm.s32 $0x2100;
	[dreg:$0x15] =	wrdreg s8  }
0x12: {  	s10 =	simm.s32 $0x500;
	[dreg:$0x16] =	wrdreg s9  }
0x13: {  	s11 =	simm.s32 $0x2500;
	[dreg:$0x17] =	wrdreg s10  }
0x14: {  	s12 =	simm.s32 $0x900;
	[dreg:$0x18] =	wrdreg s11  }
0x15: {  	s13 =	simm.s32 $0x2900;
	[dreg:$0x19] =	wrdreg s12  }
0x16: {  	s14 =	simm.s32 $0xD00;
	[dreg:$0x1a] =	wrdreg s13  }
0x17: {  	[dreg:$0x1b] =	wrdreg s14;
	s16 =	simm.s32 $0x180  }
0x18: {  	s17 =	simm.s32 $0x2180;
	[dreg:$0x1d] =	wrdreg s16  }
0x19: {  	s18 =	simm.s32 $0x580;
	[dreg:$0x1e] =	wrdreg s17  }
0x1a: {  	s19 =	simm.s32 $0x2580;
	[dreg:$0x1f] =	wrdreg s18  }
0x1b: {  	s20 =	simm.s32 $0x980;
	[smem:$0x7E0] =	sst s19  }
0x1c: {  	s21 =	simm.s32 $0x2980;
	[smem:$0x7E1] =	sst s20  }
0x1d: {  	s22 =	simm.s32 $0xD80;
	[smem:$0x7E2] =	sst s21  }
0x1e: {  	s23 =	simm.s32 $0x2D80;
	[smem:$0x7E3] =	sst s22  }
0x1f: {  	s24 =	simm.s32 $0x200;
	[smem:$0x7E4] =	sst s23  }
0x20: {  	s25 =	simm.s32 $0x2200;
	[smem:$0x7E5] =	sst s24  }
0x21: {  	s26 =	simm.s32 $0x600;
	[smem:$0x7E6] =	sst s25  }
0x22: {  	s0 =	simm.s32 $0x2600;
	[smem:$0x7E7] =	sst s26  }
0x23: {  	s8 =	simm.s32 $0x2E00;
	[smem:$0x7E8] =	sst s0  }
0x24: {  	s2 =	srdreg.scid;
	s9 =	simm.s32 $0x280;
	[smem:$0x7EC] =	sst s8  }
0x25: {  	s28 =	simm.s32 $0x3880;
	s10 =	simm.s32 $0x2280;
	[smem:$0x7ED] =	sst s9  }
0x26: {  	s29 =	simm.s32 $0x1C80;
	s11 =	simm.s32 $0x680;
	[smem:$0x7EE] =	sst s10  }
0x27: {  	s30 =	simm.s32 $0x3C80;
	s12 =	simm.s32 $0x2680;
	[smem:$0x7EF] =	sst s11  }
0x28: {  	s2 =	sand.u32 $0x1, s2;
	s13 =	simm.s32 $0xA80;
	[smem:$0x7F0] =	sst s12  }
0x29: {  	s7 =	sshll.u32 s2, $0x9;
	s14 =	simm.s32 $0x2A80;
	[smem:$0x7F1] =	sst s13  }
0x2a: {  	s6 =	sor.u32 s7, s6;
	s7 =	simm.s32 $0x2C80;
	[smem:$0x7F2] =	sst s14  }
0x2b: {  	s31 =	simm.s32 $0x1;
	s16 =	simm.s32 $0x2E80;
	[dreg:$0x14] =	wrdreg s7  }
0x2c: {  	s2 =	ssub.s32 $0x2, s2;
	s17 =	simm.s32 $0x300;
	[smem:$0x7F4] =	sst s16  }
0x2d: {  	s18 =	simm.s32 $0x2300;
	s19 =	simm.s32 $0x700;
	[smem:$0x7F5] =	sst s17  }
0x2e: {  	s20 =	simm.s32 $0x2700;
	s21 =	simm.s32 $0xB00;
	[smem:$0x7F6] =	sst s18  }
0x2f: {  	s22 =	sshrl.u32 s2, $0x1;
	s23 =	simm.s32 $0x2B00;
	[smem:$0x7F7] =	sst s19  }
0x30: {  	s24 =	simm.s32 $0xF00;
	s25 =	simm.s32 $0x2F00;
	[smem:$0x7F8] =	sst s20  }
0x31: {  	s26 =	simm.s32 $0x380;
	s11 =	simm.s32 $0xB80;
	[smem:$0x7F9] =	sst s21  }
0x32: {  	s12 =	simm.s32 $0x2B80;
	s13 =	simm.s32 $0xF80;
	[smem:$0x7FA] =	sst s23  }
0x33: {  	s14 =	simm.s32 $0x2F80;
	s4 =	sadd.s32 s6, s4;
	[smem:$0x7FB] =	sst s24  }
0x34: {  	s6 =	sshrl.u32 s6, $0x3;
	s7 =	simm.s32 $0xE00;
	[smem:$0x7FC] =	sst s25  }
0x35: {  	s2 =	ssub.s32 s2, s22;
	[smem:$0x7FD] =	sst s26;
	s16 =	simm.s32 $0x1400  }
0x36: {  	s17 =	simm.s32 $0x3400;
	s18 =	simm.s32 $0x1800;
	s19 =	simm.s32 $0x3800  }
0x37: {  	s20 =	simm.s32 $0x1C00;
	s21 =	simm.s32 $0x3C00;
	s22 =	simm.s32 $0x1080  }
0x38: {  	s23 =	simm.s32 $0x3080;
	s4 =	sadd.s32 $0x400, s4;
	[smem:$0x7EB] =	sst s7  }
0x39: {  	s24 =	simm.s32 $0x1480;
	s15 =	sadd.s32 s5, s6;
	[dreg:$0x4] =	wrdreg s4  }
0x3a: {  	s25 =	simm.s32 $0x3480;
	s5 =	simm.s32 $0x2880;
	[dreg:$0x5] =	wrdreg s15  }
0x3b: {  	s26 =	simm.s32 $0x1880;
	s6 =	simm.s32 $0xC80;
	[dreg:$0x12] =	wrdreg s5  }
0x3c: {  	s7 =	simm.s32 $0x80;
	[dreg:$0x13] =	wrdreg s6;
	s15 =	simm.s32 $0x2D00  }
0x3d: {  	s5 =	simm.s32 $0xA00;
	s6 =	simm.s32 $0x2A00;
	[dreg:$0x1c] =	wrdreg s15  }
0x3e: {  	s4 =	smax.u32 s2, $0x1;
	s2 =	simm.s32 $0x4000;
	[smem:$0x7E9] =	sst s5  }
0x3f: {  	[smem:$0x7EA] =	sst s6;
	s15 =	simm.s32 $0xE80;
	s5 =	simm.s32 $0x1000  }
0x40: {  	s6 =	simm.s32 $0x2;
	[smem:$0x7F3] =	sst s15;
	s15 =	simm.s32 $0x3000  }
.LBB2_1:
0x41: {  	s0 =	rddreg [dreg:$0x4]  }
0x42: {  	s8 =	rddreg [dreg:$0x6]  }
0x43: {  	[tilespmem:s3], [sflag:$0x2] =	stream.strided.gather [hbm4b:s0+s5], $0x2000, s8, s5, $0x38;
	[tilespmem:$0x4200] =	vst v63  }
0x44: {  	_ =	swait.ge [sflag:s6], $0x2000  }
0x45: {  	s8 =	rddreg [dreg:$0x7]  }
0x46: {  	s10 =	rddreg [dreg:$0x8]  }
0x47: {  	[sflag:s6] =	ssyncset.done $0x0;
	s9 =	rddreg [dreg:$0x9]  }
0x48: {  	s0 =	rddreg [dreg:$0xa];
	[sflag:s6] =	ssyncadd.s32 $0xFFFFE000  }
0x49: {  	[tilespmem:s8], [sflag:$0x1] =	stream.indirect.gather [hbm4b:s1+s7], $0x1, s3, s7, $0xb8;
	[tilespmem:$0x4200] =	vst v63  }
0x4a: {  	s8 =	rddreg [dreg:$0xb]  }
0x4b: {  	[tilespmem:s9], [sflag:$0x1] =	stream.indirect.gather [hbm4b:s1+s7], $0x1, s10, s7, $0xb8;
	[tilespmem:$0x4200] =	vst v63  }
0x4c: {  	s9 =	rddreg [dreg:$0xc]  }
0x4d: {  	s10 =	rddreg [dreg:$0xd]  }
0x4e: {  	[tilespmem:s8], [sflag:$0x1] =	stream.indirect.gather [hbm4b:s1+s7], $0x1, s0, s7, $0xb8;
	[tilespmem:$0x4200] =	vst v63  }
0x4f: {  	s8 =	rddreg [dreg:$0xe]  }
0x50: {  	s0 =	rddreg [dreg:$0x11]  }
0x51: {  	[tilespmem:s10], [sflag:$0x1] =	stream.indirect.gather [hbm4b:s1+s7], $0x1, s9, s7, $0xb8;
	[tilespmem:$0x4200] =	vst v63  }
0x52: {  	s9 =	rddreg [dreg:$0xf]  }
0x53: {  	s10 =	rddreg [dreg:$0x10]  }
0x54: {  	[tilespmem:s8], [sflag:$0x1] =	stream.indirect.gather [hbm4b:s1+s7], $0x1, s7, s7, $0xb8;
	[tilespmem:$0x4200] =	vst v63  }
0x55: {  	s8 =	rddreg [dreg:$0x12]  }
0x56: {  	[tilespmem:s10], [sflag:$0x1] =	stream.indirect.gather [hbm4b:s1+s7], $0x1, s9, s7, $0xb8;
	[tilespmem:$0x4200] =	vst v63  }
0x57: {  	s9 =	rddreg [dreg:$0x13]  }
0x58: {  	s10 =	rddreg [dreg:$0x14]  }
0x59: {  	[tilespmem:s8], [sflag:$0x1] =	stream.indirect.gather [hbm4b:s1+s7], $0x1, s0, s7, $0xb8;
	[tilespmem:$0x4200] =	vst v63  }
0x5a: {  	s0 =	rddreg [dreg:$0x15]  }
0x5b: {  	s8 =	rddreg [dreg:$0x16]  }
0x5c: {  	[tilespmem:s10], [sflag:$0x1] =	stream.indirect.gather [hbm4b:s1+s7], $0x1, s9, s7, $0xb8;
	[tilespmem:$0x4200] =	vst v63  }
0x5d: {  	s9 =	rddreg [dreg:$0x17]  }
0x5e: {  	s10 =	rddreg [dreg:$0x18]  }
0x5f: {  	[tilespmem:s8], [sflag:$0x1] =	stream.indirect.gather [hbm4b:s1+s7], $0x1, s0, s7, $0xb8;
	[tilespmem:$0x4200] =	vst v63  }
0x60: {  	s0 =	rddreg [dreg:$0x19]  }
0x61: {  	s8 =	rddreg [dreg:$0x1a]  }
0x62: {  	[tilespmem:s10], [sflag:$0x1] =	stream.indirect.gather [hbm4b:s1+s7], $0x1, s9, s7, $0xb8;
	[tilespmem:$0x4200] =	vst v63  }
0x63: {  	s9 =	rddreg [dreg:$0x1b]  }
0x64: {  	s10 =	rddreg [dreg:$0x1c]  }
0x65: {  	[tilespmem:s8], [sflag:$0x1] =	stream.indirect.gather [hbm4b:s1+s7], $0x1, s0, s7, $0xb8;
	[tilespmem:$0x4200] =	vst v63  }
0x66: {  	s0 =	rddreg [dreg:$0x1d]  }
0x67: {  	s8 =	rddreg [dreg:$0x1e]  }
0x68: {  	[tilespmem:s10], [sflag:$0x1] =	stream.indirect.gather [hbm4b:s1+s7], $0x1, s9, s7, $0xb8;
	[tilespmem:$0x4200] =	vst v63  }
0x69: {  	s9 =	rddreg [dreg:$0x1f]  }
0x6a: {  	s10 =	sld [smem:$0x7E0]  }
0x6b: {  	[tilespmem:s8], [sflag:$0x1] =	stream.indirect.gather [hbm4b:s1+s7], $0x1, s0, s7, $0xb8;
	[tilespmem:$0x4200] =	vst v63  }
0x6c: {  	s0 =	sld [smem:$0x7E1]  }
0x6d: {  	s8 =	sld [smem:$0x7E2]  }
0x6e: {  	[tilespmem:s10], [sflag:$0x1] =	stream.indirect.gather [hbm4b:s1+s7], $0x1, s9, s7, $0xb8;
	[tilespmem:$0x4200] =	vst v63  }
0x6f: {  	s9 =	sld [smem:$0x7E3]  }
0x70: {  	s10 =	sld [smem:$0x7E4]  }
0x71: {  	[tilespmem:s8], [sflag:$0x1] =	stream.indirect.gather [hbm4b:s1+s7], $0x1, s0, s7, $0xb8;
	[tilespmem:$0x4200] =	vst v63  }
0x72: {  	s0 =	sld [smem:$0x7E5]  }
0x73: {  	s8 =	sld [smem:$0x7E6]  }
0x74: {  	[tilespmem:s10], [sflag:$0x1] =	stream.indirect.gather [hbm4b:s1+s7], $0x1, s9, s7, $0xb8;
	[tilespmem:$0x4200] =	vst v63  }
0x75: {  	s9 =	sld [smem:$0x7E7]  }
0x76: {  	s10 =	sld [smem:$0x7E8]  }
0x77: {  	[tilespmem:s8], [sflag:$0x1] =	stream.indirect.gather [hbm4b:s1+s7], $0x1, s0, s7, $0xb8;
	[tilespmem:$0x4200] =	vst v63  }
0x78: {  	s0 =	sld [smem:$0x7E9]  }
0x79: {  	s8 =	sld [smem:$0x7EA]  }
0x7a: {  	[tilespmem:s10], [sflag:$0x1] =	stream.indirect.gather [hbm4b:s1+s7], $0x1, s9, s7, $0xb8;
	[tilespmem:$0x4200] =	vst v63  }
0x7b: {  	s9 =	sld [smem:$0x7EB]  }
0x7c: {  	s10 =	sld [smem:$0x7EC]  }
0x7d: {  	[tilespmem:s8], [sflag:$0x1] =	stream.indirect.gather [hbm4b:s1+s7], $0x1, s0, s7, $0xb8;
	[tilespmem:$0x4200] =	vst v63  }
0x7e: {  	s0 =	sld [smem:$0x7ED]  }
0x7f: {  	s8 =	sld [smem:$0x7EE]  }
0x80: {  	[tilespmem:s10], [sflag:$0x1] =	stream.indirect.gather [hbm4b:s1+s7], $0x1, s9, s7, $0xb8;
	[tilespmem:$0x4200] =	vst v63  }
0x81: {  	s9 =	sld [smem:$0x7EF]  }
0x82: {  	s10 =	sld [smem:$0x7F0]  }
0x83: {  	[tilespmem:s8], [sflag:$0x1] =	stream.indirect.gather [hbm4b:s1+s7], $0x1, s0, s7, $0xb8;
	[tilespmem:$0x4200] =	vst v63  }
0x84: {  	s0 =	sld [smem:$0x7F1]  }
0x85: {  	s8 =	sld [smem:$0x7F2]  }
0x86: {  	[tilespmem:s10], [sflag:$0x1] =	stream.indirect.gather [hbm4b:s1+s7], $0x1, s9, s7, $0xb8;
	[tilespmem:$0x4200] =	vst v63  }
0x87: {  	s9 =	sld [smem:$0x7F3]  }
0x88: {  	s10 =	sld [smem:$0x7F4]  }
0x89: {  	[tilespmem:s8], [sflag:$0x1] =	stream.indirect.gather [hbm4b:s1+s7], $0x1, s0, s7, $0xb8;
	[tilespmem:$0x4200] =	vst v63  }
0x8a: {  	s0 =	sld [smem:$0x7F5]  }
0x8b: {  	s8 =	sld [smem:$0x7F6]  }
0x8c: {  	[tilespmem:s10], [sflag:$0x1] =	stream.indirect.gather [hbm4b:s1+s7], $0x1, s9, s7, $0xb8;
	[tilespmem:$0x4200] =	vst v63  }
0x8d: {  	s9 =	sld [smem:$0x7F7]  }
0x8e: {  	s10 =	sld [smem:$0x7F8]  }
0x8f: {  	[tilespmem:s8], [sflag:$0x1] =	stream.indirect.gather [hbm4b:s1+s7], $0x1, s0, s7, $0xb8;
	[tilespmem:$0x4200] =	vst v63  }
0x90: {  	s0 =	sld [smem:$0x7F9]  }
0x91: {  	s8 =	sld [smem:$0x7FA]  }
0x92: {  	[tilespmem:s10], [sflag:$0x1] =	stream.indirect.gather [hbm4b:s1+s7], $0x1, s9, s7, $0xb8;
	[tilespmem:$0x4200] =	vst v63  }
0x93: {  	s9 =	sld [smem:$0x7FB]  }
0x94: {  	s10 =	sld [smem:$0x7FC]  }
0x95: {  	[tilespmem:s8], [sflag:$0x1] =	stream.indirect.gather [hbm4b:s1+s7], $0x1, s0, s7, $0xb8;
	[tilespmem:$0x4200] =	vst v63  }
0x96: {  	s8 =	sld [smem:$0x7FD]  }
0x97: {  	[tilespmem:s10], [sflag:$0x1] =	stream.indirect.gather [hbm4b:s1+s7], $0x1, s9, s7, $0xb8;
	[tilespmem:$0x4200] =	vst v63  }
0x98: {  	s10 =	simm.s32 $0x2380  }
0x99: {  	[tilespmem:s10], [sflag:$0x1] =	stream.indirect.gather [hbm4b:s1+s7], $0x1, s8, s7, $0xb8;
	[tilespmem:$0x4200] =	vst v63  }
0x9a: {  	s9 =	simm.s32 $0x2780;
	s8 =	simm.s32 $0x780  }
0x9b: {  	[tilespmem:s9], [sflag:$0x1] =	stream.indirect.gather [hbm4b:s1+s7], $0x1, s8, s7, $0xb8;
	[tilespmem:$0x4200] =	vst v63  }
0x9c: {  	_ = 	snop  }
0x9d: {  	[tilespmem:s12], [sflag:$0x1] =	stream.indirect.gather [hbm4b:s1+s7], $0x1, s11, s7, $0xb8;
	[tilespmem:$0x4200] =	vst v63  }
0x9e: {  	_ = 	snop  }
0x9f: {  	[tilespmem:s14], [sflag:$0x1] =	stream.indirect.gather [hbm4b:s1+s7], $0x1, s13, s7, $0xb8;
	[tilespmem:$0x4200] =	vst v63  }
0xa0: {  	_ = 	snop  }
0xa1: {  	[tilespmem:s15], [sflag:$0x1] =	stream.indirect.gather [hbm4b:s1+s7], $0x1, s5, s7, $0xb8;
	[tilespmem:$0x4200] =	vst v63  }
0xa2: {  	_ = 	snop  }
0xa3: {  	[tilespmem:s17], [sflag:$0x1] =	stream.indirect.gather [hbm4b:s1+s7], $0x1, s16, s7, $0xb8;
	[tilespmem:$0x4200] =	vst v63  }
0xa4: {  	_ = 	snop  }
0xa5: {  	[tilespmem:s19], [sflag:$0x1] =	stream.indirect.gather [hbm4b:s1+s7], $0x1, s18, s7, $0xb8;
	[tilespmem:$0x4200] =	vst v63  }
0xa6: {  	_ = 	snop  }
0xa7: {  	[tilespmem:s21], [sflag:$0x1] =	stream.indirect.gather [hbm4b:s1+s7], $0x1, s20, s7, $0xb8;
	[tilespmem:$0x4200] =	vst v63  }
0xa8: {  	_ = 	snop  }
0xa9: {  	[tilespmem:s23], [sflag:$0x1] =	stream.indirect.gather [hbm4b:s1+s7], $0x1, s22, s7, $0xb8;
	[tilespmem:$0x4200] =	vst v63  }
0xaa: {  	_ = 	snop  }
0xab: {  	[tilespmem:s25], [sflag:$0x1] =	stream.indirect.gather [hbm4b:s1+s7], $0x1, s24, s7, $0xb8;
	[tilespmem:$0x4200] =	vst v63  }
0xac: {  	_ = 	snop  }
0xad: {  	[tilespmem:s28], [sflag:$0x1] =	stream.indirect.gather [hbm4b:s1+s7], $0x1, s26, s7, $0xb8;
	[tilespmem:$0x4200] =	vst v63  }
0xae: {  	_ = 	snop  }
0xaf: {  	[tilespmem:s30], [sflag:$0x1] =	stream.indirect.gather [hbm4b:s1+s7], $0x1, s29, s7, $0xb8;
	[tilespmem:$0x4200] =	vst v63  }
0xb0: {  	_ =	swait.ge [sflag:s31], $0x80  }
0xb1: {  	[sflag:s31] =	ssyncset.done $0x0  }
0xb2: {  	[sflag:s31] =	ssyncadd.s32 $0xFFFFFF80  }
0xb3: {  	_ =	swait.ge [sflag:s31], $0x80  }
0xb4: {  	[sflag:s31] =	ssyncset.done $0x0  }
0xb5: {  	[sflag:s31] =	ssyncadd.s32 $0xFFFFFF80  }
0xb6: {  	_ =	swait.ge [sflag:s31], $0x80  }
0xb7: {  	[sflag:s31] =	ssyncset.done $0x0  }
0xb8: {  	[sflag:s31] =	ssyncadd.s32 $0xFFFFFF80  }
0xb9: {  	_ =	swait.ge [sflag:s31], $0x80  }
0xba: {  	[sflag:s31] =	ssyncset.done $0x0  }
0xbb: {  	[sflag:s31] =	ssyncadd.s32 $0xFFFFFF80  }
0xbc: {  	_ =	swait.ge [sflag:s31], $0x80  }
0xbd: {  	[sflag:s31] =	ssyncset.done $0x0  }
0xbe: {  	[sflag:s31] =	ssyncadd.s32 $0xFFFFFF80  }
0xbf: {  	_ =	swait.ge [sflag:s31], $0x80  }
0xc0: {  	[sflag:s31] =	ssyncset.done $0x0  }
0xc1: {  	[sflag:s31] =	ssyncadd.s32 $0xFFFFFF80  }
0xc2: {  	_ =	swait.ge [sflag:s31], $0x80  }
0xc3: {  	[sflag:s31] =	ssyncset.done $0x0  }
0xc4: {  	[sflag:s31] =	ssyncadd.s32 $0xFFFFFF80  }
0xc5: {  	_ =	swait.ge [sflag:s31], $0x80  }
0xc6: {  	[sflag:s31] =	ssyncset.done $0x0  }
0xc7: {  	[sflag:s31] =	ssyncadd.s32 $0xFFFFFF80  }
0xc8: {  	_ =	swait.ge [sflag:s31], $0x80  }
0xc9: {  	[sflag:s31] =	ssyncset.done $0x0  }
0xca: {  	[sflag:s31] =	ssyncadd.s32 $0xFFFFFF80  }
0xcb: {  	_ =	swait.ge [sflag:s31], $0x80  }
0xcc: {  	[sflag:s31] =	ssyncset.done $0x0  }
0xcd: {  	[sflag:s31] =	ssyncadd.s32 $0xFFFFFF80  }
0xce: {  	_ =	swait.ge [sflag:s31], $0x80  }
0xcf: {  	[sflag:s31] =	ssyncset.done $0x0  }
0xd0: {  	[sflag:s31] =	ssyncadd.s32 $0xFFFFFF80  }
0xd1: {  	_ =	swait.ge [sflag:s31], $0x80  }
0xd2: {  	[sflag:s31] =	ssyncset.done $0x0  }
0xd3: {  	[sflag:s31] =	ssyncadd.s32 $0xFFFFFF80  }
0xd4: {  	_ =	swait.ge [sflag:s31], $0x80  }
0xd5: {  	[sflag:s31] =	ssyncset.done $0x0  }
0xd6: {  	[sflag:s31] =	ssyncadd.s32 $0xFFFFFF80  }
0xd7: {  	_ =	swait.ge [sflag:s31], $0x80  }
0xd8: {  	[sflag:s31] =	ssyncset.done $0x0  }
0xd9: {  	[sflag:s31] =	ssyncadd.s32 $0xFFFFFF80  }
0xda: {  	_ =	swait.ge [sflag:s31], $0x80  }
0xdb: {  	[sflag:s31] =	ssyncset.done $0x0  }
0xdc: {  	[sflag:s31] =	ssyncadd.s32 $0xFFFFFF80  }
0xdd: {  	_ =	swait.ge [sflag:s31], $0x80  }
0xde: {  	[sflag:s31] =	ssyncset.done $0x0  }
0xdf: {  	[sflag:s31] =	ssyncadd.s32 $0xFFFFFF80  }
0xe0: {  	_ =	swait.ge [sflag:s31], $0x80  }
0xe1: {  	[sflag:s31] =	ssyncset.done $0x0  }
0xe2: {  	[sflag:s31] =	ssyncadd.s32 $0xFFFFFF80  }
0xe3: {  	_ =	swait.ge [sflag:s31], $0x80  }
0xe4: {  	[sflag:s31] =	ssyncset.done $0x0  }
0xe5: {  	[sflag:s31] =	ssyncadd.s32 $0xFFFFFF80  }
0xe6: {  	_ =	swait.ge [sflag:s31], $0x80  }
0xe7: {  	[sflag:s31] =	ssyncset.done $0x0  }
0xe8: {  	[sflag:s31] =	ssyncadd.s32 $0xFFFFFF80  }
0xe9: {  	_ =	swait.ge [sflag:s31], $0x80  }
0xea: {  	[sflag:s31] =	ssyncset.done $0x0  }
0xeb: {  	[sflag:s31] =	ssyncadd.s32 $0xFFFFFF80  }
0xec: {  	_ =	swait.ge [sflag:s31], $0x80  }
0xed: {  	[sflag:s31] =	ssyncset.done $0x0  }
0xee: {  	[sflag:s31] =	ssyncadd.s32 $0xFFFFFF80  }
0xef: {  	_ =	swait.ge [sflag:s31], $0x80  }
0xf0: {  	[sflag:s31] =	ssyncset.done $0x0  }
0xf1: {  	[sflag:s31] =	ssyncadd.s32 $0xFFFFFF80  }
0xf2: {  	_ =	swait.ge [sflag:s31], $0x80  }
0xf3: {  	[sflag:s31] =	ssyncset.done $0x0  }
0xf4: {  	[sflag:s31] =	ssyncadd.s32 $0xFFFFFF80  }
0xf5: {  	_ =	swait.ge [sflag:s31], $0x80  }
0xf6: {  	[sflag:s31] =	ssyncset.done $0x0  }
0xf7: {  	[sflag:s31] =	ssyncadd.s32 $0xFFFFFF80  }
0xf8: {  	_ =	swait.ge [sflag:s31], $0x80  }
0xf9: {  	[sflag:s31] =	ssyncset.done $0x0  }
0xfa: {  	[sflag:s31] =	ssyncadd.s32 $0xFFFFFF80  }
0xfb: {  	_ =	swait.ge [sflag:s31], $0x80  }
0xfc: {  	[sflag:s31] =	ssyncset.done $0x0  }
0xfd: {  	[sflag:s31] =	ssyncadd.s32 $0xFFFFFF80  }
0xfe: {  	_ =	swait.ge [sflag:s31], $0x80  }
0xff: {  	[sflag:s31] =	ssyncset.done $0x0  }
0x100: {  	[sflag:s31] =	ssyncadd.s32 $0xFFFFFF80  }
0x101: {  	_ =	swait.ge [sflag:s31], $0x80  }
0x102: {  	[sflag:s31] =	ssyncset.done $0x0  }
0x103: {  	[sflag:s31] =	ssyncadd.s32 $0xFFFFFF80  }
0x104: {  	_ =	swait.ge [sflag:s31], $0x80  }
0x105: {  	[sflag:s31] =	ssyncset.done $0x0  }
0x106: {  	[sflag:s31] =	ssyncadd.s32 $0xFFFFFF80  }
0x107: {  	_ =	swait.ge [sflag:s31], $0x80  }
0x108: {  	[sflag:s31] =	ssyncset.done $0x0  }
0x109: {  	[sflag:s31] =	ssyncadd.s32 $0xFFFFFF80  }
0x10a: {  	_ =	swait.ge [sflag:s31], $0x80  }
0x10b: {  	[sflag:s31] =	ssyncset.done $0x0  }
0x10c: {  	[sflag:s31] =	ssyncadd.s32 $0xFFFFFF80  }
0x10d: {  	_ =	swait.ge [sflag:s31], $0x80  }
0x10e: {  	[sflag:s31] =	ssyncset.done $0x0  }
0x10f: {  	[sflag:s31] =	ssyncadd.s32 $0xFFFFFF80  }
0x110: {  	_ =	swait.ge [sflag:s31], $0x80  }
0x111: {  	[sflag:s31] =	ssyncset.done $0x0  }
0x112: {  	[sflag:s31] =	ssyncadd.s32 $0xFFFFFF80  }
0x113: {  	_ =	swait.ge [sflag:s31], $0x80  }
0x114: {  	[sflag:s31] =	ssyncset.done $0x0  }
0x115: {  	[sflag:s31] =	ssyncadd.s32 $0xFFFFFF80  }
0x116: {  	_ =	swait.ge [sflag:s31], $0x80  }
0x117: {  	[sflag:s31] =	ssyncset.done $0x0  }
0x118: {  	[sflag:s31] =	ssyncadd.s32 $0xFFFFFF80  }
0x119: {  	_ =	swait.ge [sflag:s31], $0x80  }
0x11a: {  	[sflag:s31] =	ssyncset.done $0x0  }
0x11b: {  	[sflag:s31] =	ssyncadd.s32 $0xFFFFFF80  }
0x11c: {  	_ =	swait.ge [sflag:s31], $0x80  }
0x11d: {  	[sflag:s31] =	ssyncset.done $0x0  }
0x11e: {  	[sflag:s31] =	ssyncadd.s32 $0xFFFFFF80  }
0x11f: {  	_ =	swait.ge [sflag:s31], $0x80  }
0x120: {  	[sflag:s31] =	ssyncset.done $0x0  }
0x121: {  	[sflag:s31] =	ssyncadd.s32 $0xFFFFFF80  }
0x122: {  	_ =	swait.ge [sflag:s31], $0x80  }
0x123: {  	[sflag:s31] =	ssyncset.done $0x0  }
0x124: {  	[sflag:s31] =	ssyncadd.s32 $0xFFFFFF80  }
0x125: {  	_ =	swait.ge [sflag:s31], $0x80  }
0x126: {  	[sflag:s31] =	ssyncset.done $0x0  }
0x127: {  	[sflag:s31] =	ssyncadd.s32 $0xFFFFFF80  }
0x128: {  	v0 =	vld [tilespmem:$0x2000]  }
0x129: {  	v1 =	vld [tilespmem:$0x2080];
	_ =	sdelay $0x1  }
0x12a: {  	v2 =	vld [tilespmem:$0x2100];
	_ =	sdelay $0x1  }
0x12b: {  	v3 =	vld [tilespmem:$0x2180]  }
0x12c: {  	v0 =	vadd.f32 v1, v0  }
0x12d: {  	v39 =	vld [tilespmem:$0x2200]  }
0x12e: {  	v0 =	vadd.f32 v2, v0  }
0x12f: {  	v40 =	vld [tilespmem:$0x2280]  }
0x130: {  	v0 =	vadd.f32 v3, v0  }
0x131: {  	v41 =	vld [tilespmem:$0x2300]  }
0x132: {  	v42 =	vld [tilespmem:$0x2380];
	v0 =	vadd.f32 v39, v0  }
0x133: {  	v4 =	vld [tilespmem:$0x2010]  }
0x134: {  	v43 =	vld [tilespmem:$0x2090];
	v0 =	vsub.f32 v0, v40  }
0x135: {  	v5 =	vld [tilespmem:$0x3000]  }
0x136: {  	v44 =	vld [tilespmem:$0x2110];
	v0 =	vsub.f32 v0, v41  }
0x137: {  	v6 =	vld [tilespmem:$0x3080]  }
0x138: {  	v45 =	vld [tilespmem:$0x2190];
	v0 =	vsub.f32 v0, v42  }
0x139: {  	v2 =	vadd.f32 v43, v4  }
0x13a: {  	v46 =	vld [tilespmem:$0x2210];
	v0 =	vsub.f32 v0, v5  }
0x13b: {  	v2 =	vadd.f32 v44, v2  }
0x13c: {  	v47 =	vld [tilespmem:$0x2290];
	v0 =	vsub.f32 v6, v0  }
0x13d: {  	v48 =	vld [tilespmem:$0x2310];
	v1 =	vadd.f32 v45, v2  }
0x13e: {  	v49 =	vld [tilespmem:$0x2390];
	v0 =	vadd.f32 $0.0e+00, v0  }
0x13f: {  	v50 =	vld [tilespmem:$0x2020];
	v1 =	vadd.f32 v46, v1  }
0x140: {  	v51 =	vld [tilespmem:$0x20A0];
	v0 =	vmul.f32 $1.442695020e+00, v0  }
0x141: {  	v52 =	vld [tilespmem:$0x3010];
	v1 =	vsub.f32 v1, v47  }
0x142: {  	v53 =	vld [tilespmem:$0x2120];
	(erf) = vpow2.f32 v0  }
0x143: {  	v54 =	vld [tilespmem:$0x3090];
	v1 =	vsub.f32 v1, v48  }
0x144: {  	v55 =	vld [tilespmem:$0x21A0]  }
0x145: {  	v3 =	vadd.f32 v51, v50;
	v1 =	vsub.f32 v1, v49  }
0x146: {  	v56 =	vld [tilespmem:$0x2220]  }
0x147: {  	v2 =	vadd.f32 v53, v3;
	v0 =	vsub.f32 v1, v52  }
0x148: {  	v57 =	vld [tilespmem:$0x22A0]  }
0x149: {  	v2 =	vadd.f32 v55, v2;
	v0 =	vsub.f32 v54, v0  }
0x14a: {  	v59 =	vld [tilespmem:$0x2320]  }
0x14b: {  	v60 =	vld [tilespmem:$0x23A0];
	v1 =	vadd.f32 v56, v2;
	v0 =	vadd.f32 $0.0e+00, v0;
	v58 =	vpop (erf)  }
0x14c: {  	v61 =	vld [tilespmem:$0x2030];
	v4 =	vadd.f32 $1.000000000e+00, v58  }
0x14d: {  	v62 =	vld [tilespmem:$0x20B0];
	v1 =	vsub.f32 v1, v57;
	v0 =	vmul.f32 $1.442695020e+00, v0  }
0x14e: {  	v63 =	vld [tilespmem:$0x3020];
	(erf) = vrcp.f32 v4  }
0x14f: {  	v8 =	vld [tilespmem:$0x2130];
	v1 =	vsub.f32 v1, v59;
	(erf) = vpow2.f32 v0  }
0x150: {  	v9 =	vld [tilespmem:$0x30A0]  }
0x151: {  	v10 =	vld [tilespmem:$0x21B0];
	v1 =	vsub.f32 v1, v60  }
0x152: {  	v3 =	vadd.f32 v62, v61  }
0x153: {  	v11 =	vld [tilespmem:$0x2230];
	v0 =	vsub.f32 v1, v63  }
0x154: {  	v3 =	vadd.f32 v8, v3  }
0x155: {  	v13 =	vld [tilespmem:$0x22B0]  }
0x156: {  	v2 =	vadd.f32 v10, v3;
	v12 =	vsub.f32 v9, v0  }
0x157: {  	v15 =	vld [tilespmem:$0x2330];
	v0 =	vpop (erf)  }
0x158: {  	v16 =	vld [tilespmem:$0x23B0];
	v1 =	vadd.f32 v11, v2;
	v4 =	vadd.f32 $0.0e+00, v12;
	v14 =	vpop (erf)  }
0x159: {  	v7 =	vld [tilespmem:$0x2040];
	v3 =	vadd.f32 $1.000000000e+00, v14  }
0x15a: {  	v17 =	vld [tilespmem:$0x20C0];
	v1 =	vsub.f32 v1, v13;
	v4 =	vmul.f32 $1.442695020e+00, v4  }
0x15b: {  	v18 =	vld [tilespmem:$0x3030];
	(erf) = vrcp.f32 v3  }
0x15c: {  	v19 =	vld [tilespmem:$0x2140];
	v1 =	vsub.f32 v1, v15;
	(erf) = vpow2.f32 v4  }
0x15d: {  	v20 =	vld [tilespmem:$0x30B0]  }
0x15e: {  	v21 =	vld [tilespmem:$0x21C0];
	v1 =	vsub.f32 v1, v16  }
0x15f: {  	v3 =	vadd.f32 v17, v7  }
0x160: {  	v22 =	vld [tilespmem:$0x2240];
	v1 =	vsub.f32 v1, v18  }
0x161: {  	v3 =	vadd.f32 v19, v3  }
0x162: {  	v24 =	vld [tilespmem:$0x22C0]  }
0x163: {  	v23 =	vsub.f32 v20, v1;
	v2 =	vadd.f32 v21, v3  }
0x164: {  	v26 =	vld [tilespmem:$0x2340];
	v1 =	vpop (erf)  }
0x165: {  	v27 =	vld [tilespmem:$0x23C0];
	v5 =	vadd.f32 $0.0e+00, v23;
	v2 =	vadd.f32 v22, v2;
	v25 =	vpop (erf)  }
0x166: {  	v28 =	vld [tilespmem:$0x20D0];
	v3 =	vadd.f32 $1.000000000e+00, v25  }
0x167: {  	v8 =	vld [tilespmem:$0x2050];
	v5 =	vmul.f32 $1.442695020e+00, v5;
	v2 =	vsub.f32 v2, v24  }
0x168: {  	v29 =	vld [tilespmem:$0x3040];
	(erf) = vrcp.f32 v3  }
0x169: {  	v30 =	vld [tilespmem:$0x2150];
	v2 =	vsub.f32 v2, v26;
	(erf) = vpow2.f32 v5  }
0x16a: {  	v31 =	vld [tilespmem:$0x30C0]  }
0x16b: {  	v32 =	vld [tilespmem:$0x21D0];
	v2 =	vsub.f32 v2, v27  }
0x16c: {  	v3 =	vadd.f32 v28, v8  }
0x16d: {  	v33 =	vld [tilespmem:$0x2250];
	v2 =	vsub.f32 v2, v29  }
0x16e: {  	v3 =	vadd.f32 v30, v3  }
0x16f: {  	v35 =	vld [tilespmem:$0x22D0]  }
0x170: {  	v34 =	vsub.f32 v31, v2;
	v3 =	vadd.f32 v32, v3  }
0x171: {  	v37 =	vld [tilespmem:$0x2350];
	v2 =	vpop (erf)  }
0x172: {  	v38 =	vld [tilespmem:$0x23D0];
	v6 =	vadd.f32 $0.0e+00, v34;
	v3 =	vadd.f32 v33, v3;
	v36 =	vpop (erf)  }
0x173: {  	v39 =	vld [tilespmem:$0x20E0];
	v4 =	vadd.f32 $1.000000000e+00, v36  }
0x174: {  	v9 =	vld [tilespmem:$0x2060];
	v6 =	vmul.f32 $1.442695020e+00, v6;
	v3 =	vsub.f32 v3, v35  }
0x175: {  	v40 =	vld [tilespmem:$0x3050];
	(erf) = vrcp.f32 v4  }
0x176: {  	v41 =	vld [tilespmem:$0x2160];
	v3 =	vsub.f32 v3, v37;
	(erf) = vpow2.f32 v6  }
0x177: {  	v43 =	vld [tilespmem:$0x21E0]  }
0x178: {  	v42 =	vld [tilespmem:$0x30D0];
	v3 =	vsub.f32 v3, v38  }
0x179: {  	v4 =	vadd.f32 v39, v9  }
0x17a: {  	v44 =	vld [tilespmem:$0x2260];
	v3 =	vsub.f32 v3, v40  }
0x17b: {  	v4 =	vadd.f32 v41, v4  }
0x17c: {  	v46 =	vld [tilespmem:$0x22E0]  }
0x17d: {  	v45 =	vsub.f32 v42, v3;
	v4 =	vadd.f32 v43, v4  }
0x17e: {  	v48 =	vld [tilespmem:$0x2360];
	v3 =	vpop (erf)  }
0x17f: {  	v50 =	vld [tilespmem:$0x20F0];
	v7 =	vadd.f32 $0.0e+00, v45;
	v4 =	vadd.f32 v44, v4;
	v47 =	vpop (erf)  }
0x180: {  	v49 =	vld [tilespmem:$0x23E0];
	v5 =	vadd.f32 $1.000000000e+00, v47  }
0x181: {  	v10 =	vld [tilespmem:$0x2070];
	v7 =	vmul.f32 $1.442695020e+00, v7;
	v4 =	vsub.f32 v4, v46  }
0x182: {  	v51 =	vld [tilespmem:$0x3060];
	(erf) = vrcp.f32 v5  }
0x183: {  	v52 =	vld [tilespmem:$0x2170];
	v4 =	vsub.f32 v4, v48;
	(erf) = vpow2.f32 v7  }
0x184: {  	v53 =	vld [tilespmem:$0x30E0]  }
0x185: {  	v54 =	vld [tilespmem:$0x21F0];
	v4 =	vsub.f32 v4, v49  }
0x186: {  	v5 =	vadd.f32 v50, v10  }
0x187: {  	v55 =	vld [tilespmem:$0x2270];
	v4 =	vsub.f32 v4, v51  }
0x188: {  	v5 =	vadd.f32 v52, v5  }
0x189: {  	v57 =	vld [tilespmem:$0x22F0]  }
0x18a: {  	v56 =	vsub.f32 v53, v4;
	v5 =	vadd.f32 v54, v5  }
0x18b: {  	v59 =	vld [tilespmem:$0x2370];
	v4 =	vpop (erf)  }
0x18c: {  	v61 =	vld [tilespmem:$0x2480];
	v8 =	vadd.f32 $0.0e+00, v56;
	v5 =	vadd.f32 v55, v5;
	v58 =	vpop (erf)  }
0x18d: {  	v60 =	vld [tilespmem:$0x23F0];
	v6 =	vadd.f32 $1.000000000e+00, v58  }
0x18e: {  	v11 =	vld [tilespmem:$0x2400];
	v8 =	vmul.f32 $1.442695020e+00, v8;
	v5 =	vsub.f32 v5, v57  }
0x18f: {  	v62 =	vld [tilespmem:$0x3070];
	(erf) = vrcp.f32 v6  }
0x190: {  	v63 =	vld [tilespmem:$0x2500];
	v5 =	vsub.f32 v5, v59;
	(erf) = vpow2.f32 v8  }
0x191: {  	v13 =	vld [tilespmem:$0x2580]  }
0x192: {  	v12 =	vld [tilespmem:$0x30F0];
	v5 =	vsub.f32 v5, v60  }
0x193: {  	v6 =	vadd.f32 v61, v11  }
0x194: {  	v14 =	vld [tilespmem:$0x2600];
	v5 =	vsub.f32 v5, v62  }
0x195: {  	v6 =	vadd.f32 v63, v6  }
0x196: {  	v16 =	vld [tilespmem:$0x2680]  }
0x197: {  	v15 =	vsub.f32 v12, v5;
	v6 =	vadd.f32 v13, v6  }
0x198: {  	v18 =	vld [tilespmem:$0x2700];
	v5 =	vpop (erf)  }
0x199: {  	v20 =	vld [tilespmem:$0x2490];
	v9 =	vadd.f32 $0.0e+00, v15;
	v6 =	vadd.f32 v14, v6;
	v17 =	vpop (erf)  }
0x19a: {  	v19 =	vld [tilespmem:$0x2780];
	v7 =	vadd.f32 $1.000000000e+00, v17  }
0x19b: {  	v12 =	vld [tilespmem:$0x2410];
	v9 =	vmul.f32 $1.442695020e+00, v9;
	v6 =	vsub.f32 v6, v16  }
0x19c: {  	v21 =	vld [tilespmem:$0x3400];
	(erf) = vrcp.f32 v7  }
0x19d: {  	v22 =	vld [tilespmem:$0x2510];
	v6 =	vsub.f32 v6, v18;
	(erf) = vpow2.f32 v9  }
0x19e: {  	v23 =	vld [tilespmem:$0x3480]  }
0x19f: {  	v24 =	vld [tilespmem:$0x2590];
	v6 =	vsub.f32 v6, v19  }
0x1a0: {  	v7 =	vadd.f32 v20, v12  }
0x1a1: {  	v25 =	vld [tilespmem:$0x2610];
	v6 =	vsub.f32 v6, v21  }
0x1a2: {  	v7 =	vadd.f32 v22, v7  }
0x1a3: {  	v27 =	vld [tilespmem:$0x2690]  }
0x1a4: {  	v26 =	vsub.f32 v23, v6;
	v7 =	vadd.f32 v24, v7  }
0x1a5: {  	v29 =	vld [tilespmem:$0x2710];
	v6 =	vpop (erf)  }
0x1a6: {  	v30 =	vld [tilespmem:$0x2790];
	v10 =	vadd.f32 $0.0e+00, v26;
	v7 =	vadd.f32 v25, v7;
	v28 =	vpop (erf)  }
0x1a7: {  	v31 =	vld [tilespmem:$0x24A0];
	v8 =	vadd.f32 $1.000000000e+00, v28  }
0x1a8: {  	v13 =	vld [tilespmem:$0x2420];
	v10 =	vmul.f32 $1.442695020e+00, v10;
	v7 =	vsub.f32 v7, v27  }
0x1a9: {  	v32 =	vld [tilespmem:$0x3410];
	(erf) = vrcp.f32 v8  }
0x1aa: {  	v33 =	vld [tilespmem:$0x2520];
	v7 =	vsub.f32 v7, v29;
	(erf) = vpow2.f32 v10  }
0x1ab: {  	v34 =	vld [tilespmem:$0x3490]  }
0x1ac: {  	v35 =	vld [tilespmem:$0x25A0];
	v7 =	vsub.f32 v7, v30  }
0x1ad: {  	v8 =	vadd.f32 v31, v13  }
0x1ae: {  	v36 =	vld [tilespmem:$0x2620];
	v7 =	vsub.f32 v7, v32  }
0x1af: {  	v8 =	vadd.f32 v33, v8  }
0x1b0: {  	v38 =	vld [tilespmem:$0x26A0]  }
0x1b1: {  	v37 =	vsub.f32 v34, v7;
	v8 =	vadd.f32 v35, v8  }
0x1b2: {  	v40 =	vld [tilespmem:$0x2720];
	v7 =	vpop (erf)  }
0x1b3: {  	v41 =	vld [tilespmem:$0x27A0];
	v11 =	vadd.f32 $0.0e+00, v37;
	v8 =	vadd.f32 v36, v8;
	v39 =	vpop (erf)  }
0x1b4: {  	v42 =	vld [tilespmem:$0x24B0];
	v9 =	vadd.f32 $1.000000000e+00, v39  }
0x1b5: {  	v14 =	vld [tilespmem:$0x2430];
	v11 =	vmul.f32 $1.442695020e+00, v11;
	v8 =	vsub.f32 v8, v38  }
0x1b6: {  	v43 =	vld [tilespmem:$0x3420];
	(erf) = vrcp.f32 v9  }
0x1b7: {  	v44 =	vld [tilespmem:$0x2530];
	v8 =	vsub.f32 v8, v40;
	(erf) = vpow2.f32 v11  }
0x1b8: {  	v45 =	vld [tilespmem:$0x34A0]  }
0x1b9: {  	v46 =	vld [tilespmem:$0x25B0];
	v8 =	vsub.f32 v8, v41  }
0x1ba: {  	v9 =	vadd.f32 v42, v14  }
0x1bb: {  	v47 =	vld [tilespmem:$0x2630];
	v8 =	vsub.f32 v8, v43  }
0x1bc: {  	v9 =	vadd.f32 v44, v9  }
0x1bd: {  	v49 =	vld [tilespmem:$0x26B0]  }
0x1be: {  	v48 =	vsub.f32 v45, v8;
	v9 =	vadd.f32 v46, v9  }
0x1bf: {  	v51 =	vld [tilespmem:$0x2730];
	v8 =	vpop (erf)  }
0x1c0: {  	v52 =	vld [tilespmem:$0x27B0];
	v12 =	vadd.f32 $0.0e+00, v48;
	v9 =	vadd.f32 v47, v9;
	v50 =	vpop (erf)  }
0x1c1: {  	v53 =	vld [tilespmem:$0x24C0];
	v10 =	vadd.f32 $1.000000000e+00, v50  }
0x1c2: {  	v15 =	vld [tilespmem:$0x2440];
	v12 =	vmul.f32 $1.442695020e+00, v12;
	v9 =	vsub.f32 v9, v49  }
0x1c3: {  	v54 =	vld [tilespmem:$0x3430];
	(erf) = vrcp.f32 v10  }
0x1c4: {  	v55 =	vld [tilespmem:$0x2540];
	v9 =	vsub.f32 v9, v51;
	(erf) = vpow2.f32 v12  }
0x1c5: {  	v56 =	vld [tilespmem:$0x34B0]  }
0x1c6: {  	v57 =	vld [tilespmem:$0x25C0];
	v9 =	vsub.f32 v9, v52  }
0x1c7: {  	v10 =	vadd.f32 v53, v15  }
0x1c8: {  	v58 =	vld [tilespmem:$0x2640];
	v9 =	vsub.f32 v9, v54  }
0x1c9: {  	v10 =	vadd.f32 v55, v10  }
0x1ca: {  	v60 =	vld [tilespmem:$0x26C0]  }
0x1cb: {  	v59 =	vsub.f32 v56, v9;
	v10 =	vadd.f32 v57, v10  }
0x1cc: {  	v62 =	vld [tilespmem:$0x2740];
	v9 =	vpop (erf)  }
0x1cd: {  	v63 =	vld [tilespmem:$0x27C0];
	v13 =	vadd.f32 $0.0e+00, v59;
	v10 =	vadd.f32 v58, v10;
	v61 =	vpop (erf)  }
0x1ce: {  	v16 =	vld [tilespmem:$0x2450];
	v11 =	vadd.f32 $1.000000000e+00, v61  }
0x1cf: {  	v20 =	vld [tilespmem:$0x24D0];
	v13 =	vmul.f32 $1.442695020e+00, v13;
	v10 =	vsub.f32 v10, v60  }
0x1d0: {  	v21 =	vld [tilespmem:$0x3440];
	(erf) = vrcp.f32 v11  }
0x1d1: {  	v22 =	vld [tilespmem:$0x2550];
	v10 =	vsub.f32 v10, v62;
	(erf) = vpow2.f32 v13  }
0x1d2: {  	v23 =	vld [tilespmem:$0x34C0]  }
0x1d3: {  	v24 =	vld [tilespmem:$0x25D0];
	v10 =	vsub.f32 v10, v63  }
0x1d4: {  	v11 =	vadd.f32 v20, v16  }
0x1d5: {  	v25 =	vld [tilespmem:$0x2650];
	v10 =	vsub.f32 v10, v21  }
0x1d6: {  	v11 =	vadd.f32 v22, v11  }
0x1d7: {  	v27 =	vld [tilespmem:$0x26D0]  }
0x1d8: {  	v26 =	vsub.f32 v23, v10;
	v11 =	vadd.f32 v24, v11  }
0x1d9: {  	v29 =	vld [tilespmem:$0x2750];
	v10 =	vpop (erf)  }
0x1da: {  	v17 =	vld [tilespmem:$0x2460];
	v14 =	vadd.f32 $0.0e+00, v26;
	v11 =	vadd.f32 v25, v11;
	v28 =	vpop (erf)  }
0x1db: {  	v30 =	vld [tilespmem:$0x27D0];
	v12 =	vadd.f32 $1.000000000e+00, v28  }
0x1dc: {  	v31 =	vld [tilespmem:$0x24E0];
	v14 =	vmul.f32 $1.442695020e+00, v14;
	v11 =	vsub.f32 v11, v27  }
0x1dd: {  	v32 =	vld [tilespmem:$0x3450];
	(erf) = vrcp.f32 v12  }
0x1de: {  	v33 =	vld [tilespmem:$0x2560];
	v11 =	vsub.f32 v11, v29;
	(erf) = vpow2.f32 v14  }
0x1df: {  	v34 =	vld [tilespmem:$0x34D0]  }
0x1e0: {  	v35 =	vld [tilespmem:$0x25E0];
	v11 =	vsub.f32 v11, v30  }
0x1e1: {  	v12 =	vadd.f32 v31, v17  }
0x1e2: {  	v36 =	vld [tilespmem:$0x2660];
	v11 =	vsub.f32 v11, v32  }
0x1e3: {  	v12 =	vadd.f32 v33, v12  }
0x1e4: {  	v38 =	vld [tilespmem:$0x26E0]  }
0x1e5: {  	v37 =	vsub.f32 v34, v11;
	v12 =	vadd.f32 v35, v12  }
0x1e6: {  	v40 =	vld [tilespmem:$0x2760];
	v11 =	vpop (erf)  }
0x1e7: {  	v18 =	vld [tilespmem:$0x2470];
	v15 =	vadd.f32 $0.0e+00, v37;
	v12 =	vadd.f32 v36, v12;
	v39 =	vpop (erf)  }
0x1e8: {  	v41 =	vld [tilespmem:$0x27E0];
	v13 =	vadd.f32 $1.000000000e+00, v39  }
0x1e9: {  	v42 =	vld [tilespmem:$0x24F0];
	v15 =	vmul.f32 $1.442695020e+00, v15;
	v12 =	vsub.f32 v12, v38  }
0x1ea: {  	v43 =	vld [tilespmem:$0x3460];
	(erf) = vrcp.f32 v13  }
0x1eb: {  	v44 =	vld [tilespmem:$0x2570];
	v12 =	vsub.f32 v12, v40;
	(erf) = vpow2.f32 v15  }
0x1ec: {  	v45 =	vld [tilespmem:$0x34E0]  }
0x1ed: {  	v46 =	vld [tilespmem:$0x25F0];
	v12 =	vsub.f32 v12, v41  }
0x1ee: {  	v13 =	vadd.f32 v42, v18  }
0x1ef: {  	v47 =	vld [tilespmem:$0x2670];
	v12 =	vsub.f32 v12, v43  }
0x1f0: {  	v13 =	vadd.f32 v44, v13  }
0x1f1: {  	v49 =	vld [tilespmem:$0x26F0]  }
0x1f2: {  	v48 =	vsub.f32 v45, v12;
	v13 =	vadd.f32 v46, v13  }
0x1f3: {  	v51 =	vld [tilespmem:$0x2770];
	v12 =	vpop (erf)  }
0x1f4: {  	v19 =	vld [tilespmem:$0x2800];
	v16 =	vadd.f32 $0.0e+00, v48;
	v13 =	vadd.f32 v47, v13;
	v50 =	vpop (erf)  }
0x1f5: {  	v52 =	vld [tilespmem:$0x27F0];
	v14 =	vadd.f32 $1.000000000e+00, v50  }
0x1f6: {  	v53 =	vld [tilespmem:$0x2880];
	v16 =	vmul.f32 $1.442695020e+00, v16;
	v13 =	vsub.f32 v13, v49  }
0x1f7: {  	v54 =	vld [tilespmem:$0x3470];
	(erf) = vrcp.f32 v14  }
0x1f8: {  	v55 =	vld [tilespmem:$0x2900];
	v13 =	vsub.f32 v13, v51;
	(erf) = vpow2.f32 v16  }
0x1f9: {  	v56 =	vld [tilespmem:$0x34F0]  }
0x1fa: {  	v57 =	vld [tilespmem:$0x2980];
	v13 =	vsub.f32 v13, v52  }
0x1fb: {  	v14 =	vadd.f32 v53, v19  }
0x1fc: {  	v58 =	vld [tilespmem:$0x2A00];
	v13 =	vsub.f32 v13, v54  }
0x1fd: {  	v14 =	vadd.f32 v55, v14  }
0x1fe: {  	v60 =	vld [tilespmem:$0x2A80]  }
0x1ff: {  	v59 =	vsub.f32 v56, v13;
	v14 =	vadd.f32 v57, v14  }
0x200: {  	v62 =	vld [tilespmem:$0x2B00];
	v13 =	vpop (erf)  }
0x201: {  	v63 =	vld [tilespmem:$0x2B80];
	v17 =	vadd.f32 $0.0e+00, v59;
	v14 =	vadd.f32 v58, v14;
	v61 =	vpop (erf)  }
0x202: {  	v20 =	vld [tilespmem:$0x2810];
	v15 =	vadd.f32 $1.000000000e+00, v61  }
0x203: {  	v23 =	vld [tilespmem:$0x2890];
	v17 =	vmul.f32 $1.442695020e+00, v17;
	v14 =	vsub.f32 v14, v60  }
0x204: {  	v24 =	vld [tilespmem:$0x3800];
	(erf) = vrcp.f32 v15  }
0x205: {  	v25 =	vld [tilespmem:$0x2910];
	v14 =	vsub.f32 v14, v62;
	(erf) = vpow2.f32 v17  }
0x206: {  	v26 =	vld [tilespmem:$0x3880]  }
0x207: {  	v27 =	vld [tilespmem:$0x2990];
	v14 =	vsub.f32 v14, v63  }
0x208: {  	v15 =	vadd.f32 v23, v20  }
0x209: {  	v28 =	vld [tilespmem:$0x2A10];
	v14 =	vsub.f32 v14, v24  }
0x20a: {  	v15 =	vadd.f32 v25, v15  }
0x20b: {  	v30 =	vld [tilespmem:$0x2A90]  }
0x20c: {  	v29 =	vsub.f32 v26, v14;
	v15 =	vadd.f32 v27, v15  }
0x20d: {  	v32 =	vld [tilespmem:$0x2B10];
	v14 =	vpop (erf)  }
0x20e: {  	v21 =	vld [tilespmem:$0x2820];
	v18 =	vadd.f32 $0.0e+00, v29;
	v15 =	vadd.f32 v28, v15;
	v31 =	vpop (erf)  }
0x20f: {  	v33 =	vld [tilespmem:$0x2B90];
	v16 =	vadd.f32 $1.000000000e+00, v31  }
0x210: {  	v34 =	vld [tilespmem:$0x28A0];
	v18 =	vmul.f32 $1.442695020e+00, v18;
	v15 =	vsub.f32 v15, v30  }
0x211: {  	v35 =	vld [tilespmem:$0x3810];
	(erf) = vrcp.f32 v16  }
0x212: {  	v36 =	vld [tilespmem:$0x2920];
	v15 =	vsub.f32 v15, v32;
	(erf) = vpow2.f32 v18  }
0x213: {  	v37 =	vld [tilespmem:$0x3890]  }
0x214: {  	v38 =	vld [tilespmem:$0x29A0];
	v15 =	vsub.f32 v15, v33  }
0x215: {  	v16 =	vadd.f32 v34, v21  }
0x216: {  	v39 =	vld [tilespmem:$0x2A20];
	v15 =	vsub.f32 v15, v35  }
0x217: {  	v16 =	vadd.f32 v36, v16  }
0x218: {  	v41 =	vld [tilespmem:$0x2AA0]  }
0x219: {  	v40 =	vsub.f32 v37, v15;
	v16 =	vadd.f32 v38, v16  }
0x21a: {  	v43 =	vld [tilespmem:$0x2B20];
	v15 =	vpop (erf)  }
0x21b: {  	v22 =	vld [tilespmem:$0x2830];
	v19 =	vadd.f32 $0.0e+00, v40;
	v16 =	vadd.f32 v39, v16;
	v42 =	vpop (erf)  }
0x21c: {  	v44 =	vld [tilespmem:$0x2BA0];
	v17 =	vadd.f32 $1.000000000e+00, v42  }
0x21d: {  	v45 =	vld [tilespmem:$0x28B0];
	v19 =	vmul.f32 $1.442695020e+00, v19;
	v16 =	vsub.f32 v16, v41  }
0x21e: {  	v46 =	vld [tilespmem:$0x3820];
	(erf) = vrcp.f32 v17  }
0x21f: {  	v47 =	vld [tilespmem:$0x2930];
	v16 =	vsub.f32 v16, v43;
	(erf) = vpow2.f32 v19  }
0x220: {  	v48 =	vld [tilespmem:$0x38A0]  }
0x221: {  	v49 =	vld [tilespmem:$0x29B0];
	v16 =	vsub.f32 v16, v44  }
0x222: {  	v17 =	vadd.f32 v45, v22  }
0x223: {  	v50 =	vld [tilespmem:$0x2A30];
	v16 =	vsub.f32 v16, v46  }
0x224: {  	v17 =	vadd.f32 v47, v17  }
0x225: {  	v52 =	vld [tilespmem:$0x2AB0]  }
0x226: {  	v51 =	vsub.f32 v48, v16;
	v17 =	vadd.f32 v49, v17  }
0x227: {  	v54 =	vld [tilespmem:$0x2B30];
	v16 =	vpop (erf)  }
0x228: {  	v55 =	vld [tilespmem:$0x2BB0];
	v20 =	vadd.f32 $0.0e+00, v51;
	v17 =	vadd.f32 v50, v17;
	v53 =	vpop (erf)  }
0x229: {  	v56 =	vld [tilespmem:$0x28C0];
	v18 =	vadd.f32 $1.000000000e+00, v53  }
0x22a: {  	v23 =	vld [tilespmem:$0x2840];
	v20 =	vmul.f32 $1.442695020e+00, v20;
	v17 =	vsub.f32 v17, v52  }
0x22b: {  	v57 =	vld [tilespmem:$0x3830];
	(erf) = vrcp.f32 v18  }
0x22c: {  	v58 =	vld [tilespmem:$0x2940];
	v17 =	vsub.f32 v17, v54;
	(erf) = vpow2.f32 v20  }
0x22d: {  	v59 =	vld [tilespmem:$0x38B0]  }
0x22e: {  	v60 =	vld [tilespmem:$0x29C0];
	v17 =	vsub.f32 v17, v55  }
0x22f: {  	v18 =	vadd.f32 v56, v23  }
0x230: {  	v61 =	vld [tilespmem:$0x2A40];
	v17 =	vsub.f32 v17, v57  }
0x231: {  	v18 =	vadd.f32 v58, v18  }
0x232: {  	v63 =	vld [tilespmem:$0x2AC0]  }
0x233: {  	v62 =	vsub.f32 v59, v17;
	v18 =	vadd.f32 v60, v18  }
0x234: {  	v29 =	vld [tilespmem:$0x2B40];
	v17 =	vpop (erf)  }
0x235: {  	v24 =	vld [tilespmem:$0x2850];
	v21 =	vadd.f32 $0.0e+00, v62;
	v18 =	vadd.f32 v61, v18;
	v28 =	vpop (erf)  }
0x236: {  	v30 =	vld [tilespmem:$0x2BC0];
	v19 =	vadd.f32 $1.000000000e+00, v28  }
0x237: {  	v31 =	vld [tilespmem:$0x28D0];
	v21 =	vmul.f32 $1.442695020e+00, v21;
	v18 =	vsub.f32 v18, v63  }
0x238: {  	v32 =	vld [tilespmem:$0x3840];
	(erf) = vrcp.f32 v19  }
0x239: {  	v33 =	vld [tilespmem:$0x2950];
	v18 =	vsub.f32 v18, v29;
	(erf) = vpow2.f32 v21  }
0x23a: {  	v34 =	vld [tilespmem:$0x38C0]  }
0x23b: {  	v35 =	vld [tilespmem:$0x29D0];
	v18 =	vsub.f32 v18, v30  }
0x23c: {  	v19 =	vadd.f32 v31, v24  }
0x23d: {  	v36 =	vld [tilespmem:$0x2A50];
	v18 =	vsub.f32 v18, v32  }
0x23e: {  	v19 =	vadd.f32 v33, v19  }
0x23f: {  	v38 =	vld [tilespmem:$0x2AD0]  }
0x240: {  	v37 =	vsub.f32 v34, v18;
	v19 =	vadd.f32 v35, v19  }
0x241: {  	v40 =	vld [tilespmem:$0x2B50];
	v18 =	vpop (erf)  }
0x242: {  	v25 =	vld [tilespmem:$0x2860];
	v22 =	vadd.f32 $0.0e+00, v37;
	v19 =	vadd.f32 v36, v19;
	v39 =	vpop (erf)  }
0x243: {  	v41 =	vld [tilespmem:$0x2BD0];
	v20 =	vadd.f32 $1.000000000e+00, v39  }
0x244: {  	v42 =	vld [tilespmem:$0x28E0];
	v22 =	vmul.f32 $1.442695020e+00, v22;
	v19 =	vsub.f32 v19, v38  }
0x245: {  	v43 =	vld [tilespmem:$0x3850];
	(erf) = vrcp.f32 v20  }
0x246: {  	v44 =	vld [tilespmem:$0x2960];
	v19 =	vsub.f32 v19, v40;
	(erf) = vpow2.f32 v22  }
0x247: {  	v45 =	vld [tilespmem:$0x38D0]  }
0x248: {  	v46 =	vld [tilespmem:$0x29E0];
	v19 =	vsub.f32 v19, v41  }
0x249: {  	v20 =	vadd.f32 v42, v25  }
0x24a: {  	v47 =	vld [tilespmem:$0x2A60];
	v19 =	vsub.f32 v19, v43  }
0x24b: {  	v20 =	vadd.f32 v44, v20  }
0x24c: {  	v49 =	vld [tilespmem:$0x2AE0]  }
0x24d: {  	v48 =	vsub.f32 v45, v19;
	v20 =	vadd.f32 v46, v20  }
0x24e: {  	v51 =	vld [tilespmem:$0x2B60];
	v19 =	vpop (erf)  }
0x24f: {  	v26 =	vld [tilespmem:$0x2870];
	v23 =	vadd.f32 $0.0e+00, v48;
	v20 =	vadd.f32 v47, v20;
	v50 =	vpop (erf)  }
0x250: {  	v52 =	vld [tilespmem:$0x2BE0];
	v21 =	vadd.f32 $1.000000000e+00, v50  }
0x251: {  	v53 =	vld [tilespmem:$0x28F0];
	v23 =	vmul.f32 $1.442695020e+00, v23;
	v20 =	vsub.f32 v20, v49  }
0x252: {  	v54 =	vld [tilespmem:$0x3860];
	(erf) = vrcp.f32 v21  }
0x253: {  	v55 =	vld [tilespmem:$0x2970];
	v20 =	vsub.f32 v20, v51;
	(erf) = vpow2.f32 v23  }
0x254: {  	v56 =	vld [tilespmem:$0x38E0]  }
0x255: {  	v57 =	vld [tilespmem:$0x29F0];
	v20 =	vsub.f32 v20, v52  }
0x256: {  	v21 =	vadd.f32 v53, v26  }
0x257: {  	v58 =	vld [tilespmem:$0x2A70];
	v20 =	vsub.f32 v20, v54  }
0x258: {  	v21 =	vadd.f32 v55, v21  }
0x259: {  	v60 =	vld [tilespmem:$0x2AF0]  }
0x25a: {  	v59 =	vsub.f32 v56, v20;
	v21 =	vadd.f32 v57, v21  }
0x25b: {  	v62 =	vld [tilespmem:$0x2B70];
	v20 =	vpop (erf)  }
0x25c: {  	v27 =	vld [tilespmem:$0x2C00];
	v24 =	vadd.f32 $0.0e+00, v59;
	v21 =	vadd.f32 v58, v21;
	v61 =	vpop (erf)  }
0x25d: {  	v63 =	vld [tilespmem:$0x2BF0];
	v22 =	vadd.f32 $1.000000000e+00, v61  }
0x25e: {  	v29 =	vld [tilespmem:$0x2C80];
	v24 =	vmul.f32 $1.442695020e+00, v24;
	v21 =	vsub.f32 v21, v60  }
0x25f: {  	v30 =	vld [tilespmem:$0x3870];
	(erf) = vrcp.f32 v22  }
0x260: {  	v31 =	vld [tilespmem:$0x2D00];
	v21 =	vsub.f32 v21, v62;
	(erf) = vpow2.f32 v24  }
0x261: {  	v32 =	vld [tilespmem:$0x38F0]  }
0x262: {  	v33 =	vld [tilespmem:$0x2D80];
	v21 =	vsub.f32 v21, v63  }
0x263: {  	v22 =	vadd.f32 v29, v27  }
0x264: {  	v34 =	vld [tilespmem:$0x2E00];
	v21 =	vsub.f32 v21, v30  }
0x265: {  	v22 =	vadd.f32 v31, v22  }
0x266: {  	v36 =	vld [tilespmem:$0x2E80]  }
0x267: {  	v35 =	vsub.f32 v32, v21;
	v22 =	vadd.f32 v33, v22  }
0x268: {  	v38 =	vld [tilespmem:$0x2F00];
	v21 =	vpop (erf)  }
0x269: {  	v28 =	vld [tilespmem:$0x2C10];
	v25 =	vadd.f32 $0.0e+00, v35;
	v22 =	vadd.f32 v34, v22;
	v37 =	vpop (erf)  }
0x26a: {  	v39 =	vld [tilespmem:$0x2F80];
	v23 =	vadd.f32 $1.000000000e+00, v37  }
0x26b: {  	v40 =	vld [tilespmem:$0x2C90];
	v25 =	vmul.f32 $1.442695020e+00, v25;
	v22 =	vsub.f32 v22, v36  }
0x26c: {  	v41 =	vld [tilespmem:$0x3C00];
	(erf) = vrcp.f32 v23  }
0x26d: {  	v42 =	vld [tilespmem:$0x2D10];
	v22 =	vsub.f32 v22, v38;
	(erf) = vpow2.f32 v25  }
0x26e: {  	v43 =	vld [tilespmem:$0x3C80]  }
0x26f: {  	v44 =	vld [tilespmem:$0x2D90];
	v22 =	vsub.f32 v22, v39  }
0x270: {  	v23 =	vadd.f32 v40, v28  }
0x271: {  	v45 =	vld [tilespmem:$0x2E10];
	v22 =	vsub.f32 v22, v41  }
0x272: {  	v23 =	vadd.f32 v42, v23  }
0x273: {  	v47 =	vld [tilespmem:$0x2E90]  }
0x274: {  	v46 =	vsub.f32 v43, v22;
	v23 =	vadd.f32 v44, v23  }
0x275: {  	v49 =	vld [tilespmem:$0x2F10];
	v22 =	vpop (erf)  }
0x276: {  	v51 =	vld [tilespmem:$0x2CA0];
	v26 =	vadd.f32 $0.0e+00, v46;
	v23 =	vadd.f32 v45, v23;
	v48 =	vpop (erf)  }
0x277: {  	v50 =	vld [tilespmem:$0x2F90];
	v24 =	vadd.f32 $1.000000000e+00, v48  }
0x278: {  	v29 =	vld [tilespmem:$0x2C20];
	v26 =	vmul.f32 $1.442695020e+00, v26;
	v23 =	vsub.f32 v23, v47  }
0x279: {  	v52 =	vld [tilespmem:$0x3C10];
	(erf) = vrcp.f32 v24  }
0x27a: {  	v53 =	vld [tilespmem:$0x2D20];
	v23 =	vsub.f32 v23, v49;
	(erf) = vpow2.f32 v26  }
0x27b: {  	v54 =	vld [tilespmem:$0x3C90]  }
0x27c: {  	v55 =	vld [tilespmem:$0x2DA0];
	v23 =	vsub.f32 v23, v50  }
0x27d: {  	v24 =	vadd.f32 v51, v29  }
0x27e: {  	v56 =	vld [tilespmem:$0x2E20];
	v23 =	vsub.f32 v23, v52  }
0x27f: {  	v24 =	vadd.f32 v53, v24  }
0x280: {  	v58 =	vld [tilespmem:$0x2EA0]  }
0x281: {  	v57 =	vsub.f32 v54, v23;
	v24 =	vadd.f32 v55, v24  }
0x282: {  	v60 =	vld [tilespmem:$0x2F20];
	v23 =	vpop (erf)  }
0x283: {  	v62 =	vld [tilespmem:$0x2CB0];
	v27 =	vadd.f32 $0.0e+00, v57;
	v24 =	vadd.f32 v56, v24;
	v59 =	vpop (erf)  }
0x284: {  	v61 =	vld [tilespmem:$0x2FA0];
	v25 =	vadd.f32 $1.000000000e+00, v59  }
0x285: {  	v30 =	vld [tilespmem:$0x2C30];
	v27 =	vmul.f32 $1.442695020e+00, v27;
	v24 =	vsub.f32 v24, v58  }
0x286: {  	v63 =	vld [tilespmem:$0x3C20];
	(erf) = vrcp.f32 v25  }
0x287: {  	v32 =	vld [tilespmem:$0x2D30];
	v24 =	vsub.f32 v24, v60;
	(erf) = vpow2.f32 v27  }
0x288: {  	v33 =	vld [tilespmem:$0x3CA0]  }
0x289: {  	v34 =	vld [tilespmem:$0x2DB0];
	v24 =	vsub.f32 v24, v61  }
0x28a: {  	v25 =	vadd.f32 v62, v30  }
0x28b: {  	v35 =	vld [tilespmem:$0x2E30];
	v24 =	vsub.f32 v24, v63  }
0x28c: {  	v25 =	vadd.f32 v32, v25  }
0x28d: {  	v37 =	vld [tilespmem:$0x2EB0]  }
0x28e: {  	v36 =	vsub.f32 v33, v24;
	v25 =	vadd.f32 v34, v25  }
0x28f: {  	v39 =	vld [tilespmem:$0x2F30];
	v24 =	vpop (erf)  }
0x290: {  	v31 =	vld [tilespmem:$0x2C40];
	v28 =	vadd.f32 $0.0e+00, v36;
	v25 =	vadd.f32 v35, v25;
	v38 =	vpop (erf)  }
0x291: {  	v40 =	vld [tilespmem:$0x2FB0];
	v26 =	vadd.f32 $1.000000000e+00, v38  }
0x292: {  	v41 =	vld [tilespmem:$0x2CC0];
	v28 =	vmul.f32 $1.442695020e+00, v28;
	v25 =	vsub.f32 v25, v37  }
0x293: {  	v42 =	vld [tilespmem:$0x3C30];
	(erf) = vrcp.f32 v26  }
0x294: {  	v25 =	vsub.f32 v25, v39;
	(erf) = vpow2.f32 v28  }
0x295: {  	v43 =	vld [tilespmem:$0x2D40]  }
0x296: {  	v44 =	vld [tilespmem:$0x3CB0];
	v25 =	vsub.f32 v25, v40  }
0x297: {  	v45 =	vld [tilespmem:$0x2DC0]  }
0x298: {  	v26 =	vadd.f32 v41, v31;
	v25 =	vsub.f32 v25, v42  }
0x299: {  	v46 =	vld [tilespmem:$0x2E40]  }
0x29a: {  	v26 =	vadd.f32 v43, v26  }
0x29b: {  	v48 =	vld [tilespmem:$0x2EC0];
	v47 =	vsub.f32 v44, v25  }
0x29c: {  	v26 =	vadd.f32 v45, v26;
	v25 =	vpop (erf)  }
0x29d: {  	v50 =	vld [tilespmem:$0x2F40];
	v29 =	vadd.f32 $0.0e+00, v47;
	v49 =	vpop (erf)  }
0x29e: {  	v51 =	vld [tilespmem:$0x2FC0];
	v26 =	vadd.f32 v46, v26;
	v27 =	vadd.f32 $1.000000000e+00, v49  }
0x29f: {  	v52 =	vld [tilespmem:$0x2CD0];
	v29 =	vmul.f32 $1.442695020e+00, v29  }
0x2a0: {  	v32 =	vld [tilespmem:$0x2C50];
	v26 =	vsub.f32 v26, v48;
	(erf) = vrcp.f32 v27  }
0x2a1: {  	v53 =	vld [tilespmem:$0x3C40];
	(erf) = vpow2.f32 v29  }
0x2a2: {  	v54 =	vld [tilespmem:$0x2D50];
	v26 =	vsub.f32 v26, v50  }
0x2a3: {  	v55 =	vld [tilespmem:$0x3CC0]  }
0x2a4: {  	v56 =	vld [tilespmem:$0x2DD0];
	v26 =	vsub.f32 v26, v51  }
0x2a5: {  	v27 =	vadd.f32 v52, v32  }
0x2a6: {  	v57 =	vld [tilespmem:$0x2E50];
	v26 =	vsub.f32 v26, v53  }
0x2a7: {  	v27 =	vadd.f32 v54, v27  }
0x2a8: {  	v58 =	vld [tilespmem:$0x2ED0];
	v26 =	vsub.f32 v55, v26  }
0x2a9: {  	v27 =	vadd.f32 v56, v27;
	v31 =	vpop (erf)  }
0x2aa: {  	v60 =	vld [tilespmem:$0x2F50];
	v26 =	vadd.f32 $0.0e+00, v26;
	v59 =	vpop (erf)  }
0x2ab: {  	v61 =	vld [tilespmem:$0x2FD0];
	v27 =	vadd.f32 v57, v27;
	v28 =	vadd.f32 $1.000000000e+00, v59  }
0x2ac: {  	v62 =	vld [tilespmem:$0x2CE0];
	v26 =	vmul.f32 $1.442695020e+00, v26  }
0x2ad: {  	v33 =	vld [tilespmem:$0x2C60];
	v27 =	vsub.f32 v27, v58;
	(erf) = vrcp.f32 v28  }
0x2ae: {  	v63 =	vld [tilespmem:$0x3C50];
	(erf) = vpow2.f32 v26  }
0x2af: {  	v36 =	vld [tilespmem:$0x2D60];
	v27 =	vsub.f32 v27, v60  }
0x2b0: {  	v37 =	vld [tilespmem:$0x3CD0]  }
0x2b1: {  	v38 =	vld [tilespmem:$0x2DE0];
	v27 =	vsub.f32 v27, v61  }
0x2b2: {  	v28 =	vadd.f32 v62, v33  }
0x2b3: {  	v39 =	vld [tilespmem:$0x2E60];
	v26 =	vsub.f32 v27, v63  }
0x2b4: {  	v28 =	vadd.f32 v36, v28  }
0x2b5: {  	v40 =	vld [tilespmem:$0x2EE0];
	v26 =	vsub.f32 v37, v26  }
0x2b6: {  	v28 =	vadd.f32 v38, v28;
	v41 =	vpop (erf)  }
0x2b7: {  	v43 =	vld [tilespmem:$0x2F60];
	v26 =	vadd.f32 $0.0e+00, v26;
	v42 =	vpop (erf)  }
0x2b8: {  	v34 =	vld [tilespmem:$0x2C70];
	v27 =	vadd.f32 v39, v28;
	v29 =	vadd.f32 $1.000000000e+00, v42  }
0x2b9: {  	v44 =	vld [tilespmem:$0x2FE0];
	v26 =	vmul.f32 $1.442695020e+00, v26  }
0x2ba: {  	v45 =	vld [tilespmem:$0x2CF0];
	v27 =	vsub.f32 v27, v40;
	(erf) = vrcp.f32 v29  }
0x2bb: {  	v46 =	vld [tilespmem:$0x3C60];
	(erf) = vpow2.f32 v26  }
0x2bc: {  	v47 =	vld [tilespmem:$0x2D70];
	v27 =	vsub.f32 v27, v43  }
0x2bd: {  	v48 =	vld [tilespmem:$0x3CE0]  }
0x2be: {  	v49 =	vld [tilespmem:$0x2DF0];
	v27 =	vsub.f32 v27, v44  }
0x2bf: {  	v29 =	vadd.f32 v45, v34  }
0x2c0: {  	v50 =	vld [tilespmem:$0x2E70];
	v26 =	vsub.f32 v27, v46  }
0x2c1: {  	v29 =	vadd.f32 v47, v29  }
0x2c2: {  	v51 =	vld [tilespmem:$0x2EF0];
	v26 =	vsub.f32 v48, v26  }
0x2c3: {  	v28 =	vadd.f32 v49, v29;
	v52 =	vpop (erf)  }
0x2c4: {  	v54 =	vld [tilespmem:$0x2F70];
	v26 =	vadd.f32 $0.0e+00, v26;
	v53 =	vpop (erf)  }
0x2c5: {  	v27 =	vadd.f32 v50, v28;
	v29 =	vadd.f32 $1.000000000e+00, v53  }
0x2c6: {  	v55 =	vld [tilespmem:$0x2FF0];
	v26 =	vmul.f32 $1.442695020e+00, v26  }
0x2c7: {  	v27 =	vsub.f32 v27, v51;
	(erf) = vrcp.f32 v29  }
0x2c8: {  	v56 =	vld [tilespmem:$0x3C70];
	(erf) = vpow2.f32 v26  }
0x2c9: {  	v27 =	vsub.f32 v27, v54  }
0x2ca: {  	v57 =	vld [tilespmem:$0x3CF0]  }
0x2cb: {  	v27 =	vsub.f32 v27, v55  }
0x2cc: {  	[tilespmem:$0x4000] =	vst v0  }
0x2cd: {  	[tilespmem:$0x4010] =	vst v1;
	v58 =	vsub.f32 v27, v56  }
0x2ce: {  	[tilespmem:$0x4020] =	vst v2  }
0x2cf: {  	[tilespmem:$0x4030] =	vst v3;
	v0 =	vsub.f32 v57, v58  }
0x2d0: {  	[tilespmem:$0x4040] =	vst v4;
	v59 =	vpop (erf)  }
0x2d1: {  	[tilespmem:$0x4050] =	vst v5;
	v0 =	vadd.f32 $0.0e+00, v0;
	v60 =	vpop (erf)  }
0x2d2: {  	[tilespmem:$0x4060] =	vst v6;
	v2 =	vadd.f32 $1.000000000e+00, v60  }
0x2d3: {  	[tilespmem:$0x4070] =	vst v7;
	v0 =	vmul.f32 $1.442695020e+00, v0  }
0x2d4: {  	[tilespmem:$0x4080] =	vst v8;
	(erf) = vrcp.f32 v2  }
0x2d5: {  	[tilespmem:$0x4090] =	vst v9;
	(erf) = vpow2.f32 v0  }
0x2d6: {  	[tilespmem:$0x40A0] =	vst v10  }
0x2d7: {  	[tilespmem:$0x40B0] =	vst v11  }
0x2d8: {  	[tilespmem:$0x40C0] =	vst v12  }
0x2d9: {  	[tilespmem:$0x40D0] =	vst v13  }
0x2da: {  	[tilespmem:$0x40E0] =	vst v14  }
0x2db: {  	[tilespmem:$0x40F0] =	vst v15  }
0x2dc: {  	[tilespmem:$0x4100] =	vst v16  }
0x2dd: {  	[tilespmem:$0x4110] =	vst v17;
	v61 =	vpop (erf)  }
0x2de: {  	[tilespmem:$0x4120] =	vst v18;
	v62 =	vpop (erf)  }
0x2df: {  	[tilespmem:$0x4130] =	vst v19;
	v2 =	vadd.f32 $1.000000000e+00, v62  }
0x2e0: {  	[tilespmem:$0x4140] =	vst v20  }
0x2e1: {  	[tilespmem:$0x4150] =	vst v21;
	(erf) = vrcp.f32 v2  }
0x2e2: {  	[tilespmem:$0x4160] =	vst v22  }
0x2e3: {  	[tilespmem:$0x4170] =	vst v23  }
0x2e4: {  	[tilespmem:$0x4180] =	vst v24  }
0x2e5: {  	[tilespmem:$0x4190] =	vst v25  }
0x2e6: {  	[tilespmem:$0x41A0] =	vst v31  }
0x2e7: {  	[tilespmem:$0x41B0] =	vst v41  }
0x2e8: {  	[tilespmem:$0x41C0] =	vst v52  }
0x2e9: {  	[tilespmem:$0x41D0] =	vst v59  }
0x2ea: {  	p0 =	sne.s32 s4, $0x1;
	[tilespmem:$0x41E0] =	vst v61;
	v63 =	vpop (erf)  }
.Ltmp0:
0x2eb: {  	s10 =	rddreg [dreg:$0x5];
	[tilespmem:$0x41F0] =	vst v63;
	(pc) =	sbr.rel @p0 .LBB2_1-.Ltmp0, $4  }
0x2ec: {  	[hbm4b:s10+s3] =	stream.linear.scatter [tilespmem:s2], [sflag:$0x2], $0x200, $0x38;
	[tilespmem:$0x4200] =	vst v63  }
0x2ed: {  	_ =	swait.ge [sflag:s6], $0x200  }
0x2ee: {  	[sflag:s6] =	ssyncset.done $0x0  }
0x2ef: {  	s4 =	sadd.s32 $0xFFFFFFFF, s4;
	[sflag:s6] =	ssyncadd.s32 $0xFFFFFE00  }
0x2f0: {  	_ =	sfence.sel $0x180000  }
0x2f1: {  	[bflag:$0x0] =	sbarrier.arrive $0xFFFF  }
0x2f2: {  	_ =	strace $0x90000047  }
0x2f3: {  	s0 =	stileid.u32;
	[bflag:$0x2] =	sbarrier.arrive $0xFFFF  }
0x2f4: {  	p0 =	sne.s32 s0, $0x0;
	s0 =	rddreg [dreg:$0x3]  }
0x2f5: {  	s0 =	sadd.s32 @!p0 $0x100000, s0  }
0x2f6: {  	[sflag:s0] =	ssyncadd.tile.s32 @!p0 $0x1;
	_ =	shalt  }
.Lfunc_end2:
_tile_overlayer_lowered:
.L_overlay_start_2:
0x2f7: {  	(tag) =	ssettag $0x2  }
0x2f8: {  	s0 =	rddreg [dreg:$0x0];
	s2 =	stileid.u32  }
0x2f9: {  	s1 =	rddreg [dreg:$0x1];
	p0 =	sne.s32 s2, $0x0  }
0x2fa: {  	s3 =	rddreg [dreg:$0x2];
	[bflag:$0x3] =	sbarrier.arrive $0xFFFF;
	s2 =	simm.s32 @!p0 $0x1C02  }
0x2fb: {  	[timem:s3], [sflag:s2] =	dma.local @!p0 [hbm:s0], s1  }
0x2fc: {  	s0 =	simm.s32 @!p0 $0x2  }
0x2fd: {  	_ =	swait.ge @!p0 [sflag:s0], s1  }
0x2fe: {  	s1 =	ssub.s32 @!p0 $0x0, s1;
	[sflag:s0] =	ssyncset.done @!p0 $0x0  }
0x2ff: {  	[sflag:s0] =	ssyncadd.s32 @!p0 s1  }
0x300: {  	[bflag:$0x3] =	sbarrier.arrive $0xFFFF  }
0x301: {  	_ =	shalt  }

</sc_bundles>
